<compile_context>
chip_gen: v7x
topology: tpu7x:2x2x1
jax: 0.10.2.dev20260603
libtpu: 0.0.44.dev20260713+nightly
codegen_flags: <defaults>
</compile_context>

<pallas_src>
import functools

import jax
import jax.numpy as jnp
from jax import lax
from jax.experimental import pallas as pl
from jax.experimental.pallas import tpu as pltpu
from jax.experimental.pallas import tpu_sc as plsc

F32 = jnp.float32

N_NODES = 10000
N_EDGES = 320000
D = 128
TILES = 16
WORKERS = 32
NPAD = 10240
ROWS_PT = NPAD // TILES
CHUNK = 80

EPT = N_EDGES // TILES
NCH = EPT // CHUNK
EPW = N_EDGES // WORKERS
NCHW = EPW // CHUNK

EBLK = 4000
NBLK = 1000

_sc_cache = {}



def _sc_gather1_body(X_hbm, src_hbm, dst_hbm, msg_hbm,
                     src_a, dst_a, rs_a, rd_a, src_b, dst_b, rs_b, rd_b,
                     sem1a, sem2a, sem1b, sem2b):
    c = lax.axis_index("c")
    s = lax.axis_index("s")
    w = c * TILES + s

    def _issue(k, src_v, dst_v, rs_v, rd_v, s1, s2):
        eb = w * EPW + k * CHUNK
        pltpu.sync_copy(src_hbm.at[pl.ds(eb, CHUNK)], src_v)
        pltpu.sync_copy(dst_hbm.at[pl.ds(eb, CHUNK)], dst_v)
        pltpu.async_copy(X_hbm.at[src_v], rs_v, s1)
        pltpu.async_copy(X_hbm.at[dst_v], rd_v, s2)

    def _drain(k, src_v, dst_v, rs_v, rd_v, s1, s2):
        pltpu.make_async_copy(X_hbm.at[src_v], rs_v, s1).wait()
        pltpu.make_async_copy(X_hbm.at[dst_v], rd_v, s2).wait()

        def _add(i, _):
            for j in range(D // 16):
                sl = pl.ds(j * 16, 16)
                rs_v[i, sl] = rs_v[i, sl] + rd_v[i, sl]
            return 0
        lax.fori_loop(0, CHUNK, _add, 0)
        eb = w * EPW + k * CHUNK
        pltpu.sync_copy(rs_v, msg_hbm.at[pl.ds(eb, CHUNK)])

    bufs_a = (src_a, dst_a, rs_a, rd_a, sem1a, sem2a)
    bufs_b = (src_b, dst_b, rs_b, rd_b, sem1b, sem2b)

    _issue(0, *bufs_a)

    def _pair(m, _):
        k0 = 2 * m
        _issue(k0 + 1, *bufs_b)
        _drain(k0, *bufs_a)
        _issue(k0 + 2, *bufs_a)
        _drain(k0 + 1, *bufs_b)
        return 0

    lax.fori_loop(0, NCHW // 2, _pair, 0)
    _drain(NCHW - 1, *bufs_a)


def _sc_gather2_body(H_hbm, src_hbm, dst_hbm, msg_hbm,
                     src_a, dst_a, rs_a, rd_a, src_b, dst_b, rs_b, rd_b,
                     sem1a, sem2a, sem1b, sem2b):
    c = lax.axis_index("c")
    s = lax.axis_index("s")
    off = c * N_NODES

    def _issue(k, src_v, dst_v, rs_v, rd_v, s1, s2):
        eb = s * EPT + k * CHUNK
        pltpu.sync_copy(src_hbm.at[pl.ds(eb, CHUNK)], src_v)
        pltpu.sync_copy(dst_hbm.at[pl.ds(eb, CHUNK)], dst_v)
        for j in range(CHUNK // 16):
            sl = pl.ds(j * 16, 16)
            src_v[sl] = src_v[sl] + off
            dst_v[sl] = dst_v[sl] + off
        pltpu.async_copy(H_hbm.at[src_v], rs_v, s1)
        pltpu.async_copy(H_hbm.at[dst_v], rd_v, s2)

    def _drain(k, src_v, dst_v, rs_v, rd_v, s1, s2):
        pltpu.make_async_copy(H_hbm.at[src_v], rs_v, s1).wait()
        pltpu.make_async_copy(H_hbm.at[dst_v], rd_v, s2).wait()

        def _add(i, _):
            for j in range(D // 16):
                sl = pl.ds(j * 16, 16)
                rs_v[i, sl] = rs_v[i, sl] + rd_v[i, sl]
            return 0
        lax.fori_loop(0, CHUNK, _add, 0)
        eb = s * EPT + k * CHUNK
        pltpu.sync_copy(rs_v, msg_hbm.at[pl.ds(c * N_EDGES + eb, CHUNK)])

    bufs_a = (src_a, dst_a, rs_a, rd_a, sem1a, sem2a)
    bufs_b = (src_b, dst_b, rs_b, rd_b, sem1b, sem2b)

    _issue(0, *bufs_a)

    def _pair(m, _):
        k0 = 2 * m
        _issue(k0 + 1, *bufs_b)
        _drain(k0, *bufs_a)

        @pl.when(k0 + 2 < NCH)
        def _():
            _issue(k0 + 2, *bufs_a)
        _drain(k0 + 1, *bufs_b)
        return 0

    lax.fori_loop(0, NCH // 2, _pair, 0)


def _sc_scatter_body(h_hbm, dst_hbm, agg_hbm,
                     dst_a, hv_a, dst_b, hv_b, sem1a, sem2a, sem1b, sem2b,
                     agg_sh):
    c = lax.axis_index("c")
    s = lax.axis_index("s")

    zeros16 = jnp.zeros((16,), F32)

    def _zero_row(i, _):
        for j in range(D // 16):
            hv_a[i, pl.ds(j * 16, 16)] = zeros16
        return 0
    lax.fori_loop(0, CHUNK, _zero_row, 0)
    for r in range(ROWS_PT // CHUNK):
        pltpu.sync_copy(hv_a, agg_sh.at[pl.ds(s * ROWS_PT + r * CHUNK, CHUNK)])

    plsc.subcore_barrier()

    def _issue(k, dst_v, hv_v, s1, s2):
        eb = s * EPT + k * CHUNK
        pltpu.async_copy(dst_hbm.at[pl.ds(eb, CHUNK)], dst_v, s1)
        pltpu.async_copy(h_hbm.at[pl.ds(c * N_EDGES + eb, CHUNK)], hv_v, s2)

    def _drain(k, dst_v, hv_v, s1, s2):
        eb = s * EPT + k * CHUNK
        pltpu.make_async_copy(dst_hbm.at[pl.ds(eb, CHUNK)], dst_v, s1).wait()
        pltpu.make_async_copy(h_hbm.at[pl.ds(c * N_EDGES + eb, CHUNK)],
                              hv_v, s2).wait()
        pltpu.sync_copy(hv_v, agg_sh.at[dst_v], add=True)

    bufs_a = (dst_a, hv_a, sem1a, sem2a)
    bufs_b = (dst_b, hv_b, sem1b, sem2b)

    _issue(0, *bufs_a)

    def _pair(m, _):
        k0 = 2 * m
        _issue(k0 + 1, *bufs_b)
        _drain(k0, *bufs_a)

        @pl.when(k0 + 2 < NCH)
        def _():
            _issue(k0 + 2, *bufs_a)
        _drain(k0 + 1, *bufs_b)
        return 0

    lax.fori_loop(0, NCH // 2, _pair, 0)
    plsc.subcore_barrier()

    pltpu.sync_copy(agg_sh.at[pl.ds(s * ROWS_PT, ROWS_PT)],
                    agg_hbm.at[pl.ds(c * NPAD + s * ROWS_PT, ROWS_PT)])


def _sc_kernels():
    if "g1" not in _sc_cache:
        mesh = plsc.VectorSubcoreMesh(core_axis_name="c", subcore_axis_name="s")
        _sc_cache["g1"] = functools.partial(
            pl.kernel,
            mesh=mesh,
            out_type=jax.ShapeDtypeStruct((N_EDGES, D), F32),
            scratch_types=[
                pltpu.VMEM((CHUNK,), jnp.int32),
                pltpu.VMEM((CHUNK,), jnp.int32),
                pltpu.VMEM((CHUNK, D), F32),
                pltpu.VMEM((CHUNK, D), F32),
                pltpu.VMEM((CHUNK,), jnp.int32),
                pltpu.VMEM((CHUNK,), jnp.int32),
                pltpu.VMEM((CHUNK, D), F32),
                pltpu.VMEM((CHUNK, D), F32),
                pltpu.SemaphoreType.DMA,
                pltpu.SemaphoreType.DMA,
                pltpu.SemaphoreType.DMA,
                pltpu.SemaphoreType.DMA,
            ],
        )(_sc_gather1_body)
        _sc_cache["g2"] = functools.partial(
            pl.kernel,
            mesh=mesh,
            out_type=jax.ShapeDtypeStruct((2 * N_EDGES, D), F32),
            scratch_types=[
                pltpu.VMEM((CHUNK,), jnp.int32),
                pltpu.VMEM((CHUNK,), jnp.int32),
                pltpu.VMEM((CHUNK, D), F32),
                pltpu.VMEM((CHUNK, D), F32),
                pltpu.VMEM((CHUNK,), jnp.int32),
                pltpu.VMEM((CHUNK,), jnp.int32),
                pltpu.VMEM((CHUNK, D), F32),
                pltpu.VMEM((CHUNK, D), F32),
                pltpu.SemaphoreType.DMA,
                pltpu.SemaphoreType.DMA,
                pltpu.SemaphoreType.DMA,
                pltpu.SemaphoreType.DMA,
            ],
        )(_sc_gather2_body)
        _sc_cache["sc"] = functools.partial(
            pl.kernel,
            mesh=mesh,
            out_type=jax.ShapeDtypeStruct((2 * NPAD, D), F32),
            scratch_types=[
                pltpu.VMEM((CHUNK,), jnp.int32),
                pltpu.VMEM((CHUNK, D), F32),
                pltpu.VMEM((CHUNK,), jnp.int32),
                pltpu.VMEM((CHUNK, D), F32),
                pltpu.SemaphoreType.DMA,
                pltpu.SemaphoreType.DMA,
                pltpu.SemaphoreType.DMA,
                pltpu.SemaphoreType.DMA,
                pltpu.VMEM_SHARED((NPAD, D), F32),
            ],
        )(_sc_scatter_body)
    return _sc_cache["g1"], _sc_cache["g2"], _sc_cache["sc"]



def _edge1_kernel(gp_ref, msg_ref, tsum_ref, wgp_ref, wn2e_ref, bgp_ref,
                  o_ref):
    msg_ext = jnp.concatenate(
        [msg_ref[...], tsum_ref[0], jnp.zeros((EBLK, 7), F32)], axis=1)
    acc = (jnp.dot(gp_ref[...], wgp_ref[0], preferred_element_type=F32)
           + jnp.dot(msg_ext, wn2e_ref[0], preferred_element_type=F32)
           + bgp_ref[0])
    o_ref[...] = jnp.maximum(acc, 0.0)


def _edge1(gp, msg, tsum, wgp, wn2e, bgp):
    nb = N_EDGES // EBLK
    return pl.pallas_call(
        _edge1_kernel,
        grid=(2, nb),
        in_specs=[
            pl.BlockSpec((EBLK, 16), lambda g, e: (e, 0)),
            pl.BlockSpec((EBLK, D), lambda g, e: (e, 0)),
            pl.BlockSpec((1, EBLK, 1), lambda g, e: (e, 0, 0)),
            pl.BlockSpec((1, 16, D), lambda g, e: (g, 0, 0)),
            pl.BlockSpec((1, 136, D), lambda g, e: (g, 0, 0)),
            pl.BlockSpec((1, 1, D), lambda g, e: (g, 0, 0)),
        ],
        out_specs=pl.BlockSpec((EBLK, D), lambda g, e: (g * nb + e, 0)),
        out_shape=jax.ShapeDtypeStruct((2 * N_EDGES, D), F32),
    )(gp, msg, tsum, wgp, wn2e, bgp)


def _edge2_kernel(h1_ref, msg_ref, wgp_ref, wn2e_ref, bgp_ref, o_ref):
    acc = (jnp.dot(h1_ref[...], wgp_ref[0], preferred_element_type=F32)
           + jnp.dot(msg_ref[...], wn2e_ref[0], preferred_element_type=F32)
           + bgp_ref[0])
    o_ref[...] = jnp.maximum(acc, 0.0)


def _edge2(h1, msg, wgp, wn2e, bgp):
    nb = N_EDGES // EBLK
    io = pl.BlockSpec((EBLK, D), lambda g, e: (g * nb + e, 0))
    return pl.pallas_call(
        _edge2_kernel,
        grid=(2, nb),
        in_specs=[
            io, io,
            pl.BlockSpec((1, D, D), lambda g, e: (g, 0, 0)),
            pl.BlockSpec((1, D, D), lambda g, e: (g, 0, 0)),
            pl.BlockSpec((1, 1, D), lambda g, e: (g, 0, 0)),
        ],
        out_specs=io,
        out_shape=jax.ShapeDtypeStruct((2 * N_EDGES, D), F32),
    )(h1, msg, wgp, wn2e, bgp)


def _tsum_kernel(src_ref, dst_ref, tgt_ref, out_ref):
    def gather(idx):
        oh_lo = jnp.where(
            (idx & 127) == jax.lax.broadcasted_iota(jnp.int32, (EBLK, 128), 1),
            1.0, 0.0)
        m = jnp.dot(oh_lo, tgt_ref[...], preferred_element_type=F32,
                    precision=jax.lax.Precision.HIGHEST)
        oh_hi = jnp.where(
            jax.lax.shift_right_logical(idx, 7)
            == jax.lax.broadcasted_iota(jnp.int32, (EBLK, 128), 1),
            m, 0.0)
        return jnp.sum(oh_hi, axis=1, keepdims=True)

    out_ref[...] = gather(src_ref[0]) + gather(dst_ref[0])


def _tsum(src3, dst3, tgt):
    return pl.pallas_call(
        _tsum_kernel,
        grid=(N_EDGES // EBLK,),
        in_specs=[
            pl.BlockSpec((1, EBLK, 1), lambda e: (e, 0, 0)),
            pl.BlockSpec((1, EBLK, 1), lambda e: (e, 0, 0)),
            pl.BlockSpec((128, 128), lambda e: (0, 0)),
        ],
        out_specs=pl.BlockSpec((EBLK, 1), lambda e: (e, 0)),
        out_shape=jax.ShapeDtypeStruct((N_EDGES, 1), F32),
    )(src3, dst3, tgt)


def _deg_kernel(dst_ref, grid_ref):
    d = dst_ref[0]
    hi = jax.lax.broadcasted_iota(jnp.int32, (EBLK, 128), 1)
    oh_hi = jnp.where(jax.lax.shift_right_logical(d, 7) == hi, 1.0, 0.0)
    oh_lo = jnp.where((d & 127) == hi, 1.0, 0.0)
    part = jax.lax.dot_general(oh_hi, oh_lo, (((0,), (0,)), ((), ())),
                               preferred_element_type=F32)

    @pl.when(pl.program_id(0) == 0)
    def _():
        grid_ref[...] = jnp.zeros_like(grid_ref)

    grid_ref[...] += part


def _deg(dst3):
    return pl.pallas_call(
        _deg_kernel,
        grid=(N_EDGES // EBLK,),
        in_specs=[pl.BlockSpec((1, EBLK, 1), lambda e: (e, 0, 0))],
        out_specs=pl.BlockSpec((128, 128), lambda e: (0, 0)),
        out_shape=jax.ShapeDtypeStruct((128, 128), F32),
    )(dst3)


def _node_upd_kernel(agg_ref, deg_ref, we2n_ref, x_ref, t_ref, wnode_ref,
                     bnode_ref, h2_ref):
    deg = jnp.maximum(deg_ref[...], 1.0)
    aggn = agg_ref[...] / deg
    x_ext = jnp.concatenate(
        [x_ref[...], t_ref[...], jnp.zeros((NBLK, 7), F32)], axis=1)
    h2_ref[...] = jnp.maximum(
        jnp.dot(aggn, we2n_ref[0], preferred_element_type=F32)
        + jnp.dot(x_ext, wnode_ref[0], preferred_element_type=F32)
        + bnode_ref[0], 0.0)


def _node_upd(agg, deg, we2n, x, t, wnode, bnode):
    nb = N_NODES // NBLK
    specs_b = pl.BlockSpec((1, 1, D), lambda g, n: (g, 0, 0))
    io_spec = pl.BlockSpec((NBLK, D), lambda g, n: (g * nb + n, 0))
    return pl.pallas_call(
        _node_upd_kernel,
        grid=(2, nb),
        in_specs=[
            io_spec,
            pl.BlockSpec((NBLK, 1), lambda g, n: (n, 0)),
            pl.BlockSpec((1, D, D), lambda g, n: (g, 0, 0)),
            pl.BlockSpec((NBLK, D), lambda g, n: (n, 0)),
            pl.BlockSpec((NBLK, 1), lambda g, n: (n, 0)),
            pl.BlockSpec((1, 136, D), lambda g, n: (g, 0, 0)),
            specs_b,
        ],
        out_specs=io_spec,
        out_shape=jax.ShapeDtypeStruct((2 * N_NODES, D), F32),
    )(agg, deg, we2n, x, t, wnode, bnode)


def _final_kernel(agg_a_ref, agg_b_ref, deg_ref, h2a_ref, h2b_ref,
                  we2n_a_ref, we2n_b_ref, wn_a_ref, wn_b_ref, bn_a_ref,
                  bn_b_ref, wha_ref, bha_ref, whb_ref, bhb_ref,
                  tan_ref, t_ref, out_ref, sig_ref):
    deg = jnp.maximum(deg_ref[...], 1.0)
    h2a = jnp.maximum(
        jnp.dot(agg_a_ref[...] / deg, we2n_a_ref[...],
                preferred_element_type=F32)
        + jnp.dot(h2a_ref[...], wn_a_ref[...], preferred_element_type=F32)
        + bn_a_ref[...], 0.0)
    h2b = jnp.maximum(
        jnp.dot(agg_b_ref[...] / deg, we2n_b_ref[...],
                preferred_element_type=F32)
        + jnp.dot(h2b_ref[...], wn_b_ref[...], preferred_element_type=F32)
        + bn_b_ref[...], 0.0)
    ha = jnp.dot(h2a, wha_ref[...], preferred_element_type=F32) + bha_ref[...]
    hb = jnp.dot(h2b, whb_ref[...], preferred_element_type=F32) + bhb_ref[...]
    e = jnp.exp(-jnp.abs(ha[:, 2:3]) / t_ref[...])
    bv = jnp.abs(hb[:, 0:1])
    tan = tan_ref[...]
    out_ref[...] = ((ha[:, 0:1] * tan[:, 0:3] + ha[:, 1:2] * tan[:, 3:6])
                    / bv * e)
    sig_ref[...] = jnp.abs(hb[:, 1:2])


def _final(agg_a, agg_b, deg, h2a, h2b, we2n_a, we2n_b, wn_a, wn_b, bn_a,
           bn_b, wha, bha, whb, bhb, tan6, t):
    nb = N_NODES // NBLK
    row = lambda width: pl.BlockSpec((NBLK, width), lambda n: (n, 0))
    full = lambda a, b: pl.BlockSpec((a, b), lambda n: (0, 0))
    return pl.pallas_call(
        _final_kernel,
        grid=(nb,),
        in_specs=[
            row(D), row(D), row(1), row(D), row(D),
            full(D, D), full(D, D), full(D, D), full(D, D),
            full(1, D), full(1, D),
            full(D, 3), full(1, 3), full(D, 2), full(1, 2),
            row(6), row(1),
        ],
        out_specs=[row(3), row(1)],
        out_shape=[jax.ShapeDtypeStruct((N_NODES, 3), F32),
                   jax.ShapeDtypeStruct((N_NODES, 1), F32)],
    )(agg_a, agg_b, deg, h2a, h2b, we2n_a, we2n_b, wn_a, wn_b, bn_a, bn_b,
      wha, bha, whb, bhb, tan6, t)



def _blkdiag(a, b):
    z = jnp.zeros((a.shape[0], b.shape[1]), F32)
    z2 = jnp.zeros((b.shape[0], a.shape[1]), F32)
    return jnp.concatenate([
        jnp.concatenate([a, z], axis=1),
        jnp.concatenate([z2, b], axis=1),
    ], axis=0)


def kernel(feature_GP, feature_Node, feature_tan, feature_T, params,
           edge_index):
    p = params
    src = edge_index[0]
    dst = edge_index[1]

    groups = (("conv1", "conv2", "Econv1", "Econv2"),
              ("Bconv1", "Bconv2", "sigconv1", "sigconv2"))

    w1gp, b1gp, wn2e1, wt1, wnode1, wtnode1, bnode1 = [], [], [], [], [], [], []
    we2n1, wgp2, bgp2, wn2e2, wnode2, bnode2, we2n2 = [], [], [], [], [], [], []
    for gi, (l1a, l2a, l1b, l2b) in enumerate(groups):
        pa1, pa2, pb1, pb2 = p[l1a], p[l2a], p[l1b], p[l2b]
        w1gp.append(jnp.concatenate([pa1["Wgp"], pb1["Wgp"]], axis=1))
        b1gp.append(jnp.concatenate([pa1["bgp"], pb1["bgp"]]))
        if gi == 0:
            wn2e1.append(jnp.concatenate([pa1["Wn2e"], pb1["Wn2e"]], axis=1))
            wt1.append(jnp.zeros((1, D), F32))
            wnode1.append(jnp.concatenate([pa1["Wnode"], pb1["Wnode"]], axis=1))
            wtnode1.append(jnp.zeros((1, D), F32))
        else:
            wn2e1.append(jnp.concatenate(
                [pa1["Wn2e"][:128], pb1["Wn2e"][:128]], axis=1))
            wt1.append(jnp.concatenate(
                [pa1["Wn2e"][128:129], pb1["Wn2e"][128:129]], axis=1))
            wnode1.append(jnp.concatenate(
                [pa1["Wnode"][:128], pb1["Wnode"][:128]], axis=1))
            wtnode1.append(jnp.concatenate(
                [pa1["Wnode"][128:129], pb1["Wnode"][128:129]], axis=1))
        bnode1.append(jnp.concatenate([pa1["bnode"], pb1["bnode"]]))
        we2n1.append(_blkdiag(pa1["We2n"], pb1["We2n"]))
        wgp2.append(_blkdiag(pa2["Wgp"], pb2["Wgp"]))
        bgp2.append(jnp.concatenate([pa2["bgp"], pb2["bgp"]]))
        wn2e2.append(_blkdiag(pa2["Wn2e"], pb2["Wn2e"]))
        wnode2.append(_blkdiag(pa2["Wnode"], pb2["Wnode"]))
        bnode2.append(jnp.concatenate([pa2["bnode"], pb2["bnode"]]))
        we2n2.append(_blkdiag(pa2["We2n"], pb2["We2n"]))

    stk = lambda xs: jnp.stack(xs)
    stkb = lambda xs: jnp.stack(xs).reshape(2, 1, D)

    g1, g2, sc = _sc_kernels()

    nb = N_EDGES // EBLK
    src3 = src.reshape(nb, EBLK, 1)
    dst3 = dst.reshape(nb, EBLK, 1)
    tgrid_t = jnp.pad(feature_T[:, 0], (0, 128 * 128 - N_NODES)) \
        .reshape(128, 128).T
    z7 = jnp.zeros((2, 7, D), F32)
    wn2e1_ext = jnp.concatenate(
        [stk(wn2e1), jnp.stack(wt1).reshape(2, 1, D), z7], axis=1)
    wnode1_ext = jnp.concatenate(
        [stk(wnode1), jnp.stack(wtnode1).reshape(2, 1, D), z7], axis=1)

    msg1 = g1(feature_Node, src, dst)
    tsum = _tsum(src3, dst3, tgrid_t)
    h1c = _edge1(feature_GP, msg1, tsum.reshape(nb, EBLK, 1),
                 stk(w1gp), wn2e1_ext, stkb(b1gp))
    agg1p = sc(h1c, dst)
    agg1 = agg1p.reshape(2, NPAD, D)[:, :N_NODES].reshape(2 * N_NODES, D)
    deg = _deg(dst3).reshape(128 * 128, 1)[:N_NODES]
    h2c = _node_upd(agg1, deg, stk(we2n1), feature_Node, feature_T,
                    wnode1_ext, stkb(bnode1))

    msg2 = g2(h2c, src, dst)
    h1pc = _edge2(h1c, msg2, stk(wgp2), stk(wn2e2), stkb(bgp2))
    agg2p = sc(h1pc, dst)
    agg2 = agg2p.reshape(2, NPAD, D)[:, :N_NODES]

    wha = jnp.zeros((D, 3), F32)
    wha = wha.at[0:64, 0:2].set(p["linear"]["W"])
    wha = wha.at[64:128, 2:3].set(p["Elinear"]["W"])
    bha = jnp.concatenate([p["linear"]["b"], p["Elinear"]["b"]]).reshape(1, 3)
    whb = jnp.zeros((D, 2), F32)
    whb = whb.at[0:64, 0:1].set(p["Blinear"]["W"])
    whb = whb.at[64:128, 1:2].set(p["siglinear"]["W"])
    bhb = jnp.concatenate([p["Blinear"]["b"], p["siglinear"]["b"]]).reshape(1, 2)

    tan6 = feature_tan.reshape(N_NODES, 6)
    out, sig = _final(agg2[0], agg2[1], deg, h2c[:N_NODES], h2c[N_NODES:],
                      we2n2[0], we2n2[1], wnode2[0], wnode2[1],
                      bnode2[0].reshape(1, D), bnode2[1].reshape(1, D),
                      wha, bha, whb, bhb, tan6, feature_T)
    return out, sig

# --- scband reference (transcript-rebuilt; emitter-appended) ---
"""Pipeline reference for scband-gcn-inv-phys-50096498541182 (READ-ONLY COPY).

The authoritative reference and input builder live on the scoring server;
editing this copy changes nothing except your own understanding.
"""

import jax, jax.numpy as jnp
import numpy as np

N_NODES = 10000
N_EDGES = 320000
IN_GP = 16
IN_NODE = 128
LATENT = 64


def _layer_params(key, in_gp, in_node, out_gp, out_node):
    ks = jax.random.split(key, 4)
    def w(k, shape, fan):
        return (jax.random.normal(k, shape, dtype=jnp.float32) / np.sqrt(fan)).astype(jnp.float32)
    return {
        "Wgp": w(ks[0], (in_gp, out_gp), in_gp),
        "Wn2e": w(ks[1], (in_node, out_gp), in_node),
        "bgp": jnp.zeros((out_gp,), jnp.float32),
        "We2n": w(ks[2], (out_gp, out_node), out_gp),
        "Wnode": w(ks[3], (in_node, out_node), in_node),
        "bnode": jnp.zeros((out_node,), jnp.float32),
    }


def _linear_params(key, d_in, d_out):
    return {
        "W": (jax.random.normal(key, (d_in, d_out), dtype=jnp.float32) / np.sqrt(d_in)).astype(jnp.float32),
        "b": jnp.zeros((d_out,), jnp.float32),
    }


def setup_inputs(seed: int = 0) -> dict:
    key = jax.random.key(seed)
    ks = jax.random.split(key, 20)
    edge_index = jax.random.randint(ks[0], (2, N_EDGES), 0, N_NODES, dtype=jnp.int32)
    feature_GP = jax.random.normal(ks[1], (N_EDGES, IN_GP), dtype=jnp.float32)
    feature_Node = jax.random.normal(ks[2], (N_NODES, IN_NODE), dtype=jnp.float32)
    feature_tan = jax.random.normal(ks[3], (N_NODES, 2, 3), dtype=jnp.float32)
    feature_T = jax.random.uniform(ks[4], (N_NODES, 1), dtype=jnp.float32, minval=0.05, maxval=1.0)
    params = {
        "conv1": _layer_params(ks[5], IN_GP, IN_NODE, LATENT, LATENT),
        "conv2": _layer_params(ks[6], LATENT, LATENT, LATENT, LATENT),
        "Bconv1": _layer_params(ks[7], IN_GP, IN_NODE + 1, LATENT, LATENT),
        "Bconv2": _layer_params(ks[8], LATENT, LATENT, LATENT, LATENT),
        "Econv1": _layer_params(ks[9], IN_GP, IN_NODE, LATENT, LATENT),
        "Econv2": _layer_params(ks[10], LATENT, LATENT, LATENT, LATENT),
        "sigconv1": _layer_params(ks[11], IN_GP, IN_NODE + 1, LATENT, LATENT),
        "sigconv2": _layer_params(ks[12], LATENT, LATENT, LATENT, LATENT),
        "linear": _linear_params(ks[13], LATENT, 2),
        "Blinear": _linear_params(ks[14], LATENT, 1),
        "Elinear": _linear_params(ks[15], LATENT, 1),
        "siglinear": _linear_params(ks[16], LATENT, 1),
    }
    return {
        "feature_GP": feature_GP,
        "feature_Node": feature_Node,
        "feature_tan": feature_tan,
        "feature_T": feature_T,
        "params": params,
        "edge_index": edge_index,
    }


def _gcn_layer_ddd(p, edge_index, feat_gp, feat_node):
    # GCNLayer_DDD: edge (Gauss-point) update from GP feats + gathered endpoint node
    # feats, then node update from mean-aggregated edge messages + self transform.
    src = edge_index[0]
    dst = edge_index[1]
    n = feat_node.shape[0]
    msg = jnp.take(feat_node, src, axis=0) + jnp.take(feat_node, dst, axis=0)
    h1 = jax.nn.relu(feat_gp @ p["Wgp"] + msg @ p["Wn2e"] + p["bgp"])
    agg = jax.ops.segment_sum(h1, dst, num_segments=n)
    deg = jax.ops.segment_sum(jnp.ones((dst.shape[0],), h1.dtype), dst, num_segments=n)
    agg = agg / jnp.maximum(deg, 1.0)[:, None]
    h2 = jax.nn.relu(agg @ p["We2n"] + feat_node @ p["Wnode"] + p["bnode"])
    return h1, h2


def _forward(feature_GP, feature_Node, feature_tan, feature_T, params, edge_index):
    h1, h2 = _gcn_layer_ddd(params["conv1"], edge_index, feature_GP, feature_Node)
    h1, h2 = _gcn_layer_ddd(params["conv2"], edge_index, h1, h2)
    coeff = h2 @ params["linear"]["W"] + params["linear"]["b"]
    out = coeff[:, 0:1] * feature_tan[:, 0] + coeff[:, 1:2] * feature_tan[:, 1]

    e1, e2 = _gcn_layer_ddd(params["Econv1"], edge_index, feature_GP, feature_Node)
    e1, e2 = _gcn_layer_ddd(params["Econv2"], edge_index, e1, e2)
    E = jnp.abs(e2 @ params["Elinear"]["W"] + params["Elinear"]["b"])
    E = jnp.exp(-E / feature_T)

    featT = jnp.concatenate([feature_Node, feature_T], axis=1)
    b1, b2 = _gcn_layer_ddd(params["Bconv1"], edge_index, feature_GP, featT)
    b1, b2 = _gcn_layer_ddd(params["Bconv2"], edge_index, b1, b2)
    B = jnp.abs(b2 @ params["Blinear"]["W"] + params["Blinear"]["b"])

    s1, s2 = _gcn_layer_ddd(params["sigconv1"], edge_index, feature_GP, featT)
    s1, s2 = _gcn_layer_ddd(params["sigconv2"], edge_index, s1, s2)
    sigout = s2 @ params["siglinear"]["W"] + params["siglinear"]["b"]

    return out / B * E, jnp.abs(sigout)


def reference(feature_GP, feature_Node, feature_tan, feature_T, params, edge_index):
    return _forward(feature_GP, feature_Node, feature_tan, feature_T, params, edge_index)

if __name__ == "__main__":
    import jax
    _d = setup_inputs()
    print(jax.jit(kernel)(*tuple(_d.values())))

</pallas_src>

<mosaic_0001>
#map = affine_map<(d0, d1) -> (0, 0)>
#map1 = affine_map<(d0, d1) -> (0)>
module attributes {stable_mosaic.version = 14 : i64} {
  func.func @_sc_scatter_body(%arg0: i32, %arg1: i32, %arg2: memref<640000x128xf32, #tpu.memory_space<hbm>>, %arg3: memref<320000xi32, #tpu.memory_space<hbm>>, %arg4: memref<20480x128xf32, #tpu.memory_space<hbm>>, %arg5: memref<80xi32, #tpu.memory_space<vmem>>, %arg6: memref<80x128xf32, #tpu.memory_space<vmem>>, %arg7: memref<80xi32, #tpu.memory_space<vmem>>, %arg8: memref<80x128xf32, #tpu.memory_space<vmem>>, %arg9: memref<!tpu.dma_semaphore, #tpu.memory_space<semaphore_mem>>, %arg10: memref<!tpu.dma_semaphore, #tpu.memory_space<semaphore_mem>>, %arg11: memref<!tpu.dma_semaphore, #tpu.memory_space<semaphore_mem>>, %arg12: memref<!tpu.dma_semaphore, #tpu.memory_space<semaphore_mem>>, %arg13: memref<10240x128xf32, #tpu.memory_space<vmem_shared>>) attributes {dimension_semantics = [#tpu.dimension_semantics<core_parallel>, #tpu.dimension_semantics<subcore_parallel>], iteration_bounds = array<i64: 2, 16>, scalar_prefetch = 0 : i64, scratch_operands = 9 : i64, tpu.core_type = #tpu.core_type<sc_vector_subcore>, window_params = [{transform_indices = #map}, {transform_indices = #map1}, {transform_indices = #map}]} {
    %broadcast_in_dim3A = arith.constant 0.000000e+00 : f32
    %broadcast_in_dim3A_0 = vector.broadcast %broadcast_in_dim3A : f32 to vector<16xf32>
    %scan3A = arith.constant 0 : i32
    %scan3A_1 = arith.constant 0 : i32
    %scan3A_2 = arith.constant 80 : i32
    %scan3A_3 = arith.addi %scan3A_1, %scan3A_2 : i32
    %scan3A_4 = arith.constant 1 : i32
    %scan3A_5 = scf.for %scan3A_64 = %scan3A_1 to %scan3A_3 step %scan3A_4 iter_args(%scan3A_65 = %scan3A) -> (i32)  : i32 {
      %swap3A = arith.index_cast %scan3A_64 : i32 to index
      %swap3A_66 = arith.constant 0 : index
      %swap3A_67 = tpu.vector_load %arg6[%swap3A, %swap3A_66] {strides = array<i32>} : memref<80x128xf32, #tpu.memory_space<vmem>>, vector<1x16xf32>,
      %swap3A_68 = vector.shape_cast %swap3A_67 : vector<1x16xf32> to vector<16xf32>
      %swap3A_69 = vector.shape_cast %broadcast_in_dim3A_0 : vector<16xf32> to vector<1x16xf32>
      tpu.vector_store %arg6[%swap3A, %swap3A_66], %swap3A_69 {strides = array<i32>} : memref<80x128xf32, #tpu.memory_space<vmem>>, vector<1x16xf32>,
      %swap3A_70 = arith.index_cast %scan3A_64 : i32 to index
      %swap3A_71 = arith.constant 16 : index
      %swap3A_72 = tpu.vector_load %arg6[%swap3A_70, %swap3A_71] {strides = array<i32>} : memref<80x128xf32, #tpu.memory_space<vmem>>, vector<1x16xf32>,
      %swap3A_73 = vector.shape_cast %swap3A_72 : vector<1x16xf32> to vector<16xf32>
      %swap3A_74 = vector.shape_cast %broadcast_in_dim3A_0 : vector<16xf32> to vector<1x16xf32>
      tpu.vector_store %arg6[%swap3A_70, %swap3A_71], %swap3A_74 {strides = array<i32>} : memref<80x128xf32, #tpu.memory_space<vmem>>, vector<1x16xf32>,
      %swap3A_75 = arith.index_cast %scan3A_64 : i32 to index
      %swap3A_76 = arith.constant 32 : index
      %swap3A_77 = tpu.vector_load %arg6[%swap3A_75, %swap3A_76] {strides = array<i32>} : memref<80x128xf32, #tpu.memory_space<vmem>>, vector<1x16xf32>,
      %swap3A_78 = vector.shape_cast %swap3A_77 : vector<1x16xf32> to vector<16xf32>
      %swap3A_79 = vector.shape_cast %broadcast_in_dim3A_0 : vector<16xf32> to vector<1x16xf32>
      tpu.vector_store %arg6[%swap3A_75, %swap3A_76], %swap3A_79 {strides = array<i32>} : memref<80x128xf32, #tpu.memory_space<vmem>>, vector<1x16xf32>,
      %swap3A_80 = arith.index_cast %scan3A_64 : i32 to index
      %swap3A_81 = arith.constant 48 : index
      %swap3A_82 = tpu.vector_load %arg6[%swap3A_80, %swap3A_81] {strides = array<i32>} : memref<80x128xf32, #tpu.memory_space<vmem>>, vector<1x16xf32>,
      %swap3A_83 = vector.shape_cast %swap3A_82 : vector<1x16xf32> to vector<16xf32>
      %swap3A_84 = vector.shape_cast %broadcast_in_dim3A_0 : vector<16xf32> to vector<1x16xf32>
      tpu.vector_store %arg6[%swap3A_80, %swap3A_81], %swap3A_84 {strides = array<i32>} : memref<80x128xf32, #tpu.memory_space<vmem>>, vector<1x16xf32>,
      %swap3A_85 = arith.index_cast %scan3A_64 : i32 to index
      %swap3A_86 = arith.constant 64 : index
      %swap3A_87 = tpu.vector_load %arg6[%swap3A_85, %swap3A_86] {strides = array<i32>} : memref<80x128xf32, #tpu.memory_space<vmem>>, vector<1x16xf32>,
      %swap3A_88 = vector.shape_cast %swap3A_87 : vector<1x16xf32> to vector<16xf32>
      %swap3A_89 = vector.shape_cast %broadcast_in_dim3A_0 : vector<16xf32> to vector<1x16xf32>
      tpu.vector_store %arg6[%swap3A_85, %swap3A_86], %swap3A_89 {strides = array<i32>} : memref<80x128xf32, #tpu.memory_space<vmem>>, vector<1x16xf32>,
      %swap3A_90 = arith.index_cast %scan3A_64 : i32 to index
      %swap3A_91 = arith.constant 80 : index
      %swap3A_92 = tpu.vector_load %arg6[%swap3A_90, %swap3A_91] {strides = array<i32>} : memref<80x128xf32, #tpu.memory_space<vmem>>, vector<1x16xf32>,
      %swap3A_93 = vector.shape_cast %swap3A_92 : vector<1x16xf32> to vector<16xf32>
      %swap3A_94 = vector.shape_cast %broadcast_in_dim3A_0 : vector<16xf32> to vector<1x16xf32>
      tpu.vector_store %arg6[%swap3A_90, %swap3A_91], %swap3A_94 {strides = array<i32>} : memref<80x128xf32, #tpu.memory_space<vmem>>, vector<1x16xf32>,
      %swap3A_95 = arith.index_cast %scan3A_64 : i32 to index
      %swap3A_96 = arith.constant 96 : index
      %swap3A_97 = tpu.vector_load %arg6[%swap3A_95, %swap3A_96] {strides = array<i32>} : memref<80x128xf32, #tpu.memory_space<vmem>>, vector<1x16xf32>,
      %swap3A_98 = vector.shape_cast %swap3A_97 : vector<1x16xf32> to vector<16xf32>
      %swap3A_99 = vector.shape_cast %broadcast_in_dim3A_0 : vector<16xf32> to vector<1x16xf32>
      tpu.vector_store %arg6[%swap3A_95, %swap3A_96], %swap3A_99 {strides = array<i32>} : memref<80x128xf32, #tpu.memory_space<vmem>>, vector<1x16xf32>,
      %swap3A_100 = arith.index_cast %scan3A_64 : i32 to index
      %swap3A_101 = arith.constant 112 : index
      %swap3A_102 = tpu.vector_load %arg6[%swap3A_100, %swap3A_101] {strides = array<i32>} : memref<80x128xf32, #tpu.memory_space<vmem>>, vector<1x16xf32>,
      %swap3A_103 = vector.shape_cast %swap3A_102 : vector<1x16xf32> to vector<16xf32>
      %swap3A_104 = vector.shape_cast %broadcast_in_dim3A_0 : vector<16xf32> to vector<1x16xf32>
      tpu.vector_store %arg6[%swap3A_100, %swap3A_101], %swap3A_104 {strides = array<i32>} : memref<80x128xf32, #tpu.memory_space<vmem>>, vector<1x16xf32>,
      %scan3A_105 = arith.constant 0 : i32
      scf.yield %scan3A_105 : i32
    }
    %scan3A_6 = arith.constant 80 : i32
    %mul3A = arith.constant 640 : i32
    %mul3A_7 = arith.muli %arg1, %mul3A : i32
    %add3A = arith.constant 0 : i32
    %add3A_8 = arith.addi %mul3A_7, %add3A : i32
    "tpu.region"() ({
      %run_scoped3A = tpu.sem_alloc : memref<!tpu.dma_semaphore, #tpu.memory_space<semaphore_mem>>
      %dma_start3A_64 = arith.constant 0 : i32
      %dma_start3A_65 = tpu.memref_slice %arg13[%add3A_8, %dma_start3A_64] : memref<10240x128xf32, #tpu.memory_space<vmem_shared>> -> memref<80x128xf32, #tpu.memory_space<vmem_shared>>
      %dma_start3A_66 = arith.constant 0 : i32
      %dma_start3A_67 = tpu.memref_slice %arg13[%add3A_8, %dma_start3A_66] : memref<10240x128xf32, #tpu.memory_space<vmem_shared>> -> memref<80x128xf32, #tpu.memory_space<vmem_shared>>
      tpu.enqueue_dma source(%arg6 : memref<80x128xf32, #tpu.memory_space<vmem>>) target(%dma_start3A_67 : memref<80x128xf32, #tpu.memory_space<vmem_shared>>) target_semaphore(%run_scoped3A : memref<!tpu.dma_semaphore, #tpu.memory_space<semaphore_mem>>)
      %dma_wait3A = arith.constant 0 : i32
      %dma_wait3A_68 = tpu.memref_slice %arg13[%add3A_8, %dma_wait3A] : memref<10240x128xf32, #tpu.memory_space<vmem_shared>> -> memref<80x128xf32, #tpu.memory_space<vmem_shared>>
      %dma_wait3A_69 = arith.constant 0 : i32
      %dma_wait3A_70 = tpu.memref_slice %arg13[%add3A_8, %dma_wait3A_69] : memref<10240x128xf32, #tpu.memory_space<vmem_shared>> -> memref<80x128xf32, #tpu.memory_space<vmem_shared>>
      tpu.wait_dma2 semaphore(%run_scoped3A : memref<!tpu.dma_semaphore, #tpu.memory_space<semaphore_mem>>) src(%arg6 : memref<80x128xf32, #tpu.memory_space<vmem>>) dst(%dma_wait3A_70 : memref<80x128xf32, #tpu.memory_space<vmem_shared>>)
      tpu.yield
    }) : () -> ()
    %mul3A_9 = arith.constant 640 : i32
    %mul3A_10 = arith.muli %arg1, %mul3A_9 : i32
    %add3A_11 = arith.constant 80 : i32
    %add3A_12 = arith.addi %mul3A_10, %add3A_11 : i32
    "tpu.region"() ({
      %run_scoped3A = tpu.sem_alloc : memref<!tpu.dma_semaphore, #tpu.memory_space<semaphore_mem>>
      %dma_start3A_64 = arith.constant 0 : i32
      %dma_start3A_65 = tpu.memref_slice %arg13[%add3A_12, %dma_start3A_64] : memref<10240x128xf32, #tpu.memory_space<vmem_shared>> -> memref<80x128xf32, #tpu.memory_space<vmem_shared>>
      %dma_start3A_66 = arith.constant 0 : i32
      %dma_start3A_67 = tpu.memref_slice %arg13[%add3A_12, %dma_start3A_66] : memref<10240x128xf32, #tpu.memory_space<vmem_shared>> -> memref<80x128xf32, #tpu.memory_space<vmem_shared>>
      tpu.enqueue_dma source(%arg6 : memref<80x128xf32, #tpu.memory_space<vmem>>) target(%dma_start3A_67 : memref<80x128xf32, #tpu.memory_space<vmem_shared>>) target_semaphore(%run_scoped3A : memref<!tpu.dma_semaphore, #tpu.memory_space<semaphore_mem>>)
      %dma_wait3A = arith.constant 0 : i32
      %dma_wait3A_68 = tpu.memref_slice %arg13[%add3A_12, %dma_wait3A] : memref<10240x128xf32, #tpu.memory_space<vmem_shared>> -> memref<80x128xf32, #tpu.memory_space<vmem_shared>>
      %dma_wait3A_69 = arith.constant 0 : i32
      %dma_wait3A_70 = tpu.memref_slice %arg13[%add3A_12, %dma_wait3A_69] : memref<10240x128xf32, #tpu.memory_space<vmem_shared>> -> memref<80x128xf32, #tpu.memory_space<vmem_shared>>
      tpu.wait_dma2 semaphore(%run_scoped3A : memref<!tpu.dma_semaphore, #tpu.memory_space<semaphore_mem>>) src(%arg6 : memref<80x128xf32, #tpu.memory_space<vmem>>) dst(%dma_wait3A_70 : memref<80x128xf32, #tpu.memory_space<vmem_shared>>)
      tpu.yield
    }) : () -> ()
    %mul3A_13 = arith.constant 640 : i32
    %mul3A_14 = arith.muli %arg1, %mul3A_13 : i32
    %add3A_15 = arith.constant 160 : i32
    %add3A_16 = arith.addi %mul3A_14, %add3A_15 : i32
    "tpu.region"() ({
      %run_scoped3A = tpu.sem_alloc : memref<!tpu.dma_semaphore, #tpu.memory_space<semaphore_mem>>
      %dma_start3A_64 = arith.constant 0 : i32
      %dma_start3A_65 = tpu.memref_slice %arg13[%add3A_16, %dma_start3A_64] : memref<10240x128xf32, #tpu.memory_space<vmem_shared>> -> memref<80x128xf32, #tpu.memory_space<vmem_shared>>
      %dma_start3A_66 = arith.constant 0 : i32
      %dma_start3A_67 = tpu.memref_slice %arg13[%add3A_16, %dma_start3A_66] : memref<10240x128xf32, #tpu.memory_space<vmem_shared>> -> memref<80x128xf32, #tpu.memory_space<vmem_shared>>
      tpu.enqueue_dma source(%arg6 : memref<80x128xf32, #tpu.memory_space<vmem>>) target(%dma_start3A_67 : memref<80x128xf32, #tpu.memory_space<vmem_shared>>) target_semaphore(%run_scoped3A : memref<!tpu.dma_semaphore, #tpu.memory_space<semaphore_mem>>)
      %dma_wait3A = arith.constant 0 : i32
      %dma_wait3A_68 = tpu.memref_slice %arg13[%add3A_16, %dma_wait3A] : memref<10240x128xf32, #tpu.memory_space<vmem_shared>> -> memref<80x128xf32, #tpu.memory_space<vmem_shared>>
      %dma_wait3A_69 = arith.constant 0 : i32
      %dma_wait3A_70 = tpu.memref_slice %arg13[%add3A_16, %dma_wait3A_69] : memref<10240x128xf32, #tpu.memory_space<vmem_shared>> -> memref<80x128xf32, #tpu.memory_space<vmem_shared>>
      tpu.wait_dma2 semaphore(%run_scoped3A : memref<!tpu.dma_semaphore, #tpu.memory_space<semaphore_mem>>) src(%arg6 : memref<80x128xf32, #tpu.memory_space<vmem>>) dst(%dma_wait3A_70 : memref<80x128xf32, #tpu.memory_space<vmem_shared>>)
      tpu.yield
    }) : () -> ()
    %mul3A_17 = arith.constant 640 : i32
    %mul3A_18 = arith.muli %arg1, %mul3A_17 : i32
    %add3A_19 = arith.constant 240 : i32
    %add3A_20 = arith.addi %mul3A_18, %add3A_19 : i32
    "tpu.region"() ({
      %run_scoped3A = tpu.sem_alloc : memref<!tpu.dma_semaphore, #tpu.memory_space<semaphore_mem>>
      %dma_start3A_64 = arith.constant 0 : i32
      %dma_start3A_65 = tpu.memref_slice %arg13[%add3A_20, %dma_start3A_64] : memref<10240x128xf32, #tpu.memory_space<vmem_shared>> -> memref<80x128xf32, #tpu.memory_space<vmem_shared>>
      %dma_start3A_66 = arith.constant 0 : i32
      %dma_start3A_67 = tpu.memref_slice %arg13[%add3A_20, %dma_start3A_66] : memref<10240x128xf32, #tpu.memory_space<vmem_shared>> -> memref<80x128xf32, #tpu.memory_space<vmem_shared>>
      tpu.enqueue_dma source(%arg6 : memref<80x128xf32, #tpu.memory_space<vmem>>) target(%dma_start3A_67 : memref<80x128xf32, #tpu.memory_space<vmem_shared>>) target_semaphore(%run_scoped3A : memref<!tpu.dma_semaphore, #tpu.memory_space<semaphore_mem>>)
      %dma_wait3A = arith.constant 0 : i32
      %dma_wait3A_68 = tpu.memref_slice %arg13[%add3A_20, %dma_wait3A] : memref<10240x128xf32, #tpu.memory_space<vmem_shared>> -> memref<80x128xf32, #tpu.memory_space<vmem_shared>>
      %dma_wait3A_69 = arith.constant 0 : i32
      %dma_wait3A_70 = tpu.memref_slice %arg13[%add3A_20, %dma_wait3A_69] : memref<10240x128xf32, #tpu.memory_space<vmem_shared>> -> memref<80x128xf32, #tpu.memory_space<vmem_shared>>
      tpu.wait_dma2 semaphore(%run_scoped3A : memref<!tpu.dma_semaphore, #tpu.memory_space<semaphore_mem>>) src(%arg6 : memref<80x128xf32, #tpu.memory_space<vmem>>) dst(%dma_wait3A_70 : memref<80x128xf32, #tpu.memory_space<vmem_shared>>)
      tpu.yield
    }) : () -> ()
    %mul3A_21 = arith.constant 640 : i32
    %mul3A_22 = arith.muli %arg1, %mul3A_21 : i32
    %add3A_23 = arith.constant 320 : i32
    %add3A_24 = arith.addi %mul3A_22, %add3A_23 : i32
    "tpu.region"() ({
      %run_scoped3A = tpu.sem_alloc : memref<!tpu.dma_semaphore, #tpu.memory_space<semaphore_mem>>
      %dma_start3A_64 = arith.constant 0 : i32
      %dma_start3A_65 = tpu.memref_slice %arg13[%add3A_24, %dma_start3A_64] : memref<10240x128xf32, #tpu.memory_space<vmem_shared>> -> memref<80x128xf32, #tpu.memory_space<vmem_shared>>
      %dma_start3A_66 = arith.constant 0 : i32
      %dma_start3A_67 = tpu.memref_slice %arg13[%add3A_24, %dma_start3A_66] : memref<10240x128xf32, #tpu.memory_space<vmem_shared>> -> memref<80x128xf32, #tpu.memory_space<vmem_shared>>
      tpu.enqueue_dma source(%arg6 : memref<80x128xf32, #tpu.memory_space<vmem>>) target(%dma_start3A_67 : memref<80x128xf32, #tpu.memory_space<vmem_shared>>) target_semaphore(%run_scoped3A : memref<!tpu.dma_semaphore, #tpu.memory_space<semaphore_mem>>)
      %dma_wait3A = arith.constant 0 : i32
      %dma_wait3A_68 = tpu.memref_slice %arg13[%add3A_24, %dma_wait3A] : memref<10240x128xf32, #tpu.memory_space<vmem_shared>> -> memref<80x128xf32, #tpu.memory_space<vmem_shared>>
      %dma_wait3A_69 = arith.constant 0 : i32
      %dma_wait3A_70 = tpu.memref_slice %arg13[%add3A_24, %dma_wait3A_69] : memref<10240x128xf32, #tpu.memory_space<vmem_shared>> -> memref<80x128xf32, #tpu.memory_space<vmem_shared>>
      tpu.wait_dma2 semaphore(%run_scoped3A : memref<!tpu.dma_semaphore, #tpu.memory_space<semaphore_mem>>) src(%arg6 : memref<80x128xf32, #tpu.memory_space<vmem>>) dst(%dma_wait3A_70 : memref<80x128xf32, #tpu.memory_space<vmem_shared>>)
      tpu.yield
    }) : () -> ()
    %mul3A_25 = arith.constant 640 : i32
    %mul3A_26 = arith.muli %arg1, %mul3A_25 : i32
    %add3A_27 = arith.constant 400 : i32
    %add3A_28 = arith.addi %mul3A_26, %add3A_27 : i32
    "tpu.region"() ({
      %run_scoped3A = tpu.sem_alloc : memref<!tpu.dma_semaphore, #tpu.memory_space<semaphore_mem>>
      %dma_start3A_64 = arith.constant 0 : i32
      %dma_start3A_65 = tpu.memref_slice %arg13[%add3A_28, %dma_start3A_64] : memref<10240x128xf32, #tpu.memory_space<vmem_shared>> -> memref<80x128xf32, #tpu.memory_space<vmem_shared>>
      %dma_start3A_66 = arith.constant 0 : i32
      %dma_start3A_67 = tpu.memref_slice %arg13[%add3A_28, %dma_start3A_66] : memref<10240x128xf32, #tpu.memory_space<vmem_shared>> -> memref<80x128xf32, #tpu.memory_space<vmem_shared>>
      tpu.enqueue_dma source(%arg6 : memref<80x128xf32, #tpu.memory_space<vmem>>) target(%dma_start3A_67 : memref<80x128xf32, #tpu.memory_space<vmem_shared>>) target_semaphore(%run_scoped3A : memref<!tpu.dma_semaphore, #tpu.memory_space<semaphore_mem>>)
      %dma_wait3A = arith.constant 0 : i32
      %dma_wait3A_68 = tpu.memref_slice %arg13[%add3A_28, %dma_wait3A] : memref<10240x128xf32, #tpu.memory_space<vmem_shared>> -> memref<80x128xf32, #tpu.memory_space<vmem_shared>>
      %dma_wait3A_69 = arith.constant 0 : i32
      %dma_wait3A_70 = tpu.memref_slice %arg13[%add3A_28, %dma_wait3A_69] : memref<10240x128xf32, #tpu.memory_space<vmem_shared>> -> memref<80x128xf32, #tpu.memory_space<vmem_shared>>
      tpu.wait_dma2 semaphore(%run_scoped3A : memref<!tpu.dma_semaphore, #tpu.memory_space<semaphore_mem>>) src(%arg6 : memref<80x128xf32, #tpu.memory_space<vmem>>) dst(%dma_wait3A_70 : memref<80x128xf32, #tpu.memory_space<vmem_shared>>)
      tpu.yield
    }) : () -> ()
    %mul3A_29 = arith.constant 640 : i32
    %mul3A_30 = arith.muli %arg1, %mul3A_29 : i32
    %add3A_31 = arith.constant 480 : i32
    %add3A_32 = arith.addi %mul3A_30, %add3A_31 : i32
    "tpu.region"() ({
      %run_scoped3A = tpu.sem_alloc : memref<!tpu.dma_semaphore, #tpu.memory_space<semaphore_mem>>
      %dma_start3A_64 = arith.constant 0 : i32
      %dma_start3A_65 = tpu.memref_slice %arg13[%add3A_32, %dma_start3A_64] : memref<10240x128xf32, #tpu.memory_space<vmem_shared>> -> memref<80x128xf32, #tpu.memory_space<vmem_shared>>
      %dma_start3A_66 = arith.constant 0 : i32
      %dma_start3A_67 = tpu.memref_slice %arg13[%add3A_32, %dma_start3A_66] : memref<10240x128xf32, #tpu.memory_space<vmem_shared>> -> memref<80x128xf32, #tpu.memory_space<vmem_shared>>
      tpu.enqueue_dma source(%arg6 : memref<80x128xf32, #tpu.memory_space<vmem>>) target(%dma_start3A_67 : memref<80x128xf32, #tpu.memory_space<vmem_shared>>) target_semaphore(%run_scoped3A : memref<!tpu.dma_semaphore, #tpu.memory_space<semaphore_mem>>)
      %dma_wait3A = arith.constant 0 : i32
      %dma_wait3A_68 = tpu.memref_slice %arg13[%add3A_32, %dma_wait3A] : memref<10240x128xf32, #tpu.memory_space<vmem_shared>> -> memref<80x128xf32, #tpu.memory_space<vmem_shared>>
      %dma_wait3A_69 = arith.constant 0 : i32
      %dma_wait3A_70 = tpu.memref_slice %arg13[%add3A_32, %dma_wait3A_69] : memref<10240x128xf32, #tpu.memory_space<vmem_shared>> -> memref<80x128xf32, #tpu.memory_space<vmem_shared>>
      tpu.wait_dma2 semaphore(%run_scoped3A : memref<!tpu.dma_semaphore, #tpu.memory_space<semaphore_mem>>) src(%arg6 : memref<80x128xf32, #tpu.memory_space<vmem>>) dst(%dma_wait3A_70 : memref<80x128xf32, #tpu.memory_space<vmem_shared>>)
      tpu.yield
    }) : () -> ()
    %mul3A_33 = arith.constant 640 : i32
    %mul3A_34 = arith.muli %arg1, %mul3A_33 : i32
    %add3A_35 = arith.constant 560 : i32
    %add3A_36 = arith.addi %mul3A_34, %add3A_35 : i32
    "tpu.region"() ({
      %run_scoped3A = tpu.sem_alloc : memref<!tpu.dma_semaphore, #tpu.memory_space<semaphore_mem>>
      %dma_start3A_64 = arith.constant 0 : i32
      %dma_start3A_65 = tpu.memref_slice %arg13[%add3A_36, %dma_start3A_64] : memref<10240x128xf32, #tpu.memory_space<vmem_shared>> -> memref<80x128xf32, #tpu.memory_space<vmem_shared>>
      %dma_start3A_66 = arith.constant 0 : i32
      %dma_start3A_67 = tpu.memref_slice %arg13[%add3A_36, %dma_start3A_66] : memref<10240x128xf32, #tpu.memory_space<vmem_shared>> -> memref<80x128xf32, #tpu.memory_space<vmem_shared>>
      tpu.enqueue_dma source(%arg6 : memref<80x128xf32, #tpu.memory_space<vmem>>) target(%dma_start3A_67 : memref<80x128xf32, #tpu.memory_space<vmem_shared>>) target_semaphore(%run_scoped3A : memref<!tpu.dma_semaphore, #tpu.memory_space<semaphore_mem>>)
      %dma_wait3A = arith.constant 0 : i32
      %dma_wait3A_68 = tpu.memref_slice %arg13[%add3A_36, %dma_wait3A] : memref<10240x128xf32, #tpu.memory_space<vmem_shared>> -> memref<80x128xf32, #tpu.memory_space<vmem_shared>>
      %dma_wait3A_69 = arith.constant 0 : i32
      %dma_wait3A_70 = tpu.memref_slice %arg13[%add3A_36, %dma_wait3A_69] : memref<10240x128xf32, #tpu.memory_space<vmem_shared>> -> memref<80x128xf32, #tpu.memory_space<vmem_shared>>
      tpu.wait_dma2 semaphore(%run_scoped3A : memref<!tpu.dma_semaphore, #tpu.memory_space<semaphore_mem>>) src(%arg6 : memref<80x128xf32, #tpu.memory_space<vmem>>) dst(%dma_wait3A_70 : memref<80x128xf32, #tpu.memory_space<vmem_shared>>)
      tpu.yield
    }) : () -> ()
    %barrier3A = arith.constant 0 : index
    tpu.barrier barrier_id(%barrier3A)
    %mul3A_37 = arith.constant 20000 : i32
    %mul3A_38 = arith.muli %arg1, %mul3A_37 : i32
    %add3A_39 = arith.constant 0 : i32
    %add3A_40 = arith.addi %mul3A_38, %add3A_39 : i32
    %dma_start3A = tpu.memref_slice %arg3[%add3A_40] : memref<320000xi32, #tpu.memory_space<hbm>> -> memref<80xi32, #tpu.memory_space<hbm>>
    %dma_start3A_41 = tpu.memref_slice %arg3[%add3A_40] : memref<320000xi32, #tpu.memory_space<hbm>> -> memref<80xi32, #tpu.memory_space<hbm>>
    tpu.enqueue_dma source(%dma_start3A_41 : memref<80xi32, #tpu.memory_space<hbm>>) target(%arg5 : memref<80xi32, #tpu.memory_space<vmem>>) target_semaphore(%arg9 : memref<!tpu.dma_semaphore, #tpu.memory_space<semaphore_mem>>)
    %mul3A_42 = arith.constant 320000 : i32
    %mul3A_43 = arith.muli %arg0, %mul3A_42 : i32
    %add3A_44 = arith.addi %mul3A_43, %add3A_40 : i32
    %dma_start3A_45 = arith.constant 0 : i32
    %dma_start3A_46 = tpu.memref_slice %arg2[%add3A_44, %dma_start3A_45] : memref<640000x128xf32, #tpu.memory_space<hbm>> -> memref<80x128xf32, #tpu.memory_space<hbm>>
    %dma_start3A_47 = arith.constant 0 : i32
    %dma_start3A_48 = tpu.memref_slice %arg2[%add3A_44, %dma_start3A_47] : memref<640000x128xf32, #tpu.memory_space<hbm>> -> memref<80x128xf32, #tpu.memory_space<hbm>>
    tpu.enqueue_dma source(%dma_start3A_48 : memref<80x128xf32, #tpu.memory_space<hbm>>) target(%arg6 : memref<80x128xf32, #tpu.memory_space<vmem>>) target_semaphore(%arg10 : memref<!tpu.dma_semaphore, #tpu.memory_space<semaphore_mem>>)
    %scan3A_49 = arith.constant 0 : i32
    %scan3A_50 = arith.constant 0 : i32
    %scan3A_51 = arith.constant 125 : i32
    %scan3A_52 = arith.addi %scan3A_50, %scan3A_51 : i32
    %scan3A_53 = arith.constant 1 : i32
    %scan3A_54 = scf.for %scan3A_64 = %scan3A_50 to %scan3A_52 step %scan3A_53 iter_args(%scan3A_65 = %scan3A_49) -> (i32)  : i32 {
      %mul3A_66 = arith.constant 2 : i32
      %mul3A_67 = arith.muli %mul3A_66, %scan3A_64 : i32
      %add3A_68 = arith.constant 1 : i32
      %add3A_69 = arith.addi %mul3A_67, %add3A_68 : i32
      %mul3A_70 = arith.constant 20000 : i32
      %mul3A_71 = arith.muli %arg1, %mul3A_70 : i32
      %mul3A_72 = arith.constant 80 : i32
      %mul3A_73 = arith.muli %add3A_69, %mul3A_72 : i32
      %add3A_74 = arith.addi %mul3A_71, %mul3A_73 : i32
      %dma_start3A_75 = tpu.memref_slice %arg3[%add3A_74] : memref<320000xi32, #tpu.memory_space<hbm>> -> memref<80xi32, #tpu.memory_space<hbm>>
      %dma_start3A_76 = tpu.memref_slice %arg3[%add3A_74] : memref<320000xi32, #tpu.memory_space<hbm>> -> memref<80xi32, #tpu.memory_space<hbm>>
      tpu.enqueue_dma source(%dma_start3A_76 : memref<80xi32, #tpu.memory_space<hbm>>) target(%arg7 : memref<80xi32, #tpu.memory_space<vmem>>) target_semaphore(%arg11 : memref<!tpu.dma_semaphore, #tpu.memory_space<semaphore_mem>>)
      %mul3A_77 = arith.constant 320000 : i32
      %mul3A_78 = arith.muli %arg0, %mul3A_77 : i32
      %add3A_79 = arith.addi %mul3A_78, %add3A_74 : i32
      %dma_start3A_80 = arith.constant 0 : i32
      %dma_start3A_81 = tpu.memref_slice %arg2[%add3A_79, %dma_start3A_80] : memref<640000x128xf32, #tpu.memory_space<hbm>> -> memref<80x128xf32, #tpu.memory_space<hbm>>
      %dma_start3A_82 = arith.constant 0 : i32
      %dma_start3A_83 = tpu.memref_slice %arg2[%add3A_79, %dma_start3A_82] : memref<640000x128xf32, #tpu.memory_space<hbm>> -> memref<80x128xf32, #tpu.memory_space<hbm>>
      tpu.enqueue_dma source(%dma_start3A_83 : memref<80x128xf32, #tpu.memory_space<hbm>>) target(%arg8 : memref<80x128xf32, #tpu.memory_space<vmem>>) target_semaphore(%arg12 : memref<!tpu.dma_semaphore, #tpu.memory_space<semaphore_mem>>)
      %mul3A_84 = arith.constant 20000 : i32
      %mul3A_85 = arith.muli %arg1, %mul3A_84 : i32
      %mul3A_86 = arith.constant 80 : i32
      %mul3A_87 = arith.muli %mul3A_67, %mul3A_86 : i32
      %add3A_88 = arith.addi %mul3A_85, %mul3A_87 : i32
      %dma_wait3A = tpu.memref_slice %arg3[%add3A_88] : memref<320000xi32, #tpu.memory_space<hbm>> -> memref<80xi32, #tpu.memory_space<hbm>>
      %dma_wait3A_89 = tpu.memref_slice %arg3[%add3A_88] : memref<320000xi32, #tpu.memory_space<hbm>> -> memref<80xi32, #tpu.memory_space<hbm>>
      tpu.wait_dma2 semaphore(%arg9 : memref<!tpu.dma_semaphore, #tpu.memory_space<semaphore_mem>>) src(%dma_wait3A_89 : memref<80xi32, #tpu.memory_space<hbm>>) dst(%arg5 : memref<80xi32, #tpu.memory_space<vmem>>)
      %mul3A_90 = arith.constant 320000 : i32
      %mul3A_91 = arith.muli %arg0, %mul3A_90 : i32
      %add3A_92 = arith.addi %mul3A_91, %add3A_88 : i32
      %dma_wait3A_93 = arith.constant 0 : i32
      %dma_wait3A_94 = tpu.memref_slice %arg2[%add3A_92, %dma_wait3A_93] : memref<640000x128xf32, #tpu.memory_space<hbm>> -> memref<80x128xf32, #tpu.memory_space<hbm>>
      %dma_wait3A_95 = arith.constant 0 : i32
      %dma_wait3A_96 = tpu.memref_slice %arg2[%add3A_92, %dma_wait3A_95] : memref<640000x128xf32, #tpu.memory_space<hbm>> -> memref<80x128xf32, #tpu.memory_space<hbm>>
      tpu.wait_dma2 semaphore(%arg10 : memref<!tpu.dma_semaphore, #tpu.memory_space<semaphore_mem>>) src(%dma_wait3A_96 : memref<80x128xf32, #tpu.memory_space<hbm>>) dst(%arg6 : memref<80x128xf32, #tpu.memory_space<vmem>>)
      "tpu.region"() ({
        %run_scoped3A = tpu.sem_alloc : memref<!tpu.dma_semaphore, #tpu.memory_space<semaphore_mem>>
        %dma_start3A_118 = arith.constant 0 : i32
        %dma_start3A_119 = arith.constant 0 : i32
        %dma_start3A_120 = tpu.memref_slice %arg13[%dma_start3A_118, %dma_start3A_119] : memref<10240x128xf32, #tpu.memory_space<vmem_shared>> -> memref<10240x128xf32, #tpu.memory_space<vmem_shared>>
        tpu.enqueue_indirect_dma source(%arg6 : memref<80x128xf32, #tpu.memory_space<vmem>>) target(%dma_start3A_120 : memref<10240x128xf32, #tpu.memory_space<vmem_shared>>) offsets(%arg5 : memref<80xi32, #tpu.memory_space<vmem>>) semaphore(%run_scoped3A : memref<!tpu.dma_semaphore, #tpu.memory_space<semaphore_mem>>) {add = true}
        %dma_wait3A_121 = arith.constant 0 : i32
        %dma_wait3A_122 = arith.constant 0 : i32
        %dma_wait3A_123 = tpu.memref_slice %arg13[%dma_wait3A_121, %dma_wait3A_122] : memref<10240x128xf32, #tpu.memory_space<vmem_shared>> -> memref<10240x128xf32, #tpu.memory_space<vmem_shared>>
        tpu.wait_indirect_dma semaphore(%run_scoped3A : memref<!tpu.dma_semaphore, #tpu.memory_space<semaphore_mem>>) src(%arg6 : memref<80x128xf32, #tpu.memory_space<vmem>>) dst(%dma_wait3A_123 : memref<10240x128xf32, #tpu.memory_space<vmem_shared>>)
        tpu.yield
      }) : () -> ()
      %add3A_97 = arith.constant 2 : i32
      %add3A_98 = arith.addi %mul3A_67, %add3A_97 : i32
      %lt3A = arith.constant 250 : i32
      %lt3A_99 = arith.cmpi slt, %add3A_98, %lt3A : i32
      %convert_element_type3A = arith.extui %lt3A_99 : i1 to i32
      %cond3A = arith.constant 0 : i32
      %cond3A_100 = arith.cmpi ne, %convert_element_type3A, %cond3A : i32
      scf.if %cond3A_100 {
        %add3A_118 = arith.constant 2 : i32
        %add3A_119 = arith.addi %mul3A_67, %add3A_118 : i32
        %mul3A_120 = arith.constant 20000 : i32
        %mul3A_121 = arith.muli %arg1, %mul3A_120 : i32
        %mul3A_122 = arith.constant 80 : i32
        %mul3A_123 = arith.muli %add3A_119, %mul3A_122 : i32
        %add3A_124 = arith.addi %mul3A_121, %mul3A_123 : i32
        %dma_start3A_125 = tpu.memref_slice %arg3[%add3A_124] : memref<320000xi32, #tpu.memory_space<hbm>> -> memref<80xi32, #tpu.memory_space<hbm>>
        %dma_start3A_126 = tpu.memref_slice %arg3[%add3A_124] : memref<320000xi32, #tpu.memory_space<hbm>> -> memref<80xi32, #tpu.memory_space<hbm>>
        tpu.enqueue_dma source(%dma_start3A_126 : memref<80xi32, #tpu.memory_space<hbm>>) target(%arg5 : memref<80xi32, #tpu.memory_space<vmem>>) target_semaphore(%arg9 : memref<!tpu.dma_semaphore, #tpu.memory_space<semaphore_mem>>)
        %mul3A_127 = arith.constant 320000 : i32
        %mul3A_128 = arith.muli %arg0, %mul3A_127 : i32
        %add3A_129 = arith.addi %mul3A_128, %add3A_124 : i32
        %dma_start3A_130 = arith.constant 0 : i32
        %dma_start3A_131 = tpu.memref_slice %arg2[%add3A_129, %dma_start3A_130] : memref<640000x128xf32, #tpu.memory_space<hbm>> -> memref<80x128xf32, #tpu.memory_space<hbm>>
        %dma_start3A_132 = arith.constant 0 : i32
        %dma_start3A_133 = tpu.memref_slice %arg2[%add3A_129, %dma_start3A_132] : memref<640000x128xf32, #tpu.memory_space<hbm>> -> memref<80x128xf32, #tpu.memory_space<hbm>>
        tpu.enqueue_dma source(%dma_start3A_133 : memref<80x128xf32, #tpu.memory_space<hbm>>) target(%arg6 : memref<80x128xf32, #tpu.memory_space<vmem>>) target_semaphore(%arg10 : memref<!tpu.dma_semaphore, #tpu.memory_space<semaphore_mem>>)
      } else {
      }
      %add3A_101 = arith.constant 1 : i32
      %add3A_102 = arith.addi %mul3A_67, %add3A_101 : i32
      %mul3A_103 = arith.constant 20000 : i32
      %mul3A_104 = arith.muli %arg1, %mul3A_103 : i32
      %mul3A_105 = arith.constant 80 : i32
      %mul3A_106 = arith.muli %add3A_102, %mul3A_105 : i32
      %add3A_107 = arith.addi %mul3A_104, %mul3A_106 : i32
      %dma_wait3A_108 = tpu.memref_slice %arg3[%add3A_107] : memref<320000xi32, #tpu.memory_space<hbm>> -> memref<80xi32, #tpu.memory_space<hbm>>
      %dma_wait3A_109 = tpu.memref_slice %arg3[%add3A_107] : memref<320000xi32, #tpu.memory_space<hbm>> -> memref<80xi32, #tpu.memory_space<hbm>>
      tpu.wait_dma2 semaphore(%arg11 : memref<!tpu.dma_semaphore, #tpu.memory_space<semaphore_mem>>) src(%dma_wait3A_109 : memref<80xi32, #tpu.memory_space<hbm>>) dst(%arg7 : memref<80xi32, #tpu.memory_space<vmem>>)
      %mul3A_110 = arith.constant 320000 : i32
      %mul3A_111 = arith.muli %arg0, %mul3A_110 : i32
      %add3A_112 = arith.addi %mul3A_111, %add3A_107 : i32
      %dma_wait3A_113 = arith.constant 0 : i32
      %dma_wait3A_114 = tpu.memref_slice %arg2[%add3A_112, %dma_wait3A_113] : memref<640000x128xf32, #tpu.memory_space<hbm>> -> memref<80x128xf32, #tpu.memory_space<hbm>>
      %dma_wait3A_115 = arith.constant 0 : i32
      %dma_wait3A_116 = tpu.memref_slice %arg2[%add3A_112, %dma_wait3A_115] : memref<640000x128xf32, #tpu.memory_space<hbm>> -> memref<80x128xf32, #tpu.memory_space<hbm>>
      tpu.wait_dma2 semaphore(%arg12 : memref<!tpu.dma_semaphore, #tpu.memory_space<semaphore_mem>>) src(%dma_wait3A_116 : memref<80x128xf32, #tpu.memory_space<hbm>>) dst(%arg8 : memref<80x128xf32, #tpu.memory_space<vmem>>)
      "tpu.region"() ({
        %run_scoped3A = tpu.sem_alloc : memref<!tpu.dma_semaphore, #tpu.memory_space<semaphore_mem>>
        %dma_start3A_118 = arith.constant 0 : i32
        %dma_start3A_119 = arith.constant 0 : i32
        %dma_start3A_120 = tpu.memref_slice %arg13[%dma_start3A_118, %dma_start3A_119] : memref<10240x128xf32, #tpu.memory_space<vmem_shared>> -> memref<10240x128xf32, #tpu.memory_space<vmem_shared>>
        tpu.enqueue_indirect_dma source(%arg8 : memref<80x128xf32, #tpu.memory_space<vmem>>) target(%dma_start3A_120 : memref<10240x128xf32, #tpu.memory_space<vmem_shared>>) offsets(%arg7 : memref<80xi32, #tpu.memory_space<vmem>>) semaphore(%run_scoped3A : memref<!tpu.dma_semaphore, #tpu.memory_space<semaphore_mem>>) {add = true}
        %dma_wait3A_121 = arith.constant 0 : i32
        %dma_wait3A_122 = arith.constant 0 : i32
        %dma_wait3A_123 = tpu.memref_slice %arg13[%dma_wait3A_121, %dma_wait3A_122] : memref<10240x128xf32, #tpu.memory_space<vmem_shared>> -> memref<10240x128xf32, #tpu.memory_space<vmem_shared>>
        tpu.wait_indirect_dma semaphore(%run_scoped3A : memref<!tpu.dma_semaphore, #tpu.memory_space<semaphore_mem>>) src(%arg8 : memref<80x128xf32, #tpu.memory_space<vmem>>) dst(%dma_wait3A_123 : memref<10240x128xf32, #tpu.memory_space<vmem_shared>>)
        tpu.yield
      }) : () -> ()
      %scan3A_117 = arith.constant 0 : i32
      scf.yield %scan3A_117 : i32
    }
    %scan3A_55 = arith.constant 125 : i32
    %barrier3A_56 = arith.constant 0 : index
    tpu.barrier barrier_id(%barrier3A_56)
    %mul3A_57 = arith.constant 640 : i32
    %mul3A_58 = arith.muli %arg1, %mul3A_57 : i32
    %mul3A_59 = arith.constant 10240 : i32
    %mul3A_60 = arith.muli %arg0, %mul3A_59 : i32
    %mul3A_61 = arith.constant 640 : i32
    %mul3A_62 = arith.muli %arg1, %mul3A_61 : i32
    %add3A_63 = arith.addi %mul3A_60, %mul3A_62 : i32
    "tpu.region"() ({
      %run_scoped3A = tpu.sem_alloc : memref<!tpu.dma_semaphore, #tpu.memory_space<semaphore_mem>>
      %dma_start3A_64 = arith.constant 0 : i32
      %dma_start3A_65 = tpu.memref_slice %arg4[%add3A_63, %dma_start3A_64] : memref<20480x128xf32, #tpu.memory_space<hbm>> -> memref<640x128xf32, #tpu.memory_space<hbm>>
      %dma_start3A_66 = arith.constant 0 : i32
      %dma_start3A_67 = tpu.memref_slice %arg13[%mul3A_58, %dma_start3A_66] : memref<10240x128xf32, #tpu.memory_space<vmem_shared>> -> memref<640x128xf32, #tpu.memory_space<vmem_shared>>
      tpu.enqueue_dma source(%dma_start3A_67 : memref<640x128xf32, #tpu.memory_space<vmem_shared>>) target(%dma_start3A_65 : memref<640x128xf32, #tpu.memory_space<hbm>>) target_semaphore(%run_scoped3A : memref<!tpu.dma_semaphore, #tpu.memory_space<semaphore_mem>>)
      %dma_wait3A = arith.constant 0 : i32
      %dma_wait3A_68 = tpu.memref_slice %arg4[%add3A_63, %dma_wait3A] : memref<20480x128xf32, #tpu.memory_space<hbm>> -> memref<640x128xf32, #tpu.memory_space<hbm>>
      %dma_wait3A_69 = arith.constant 0 : i32
      %dma_wait3A_70 = tpu.memref_slice %arg13[%mul3A_58, %dma_wait3A_69] : memref<10240x128xf32, #tpu.memory_space<vmem_shared>> -> memref<640x128xf32, #tpu.memory_space<vmem_shared>>
      tpu.wait_dma2 semaphore(%run_scoped3A : memref<!tpu.dma_semaphore, #tpu.memory_space<semaphore_mem>>) src(%dma_wait3A_70 : memref<640x128xf32, #tpu.memory_space<vmem_shared>>) dst(%dma_wait3A_68 : memref<640x128xf32, #tpu.memory_space<hbm>>)
      tpu.yield
    }) : () -> ()
    return
  }
}

#map = affine_map<(d0, d1) -> (0, 0)>
#map1 = affine_map<(d0, d1) -> (0)>
module attributes {stable_mosaic.version = 14 : i64} {
  func.func @_sc_scatter_body(%arg0: i32, %arg1: i32, %arg2: memref<640000x128xf32, #tpu.memory_space<hbm>>, %arg3: memref<320000xi32, #tpu.memory_space<hbm>>, %arg4: memref<20480x128xf32, #tpu.memory_space<hbm>>, %arg5: memref<80xi32, #tpu.memory_space<vmem>>, %arg6: memref<80x128xf32, #tpu.memory_space<vmem>>, %arg7: memref<80xi32, #tpu.memory_space<vmem>>, %arg8: memref<80x128xf32, #tpu.memory_space<vmem>>, %arg9: memref<!tpu.dma_semaphore, #tpu.memory_space<semaphore_mem>>, %arg10: memref<!tpu.dma_semaphore, #tpu.memory_space<semaphore_mem>>, %arg11: memref<!tpu.dma_semaphore, #tpu.memory_space<semaphore_mem>>, %arg12: memref<!tpu.dma_semaphore, #tpu.memory_space<semaphore_mem>>, %arg13: memref<10240x128xf32, #tpu.memory_space<vmem_shared>>) attributes {dimension_semantics = [#tpu.dimension_semantics<core_parallel>, #tpu.dimension_semantics<subcore_parallel>], iteration_bounds = array<i64: 2, 16>, scalar_prefetch = 0 : i64, scratch_operands = 9 : i64, tpu.core_type = #tpu.core_type<sc_vector_subcore>, window_params = [{transform_indices = #map}, {transform_indices = #map1}, {transform_indices = #map}]} {
    %broadcast_in_dim3A = arith.constant 0.000000e+00 : f32
    %broadcast_in_dim3A_0 = vector.broadcast %broadcast_in_dim3A : f32 to vector<16xf32>
    %scan3A = arith.constant 0 : i32
    %scan3A_1 = arith.constant 0 : i32
    %scan3A_2 = arith.constant 80 : i32
    %scan3A_3 = arith.addi %scan3A_1, %scan3A_2 : i32
    %scan3A_4 = arith.constant 1 : i32
    %scan3A_5 = scf.for %scan3A_64 = %scan3A_1 to %scan3A_3 step %scan3A_4 iter_args(%scan3A_65 = %scan3A) -> (i32)  : i32 {
      %swap3A = arith.index_cast %scan3A_64 : i32 to index
      %swap3A_66 = arith.constant 0 : index
      %swap3A_67 = tpu.vector_load %arg6[%swap3A, %swap3A_66] {strides = array<i32>} : memref<80x128xf32, #tpu.memory_space<vmem>>, vector<1x16xf32>,
      %swap3A_68 = vector.shape_cast %swap3A_67 : vector<1x16xf32> to vector<16xf32>
      %swap3A_69 = vector.shape_cast %broadcast_in_dim3A_0 : vector<16xf32> to vector<1x16xf32>
      tpu.vector_store %arg6[%swap3A, %swap3A_66], %swap3A_69 {strides = array<i32>} : memref<80x128xf32, #tpu.memory_space<vmem>>, vector<1x16xf32>,
      %swap3A_70 = arith.index_cast %scan3A_64 : i32 to index
      %swap3A_71 = arith.constant 16 : index
      %swap3A_72 = tpu.vector_load %arg6[%swap3A_70, %swap3A_71] {strides = array<i32>} : memref<80x128xf32, #tpu.memory_space<vmem>>, vector<1x16xf32>,
      %swap3A_73 = vector.shape_cast %swap3A_72 : vector<1x16xf32> to vector<16xf32>
      %swap3A_74 = vector.shape_cast %broadcast_in_dim3A_0 : vector<16xf32> to vector<1x16xf32>
      tpu.vector_store %arg6[%swap3A_70, %swap3A_71], %swap3A_74 {strides = array<i32>} : memref<80x128xf32, #tpu.memory_space<vmem>>, vector<1x16xf32>,
      %swap3A_75 = arith.index_cast %scan3A_64 : i32 to index
      %swap3A_76 = arith.constant 32 : index
      %swap3A_77 = tpu.vector_load %arg6[%swap3A_75, %swap3A_76] {strides = array<i32>} : memref<80x128xf32, #tpu.memory_space<vmem>>, vector<1x16xf32>,
      %swap3A_78 = vector.shape_cast %swap3A_77 : vector<1x16xf32> to vector<16xf32>
      %swap3A_79 = vector.shape_cast %broadcast_in_dim3A_0 : vector<16xf32> to vector<1x16xf32>
      tpu.vector_store %arg6[%swap3A_75, %swap3A_76], %swap3A_79 {strides = array<i32>} : memref<80x128xf32, #tpu.memory_space<vmem>>, vector<1x16xf32>,
      %swap3A_80 = arith.index_cast %scan3A_64 : i32 to index
      %swap3A_81 = arith.constant 48 : index
      %swap3A_82 = tpu.vector_load %arg6[%swap3A_80, %swap3A_81] {strides = array<i32>} : memref<80x128xf32, #tpu.memory_space<vmem>>, vector<1x16xf32>,
      %swap3A_83 = vector.shape_cast %swap3A_82 : vector<1x16xf32> to vector<16xf32>
      %swap3A_84 = vector.shape_cast %broadcast_in_dim3A_0 : vector<16xf32> to vector<1x16xf32>
      tpu.vector_store %arg6[%swap3A_80, %swap3A_81], %swap3A_84 {strides = array<i32>} : memref<80x128xf32, #tpu.memory_space<vmem>>, vector<1x16xf32>,
      %swap3A_85 = arith.index_cast %scan3A_64 : i32 to index
      %swap3A_86 = arith.constant 64 : index
      %swap3A_87 = tpu.vector_load %arg6[%swap3A_85, %swap3A_86] {strides = array<i32>} : memref<80x128xf32, #tpu.memory_space<vmem>>, vector<1x16xf32>,
      %swap3A_88 = vector.shape_cast %swap3A_87 : vector<1x16xf32> to vector<16xf32>
      %swap3A_89 = vector.shape_cast %broadcast_in_dim3A_0 : vector<16xf32> to vector<1x16xf32>
      tpu.vector_store %arg6[%swap3A_85, %swap3A_86], %swap3A_89 {strides = array<i32>} : memref<80x128xf32, #tpu.memory_space<vmem>>, vector<1x16xf32>,
      %swap3A_90 = arith.index_cast %scan3A_64 : i32 to index
      %swap3A_91 = arith.constant 80 : index
      %swap3A_92 = tpu.vector_load %arg6[%swap3A_90, %swap3A_91] {strides = array<i32>} : memref<80x128xf32, #tpu.memory_space<vmem>>, vector<1x16xf32>,
      %swap3A_93 = vector.shape_cast %swap3A_92 : vector<1x16xf32> to vector<16xf32>
      %swap3A_94 = vector.shape_cast %broadcast_in_dim3A_0 : vector<16xf32> to vector<1x16xf32>
      tpu.vector_store %arg6[%swap3A_90, %swap3A_91], %swap3A_94 {strides = array<i32>} : memref<80x128xf32, #tpu.memory_space<vmem>>, vector<1x16xf32>,
      %swap3A_95 = arith.index_cast %scan3A_64 : i32 to index
      %swap3A_96 = arith.constant 96 : index
      %swap3A_97 = tpu.vector_load %arg6[%swap3A_95, %swap3A_96] {strides = array<i32>} : memref<80x128xf32, #tpu.memory_space<vmem>>, vector<1x16xf32>,
      %swap3A_98 = vector.shape_cast %swap3A_97 : vector<1x16xf32> to vector<16xf32>
      %swap3A_99 = vector.shape_cast %broadcast_in_dim3A_0 : vector<16xf32> to vector<1x16xf32>
      tpu.vector_store %arg6[%swap3A_95, %swap3A_96], %swap3A_99 {strides = array<i32>} : memref<80x128xf32, #tpu.memory_space<vmem>>, vector<1x16xf32>,
      %swap3A_100 = arith.index_cast %scan3A_64 : i32 to index
      %swap3A_101 = arith.constant 112 : index
      %swap3A_102 = tpu.vector_load %arg6[%swap3A_100, %swap3A_101] {strides = array<i32>} : memref<80x128xf32, #tpu.memory_space<vmem>>, vector<1x16xf32>,
      %swap3A_103 = vector.shape_cast %swap3A_102 : vector<1x16xf32> to vector<16xf32>
      %swap3A_104 = vector.shape_cast %broadcast_in_dim3A_0 : vector<16xf32> to vector<1x16xf32>
      tpu.vector_store %arg6[%swap3A_100, %swap3A_101], %swap3A_104 {strides = array<i32>} : memref<80x128xf32, #tpu.memory_space<vmem>>, vector<1x16xf32>,
      %scan3A_105 = arith.constant 0 : i32
      scf.yield %scan3A_105 : i32
    }
    %scan3A_6 = arith.constant 80 : i32
    %mul3A = arith.constant 640 : i32
    %mul3A_7 = arith.muli %arg1, %mul3A : i32
    %add3A = arith.constant 0 : i32
    %add3A_8 = arith.addi %mul3A_7, %add3A : i32
    "tpu.region"() ({
      %run_scoped3A = tpu.sem_alloc : memref<!tpu.dma_semaphore, #tpu.memory_space<semaphore_mem>>
      %dma_start3A_64 = arith.constant 0 : i32
      %dma_start3A_65 = tpu.memref_slice %arg13[%add3A_8, %dma_start3A_64] : memref<10240x128xf32, #tpu.memory_space<vmem_shared>> -> memref<80x128xf32, #tpu.memory_space<vmem_shared>>
      %dma_start3A_66 = arith.constant 0 : i32
      %dma_start3A_67 = tpu.memref_slice %arg13[%add3A_8, %dma_start3A_66] : memref<10240x128xf32, #tpu.memory_space<vmem_shared>> -> memref<80x128xf32, #tpu.memory_space<vmem_shared>>
      tpu.enqueue_dma source(%arg6 : memref<80x128xf32, #tpu.memory_space<vmem>>) target(%dma_start3A_67 : memref<80x128xf32, #tpu.memory_space<vmem_shared>>) target_semaphore(%run_scoped3A : memref<!tpu.dma_semaphore, #tpu.memory_space<semaphore_mem>>)
      %dma_wait3A = arith.constant 0 : i32
      %dma_wait3A_68 = tpu.memref_slice %arg13[%add3A_8, %dma_wait3A] : memref<10240x128xf32, #tpu.memory_space<vmem_shared>> -> memref<80x128xf32, #tpu.memory_space<vmem_shared>>
      %dma_wait3A_69 = arith.constant 0 : i32
      %dma_wait3A_70 = tpu.memref_slice %arg13[%add3A_8, %dma_wait3A_69] : memref<10240x128xf32, #tpu.memory_space<vmem_shared>> -> memref<80x128xf32, #tpu.memory_space<vmem_shared>>
      tpu.wait_dma2 semaphore(%run_scoped3A : memref<!tpu.dma_semaphore, #tpu.memory_space<semaphore_mem>>) src(%arg6 : memref<80x128xf32, #tpu.memory_space<vmem>>) dst(%dma_wait3A_70 : memref<80x128xf32, #tpu.memory_space<vmem_shared>>)
      tpu.yield
    }) : () -> ()
    %mul3A_9 = arith.constant 640 : i32
    %mul3A_10 = arith.muli %arg1, %mul3A_9 : i32
    %add3A_11 = arith.constant 80 : i32
    %add3A_12 = arith.addi %mul3A_10, %add3A_11 : i32
    "tpu.region"() ({
      %run_scoped3A = tpu.sem_alloc : memref<!tpu.dma_semaphore, #tpu.memory_space<semaphore_mem>>
      %dma_start3A_64 = arith.constant 0 : i32
      %dma_start3A_65 = tpu.memref_slice %arg13[%add3A_12, %dma_start3A_64] : memref<10240x128xf32, #tpu.memory_space<vmem_shared>> -> memref<80x128xf32, #tpu.memory_space<vmem_shared>>
      %dma_start3A_66 = arith.constant 0 : i32
      %dma_start3A_67 = tpu.memref_slice %arg13[%add3A_12, %dma_start3A_66] : memref<10240x128xf32, #tpu.memory_space<vmem_shared>> -> memref<80x128xf32, #tpu.memory_space<vmem_shared>>
      tpu.enqueue_dma source(%arg6 : memref<80x128xf32, #tpu.memory_space<vmem>>) target(%dma_start3A_67 : memref<80x128xf32, #tpu.memory_space<vmem_shared>>) target_semaphore(%run_scoped3A : memref<!tpu.dma_semaphore, #tpu.memory_space<semaphore_mem>>)
      %dma_wait3A = arith.constant 0 : i32
      %dma_wait3A_68 = tpu.memref_slice %arg13[%add3A_12, %dma_wait3A] : memref<10240x128xf32, #tpu.memory_space<vmem_shared>> -> memref<80x128xf32, #tpu.memory_space<vmem_shared>>
      %dma_wait3A_69 = arith.constant 0 : i32
      %dma_wait3A_70 = tpu.memref_slice %arg13[%add3A_12, %dma_wait3A_69] : memref<10240x128xf32, #tpu.memory_space<vmem_shared>> -> memref<80x128xf32, #tpu.memory_space<vmem_shared>>
      tpu.wait_dma2 semaphore(%run_scoped3A : memref<!tpu.dma_semaphore, #tpu.memory_space<semaphore_mem>>) src(%arg6 : memref<80x128xf32, #tpu.memory_space<vmem>>) dst(%dma_wait3A_70 : memref<80x128xf32, #tpu.memory_space<vmem_shared>>)
      tpu.yield
    }) : () -> ()
    %mul3A_13 = arith.constant 640 : i32
    %mul3A_14 = arith.muli %arg1, %mul3A_13 : i32
    %add3A_15 = arith.constant 160 : i32
    %add3A_16 = arith.addi %mul3A_14, %add3A_15 : i32
    "tpu.region"() ({
      %run_scoped3A = tpu.sem_alloc : memref<!tpu.dma_semaphore, #tpu.memory_space<semaphore_mem>>
      %dma_start3A_64 = arith.constant 0 : i32
      %dma_start3A_65 = tpu.memref_slice %arg13[%add3A_16, %dma_start3A_64] : memref<10240x128xf32, #tpu.memory_space<vmem_shared>> -> memref<80x128xf32, #tpu.memory_space<vmem_shared>>
      %dma_start3A_66 = arith.constant 0 : i32
      %dma_start3A_67 = tpu.memref_slice %arg13[%add3A_16, %dma_start3A_66] : memref<10240x128xf32, #tpu.memory_space<vmem_shared>> -> memref<80x128xf32, #tpu.memory_space<vmem_shared>>
      tpu.enqueue_dma source(%arg6 : memref<80x128xf32, #tpu.memory_space<vmem>>) target(%dma_start3A_67 : memref<80x128xf32, #tpu.memory_space<vmem_shared>>) target_semaphore(%run_scoped3A : memref<!tpu.dma_semaphore, #tpu.memory_space<semaphore_mem>>)
      %dma_wait3A = arith.constant 0 : i32
      %dma_wait3A_68 = tpu.memref_slice %arg13[%add3A_16, %dma_wait3A] : memref<10240x128xf32, #tpu.memory_space<vmem_shared>> -> memref<80x128xf32, #tpu.memory_space<vmem_shared>>
      %dma_wait3A_69 = arith.constant 0 : i32
      %dma_wait3A_70 = tpu.memref_slice %arg13[%add3A_16, %dma_wait3A_69] : memref<10240x128xf32, #tpu.memory_space<vmem_shared>> -> memref<80x128xf32, #tpu.memory_space<vmem_shared>>
      tpu.wait_dma2 semaphore(%run_scoped3A : memref<!tpu.dma_semaphore, #tpu.memory_space<semaphore_mem>>) src(%arg6 : memref<80x128xf32, #tpu.memory_space<vmem>>) dst(%dma_wait3A_70 : memref<80x128xf32, #tpu.memory_space<vmem_shared>>)
      tpu.yield
    }) : () -> ()
    %mul3A_17 = arith.constant 640 : i32
    %mul3A_18 = arith.muli %arg1, %mul3A_17 : i32
    %add3A_19 = arith.constant 240 : i32
    %add3A_20 = arith.addi %mul3A_18, %add3A_19 : i32
    "tpu.region"() ({
      %run_scoped3A = tpu.sem_alloc : memref<!tpu.dma_semaphore, #tpu.memory_space<semaphore_mem>>
      %dma_start3A_64 = arith.constant 0 : i32
      %dma_start3A_65 = tpu.memref_slice %arg13[%add3A_20, %dma_start3A_64] : memref<10240x128xf32, #tpu.memory_space<vmem_shared>> -> memref<80x128xf32, #tpu.memory_space<vmem_shared>>
      %dma_start3A_66 = arith.constant 0 : i32
      %dma_start3A_67 = tpu.memref_slice %arg13[%add3A_20, %dma_start3A_66] : memref<10240x128xf32, #tpu.memory_space<vmem_shared>> -> memref<80x128xf32, #tpu.memory_space<vmem_shared>>
      tpu.enqueue_dma source(%arg6 : memref<80x128xf32, #tpu.memory_space<vmem>>) target(%dma_start3A_67 : memref<80x128xf32, #tpu.memory_space<vmem_shared>>) target_semaphore(%run_scoped3A : memref<!tpu.dma_semaphore, #tpu.memory_space<semaphore_mem>>)
      %dma_wait3A = arith.constant 0 : i32
      %dma_wait3A_68 = tpu.memref_slice %arg13[%add3A_20, %dma_wait3A] : memref<10240x128xf32, #tpu.memory_space<vmem_shared>> -> memref<80x128xf32, #tpu.memory_space<vmem_shared>>
      %dma_wait3A_69 = arith.constant 0 : i32
      %dma_wait3A_70 = tpu.memref_slice %arg13[%add3A_20, %dma_wait3A_69] : memref<10240x128xf32, #tpu.memory_space<vmem_shared>> -> memref<80x128xf32, #tpu.memory_space<vmem_shared>>
      tpu.wait_dma2 semaphore(%run_scoped3A : memref<!tpu.dma_semaphore, #tpu.memory_space<semaphore_mem>>) src(%arg6 : memref<80x128xf32, #tpu.memory_space<vmem>>) dst(%dma_wait3A_70 : memref<80x128xf32, #tpu.memory_space<vmem_shared>>)
      tpu.yield
    }) : () -> ()
    %mul3A_21 = arith.constant 640 : i32
    %mul3A_22 = arith.muli %arg1, %mul3A_21 : i32
    %add3A_23 = arith.constant 320 : i32
    %add3A_24 = arith.addi %mul3A_22, %add3A_23 : i32
    "tpu.region"() ({
      %run_scoped3A = tpu.sem_alloc : memref<!tpu.dma_semaphore, #tpu.memory_space<semaphore_mem>>
      %dma_start3A_64 = arith.constant 0 : i32
      %dma_start3A_65 = tpu.memref_slice %arg13[%add3A_24, %dma_start3A_64] : memref<10240x128xf32, #tpu.memory_space<vmem_shared>> -> memref<80x128xf32, #tpu.memory_space<vmem_shared>>
      %dma_start3A_66 = arith.constant 0 : i32
      %dma_start3A_67 = tpu.memref_slice %arg13[%add3A_24, %dma_start3A_66] : memref<10240x128xf32, #tpu.memory_space<vmem_shared>> -> memref<80x128xf32, #tpu.memory_space<vmem_shared>>
      tpu.enqueue_dma source(%arg6 : memref<80x128xf32, #tpu.memory_space<vmem>>) target(%dma_start3A_67 : memref<80x128xf32, #tpu.memory_space<vmem_shared>>) target_semaphore(%run_scoped3A : memref<!tpu.dma_semaphore, #tpu.memory_space<semaphore_mem>>)
      %dma_wait3A = arith.constant 0 : i32
      %dma_wait3A_68 = tpu.memref_slice %arg13[%add3A_24, %dma_wait3A] : memref<10240x128xf32, #tpu.memory_space<vmem_shared>> -> memref<80x128xf32, #tpu.memory_space<vmem_shared>>
      %dma_wait3A_69 = arith.constant 0 : i32
      %dma_wait3A_70 = tpu.memref_slice %arg13[%add3A_24, %dma_wait3A_69] : memref<10240x128xf32, #tpu.memory_space<vmem_shared>> -> memref<80x128xf32, #tpu.memory_space<vmem_shared>>
      tpu.wait_dma2 semaphore(%run_scoped3A : memref<!tpu.dma_semaphore, #tpu.memory_space<semaphore_mem>>) src(%arg6 : memref<80x128xf32, #tpu.memory_space<vmem>>) dst(%dma_wait3A_70 : memref<80x128xf32, #tpu.memory_space<vmem_shared>>)
      tpu.yield
    }) : () -> ()
    %mul3A_25 = arith.constant 640 : i32
    %mul3A_26 = arith.muli %arg1, %mul3A_25 : i32
    %add3A_27 = arith.constant 400 : i32
    %add3A_28 = arith.addi %mul3A_26, %add3A_27 : i32
    "tpu.region"() ({
      %run_scoped3A = tpu.sem_alloc : memref<!tpu.dma_semaphore, #tpu.memory_space<semaphore_mem>>
      %dma_start3A_64 = arith.constant 0 : i32
      %dma_start3A_65 = tpu.memref_slice %arg13[%add3A_28, %dma_start3A_64] : memref<10240x128xf32, #tpu.memory_space<vmem_shared>> -> memref<80x128xf32, #tpu.memory_space<vmem_shared>>
      %dma_start3A_66 = arith.constant 0 : i32
      %dma_start3A_67 = tpu.memref_slice %arg13[%add3A_28, %dma_start3A_66] : memref<10240x128xf32, #tpu.memory_space<vmem_shared>> -> memref<80x128xf32, #tpu.memory_space<vmem_shared>>
      tpu.enqueue_dma source(%arg6 : memref<80x128xf32, #tpu.memory_space<vmem>>) target(%dma_start3A_67 : memref<80x128xf32, #tpu.memory_space<vmem_shared>>) target_semaphore(%run_scoped3A : memref<!tpu.dma_semaphore, #tpu.memory_space<semaphore_mem>>)
      %dma_wait3A = arith.constant 0 : i32
      %dma_wait3A_68 = tpu.memref_slice %arg13[%add3A_28, %dma_wait3A] : memref<10240x128xf32, #tpu.memory_space<vmem_shared>> -> memref<80x128xf32, #tpu.memory_space<vmem_shared>>
      %dma_wait3A_69 = arith.constant 0 : i32
      %dma_wait3A_70 = tpu.memref_slice %arg13[%add3A_28, %dma_wait3A_69] : memref<10240x128xf32, #tpu.memory_space<vmem_shared>> -> memref<80x128xf32, #tpu.memory_space<vmem_shared>>
      tpu.wait_dma2 semaphore(%run_scoped3A : memref<!tpu.dma_semaphore, #tpu.memory_space<semaphore_mem>>) src(%arg6 : memref<80x128xf32, #tpu.memory_space<vmem>>) dst(%dma_wait3A_70 : memref<80x128xf32, #tpu.memory_space<vmem_shared>>)
      tpu.yield
    }) : () -> ()
    %mul3A_29 = arith.constant 640 : i32
    %mul3A_30 = arith.muli %arg1, %mul3A_29 : i32
    %add3A_31 = arith.constant 480 : i32
    %add3A_32 = arith.addi %mul3A_30, %add3A_31 : i32
    "tpu.region"() ({
      %run_scoped3A = tpu.sem_alloc : memref<!tpu.dma_semaphore, #tpu.memory_space<semaphore_mem>>
      %dma_start3A_64 = arith.constant 0 : i32
      %dma_start3A_65 = tpu.memref_slice %arg13[%add3A_32, %dma_start3A_64] : memref<10240x128xf32, #tpu.memory_space<vmem_shared>> -> memref<80x128xf32, #tpu.memory_space<vmem_shared>>
      %dma_start3A_66 = arith.constant 0 : i32
      %dma_start3A_67 = tpu.memref_slice %arg13[%add3A_32, %dma_start3A_66] : memref<10240x128xf32, #tpu.memory_space<vmem_shared>> -> memref<80x128xf32, #tpu.memory_space<vmem_shared>>
      tpu.enqueue_dma source(%arg6 : memref<80x128xf32, #tpu.memory_space<vmem>>) target(%dma_start3A_67 : memref<80x128xf32, #tpu.memory_space<vmem_shared>>) target_semaphore(%run_scoped3A : memref<!tpu.dma_semaphore, #tpu.memory_space<semaphore_mem>>)
      %dma_wait3A = arith.constant 0 : i32
      %dma_wait3A_68 = tpu.memref_slice %arg13[%add3A_32, %dma_wait3A] : memref<10240x128xf32, #tpu.memory_space<vmem_shared>> -> memref<80x128xf32, #tpu.memory_space<vmem_shared>>
      %dma_wait3A_69 = arith.constant 0 : i32
      %dma_wait3A_70 = tpu.memref_slice %arg13[%add3A_32, %dma_wait3A_69] : memref<10240x128xf32, #tpu.memory_space<vmem_shared>> -> memref<80x128xf32, #tpu.memory_space<vmem_shared>>
      tpu.wait_dma2 semaphore(%run_scoped3A : memref<!tpu.dma_semaphore, #tpu.memory_space<semaphore_mem>>) src(%arg6 : memref<80x128xf32, #tpu.memory_space<vmem>>) dst(%dma_wait3A_70 : memref<80x128xf32, #tpu.memory_space<vmem_shared>>)
      tpu.yield
    }) : () -> ()
    %mul3A_33 = arith.constant 640 : i32
    %mul3A_34 = arith.muli %arg1, %mul3A_33 : i32
    %add3A_35 = arith.constant 560 : i32
    %add3A_36 = arith.addi %mul3A_34, %add3A_35 : i32
    "tpu.region"() ({
      %run_scoped3A = tpu.sem_alloc : memref<!tpu.dma_semaphore, #tpu.memory_space<semaphore_mem>>
      %dma_start3A_64 = arith.constant 0 : i32
      %dma_start3A_65 = tpu.memref_slice %arg13[%add3A_36, %dma_start3A_64] : memref<10240x128xf32, #tpu.memory_space<vmem_shared>> -> memref<80x128xf32, #tpu.memory_space<vmem_shared>>
      %dma_start3A_66 = arith.constant 0 : i32
      %dma_start3A_67 = tpu.memref_slice %arg13[%add3A_36, %dma_start3A_66] : memref<10240x128xf32, #tpu.memory_space<vmem_shared>> -> memref<80x128xf32, #tpu.memory_space<vmem_shared>>
      tpu.enqueue_dma source(%arg6 : memref<80x128xf32, #tpu.memory_space<vmem>>) target(%dma_start3A_67 : memref<80x128xf32, #tpu.memory_space<vmem_shared>>) target_semaphore(%run_scoped3A : memref<!tpu.dma_semaphore, #tpu.memory_space<semaphore_mem>>)
      %dma_wait3A = arith.constant 0 : i32
      %dma_wait3A_68 = tpu.memref_slice %arg13[%add3A_36, %dma_wait3A] : memref<10240x128xf32, #tpu.memory_space<vmem_shared>> -> memref<80x128xf32, #tpu.memory_space<vmem_shared>>
      %dma_wait3A_69 = arith.constant 0 : i32
      %dma_wait3A_70 = tpu.memref_slice %arg13[%add3A_36, %dma_wait3A_69] : memref<10240x128xf32, #tpu.memory_space<vmem_shared>> -> memref<80x128xf32, #tpu.memory_space<vmem_shared>>
      tpu.wait_dma2 semaphore(%run_scoped3A : memref<!tpu.dma_semaphore, #tpu.memory_space<semaphore_mem>>) src(%arg6 : memref<80x128xf32, #tpu.memory_space<vmem>>) dst(%dma_wait3A_70 : memref<80x128xf32, #tpu.memory_space<vmem_shared>>)
      tpu.yield
    }) : () -> ()
    %barrier3A = arith.constant 0 : index
    tpu.barrier barrier_id(%barrier3A)
    %mul3A_37 = arith.constant 20000 : i32
    %mul3A_38 = arith.muli %arg1, %mul3A_37 : i32
    %add3A_39 = arith.constant 0 : i32
    %add3A_40 = arith.addi %mul3A_38, %add3A_39 : i32
    %dma_start3A = tpu.memref_slice %arg3[%add3A_40] : memref<320000xi32, #tpu.memory_space<hbm>> -> memref<80xi32, #tpu.memory_space<hbm>>
    %dma_start3A_41 = tpu.memref_slice %arg3[%add3A_40] : memref<320000xi32, #tpu.memory_space<hbm>> -> memref<80xi32, #tpu.memory_space<hbm>>
    tpu.enqueue_dma source(%dma_start3A_41 : memref<80xi32, #tpu.memory_space<hbm>>) target(%arg5 : memref<80xi32, #tpu.memory_space<vmem>>) target_semaphore(%arg9 : memref<!tpu.dma_semaphore, #tpu.memory_space<semaphore_mem>>)
    %mul3A_42 = arith.constant 320000 : i32
    %mul3A_43 = arith.muli %arg0, %mul3A_42 : i32
    %add3A_44 = arith.addi %mul3A_43, %add3A_40 : i32
    %dma_start3A_45 = arith.constant 0 : i32
    %dma_start3A_46 = tpu.memref_slice %arg2[%add3A_44, %dma_start3A_45] : memref<640000x128xf32, #tpu.memory_space<hbm>> -> memref<80x128xf32, #tpu.memory_space<hbm>>
    %dma_start3A_47 = arith.constant 0 : i32
    %dma_start3A_48 = tpu.memref_slice %arg2[%add3A_44, %dma_start3A_47] : memref<640000x128xf32, #tpu.memory_space<hbm>> -> memref<80x128xf32, #tpu.memory_space<hbm>>
    tpu.enqueue_dma source(%dma_start3A_48 : memref<80x128xf32, #tpu.memory_space<hbm>>) target(%arg6 : memref<80x128xf32, #tpu.memory_space<vmem>>) target_semaphore(%arg10 : memref<!tpu.dma_semaphore, #tpu.memory_space<semaphore_mem>>)
    %scan3A_49 = arith.constant 0 : i32
    %scan3A_50 = arith.constant 0 : i32
    %scan3A_51 = arith.constant 125 : i32
    %scan3A_52 = arith.addi %scan3A_50, %scan3A_51 : i32
    %scan3A_53 = arith.constant 1 : i32
    %scan3A_54 = scf.for %scan3A_64 = %scan3A_50 to %scan3A_52 step %scan3A_53 iter_args(%scan3A_65 = %scan3A_49) -> (i32)  : i32 {
      %mul3A_66 = arith.constant 2 : i32
      %mul3A_67 = arith.muli %mul3A_66, %scan3A_64 : i32
      %add3A_68 = arith.constant 1 : i32
      %add3A_69 = arith.addi %mul3A_67, %add3A_68 : i32
      %mul3A_70 = arith.constant 20000 : i32
      %mul3A_71 = arith.muli %arg1, %mul3A_70 : i32
      %mul3A_72 = arith.constant 80 : i32
      %mul3A_73 = arith.muli %add3A_69, %mul3A_72 : i32
      %add3A_74 = arith.addi %mul3A_71, %mul3A_73 : i32
      %dma_start3A_75 = tpu.memref_slice %arg3[%add3A_74] : memref<320000xi32, #tpu.memory_space<hbm>> -> memref<80xi32, #tpu.memory_space<hbm>>
      %dma_start3A_76 = tpu.memref_slice %arg3[%add3A_74] : memref<320000xi32, #tpu.memory_space<hbm>> -> memref<80xi32, #tpu.memory_space<hbm>>
      tpu.enqueue_dma source(%dma_start3A_76 : memref<80xi32, #tpu.memory_space<hbm>>) target(%arg7 : memref<80xi32, #tpu.memory_space<vmem>>) target_semaphore(%arg11 : memref<!tpu.dma_semaphore, #tpu.memory_space<semaphore_mem>>)
      %mul3A_77 = arith.constant 320000 : i32
      %mul3A_78 = arith.muli %arg0, %mul3A_77 : i32
      %add3A_79 = arith.addi %mul3A_78, %add3A_74 : i32
      %dma_start3A_80 = arith.constant 0 : i32
      %dma_start3A_81 = tpu.memref_slice %arg2[%add3A_79, %dma_start3A_80] : memref<640000x128xf32, #tpu.memory_space<hbm>> -> memref<80x128xf32, #tpu.memory_space<hbm>>
      %dma_start3A_82 = arith.constant 0 : i32
      %dma_start3A_83 = tpu.memref_slice %arg2[%add3A_79, %dma_start3A_82] : memref<640000x128xf32, #tpu.memory_space<hbm>> -> memref<80x128xf32, #tpu.memory_space<hbm>>
      tpu.enqueue_dma source(%dma_start3A_83 : memref<80x128xf32, #tpu.memory_space<hbm>>) target(%arg8 : memref<80x128xf32, #tpu.memory_space<vmem>>) target_semaphore(%arg12 : memref<!tpu.dma_semaphore, #tpu.memory_space<semaphore_mem>>)
      %mul3A_84 = arith.constant 20000 : i32
      %mul3A_85 = arith.muli %arg1, %mul3A_84 : i32
      %mul3A_86 = arith.constant 80 : i32
      %mul3A_87 = arith.muli %mul3A_67, %mul3A_86 : i32
      %add3A_88 = arith.addi %mul3A_85, %mul3A_87 : i32
      %dma_wait3A = tpu.memref_slice %arg3[%add3A_88] : memref<320000xi32, #tpu.memory_space<hbm>> -> memref<80xi32, #tpu.memory_space<hbm>>
      %dma_wait3A_89 = tpu.memref_slice %arg3[%add3A_88] : memref<320000xi32, #tpu.memory_space<hbm>> -> memref<80xi32, #tpu.memory_space<hbm>>
      tpu.wait_dma2 semaphore(%arg9 : memref<!tpu.dma_semaphore, #tpu.memory_space<semaphore_mem>>) src(%dma_wait3A_89 : memref<80xi32, #tpu.memory_space<hbm>>) dst(%arg5 : memref<80xi32, #tpu.memory_space<vmem>>)
      %mul3A_90 = arith.constant 320000 : i32
      %mul3A_91 = arith.muli %arg0, %mul3A_90 : i32
      %add3A_92 = arith.addi %mul3A_91, %add3A_88 : i32
      %dma_wait3A_93 = arith.constant 0 : i32
      %dma_wait3A_94 = tpu.memref_slice %arg2[%add3A_92, %dma_wait3A_93] : memref<640000x128xf32, #tpu.memory_space<hbm>> -> memref<80x128xf32, #tpu.memory_space<hbm>>
      %dma_wait3A_95 = arith.constant 0 : i32
      %dma_wait3A_96 = tpu.memref_slice %arg2[%add3A_92, %dma_wait3A_95] : memref<640000x128xf32, #tpu.memory_space<hbm>> -> memref<80x128xf32, #tpu.memory_space<hbm>>
      tpu.wait_dma2 semaphore(%arg10 : memref<!tpu.dma_semaphore, #tpu.memory_space<semaphore_mem>>) src(%dma_wait3A_96 : memref<80x128xf32, #tpu.memory_space<hbm>>) dst(%arg6 : memref<80x128xf32, #tpu.memory_space<vmem>>)
      "tpu.region"() ({
        %run_scoped3A = tpu.sem_alloc : memref<!tpu.dma_semaphore, #tpu.memory_space<semaphore_mem>>
        %dma_start3A_118 = arith.constant 0 : i32
        %dma_start3A_119 = arith.constant 0 : i32
        %dma_start3A_120 = tpu.memref_slice %arg13[%dma_start3A_118, %dma_start3A_119] : memref<10240x128xf32, #tpu.memory_space<vmem_shared>> -> memref<10240x128xf32, #tpu.memory_space<vmem_shared>>
        tpu.enqueue_indirect_dma source(%arg6 : memref<80x128xf32, #tpu.memory_space<vmem>>) target(%dma_start3A_120 : memref<10240x128xf32, #tpu.memory_space<vmem_shared>>) offsets(%arg5 : memref<80xi32, #tpu.memory_space<vmem>>) semaphore(%run_scoped3A : memref<!tpu.dma_semaphore, #tpu.memory_space<semaphore_mem>>) {add = true}
        %dma_wait3A_121 = arith.constant 0 : i32
        %dma_wait3A_122 = arith.constant 0 : i32
        %dma_wait3A_123 = tpu.memref_slice %arg13[%dma_wait3A_121, %dma_wait3A_122] : memref<10240x128xf32, #tpu.memory_space<vmem_shared>> -> memref<10240x128xf32, #tpu.memory_space<vmem_shared>>
        tpu.wait_indirect_dma semaphore(%run_scoped3A : memref<!tpu.dma_semaphore, #tpu.memory_space<semaphore_mem>>) src(%arg6 : memref<80x128xf32, #tpu.memory_space<vmem>>) dst(%dma_wait3A_123 : memref<10240x128xf32, #tpu.memory_space<vmem_shared>>)
        tpu.yield
      }) : () -> ()
      %add3A_97 = arith.constant 2 : i32
      %add3A_98 = arith.addi %mul3A_67, %add3A_97 : i32
      %lt3A = arith.constant 250 : i32
      %lt3A_99 = arith.cmpi slt, %add3A_98, %lt3A : i32
      %convert_element_type3A = arith.extui %lt3A_99 : i1 to i32
      %cond3A = arith.constant 0 : i32
      %cond3A_100 = arith.cmpi ne, %convert_element_type3A, %cond3A : i32
      scf.if %cond3A_100 {
        %add3A_118 = arith.constant 2 : i32
        %add3A_119 = arith.addi %mul3A_67, %add3A_118 : i32
        %mul3A_120 = arith.constant 20000 : i32
        %mul3A_121 = arith.muli %arg1, %mul3A_120 : i32
        %mul3A_122 = arith.constant 80 : i32
        %mul3A_123 = arith.muli %add3A_119, %mul3A_122 : i32
        %add3A_124 = arith.addi %mul3A_121, %mul3A_123 : i32
        %dma_start3A_125 = tpu.memref_slice %arg3[%add3A_124] : memref<320000xi32, #tpu.memory_space<hbm>> -> memref<80xi32, #tpu.memory_space<hbm>>
        %dma_start3A_126 = tpu.memref_slice %arg3[%add3A_124] : memref<320000xi32, #tpu.memory_space<hbm>> -> memref<80xi32, #tpu.memory_space<hbm>>
        tpu.enqueue_dma source(%dma_start3A_126 : memref<80xi32, #tpu.memory_space<hbm>>) target(%arg5 : memref<80xi32, #tpu.memory_space<vmem>>) target_semaphore(%arg9 : memref<!tpu.dma_semaphore, #tpu.memory_space<semaphore_mem>>)
        %mul3A_127 = arith.constant 320000 : i32
        %mul3A_128 = arith.muli %arg0, %mul3A_127 : i32
        %add3A_129 = arith.addi %mul3A_128, %add3A_124 : i32
        %dma_start3A_130 = arith.constant 0 : i32
        %dma_start3A_131 = tpu.memref_slice %arg2[%add3A_129, %dma_start3A_130] : memref<640000x128xf32, #tpu.memory_space<hbm>> -> memref<80x128xf32, #tpu.memory_space<hbm>>
        %dma_start3A_132 = arith.constant 0 : i32
        %dma_start3A_133 = tpu.memref_slice %arg2[%add3A_129, %dma_start3A_132] : memref<640000x128xf32, #tpu.memory_space<hbm>> -> memref<80x128xf32, #tpu.memory_space<hbm>>
        tpu.enqueue_dma source(%dma_start3A_133 : memref<80x128xf32, #tpu.memory_space<hbm>>) target(%arg6 : memref<80x128xf32, #tpu.memory_space<vmem>>) target_semaphore(%arg10 : memref<!tpu.dma_semaphore, #tpu.memory_space<semaphore_mem>>)
      } else {
      }
      %add3A_101 = arith.constant 1 : i32
      %add3A_102 = arith.addi %mul3A_67, %add3A_101 : i32
      %mul3A_103 = arith.constant 20000 : i32
      %mul3A_104 = arith.muli %arg1, %mul3A_103 : i32
      %mul3A_105 = arith.constant 80 : i32
      %mul3A_106 = arith.muli %add3A_102, %mul3A_105 : i32
      %add3A_107 = arith.addi %mul3A_104, %mul3A_106 : i32
      %dma_wait3A_108 = tpu.memref_slice %arg3[%add3A_107] : memref<320000xi32, #tpu.memory_space<hbm>> -> memref<80xi32, #tpu.memory_space<hbm>>
      %dma_wait3A_109 = tpu.memref_slice %arg3[%add3A_107] : memref<320000xi32, #tpu.memory_space<hbm>> -> memref<80xi32, #tpu.memory_space<hbm>>
      tpu.wait_dma2 semaphore(%arg11 : memref<!tpu.dma_semaphore, #tpu.memory_space<semaphore_mem>>) src(%dma_wait3A_109 : memref<80xi32, #tpu.memory_space<hbm>>) dst(%arg7 : memref<80xi32, #tpu.memory_space<vmem>>)
      %mul3A_110 = arith.constant 320000 : i32
      %mul3A_111 = arith.muli %arg0, %mul3A_110 : i32
      %add3A_112 = arith.addi %mul3A_111, %add3A_107 : i32
      %dma_wait3A_113 = arith.constant 0 : i32
      %dma_wait3A_114 = tpu.memref_slice %arg2[%add3A_112, %dma_wait3A_113] : memref<640000x128xf32, #tpu.memory_space<hbm>> -> memref<80x128xf32, #tpu.memory_space<hbm>>
      %dma_wait3A_115 = arith.constant 0 : i32
      %dma_wait3A_116 = tpu.memref_slice %arg2[%add3A_112, %dma_wait3A_115] : memref<640000x128xf32, #tpu.memory_space<hbm>> -> memref<80x128xf32, #tpu.memory_space<hbm>>
      tpu.wait_dma2 semaphore(%arg12 : memref<!tpu.dma_semaphore, #tpu.memory_space<semaphore_mem>>) src(%dma_wait3A_116 : memref<80x128xf32, #tpu.memory_space<hbm>>) dst(%arg8 : memref<80x128xf32, #tpu.memory_space<vmem>>)
      "tpu.region"() ({
        %run_scoped3A = tpu.sem_alloc : memref<!tpu.dma_semaphore, #tpu.memory_space<semaphore_mem>>
        %dma_start3A_118 = arith.constant 0 : i32
        %dma_start3A_119 = arith.constant 0 : i32
        %dma_start3A_120 = tpu.memref_slice %arg13[%dma_start3A_118, %dma_start3A_119] : memref<10240x128xf32, #tpu.memory_space<vmem_shared>> -> memref<10240x128xf32, #tpu.memory_space<vmem_shared>>
        tpu.enqueue_indirect_dma source(%arg8 : memref<80x128xf32, #tpu.memory_space<vmem>>) target(%dma_start3A_120 : memref<10240x128xf32, #tpu.memory_space<vmem_shared>>) offsets(%arg7 : memref<80xi32, #tpu.memory_space<vmem>>) semaphore(%run_scoped3A : memref<!tpu.dma_semaphore, #tpu.memory_space<semaphore_mem>>) {add = true}
        %dma_wait3A_121 = arith.constant 0 : i32
        %dma_wait3A_122 = arith.constant 0 : i32
        %dma_wait3A_123 = tpu.memref_slice %arg13[%dma_wait3A_121, %dma_wait3A_122] : memref<10240x128xf32, #tpu.memory_space<vmem_shared>> -> memref<10240x128xf32, #tpu.memory_space<vmem_shared>>
        tpu.wait_indirect_dma semaphore(%run_scoped3A : memref<!tpu.dma_semaphore, #tpu.memory_space<semaphore_mem>>) src(%arg8 : memref<80x128xf32, #tpu.memory_space<vmem>>) dst(%dma_wait3A_123 : memref<10240x128xf32, #tpu.memory_space<vmem_shared>>)
        tpu.yield
      }) : () -> ()
      %scan3A_117 = arith.constant 0 : i32
      scf.yield %scan3A_117 : i32
    }
    %scan3A_55 = arith.constant 125 : i32
    %barrier3A_56 = arith.constant 0 : index
    tpu.barrier barrier_id(%barrier3A_56)
    %mul3A_57 = arith.constant 640 : i32
    %mul3A_58 = arith.muli %arg1, %mul3A_57 : i32
    %mul3A_59 = arith.constant 10240 : i32
    %mul3A_60 = arith.muli %arg0, %mul3A_59 : i32
    %mul3A_61 = arith.constant 640 : i32
    %mul3A_62 = arith.muli %arg1, %mul3A_61 : i32
    %add3A_63 = arith.addi %mul3A_60, %mul3A_62 : i32
    "tpu.region"() ({
      %run_scoped3A = tpu.sem_alloc : memref<!tpu.dma_semaphore, #tpu.memory_space<semaphore_mem>>
      %dma_start3A_64 = arith.constant 0 : i32
      %dma_start3A_65 = tpu.memref_slice %arg4[%add3A_63, %dma_start3A_64] : memref<20480x128xf32, #tpu.memory_space<hbm>> -> memref<640x128xf32, #tpu.memory_space<hbm>>
      %dma_start3A_66 = arith.constant 0 : i32
      %dma_start3A_67 = tpu.memref_slice %arg13[%mul3A_58, %dma_start3A_66] : memref<10240x128xf32, #tpu.memory_space<vmem_shared>> -> memref<640x128xf32, #tpu.memory_space<vmem_shared>>
      tpu.enqueue_dma source(%dma_start3A_67 : memref<640x128xf32, #tpu.memory_space<vmem_shared>>) target(%dma_start3A_65 : memref<640x128xf32, #tpu.memory_space<hbm>>) target_semaphore(%run_scoped3A : memref<!tpu.dma_semaphore, #tpu.memory_space<semaphore_mem>>)
      %dma_wait3A = arith.constant 0 : i32
      %dma_wait3A_68 = tpu.memref_slice %arg4[%add3A_63, %dma_wait3A] : memref<20480x128xf32, #tpu.memory_space<hbm>> -> memref<640x128xf32, #tpu.memory_space<hbm>>
      %dma_wait3A_69 = arith.constant 0 : i32
      %dma_wait3A_70 = tpu.memref_slice %arg13[%mul3A_58, %dma_wait3A_69] : memref<10240x128xf32, #tpu.memory_space<vmem_shared>> -> memref<640x128xf32, #tpu.memory_space<vmem_shared>>
      tpu.wait_dma2 semaphore(%run_scoped3A : memref<!tpu.dma_semaphore, #tpu.memory_space<semaphore_mem>>) src(%dma_wait3A_70 : memref<640x128xf32, #tpu.memory_space<vmem_shared>>) dst(%dma_wait3A_68 : memref<640x128xf32, #tpu.memory_space<hbm>>)
      tpu.yield
    }) : () -> ()
    return
  }
}

#map = affine_map<(d0, d1) -> (0, 0)>
#map1 = affine_map<(d0, d1) -> (0)>
module attributes {stable_mosaic.version = 14 : i64} {
  func.func @_sc_gather1_body(%arg0: i32, %arg1: i32, %arg2: memref<10000x128xf32, #tpu.memory_space<hbm>>, %arg3: memref<320000xi32, #tpu.memory_space<hbm>>, %arg4: memref<320000xi32, #tpu.memory_space<hbm>>, %arg5: memref<320000x128xf32, #tpu.memory_space<hbm>>, %arg6: memref<80xi32, #tpu.memory_space<vmem>>, %arg7: memref<80xi32, #tpu.memory_space<vmem>>, %arg8: memref<80x128xf32, #tpu.memory_space<vmem>>, %arg9: memref<80x128xf32, #tpu.memory_space<vmem>>, %arg10: memref<80xi32, #tpu.memory_space<vmem>>, %arg11: memref<80xi32, #tpu.memory_space<vmem>>, %arg12: memref<80x128xf32, #tpu.memory_space<vmem>>, %arg13: memref<80x128xf32, #tpu.memory_space<vmem>>, %arg14: memref<!tpu.dma_semaphore, #tpu.memory_space<semaphore_mem>>, %arg15: memref<!tpu.dma_semaphore, #tpu.memory_space<semaphore_mem>>, %arg16: memref<!tpu.dma_semaphore, #tpu.memory_space<semaphore_mem>>, %arg17: memref<!tpu.dma_semaphore, #tpu.memory_space<semaphore_mem>>) attributes {dimension_semantics = [#tpu.dimension_semantics<core_parallel>, #tpu.dimension_semantics<subcore_parallel>], iteration_bounds = array<i64: 2, 16>, scalar_prefetch = 0 : i64, scratch_operands = 12 : i64, tpu.core_type = #tpu.core_type<sc_vector_subcore>, window_params = [{transform_indices = #map}, {transform_indices = #map1}, {transform_indices = #map1}, {transform_indices = #map}]} {
    %mul3A = arith.constant 16 : i32
    %mul3A_0 = arith.muli %arg0, %mul3A : i32
    %add3A = arith.addi %mul3A_0, %arg1 : i32
    %mul3A_1 = arith.constant 10000 : i32
    %mul3A_2 = arith.muli %add3A, %mul3A_1 : i32
    %add3A_3 = arith.constant 0 : i32
    %add3A_4 = arith.addi %mul3A_2, %add3A_3 : i32
    "tpu.region"() ({
      %run_scoped3A = tpu.sem_alloc : memref<!tpu.dma_semaphore, #tpu.memory_space<semaphore_mem>>
      %dma_start3A_32 = tpu.memref_slice %arg3[%add3A_4] : memref<320000xi32, #tpu.memory_space<hbm>> -> memref<80xi32, #tpu.memory_space<hbm>>
      %dma_start3A_33 = tpu.memref_slice %arg3[%add3A_4] : memref<320000xi32, #tpu.memory_space<hbm>> -> memref<80xi32, #tpu.memory_space<hbm>>
      tpu.enqueue_dma source(%dma_start3A_33 : memref<80xi32, #tpu.memory_space<hbm>>) target(%arg6 : memref<80xi32, #tpu.memory_space<vmem>>) target_semaphore(%run_scoped3A : memref<!tpu.dma_semaphore, #tpu.memory_space<semaphore_mem>>)
      %dma_wait3A_34 = tpu.memref_slice %arg3[%add3A_4] : memref<320000xi32, #tpu.memory_space<hbm>> -> memref<80xi32, #tpu.memory_space<hbm>>
      %dma_wait3A_35 = tpu.memref_slice %arg3[%add3A_4] : memref<320000xi32, #tpu.memory_space<hbm>> -> memref<80xi32, #tpu.memory_space<hbm>>
      tpu.wait_dma2 semaphore(%run_scoped3A : memref<!tpu.dma_semaphore, #tpu.memory_space<semaphore_mem>>) src(%dma_wait3A_35 : memref<80xi32, #tpu.memory_space<hbm>>) dst(%arg6 : memref<80xi32, #tpu.memory_space<vmem>>)
      tpu.yield
    }) : () -> ()
    "tpu.region"() ({
      %run_scoped3A = tpu.sem_alloc : memref<!tpu.dma_semaphore, #tpu.memory_space<semaphore_mem>>
      %dma_start3A_32 = tpu.memref_slice %arg4[%add3A_4] : memref<320000xi32, #tpu.memory_space<hbm>> -> memref<80xi32, #tpu.memory_space<hbm>>
      %dma_start3A_33 = tpu.memref_slice %arg4[%add3A_4] : memref<320000xi32, #tpu.memory_space<hbm>> -> memref<80xi32, #tpu.memory_space<hbm>>
      tpu.enqueue_dma source(%dma_start3A_33 : memref<80xi32, #tpu.memory_space<hbm>>) target(%arg7 : memref<80xi32, #tpu.memory_space<vmem>>) target_semaphore(%run_scoped3A : memref<!tpu.dma_semaphore, #tpu.memory_space<semaphore_mem>>)
      %dma_wait3A_34 = tpu.memref_slice %arg4[%add3A_4] : memref<320000xi32, #tpu.memory_space<hbm>> -> memref<80xi32, #tpu.memory_space<hbm>>
      %dma_wait3A_35 = tpu.memref_slice %arg4[%add3A_4] : memref<320000xi32, #tpu.memory_space<hbm>> -> memref<80xi32, #tpu.memory_space<hbm>>
      tpu.wait_dma2 semaphore(%run_scoped3A : memref<!tpu.dma_semaphore, #tpu.memory_space<semaphore_mem>>) src(%dma_wait3A_35 : memref<80xi32, #tpu.memory_space<hbm>>) dst(%arg7 : memref<80xi32, #tpu.memory_space<vmem>>)
      tpu.yield
    }) : () -> ()
    %dma_start3A = arith.constant 0 : i32
    %dma_start3A_5 = arith.constant 0 : i32
    %dma_start3A_6 = tpu.memref_slice %arg2[%dma_start3A, %dma_start3A_5] : memref<10000x128xf32, #tpu.memory_space<hbm>> -> memref<10000x128xf32, #tpu.memory_space<hbm>>
    tpu.enqueue_indirect_dma source(%dma_start3A_6 : memref<10000x128xf32, #tpu.memory_space<hbm>>) target(%arg8 : memref<80x128xf32, #tpu.memory_space<vmem>>) offsets(%arg6 : memref<80xi32, #tpu.memory_space<vmem>>) semaphore(%arg14 : memref<!tpu.dma_semaphore, #tpu.memory_space<semaphore_mem>>)
    %dma_start3A_7 = arith.constant 0 : i32
    %dma_start3A_8 = arith.constant 0 : i32
    %dma_start3A_9 = tpu.memref_slice %arg2[%dma_start3A_7, %dma_start3A_8] : memref<10000x128xf32, #tpu.memory_space<hbm>> -> memref<10000x128xf32, #tpu.memory_space<hbm>>
    tpu.enqueue_indirect_dma source(%dma_start3A_9 : memref<10000x128xf32, #tpu.memory_space<hbm>>) target(%arg9 : memref<80x128xf32, #tpu.memory_space<vmem>>) offsets(%arg7 : memref<80xi32, #tpu.memory_space<vmem>>) semaphore(%arg15 : memref<!tpu.dma_semaphore, #tpu.memory_space<semaphore_mem>>)
    %scan3A = arith.constant 0 : i32
    %scan3A_10 = arith.constant 0 : i32
    %scan3A_11 = arith.constant 62 : i32
    %scan3A_12 = arith.addi %scan3A_10, %scan3A_11 : i32
    %scan3A_13 = arith.constant 1 : i32
    %scan3A_14 = scf.for %scan3A_32 = %scan3A_10 to %scan3A_12 step %scan3A_13 iter_args(%scan3A_33 = %scan3A) -> (i32)  : i32 {
      %mul3A_34 = arith.constant 2 : i32
      %mul3A_35 = arith.muli %mul3A_34, %scan3A_32 : i32
      %add3A_36 = arith.constant 1 : i32
      %add3A_37 = arith.addi %mul3A_35, %add3A_36 : i32
      %mul3A_38 = arith.constant 10000 : i32
      %mul3A_39 = arith.muli %add3A, %mul3A_38 : i32
      %mul3A_40 = arith.constant 80 : i32
      %mul3A_41 = arith.muli %add3A_37, %mul3A_40 : i32
      %add3A_42 = arith.addi %mul3A_39, %mul3A_41 : i32
      "tpu.region"() ({
        %run_scoped3A = tpu.sem_alloc : memref<!tpu.dma_semaphore, #tpu.memory_space<semaphore_mem>>
        %dma_start3A_101 = tpu.memref_slice %arg3[%add3A_42] : memref<320000xi32, #tpu.memory_space<hbm>> -> memref<80xi32, #tpu.memory_space<hbm>>
        %dma_start3A_102 = tpu.memref_slice %arg3[%add3A_42] : memref<320000xi32, #tpu.memory_space<hbm>> -> memref<80xi32, #tpu.memory_space<hbm>>
        tpu.enqueue_dma source(%dma_start3A_102 : memref<80xi32, #tpu.memory_space<hbm>>) target(%arg10 : memref<80xi32, #tpu.memory_space<vmem>>) target_semaphore(%run_scoped3A : memref<!tpu.dma_semaphore, #tpu.memory_space<semaphore_mem>>)
        %dma_wait3A_103 = tpu.memref_slice %arg3[%add3A_42] : memref<320000xi32, #tpu.memory_space<hbm>> -> memref<80xi32, #tpu.memory_space<hbm>>
        %dma_wait3A_104 = tpu.memref_slice %arg3[%add3A_42] : memref<320000xi32, #tpu.memory_space<hbm>> -> memref<80xi32, #tpu.memory_space<hbm>>
        tpu.wait_dma2 semaphore(%run_scoped3A : memref<!tpu.dma_semaphore, #tpu.memory_space<semaphore_mem>>) src(%dma_wait3A_104 : memref<80xi32, #tpu.memory_space<hbm>>) dst(%arg10 : memref<80xi32, #tpu.memory_space<vmem>>)
        tpu.yield
      }) : () -> ()
      "tpu.region"() ({
        %run_scoped3A = tpu.sem_alloc : memref<!tpu.dma_semaphore, #tpu.memory_space<semaphore_mem>>
        %dma_start3A_101 = tpu.memref_slice %arg4[%add3A_42] : memref<320000xi32, #tpu.memory_space<hbm>> -> memref<80xi32, #tpu.memory_space<hbm>>
        %dma_start3A_102 = tpu.memref_slice %arg4[%add3A_42] : memref<320000xi32, #tpu.memory_space<hbm>> -> memref<80xi32, #tpu.memory_space<hbm>>
        tpu.enqueue_dma source(%dma_start3A_102 : memref<80xi32, #tpu.memory_space<hbm>>) target(%arg11 : memref<80xi32, #tpu.memory_space<vmem>>) target_semaphore(%run_scoped3A : memref<!tpu.dma_semaphore, #tpu.memory_space<semaphore_mem>>)
        %dma_wait3A_103 = tpu.memref_slice %arg4[%add3A_42] : memref<320000xi32, #tpu.memory_space<hbm>> -> memref<80xi32, #tpu.memory_space<hbm>>
        %dma_wait3A_104 = tpu.memref_slice %arg4[%add3A_42] : memref<320000xi32, #tpu.memory_space<hbm>> -> memref<80xi32, #tpu.memory_space<hbm>>
        tpu.wait_dma2 semaphore(%run_scoped3A : memref<!tpu.dma_semaphore, #tpu.memory_space<semaphore_mem>>) src(%dma_wait3A_104 : memref<80xi32, #tpu.memory_space<hbm>>) dst(%arg11 : memref<80xi32, #tpu.memory_space<vmem>>)
        tpu.yield
      }) : () -> ()
      %dma_start3A_43 = arith.constant 0 : i32
      %dma_start3A_44 = arith.constant 0 : i32
      %dma_start3A_45 = tpu.memref_slice %arg2[%dma_start3A_43, %dma_start3A_44] : memref<10000x128xf32, #tpu.memory_space<hbm>> -> memref<10000x128xf32, #tpu.memory_space<hbm>>
      tpu.enqueue_indirect_dma source(%dma_start3A_45 : memref<10000x128xf32, #tpu.memory_space<hbm>>) target(%arg12 : memref<80x128xf32, #tpu.memory_space<vmem>>) offsets(%arg10 : memref<80xi32, #tpu.memory_space<vmem>>) semaphore(%arg16 : memref<!tpu.dma_semaphore, #tpu.memory_space<semaphore_mem>>)
      %dma_start3A_46 = arith.constant 0 : i32
      %dma_start3A_47 = arith.constant 0 : i32
      %dma_start3A_48 = tpu.memref_slice %arg2[%dma_start3A_46, %dma_start3A_47] : memref<10000x128xf32, #tpu.memory_space<hbm>> -> memref<10000x128xf32, #tpu.memory_space<hbm>>
      tpu.enqueue_indirect_dma source(%dma_start3A_48 : memref<10000x128xf32, #tpu.memory_space<hbm>>) target(%arg13 : memref<80x128xf32, #tpu.memory_space<vmem>>) offsets(%arg11 : memref<80xi32, #tpu.memory_space<vmem>>) semaphore(%arg17 : memref<!tpu.dma_semaphore, #tpu.memory_space<semaphore_mem>>)
      %dma_wait3A_49 = arith.constant 0 : i32
      %dma_wait3A_50 = arith.constant 0 : i32
      %dma_wait3A_51 = tpu.memref_slice %arg2[%dma_wait3A_49, %dma_wait3A_50] : memref<10000x128xf32, #tpu.memory_space<hbm>> -> memref<10000x128xf32, #tpu.memory_space<hbm>>
      tpu.wait_indirect_dma semaphore(%arg14 : memref<!tpu.dma_semaphore, #tpu.memory_space<semaphore_mem>>) src(%dma_wait3A_51 : memref<10000x128xf32, #tpu.memory_space<hbm>>) dst(%arg8 : memref<80x128xf32, #tpu.memory_space<vmem>>)
      %dma_wait3A_52 = arith.constant 0 : i32
      %dma_wait3A_53 = arith.constant 0 : i32
      %dma_wait3A_54 = tpu.memref_slice %arg2[%dma_wait3A_52, %dma_wait3A_53] : memref<10000x128xf32, #tpu.memory_space<hbm>> -> memref<10000x128xf32, #tpu.memory_space<hbm>>
      tpu.wait_indirect_dma semaphore(%arg15 : memref<!tpu.dma_semaphore, #tpu.memory_space<semaphore_mem>>) src(%dma_wait3A_54 : memref<10000x128xf32, #tpu.memory_space<hbm>>) dst(%arg9 : memref<80x128xf32, #tpu.memory_space<vmem>>)
      %scan3A_55 = arith.constant 0 : i32
      %scan3A_56 = arith.constant 0 : i32
      %scan3A_57 = arith.constant 80 : i32
      %scan3A_58 = arith.addi %scan3A_56, %scan3A_57 : i32
      %scan3A_59 = arith.constant 1 : i32
      %scan3A_60 = scf.for %scan3A_101 = %scan3A_56 to %scan3A_58 step %scan3A_59 iter_args(%scan3A_102 = %scan3A_55) -> (i32)  : i32 {
        %get3A = arith.index_cast %scan3A_101 : i32 to index
        %get3A_103 = arith.constant 0 : index
        %get3A_104 = tpu.vector_load %arg8[%get3A, %get3A_103] {strides = array<i32>} : memref<80x128xf32, #tpu.memory_space<vmem>>, vector<1x16xf32>,
        %get3A_105 = vector.shape_cast %get3A_104 : vector<1x16xf32> to vector<16xf32>
        %get3A_106 = arith.index_cast %scan3A_101 : i32 to index
        %get3A_107 = arith.constant 0 : index
        %get3A_108 = tpu.vector_load %arg9[%get3A_106, %get3A_107] {strides = array<i32>} : memref<80x128xf32, #tpu.memory_space<vmem>>, vector<1x16xf32>,
        %get3A_109 = vector.shape_cast %get3A_108 : vector<1x16xf32> to vector<16xf32>
        %add3A_110 = arith.addf %get3A_105, %get3A_109 : vector<16xf32>
        %swap3A = arith.index_cast %scan3A_101 : i32 to index
        %swap3A_111 = arith.constant 0 : index
        %swap3A_112 = tpu.vector_load %arg8[%swap3A, %swap3A_111] {strides = array<i32>} : memref<80x128xf32, #tpu.memory_space<vmem>>, vector<1x16xf32>,
        %swap3A_113 = vector.shape_cast %swap3A_112 : vector<1x16xf32> to vector<16xf32>
        %swap3A_114 = vector.shape_cast %add3A_110 : vector<16xf32> to vector<1x16xf32>
        tpu.vector_store %arg8[%swap3A, %swap3A_111], %swap3A_114 {strides = array<i32>} : memref<80x128xf32, #tpu.memory_space<vmem>>, vector<1x16xf32>,
        %get3A_115 = arith.index_cast %scan3A_101 : i32 to index
        %get3A_116 = arith.constant 16 : index
        %get3A_117 = tpu.vector_load %arg8[%get3A_115, %get3A_116] {strides = array<i32>} : memref<80x128xf32, #tpu.memory_space<vmem>>, vector<1x16xf32>,
        %get3A_118 = vector.shape_cast %get3A_117 : vector<1x16xf32> to vector<16xf32>
        %get3A_119 = arith.index_cast %scan3A_101 : i32 to index
        %get3A_120 = arith.constant 16 : index
        %get3A_121 = tpu.vector_load %arg9[%get3A_119, %get3A_120] {strides = array<i32>} : memref<80x128xf32, #tpu.memory_space<vmem>>, vector<1x16xf32>,
        %get3A_122 = vector.shape_cast %get3A_121 : vector<1x16xf32> to vector<16xf32>
        %add3A_123 = arith.addf %get3A_118, %get3A_122 : vector<16xf32>
        %swap3A_124 = arith.index_cast %scan3A_101 : i32 to index
        %swap3A_125 = arith.constant 16 : index
        %swap3A_126 = tpu.vector_load %arg8[%swap3A_124, %swap3A_125] {strides = array<i32>} : memref<80x128xf32, #tpu.memory_space<vmem>>, vector<1x16xf32>,
        %swap3A_127 = vector.shape_cast %swap3A_126 : vector<1x16xf32> to vector<16xf32>
        %swap3A_128 = vector.shape_cast %add3A_123 : vector<16xf32> to vector<1x16xf32>
        tpu.vector_store %arg8[%swap3A_124, %swap3A_125], %swap3A_128 {strides = array<i32>} : memref<80x128xf32, #tpu.memory_space<vmem>>, vector<1x16xf32>,
        %get3A_129 = arith.index_cast %scan3A_101 : i32 to index
        %get3A_130 = arith.constant 32 : index
        %get3A_131 = tpu.vector_load %arg8[%get3A_129, %get3A_130] {strides = array<i32>} : memref<80x128xf32, #tpu.memory_space<vmem>>, vector<1x16xf32>,
        %get3A_132 = vector.shape_cast %get3A_131 : vector<1x16xf32> to vector<16xf32>
        %get3A_133 = arith.index_cast %scan3A_101 : i32 to index
        %get3A_134 = arith.constant 32 : index
        %get3A_135 = tpu.vector_load %arg9[%get3A_133, %get3A_134] {strides = array<i32>} : memref<80x128xf32, #tpu.memory_space<vmem>>, vector<1x16xf32>,
        %get3A_136 = vector.shape_cast %get3A_135 : vector<1x16xf32> to vector<16xf32>
        %add3A_137 = arith.addf %get3A_132, %get3A_136 : vector<16xf32>
        %swap3A_138 = arith.index_cast %scan3A_101 : i32 to index
        %swap3A_139 = arith.constant 32 : index
        %swap3A_140 = tpu.vector_load %arg8[%swap3A_138, %swap3A_139] {strides = array<i32>} : memref<80x128xf32, #tpu.memory_space<vmem>>, vector<1x16xf32>,
        %swap3A_141 = vector.shape_cast %swap3A_140 : vector<1x16xf32> to vector<16xf32>
        %swap3A_142 = vector.shape_cast %add3A_137 : vector<16xf32> to vector<1x16xf32>
        tpu.vector_store %arg8[%swap3A_138, %swap3A_139], %swap3A_142 {strides = array<i32>} : memref<80x128xf32, #tpu.memory_space<vmem>>, vector<1x16xf32>,
        %get3A_143 = arith.index_cast %scan3A_101 : i32 to index
        %get3A_144 = arith.constant 48 : index
        %get3A_145 = tpu.vector_load %arg8[%get3A_143, %get3A_144] {strides = array<i32>} : memref<80x128xf32, #tpu.memory_space<vmem>>, vector<1x16xf32>,
        %get3A_146 = vector.shape_cast %get3A_145 : vector<1x16xf32> to vector<16xf32>
        %get3A_147 = arith.index_cast %scan3A_101 : i32 to index
        %get3A_148 = arith.constant 48 : index
        %get3A_149 = tpu.vector_load %arg9[%get3A_147, %get3A_148] {strides = array<i32>} : memref<80x128xf32, #tpu.memory_space<vmem>>, vector<1x16xf32>,
        %get3A_150 = vector.shape_cast %get3A_149 : vector<1x16xf32> to vector<16xf32>
        %add3A_151 = arith.addf %get3A_146, %get3A_150 : vector<16xf32>
        %swap3A_152 = arith.index_cast %scan3A_101 : i32 to index
        %swap3A_153 = arith.constant 48 : index
        %swap3A_154 = tpu.vector_load %arg8[%swap3A_152, %swap3A_153] {strides = array<i32>} : memref<80x128xf32, #tpu.memory_space<vmem>>, vector<1x16xf32>,
        %swap3A_155 = vector.shape_cast %swap3A_154 : vector<1x16xf32> to vector<16xf32>
        %swap3A_156 = vector.shape_cast %add3A_151 : vector<16xf32> to vector<1x16xf32>
        tpu.vector_store %arg8[%swap3A_152, %swap3A_153], %swap3A_156 {strides = array<i32>} : memref<80x128xf32, #tpu.memory_space<vmem>>, vector<1x16xf32>,
        %get3A_157 = arith.index_cast %scan3A_101 : i32 to index
        %get3A_158 = arith.constant 64 : index
        %get3A_159 = tpu.vector_load %arg8[%get3A_157, %get3A_158] {strides = array<i32>} : memref<80x128xf32, #tpu.memory_space<vmem>>, vector<1x16xf32>,
        %get3A_160 = vector.shape_cast %get3A_159 : vector<1x16xf32> to vector<16xf32>
        %get3A_161 = arith.index_cast %scan3A_101 : i32 to index
        %get3A_162 = arith.constant 64 : index
        %get3A_163 = tpu.vector_load %arg9[%get3A_161, %get3A_162] {strides = array<i32>} : memref<80x128xf32, #tpu.memory_space<vmem>>, vector<1x16xf32>,
        %get3A_164 = vector.shape_cast %get3A_163 : vector<1x16xf32> to vector<16xf32>
        %add3A_165 = arith.addf %get3A_160, %get3A_164 : vector<16xf32>
        %swap3A_166 = arith.index_cast %scan3A_101 : i32 to index
        %swap3A_167 = arith.constant 64 : index
        %swap3A_168 = tpu.vector_load %arg8[%swap3A_166, %swap3A_167] {strides = array<i32>} : memref<80x128xf32, #tpu.memory_space<vmem>>, vector<1x16xf32>,
        %swap3A_169 = vector.shape_cast %swap3A_168 : vector<1x16xf32> to vector<16xf32>
        %swap3A_170 = vector.shape_cast %add3A_165 : vector<16xf32> to vector<1x16xf32>
        tpu.vector_store %arg8[%swap3A_166, %swap3A_167], %swap3A_170 {strides = array<i32>} : memref<80x128xf32, #tpu.memory_space<vmem>>, vector<1x16xf32>,
        %get3A_171 = arith.index_cast %scan3A_101 : i32 to index
        %get3A_172 = arith.constant 80 : index
        %get3A_173 = tpu.vector_load %arg8[%get3A_171, %get3A_172] {strides = array<i32>} : memref<80x128xf32, #tpu.memory_space<vmem>>, vector<1x16xf32>,
        %get3A_174 = vector.shape_cast %get3A_173 : vector<1x16xf32> to vector<16xf32>
        %get3A_175 = arith.index_cast %scan3A_101 : i32 to index
        %get3A_176 = arith.constant 80 : index
        %get3A_177 = tpu.vector_load %arg9[%get3A_175, %get3A_176] {strides = array<i32>} : memref<80x128xf32, #tpu.memory_space<vmem>>, vector<1x16xf32>,
        %get3A_178 = vector.shape_cast %get3A_177 : vector<1x16xf32> to vector<16xf32>
        %add3A_179 = arith.addf %get3A_174, %get3A_178 : vector<16xf32>
        %swap3A_180 = arith.index_cast %scan3A_101 : i32 to index
        %swap3A_181 = arith.constant 80 : index
        %swap3A_182 = tpu.vector_load %arg8[%swap3A_180, %swap3A_181] {strides = array<i32>} : memref<80x128xf32, #tpu.memory_space<vmem>>, vector<1x16xf32>,
        %swap3A_183 = vector.shape_cast %swap3A_182 : vector<1x16xf32> to vector<16xf32>
        %swap3A_184 = vector.shape_cast %add3A_179 : vector<16xf32> to vector<1x16xf32>
        tpu.vector_store %arg8[%swap3A_180, %swap3A_181], %swap3A_184 {strides = array<i32>} : memref<80x128xf32, #tpu.memory_space<vmem>>, vector<1x16xf32>,
        %get3A_185 = arith.index_cast %scan3A_101 : i32 to index
        %get3A_186 = arith.constant 96 : index
        %get3A_187 = tpu.vector_load %arg8[%get3A_185, %get3A_186] {strides = array<i32>} : memref<80x128xf32, #tpu.memory_space<vmem>>, vector<1x16xf32>,
        %get3A_188 = vector.shape_cast %get3A_187 : vector<1x16xf32> to vector<16xf32>
        %get3A_189 = arith.index_cast %scan3A_101 : i32 to index
        %get3A_190 = arith.constant 96 : index
        %get3A_191 = tpu.vector_load %arg9[%get3A_189, %get3A_190] {strides = array<i32>} : memref<80x128xf32, #tpu.memory_space<vmem>>, vector<1x16xf32>,
        %get3A_192 = vector.shape_cast %get3A_191 : vector<1x16xf32> to vector<16xf32>
        %add3A_193 = arith.addf %get3A_188, %get3A_192 : vector<16xf32>
        %swap3A_194 = arith.index_cast %scan3A_101 : i32 to index
        %swap3A_195 = arith.constant 96 : index
        %swap3A_196 = tpu.vector_load %arg8[%swap3A_194, %swap3A_195] {strides = array<i32>} : memref<80x128xf32, #tpu.memory_space<vmem>>, vector<1x16xf32>,
        %swap3A_197 = vector.shape_cast %swap3A_196 : vector<1x16xf32> to vector<16xf32>
        %swap3A_198 = vector.shape_cast %add3A_193 : vector<16xf32> to vector<1x16xf32>
        tpu.vector_store %arg8[%swap3A_194, %swap3A_195], %swap3A_198 {strides = array<i32>} : memref<80x128xf32, #tpu.memory_space<vmem>>, vector<1x16xf32>,
        %get3A_199 = arith.index_cast %scan3A_101 : i32 to index
        %get3A_200 = arith.constant 112 : index
        %get3A_201 = tpu.vector_load %arg8[%get3A_199, %get3A_200] {strides = array<i32>} : memref<80x128xf32, #tpu.memory_space<vmem>>, vector<1x16xf32>,
        %get3A_202 = vector.shape_cast %get3A_201 : vector<1x16xf32> to vector<16xf32>
        %get3A_203 = arith.index_cast %scan3A_101 : i32 to index
        %get3A_204 = arith.constant 112 : index
        %get3A_205 = tpu.vector_load %arg9[%get3A_203, %get3A_204] {strides = array<i32>} : memref<80x128xf32, #tpu.memory_space<vmem>>, vector<1x16xf32>,
        %get3A_206 = vector.shape_cast %get3A_205 : vector<1x16xf32> to vector<16xf32>
        %add3A_207 = arith.addf %get3A_202, %get3A_206 : vector<16xf32>
        %swap3A_208 = arith.index_cast %scan3A_101 : i32 to index
        %swap3A_209 = arith.constant 112 : index
        %swap3A_210 = tpu.vector_load %arg8[%swap3A_208, %swap3A_209] {strides = array<i32>} : memref<80x128xf32, #tpu.memory_space<vmem>>, vector<1x16xf32>,
        %swap3A_211 = vector.shape_cast %swap3A_210 : vector<1x16xf32> to vector<16xf32>
        %swap3A_212 = vector.shape_cast %add3A_207 : vector<16xf32> to vector<1x16xf32>
        tpu.vector_store %arg8[%swap3A_208, %swap3A_209], %swap3A_212 {strides = array<i32>} : memref<80x128xf32, #tpu.memory_space<vmem>>, vector<1x16xf32>,
        %scan3A_213 = arith.constant 0 : i32
        scf.yield %scan3A_213 : i32
      }
      %scan3A_61 = arith.constant 80 : i32
      %mul3A_62 = arith.constant 10000 : i32
      %mul3A_63 = arith.muli %add3A, %mul3A_62 : i32
      %mul3A_64 = arith.constant 80 : i32
      %mul3A_65 = arith.muli %mul3A_35, %mul3A_64 : i32
      %add3A_66 = arith.addi %mul3A_63, %mul3A_65 : i32
      "tpu.region"() ({
        %run_scoped3A = tpu.sem_alloc : memref<!tpu.dma_semaphore, #tpu.memory_space<semaphore_mem>>
        %dma_start3A_101 = arith.constant 0 : i32
        %dma_start3A_102 = tpu.memref_slice %arg5[%add3A_66, %dma_start3A_101] : memref<320000x128xf32, #tpu.memory_space<hbm>> -> memref<80x128xf32, #tpu.memory_space<hbm>>
        %dma_start3A_103 = arith.constant 0 : i32
        %dma_start3A_104 = tpu.memref_slice %arg5[%add3A_66, %dma_start3A_103] : memref<320000x128xf32, #tpu.memory_space<hbm>> -> memref<80x128xf32, #tpu.memory_space<hbm>>
        tpu.enqueue_dma source(%arg8 : memref<80x128xf32, #tpu.memory_space<vmem>>) target(%dma_start3A_104 : memref<80x128xf32, #tpu.memory_space<hbm>>) target_semaphore(%run_scoped3A : memref<!tpu.dma_semaphore, #tpu.memory_space<semaphore_mem>>)
        %dma_wait3A_105 = arith.constant 0 : i32
        %dma_wait3A_106 = tpu.memref_slice %arg5[%add3A_66, %dma_wait3A_105] : memref<320000x128xf32, #tpu.memory_space<hbm>> -> memref<80x128xf32, #tpu.memory_space<hbm>>
        %dma_wait3A_107 = arith.constant 0 : i32
        %dma_wait3A_108 = tpu.memref_slice %arg5[%add3A_66, %dma_wait3A_107] : memref<320000x128xf32, #tpu.memory_space<hbm>> -> memref<80x128xf32, #tpu.memory_space<hbm>>
        tpu.wait_dma2 semaphore(%run_scoped3A : memref<!tpu.dma_semaphore, #tpu.memory_space<semaphore_mem>>) src(%arg8 : memref<80x128xf32, #tpu.memory_space<vmem>>) dst(%dma_wait3A_108 : memref<80x128xf32, #tpu.memory_space<hbm>>)
        tpu.yield
      }) : () -> ()
      %add3A_67 = arith.constant 2 : i32
      %add3A_68 = arith.addi %mul3A_35, %add3A_67 : i32
      %mul3A_69 = arith.constant 10000 : i32
      %mul3A_70 = arith.muli %add3A, %mul3A_69 : i32
      %mul3A_71 = arith.constant 80 : i32
      %mul3A_72 = arith.muli %add3A_68, %mul3A_71 : i32
      %add3A_73 = arith.addi %mul3A_70, %mul3A_72 : i32
      "tpu.region"() ({
        %run_scoped3A = tpu.sem_alloc : memref<!tpu.dma_semaphore, #tpu.memory_space<semaphore_mem>>
        %dma_start3A_101 = tpu.memref_slice %arg3[%add3A_73] : memref<320000xi32, #tpu.memory_space<hbm>> -> memref<80xi32, #tpu.memory_space<hbm>>
        %dma_start3A_102 = tpu.memref_slice %arg3[%add3A_73] : memref<320000xi32, #tpu.memory_space<hbm>> -> memref<80xi32, #tpu.memory_space<hbm>>
        tpu.enqueue_dma source(%dma_start3A_102 : memref<80xi32, #tpu.memory_space<hbm>>) target(%arg6 : memref<80xi32, #tpu.memory_space<vmem>>) target_semaphore(%run_scoped3A : memref<!tpu.dma_semaphore, #tpu.memory_space<semaphore_mem>>)
        %dma_wait3A_103 = tpu.memref_slice %arg3[%add3A_73] : memref<320000xi32, #tpu.memory_space<hbm>> -> memref<80xi32, #tpu.memory_space<hbm>>
        %dma_wait3A_104 = tpu.memref_slice %arg3[%add3A_73] : memref<320000xi32, #tpu.memory_space<hbm>> -> memref<80xi32, #tpu.memory_space<hbm>>
        tpu.wait_dma2 semaphore(%run_scoped3A : memref<!tpu.dma_semaphore, #tpu.memory_space<semaphore_mem>>) src(%dma_wait3A_104 : memref<80xi32, #tpu.memory_space<hbm>>) dst(%arg6 : memref<80xi32, #tpu.memory_space<vmem>>)
        tpu.yield
      }) : () -> ()
      "tpu.region"() ({
        %run_scoped3A = tpu.sem_alloc : memref<!tpu.dma_semaphore, #tpu.memory_space<semaphore_mem>>
        %dma_start3A_101 = tpu.memref_slice %arg4[%add3A_73] : memref<320000xi32, #tpu.memory_space<hbm>> -> memref<80xi32, #tpu.memory_space<hbm>>
        %dma_start3A_102 = tpu.memref_slice %arg4[%add3A_73] : memref<320000xi32, #tpu.memory_space<hbm>> -> memref<80xi32, #tpu.memory_space<hbm>>
        tpu.enqueue_dma source(%dma_start3A_102 : memref<80xi32, #tpu.memory_space<hbm>>) target(%arg7 : memref<80xi32, #tpu.memory_space<vmem>>) target_semaphore(%run_scoped3A : memref<!tpu.dma_semaphore, #tpu.memory_space<semaphore_mem>>)
        %dma_wait3A_103 = tpu.memref_slice %arg4[%add3A_73] : memref<320000xi32, #tpu.memory_space<hbm>> -> memref<80xi32, #tpu.memory_space<hbm>>
        %dma_wait3A_104 = tpu.memref_slice %arg4[%add3A_73] : memref<320000xi32, #tpu.memory_space<hbm>> -> memref<80xi32, #tpu.memory_space<hbm>>
        tpu.wait_dma2 semaphore(%run_scoped3A : memref<!tpu.dma_semaphore, #tpu.memory_space<semaphore_mem>>) src(%dma_wait3A_104 : memref<80xi32, #tpu.memory_space<hbm>>) dst(%arg7 : memref<80xi32, #tpu.memory_space<vmem>>)
        tpu.yield
      }) : () -> ()
      %dma_start3A_74 = arith.constant 0 : i32
      %dma_start3A_75 = arith.constant 0 : i32
      %dma_start3A_76 = tpu.memref_slice %arg2[%dma_start3A_74, %dma_start3A_75] : memref<10000x128xf32, #tpu.memory_space<hbm>> -> memref<10000x128xf32, #tpu.memory_space<hbm>>
      tpu.enqueue_indirect_dma source(%dma_start3A_76 : memref<10000x128xf32, #tpu.memory_space<hbm>>) target(%arg8 : memref<80x128xf32, #tpu.memory_space<vmem>>) offsets(%arg6 : memref<80xi32, #tpu.memory_space<vmem>>) semaphore(%arg14 : memref<!tpu.dma_semaphore, #tpu.memory_space<semaphore_mem>>)
      %dma_start3A_77 = arith.constant 0 : i32
      %dma_start3A_78 = arith.constant 0 : i32
      %dma_start3A_79 = tpu.memref_slice %arg2[%dma_start3A_77, %dma_start3A_78] : memref<10000x128xf32, #tpu.memory_space<hbm>> -> memref<10000x128xf32, #tpu.memory_space<hbm>>
      tpu.enqueue_indirect_dma source(%dma_start3A_79 : memref<10000x128xf32, #tpu.memory_space<hbm>>) target(%arg9 : memref<80x128xf32, #tpu.memory_space<vmem>>) offsets(%arg7 : memref<80xi32, #tpu.memory_space<vmem>>) semaphore(%arg15 : memref<!tpu.dma_semaphore, #tpu.memory_space<semaphore_mem>>)
      %add3A_80 = arith.constant 1 : i32
      %add3A_81 = arith.addi %mul3A_35, %add3A_80 : i32
      %dma_wait3A_82 = arith.constant 0 : i32
      %dma_wait3A_83 = arith.constant 0 : i32
      %dma_wait3A_84 = tpu.memref_slice %arg2[%dma_wait3A_82, %dma_wait3A_83] : memref<10000x128xf32, #tpu.memory_space<hbm>> -> memref<10000x128xf32, #tpu.memory_space<hbm>>
      tpu.wait_indirect_dma semaphore(%arg16 : memref<!tpu.dma_semaphore, #tpu.memory_space<semaphore_mem>>) src(%dma_wait3A_84 : memref<10000x128xf32, #tpu.memory_space<hbm>>) dst(%arg12 : memref<80x128xf32, #tpu.memory_space<vmem>>)
      %dma_wait3A_85 = arith.constant 0 : i32
      %dma_wait3A_86 = arith.constant 0 : i32
      %dma_wait3A_87 = tpu.memref_slice %arg2[%dma_wait3A_85, %dma_wait3A_86] : memref<10000x128xf32, #tpu.memory_space<hbm>> -> memref<10000x128xf32, #tpu.memory_space<hbm>>
      tpu.wait_indirect_dma semaphore(%arg17 : memref<!tpu.dma_semaphore, #tpu.memory_space<semaphore_mem>>) src(%dma_wait3A_87 : memref<10000x128xf32, #tpu.memory_space<hbm>>) dst(%arg13 : memref<80x128xf32, #tpu.memory_space<vmem>>)
      %scan3A_88 = arith.constant 0 : i32
      %scan3A_89 = arith.constant 0 : i32
      %scan3A_90 = arith.constant 80 : i32
      %scan3A_91 = arith.addi %scan3A_89, %scan3A_90 : i32
      %scan3A_92 = arith.constant 1 : i32
      %scan3A_93 = scf.for %scan3A_101 = %scan3A_89 to %scan3A_91 step %scan3A_92 iter_args(%scan3A_102 = %scan3A_88) -> (i32)  : i32 {
        %get3A = arith.index_cast %scan3A_101 : i32 to index
        %get3A_103 = arith.constant 0 : index
        %get3A_104 = tpu.vector_load %arg12[%get3A, %get3A_103] {strides = array<i32>} : memref<80x128xf32, #tpu.memory_space<vmem>>, vector<1x16xf32>,
        %get3A_105 = vector.shape_cast %get3A_104 : vector<1x16xf32> to vector<16xf32>
        %get3A_106 = arith.index_cast %scan3A_101 : i32 to index
        %get3A_107 = arith.constant 0 : index
        %get3A_108 = tpu.vector_load %arg13[%get3A_106, %get3A_107] {strides = array<i32>} : memref<80x128xf32, #tpu.memory_space<vmem>>, vector<1x16xf32>,
        %get3A_109 = vector.shape_cast %get3A_108 : vector<1x16xf32> to vector<16xf32>
        %add3A_110 = arith.addf %get3A_105, %get3A_109 : vector<16xf32>
        %swap3A = arith.index_cast %scan3A_101 : i32 to index
        %swap3A_111 = arith.constant 0 : index
        %swap3A_112 = tpu.vector_load %arg12[%swap3A, %swap3A_111] {strides = array<i32>} : memref<80x128xf32, #tpu.memory_space<vmem>>, vector<1x16xf32>,
        %swap3A_113 = vector.shape_cast %swap3A_112 : vector<1x16xf32> to vector<16xf32>
        %swap3A_114 = vector.shape_cast %add3A_110 : vector<16xf32> to vector<1x16xf32>
        tpu.vector_store %arg12[%swap3A, %swap3A_111], %swap3A_114 {strides = array<i32>} : memref<80x128xf32, #tpu.memory_space<vmem>>, vector<1x16xf32>,
        %get3A_115 = arith.index_cast %scan3A_101 : i32 to index
        %get3A_116 = arith.constant 16 : index
        %get3A_117 = tpu.vector_load %arg12[%get3A_115, %get3A_116] {strides = array<i32>} : memref<80x128xf32, #tpu.memory_space<vmem>>, vector<1x16xf32>,
        %get3A_118 = vector.shape_cast %get3A_117 : vector<1x16xf32> to vector<16xf32>
        %get3A_119 = arith.index_cast %scan3A_101 : i32 to index
        %get3A_120 = arith.constant 16 : index
        %get3A_121 = tpu.vector_load %arg13[%get3A_119, %get3A_120] {strides = array<i32>} : memref<80x128xf32, #tpu.memory_space<vmem>>, vector<1x16xf32>,
        %get3A_122 = vector.shape_cast %get3A_121 : vector<1x16xf32> to vector<16xf32>
        %add3A_123 = arith.addf %get3A_118, %get3A_122 : vector<16xf32>
        %swap3A_124 = arith.index_cast %scan3A_101 : i32 to index
        %swap3A_125 = arith.constant 16 : index
        %swap3A_126 = tpu.vector_load %arg12[%swap3A_124, %swap3A_125] {strides = array<i32>} : memref<80x128xf32, #tpu.memory_space<vmem>>, vector<1x16xf32>,
        %swap3A_127 = vector.shape_cast %swap3A_126 : vector<1x16xf32> to vector<16xf32>
        %swap3A_128 = vector.shape_cast %add3A_123 : vector<16xf32> to vector<1x16xf32>
        tpu.vector_store %arg12[%swap3A_124, %swap3A_125], %swap3A_128 {strides = array<i32>} : memref<80x128xf32, #tpu.memory_space<vmem>>, vector<1x16xf32>,
        %get3A_129 = arith.index_cast %scan3A_101 : i32 to index
        %get3A_130 = arith.constant 32 : index
        %get3A_131 = tpu.vector_load %arg12[%get3A_129, %get3A_130] {strides = array<i32>} : memref<80x128xf32, #tpu.memory_space<vmem>>, vector<1x16xf32>,
        %get3A_132 = vector.shape_cast %get3A_131 : vector<1x16xf32> to vector<16xf32>
        %get3A_133 = arith.index_cast %scan3A_101 : i32 to index
        %get3A_134 = arith.constant 32 : index
        %get3A_135 = tpu.vector_load %arg13[%get3A_133, %get3A_134] {strides = array<i32>} : memref<80x128xf32, #tpu.memory_space<vmem>>, vector<1x16xf32>,
        %get3A_136 = vector.shape_cast %get3A_135 : vector<1x16xf32> to vector<16xf32>
        %add3A_137 = arith.addf %get3A_132, %get3A_136 : vector<16xf32>
        %swap3A_138 = arith.index_cast %scan3A_101 : i32 to index
        %swap3A_139 = arith.constant 32 : index
        %swap3A_140 = tpu.vector_load %arg12[%swap3A_138, %swap3A_139] {strides = array<i32>} : memref<80x128xf32, #tpu.memory_space<vmem>>, vector<1x16xf32>,
        %swap3A_141 = vector.shape_cast %swap3A_140 : vector<1x16xf32> to vector<16xf32>
        %swap3A_142 = vector.shape_cast %add3A_137 : vector<16xf32> to vector<1x16xf32>
        tpu.vector_store %arg12[%swap3A_138, %swap3A_139], %swap3A_142 {strides = array<i32>} : memref<80x128xf32, #tpu.memory_space<vmem>>, vector<1x16xf32>,
        %get3A_143 = arith.index_cast %scan3A_101 : i32 to index
        %get3A_144 = arith.constant 48 : index
        %get3A_145 = tpu.vector_load %arg12[%get3A_143, %get3A_144] {strides = array<i32>} : memref<80x128xf32, #tpu.memory_space<vmem>>, vector<1x16xf32>,
        %get3A_146 = vector.shape_cast %get3A_145 : vector<1x16xf32> to vector<16xf32>
        %get3A_147 = arith.index_cast %scan3A_101 : i32 to index
        %get3A_148 = arith.constant 48 : index
        %get3A_149 = tpu.vector_load %arg13[%get3A_147, %get3A_148] {strides = array<i32>} : memref<80x128xf32, #tpu.memory_space<vmem>>, vector<1x16xf32>,
        %get3A_150 = vector.shape_cast %get3A_149 : vector<1x16xf32> to vector<16xf32>
        %add3A_151 = arith.addf %get3A_146, %get3A_150 : vector<16xf32>
        %swap3A_152 = arith.index_cast %scan3A_101 : i32 to index
        %swap3A_153 = arith.constant 48 : index
        %swap3A_154 = tpu.vector_load %arg12[%swap3A_152, %swap3A_153] {strides = array<i32>} : memref<80x128xf32, #tpu.memory_space<vmem>>, vector<1x16xf32>,
        %swap3A_155 = vector.shape_cast %swap3A_154 : vector<1x16xf32> to vector<16xf32>
        %swap3A_156 = vector.shape_cast %add3A_151 : vector<16xf32> to vector<1x16xf32>
        tpu.vector_store %arg12[%swap3A_152, %swap3A_153], %swap3A_156 {strides = array<i32>} : memref<80x128xf32, #tpu.memory_space<vmem>>, vector<1x16xf32>,
        %get3A_157 = arith.index_cast %scan3A_101 : i32 to index
        %get3A_158 = arith.constant 64 : index
        %get3A_159 = tpu.vector_load %arg12[%get3A_157, %get3A_158] {strides = array<i32>} : memref<80x128xf32, #tpu.memory_space<vmem>>, vector<1x16xf32>,
        %get3A_160 = vector.shape_cast %get3A_159 : vector<1x16xf32> to vector<16xf32>
        %get3A_161 = arith.index_cast %scan3A_101 : i32 to index
        %get3A_162 = arith.constant 64 : index
        %get3A_163 = tpu.vector_load %arg13[%get3A_161, %get3A_162] {strides = array<i32>} : memref<80x128xf32, #tpu.memory_space<vmem>>, vector<1x16xf32>,
        %get3A_164 = vector.shape_cast %get3A_163 : vector<1x16xf32> to vector<16xf32>
        %add3A_165 = arith.addf %get3A_160, %get3A_164 : vector<16xf32>
        %swap3A_166 = arith.index_cast %scan3A_101 : i32 to index
        %swap3A_167 = arith.constant 64 : index
        %swap3A_168 = tpu.vector_load %arg12[%swap3A_166, %swap3A_167] {strides = array<i32>} : memref<80x128xf32, #tpu.memory_space<vmem>>, vector<1x16xf32>,
        %swap3A_169 = vector.shape_cast %swap3A_168 : vector<1x16xf32> to vector<16xf32>
        %swap3A_170 = vector.shape_cast %add3A_165 : vector<16xf32> to vector<1x16xf32>
        tpu.vector_store %arg12[%swap3A_166, %swap3A_167], %swap3A_170 {strides = array<i32>} : memref<80x128xf32, #tpu.memory_space<vmem>>, vector<1x16xf32>,
        %get3A_171 = arith.index_cast %scan3A_101 : i32 to index
        %get3A_172 = arith.constant 80 : index
        %get3A_173 = tpu.vector_load %arg12[%get3A_171, %get3A_172] {strides = array<i32>} : memref<80x128xf32, #tpu.memory_space<vmem>>, vector<1x16xf32>,
        %get3A_174 = vector.shape_cast %get3A_173 : vector<1x16xf32> to vector<16xf32>
        %get3A_175 = arith.index_cast %scan3A_101 : i32 to index
        %get3A_176 = arith.constant 80 : index
        %get3A_177 = tpu.vector_load %arg13[%get3A_175, %get3A_176] {strides = array<i32>} : memref<80x128xf32, #tpu.memory_space<vmem>>, vector<1x16xf32>,
        %get3A_178 = vector.shape_cast %get3A_177 : vector<1x16xf32> to vector<16xf32>
        %add3A_179 = arith.addf %get3A_174, %get3A_178 : vector<16xf32>
        %swap3A_180 = arith.index_cast %scan3A_101 : i32 to index
        %swap3A_181 = arith.constant 80 : index
        %swap3A_182 = tpu.vector_load %arg12[%swap3A_180, %swap3A_181] {strides = array<i32>} : memref<80x128xf32, #tpu.memory_space<vmem>>, vector<1x16xf32>,
        %swap3A_183 = vector.shape_cast %swap3A_182 : vector<1x16xf32> to vector<16xf32>
        %swap3A_184 = vector.shape_cast %add3A_179 : vector<16xf32> to vector<1x16xf32>
        tpu.vector_store %arg12[%swap3A_180, %swap3A_181], %swap3A_184 {strides = array<i32>} : memref<80x128xf32, #tpu.memory_space<vmem>>, vector<1x16xf32>,
        %get3A_185 = arith.index_cast %scan3A_101 : i32 to index
        %get3A_186 = arith.constant 96 : index
        %get3A_187 = tpu.vector_load %arg12[%get3A_185, %get3A_186] {strides = array<i32>} : memref<80x128xf32, #tpu.memory_space<vmem>>, vector<1x16xf32>,
        %get3A_188 = vector.shape_cast %get3A_187 : vector<1x16xf32> to vector<16xf32>
        %get3A_189 = arith.index_cast %scan3A_101 : i32 to index
        %get3A_190 = arith.constant 96 : index
        %get3A_191 = tpu.vector_load %arg13[%get3A_189, %get3A_190] {strides = array<i32>} : memref<80x128xf32, #tpu.memory_space<vmem>>, vector<1x16xf32>,
        %get3A_192 = vector.shape_cast %get3A_191 : vector<1x16xf32> to vector<16xf32>
        %add3A_193 = arith.addf %get3A_188, %get3A_192 : vector<16xf32>
        %swap3A_194 = arith.index_cast %scan3A_101 : i32 to index
        %swap3A_195 = arith.constant 96 : index
        %swap3A_196 = tpu.vector_load %arg12[%swap3A_194, %swap3A_195] {strides = array<i32>} : memref<80x128xf32, #tpu.memory_space<vmem>>, vector<1x16xf32>,
        %swap3A_197 = vector.shape_cast %swap3A_196 : vector<1x16xf32> to vector<16xf32>
        %swap3A_198 = vector.shape_cast %add3A_193 : vector<16xf32> to vector<1x16xf32>
        tpu.vector_store %arg12[%swap3A_194, %swap3A_195], %swap3A_198 {strides = array<i32>} : memref<80x128xf32, #tpu.memory_space<vmem>>, vector<1x16xf32>,
        %get3A_199 = arith.index_cast %scan3A_101 : i32 to index
        %get3A_200 = arith.constant 112 : index
        %get3A_201 = tpu.vector_load %arg12[%get3A_199, %get3A_200] {strides = array<i32>} : memref<80x128xf32, #tpu.memory_space<vmem>>, vector<1x16xf32>,
        %get3A_202 = vector.shape_cast %get3A_201 : vector<1x16xf32> to vector<16xf32>
        %get3A_203 = arith.index_cast %scan3A_101 : i32 to index
        %get3A_204 = arith.constant 112 : index
        %get3A_205 = tpu.vector_load %arg13[%get3A_203, %get3A_204] {strides = array<i32>} : memref<80x128xf32, #tpu.memory_space<vmem>>, vector<1x16xf32>,
        %get3A_206 = vector.shape_cast %get3A_205 : vector<1x16xf32> to vector<16xf32>
        %add3A_207 = arith.addf %get3A_202, %get3A_206 : vector<16xf32>
        %swap3A_208 = arith.index_cast %scan3A_101 : i32 to index
        %swap3A_209 = arith.constant 112 : index
        %swap3A_210 = tpu.vector_load %arg12[%swap3A_208, %swap3A_209] {strides = array<i32>} : memref<80x128xf32, #tpu.memory_space<vmem>>, vector<1x16xf32>,
        %swap3A_211 = vector.shape_cast %swap3A_210 : vector<1x16xf32> to vector<16xf32>
        %swap3A_212 = vector.shape_cast %add3A_207 : vector<16xf32> to vector<1x16xf32>
        tpu.vector_store %arg12[%swap3A_208, %swap3A_209], %swap3A_212 {strides = array<i32>} : memref<80x128xf32, #tpu.memory_space<vmem>>, vector<1x16xf32>,
        %scan3A_213 = arith.constant 0 : i32
        scf.yield %scan3A_213 : i32
      }
      %scan3A_94 = arith.constant 80 : i32
      %mul3A_95 = arith.constant 10000 : i32
      %mul3A_96 = arith.muli %add3A, %mul3A_95 : i32
      %mul3A_97 = arith.constant 80 : i32
      %mul3A_98 = arith.muli %add3A_81, %mul3A_97 : i32
      %add3A_99 = arith.addi %mul3A_96, %mul3A_98 : i32
      "tpu.region"() ({
        %run_scoped3A = tpu.sem_alloc : memref<!tpu.dma_semaphore, #tpu.memory_space<semaphore_mem>>
        %dma_start3A_101 = arith.constant 0 : i32
        %dma_start3A_102 = tpu.memref_slice %arg5[%add3A_99, %dma_start3A_101] : memref<320000x128xf32, #tpu.memory_space<hbm>> -> memref<80x128xf32, #tpu.memory_space<hbm>>
        %dma_start3A_103 = arith.constant 0 : i32
        %dma_start3A_104 = tpu.memref_slice %arg5[%add3A_99, %dma_start3A_103] : memref<320000x128xf32, #tpu.memory_space<hbm>> -> memref<80x128xf32, #tpu.memory_space<hbm>>
        tpu.enqueue_dma source(%arg12 : memref<80x128xf32, #tpu.memory_space<vmem>>) target(%dma_start3A_104 : memref<80x128xf32, #tpu.memory_space<hbm>>) target_semaphore(%run_scoped3A : memref<!tpu.dma_semaphore, #tpu.memory_space<semaphore_mem>>)
        %dma_wait3A_105 = arith.constant 0 : i32
        %dma_wait3A_106 = tpu.memref_slice %arg5[%add3A_99, %dma_wait3A_105] : memref<320000x128xf32, #tpu.memory_space<hbm>> -> memref<80x128xf32, #tpu.memory_space<hbm>>
        %dma_wait3A_107 = arith.constant 0 : i32
        %dma_wait3A_108 = tpu.memref_slice %arg5[%add3A_99, %dma_wait3A_107] : memref<320000x128xf32, #tpu.memory_space<hbm>> -> memref<80x128xf32, #tpu.memory_space<hbm>>
        tpu.wait_dma2 semaphore(%run_scoped3A : memref<!tpu.dma_semaphore, #tpu.memory_space<semaphore_mem>>) src(%arg12 : memref<80x128xf32, #tpu.memory_space<vmem>>) dst(%dma_wait3A_108 : memref<80x128xf32, #tpu.memory_space<hbm>>)
        tpu.yield
      }) : () -> ()
      %scan3A_100 = arith.constant 0 : i32
      scf.yield %scan3A_100 : i32
    }
    %scan3A_15 = arith.constant 62 : i32
    %dma_wait3A = arith.constant 0 : i32
    %dma_wait3A_16 = arith.constant 0 : i32
    %dma_wait3A_17 = tpu.memref_slice %arg2[%dma_wait3A, %dma_wait3A_16] : memref<10000x128xf32, #tpu.memory_space<hbm>> -> memref<10000x128xf32, #tpu.memory_space<hbm>>
    tpu.wait_indirect_dma semaphore(%arg14 : memref<!tpu.dma_semaphore, #tpu.memory_space<semaphore_mem>>) src(%dma_wait3A_17 : memref<10000x128xf32, #tpu.memory_space<hbm>>) dst(%arg8 : memref<80x128xf32, #tpu.memory_space<vmem>>)
    %dma_wait3A_18 = arith.constant 0 : i32
    %dma_wait3A_19 = arith.constant 0 : i32
    %dma_wait3A_20 = tpu.memref_slice %arg2[%dma_wait3A_18, %dma_wait3A_19] : memref<10000x128xf32, #tpu.memory_space<hbm>> -> memref<10000x128xf32, #tpu.memory_space<hbm>>
    tpu.wait_indirect_dma semaphore(%arg15 : memref<!tpu.dma_semaphore, #tpu.memory_space<semaphore_mem>>) src(%dma_wait3A_20 : memref<10000x128xf32, #tpu.memory_space<hbm>>) dst(%arg9 : memref<80x128xf32, #tpu.memory_space<vmem>>)
    %scan3A_21 = arith.constant 0 : i32
    %scan3A_22 = arith.constant 0 : i32
    %scan3A_23 = arith.constant 80 : i32
    %scan3A_24 = arith.addi %scan3A_22, %scan3A_23 : i32
    %scan3A_25 = arith.constant 1 : i32
    %scan3A_26 = scf.for %scan3A_32 = %scan3A_22 to %scan3A_24 step %scan3A_25 iter_args(%scan3A_33 = %scan3A_21) -> (i32)  : i32 {
      %get3A = arith.index_cast %scan3A_32 : i32 to index
      %get3A_34 = arith.constant 0 : index
      %get3A_35 = tpu.vector_load %arg8[%get3A, %get3A_34] {strides = array<i32>} : memref<80x128xf32, #tpu.memory_space<vmem>>, vector<1x16xf32>,
      %get3A_36 = vector.shape_cast %get3A_35 : vector<1x16xf32> to vector<16xf32>
      %get3A_37 = arith.index_cast %scan3A_32 : i32 to index
      %get3A_38 = arith.constant 0 : index
      %get3A_39 = tpu.vector_load %arg9[%get3A_37, %get3A_38] {strides = array<i32>} : memref<80x128xf32, #tpu.memory_space<vmem>>, vector<1x16xf32>,
      %get3A_40 = vector.shape_cast %get3A_39 : vector<1x16xf32> to vector<16xf32>
      %add3A_41 = arith.addf %get3A_36, %get3A_40 : vector<16xf32>
      %swap3A = arith.index_cast %scan3A_32 : i32 to index
      %swap3A_42 = arith.constant 0 : index
      %swap3A_43 = tpu.vector_load %arg8[%swap3A, %swap3A_42] {strides = array<i32>} : memref<80x128xf32, #tpu.memory_space<vmem>>, vector<1x16xf32>,
      %swap3A_44 = vector.shape_cast %swap3A_43 : vector<1x16xf32> to vector<16xf32>
      %swap3A_45 = vector.shape_cast %add3A_41 : vector<16xf32> to vector<1x16xf32>
      tpu.vector_store %arg8[%swap3A, %swap3A_42], %swap3A_45 {strides = array<i32>} : memref<80x128xf32, #tpu.memory_space<vmem>>, vector<1x16xf32>,
      %get3A_46 = arith.index_cast %scan3A_32 : i32 to index
      %get3A_47 = arith.constant 16 : index
      %get3A_48 = tpu.vector_load %arg8[%get3A_46, %get3A_47] {strides = array<i32>} : memref<80x128xf32, #tpu.memory_space<vmem>>, vector<1x16xf32>,
      %get3A_49 = vector.shape_cast %get3A_48 : vector<1x16xf32> to vector<16xf32>
      %get3A_50 = arith.index_cast %scan3A_32 : i32 to index
      %get3A_51 = arith.constant 16 : index
      %get3A_52 = tpu.vector_load %arg9[%get3A_50, %get3A_51] {strides = array<i32>} : memref<80x128xf32, #tpu.memory_space<vmem>>, vector<1x16xf32>,
      %get3A_53 = vector.shape_cast %get3A_52 : vector<1x16xf32> to vector<16xf32>
      %add3A_54 = arith.addf %get3A_49, %get3A_53 : vector<16xf32>
      %swap3A_55 = arith.index_cast %scan3A_32 : i32 to index
      %swap3A_56 = arith.constant 16 : index
      %swap3A_57 = tpu.vector_load %arg8[%swap3A_55, %swap3A_56] {strides = array<i32>} : memref<80x128xf32, #tpu.memory_space<vmem>>, vector<1x16xf32>,
      %swap3A_58 = vector.shape_cast %swap3A_57 : vector<1x16xf32> to vector<16xf32>
      %swap3A_59 = vector.shape_cast %add3A_54 : vector<16xf32> to vector<1x16xf32>
      tpu.vector_store %arg8[%swap3A_55, %swap3A_56], %swap3A_59 {strides = array<i32>} : memref<80x128xf32, #tpu.memory_space<vmem>>, vector<1x16xf32>,
      %get3A_60 = arith.index_cast %scan3A_32 : i32 to index
      %get3A_61 = arith.constant 32 : index
      %get3A_62 = tpu.vector_load %arg8[%get3A_60, %get3A_61] {strides = array<i32>} : memref<80x128xf32, #tpu.memory_space<vmem>>, vector<1x16xf32>,
      %get3A_63 = vector.shape_cast %get3A_62 : vector<1x16xf32> to vector<16xf32>
      %get3A_64 = arith.index_cast %scan3A_32 : i32 to index
      %get3A_65 = arith.constant 32 : index
      %get3A_66 = tpu.vector_load %arg9[%get3A_64, %get3A_65] {strides = array<i32>} : memref<80x128xf32, #tpu.memory_space<vmem>>, vector<1x16xf32>,
      %get3A_67 = vector.shape_cast %get3A_66 : vector<1x16xf32> to vector<16xf32>
      %add3A_68 = arith.addf %get3A_63, %get3A_67 : vector<16xf32>
      %swap3A_69 = arith.index_cast %scan3A_32 : i32 to index
      %swap3A_70 = arith.constant 32 : index
      %swap3A_71 = tpu.vector_load %arg8[%swap3A_69, %swap3A_70] {strides = array<i32>} : memref<80x128xf32, #tpu.memory_space<vmem>>, vector<1x16xf32>,
      %swap3A_72 = vector.shape_cast %swap3A_71 : vector<1x16xf32> to vector<16xf32>
      %swap3A_73 = vector.shape_cast %add3A_68 : vector<16xf32> to vector<1x16xf32>
      tpu.vector_store %arg8[%swap3A_69, %swap3A_70], %swap3A_73 {strides = array<i32>} : memref<80x128xf32, #tpu.memory_space<vmem>>, vector<1x16xf32>,
      %get3A_74 = arith.index_cast %scan3A_32 : i32 to index
      %get3A_75 = arith.constant 48 : index
      %get3A_76 = tpu.vector_load %arg8[%get3A_74, %get3A_75] {strides = array<i32>} : memref<80x128xf32, #tpu.memory_space<vmem>>, vector<1x16xf32>,
      %get3A_77 = vector.shape_cast %get3A_76 : vector<1x16xf32> to vector<16xf32>
      %get3A_78 = arith.index_cast %scan3A_32 : i32 to index
      %get3A_79 = arith.constant 48 : index
      %get3A_80 = tpu.vector_load %arg9[%get3A_78, %get3A_79] {strides = array<i32>} : memref<80x128xf32, #tpu.memory_space<vmem>>, vector<1x16xf32>,
      %get3A_81 = vector.shape_cast %get3A_80 : vector<1x16xf32> to vector<16xf32>
      %add3A_82 = arith.addf %get3A_77, %get3A_81 : vector<16xf32>
      %swap3A_83 = arith.index_cast %scan3A_32 : i32 to index
      %swap3A_84 = arith.constant 48 : index
      %swap3A_85 = tpu.vector_load %arg8[%swap3A_83, %swap3A_84] {strides = array<i32>} : memref<80x128xf32, #tpu.memory_space<vmem>>, vector<1x16xf32>,
      %swap3A_86 = vector.shape_cast %swap3A_85 : vector<1x16xf32> to vector<16xf32>
      %swap3A_87 = vector.shape_cast %add3A_82 : vector<16xf32> to vector<1x16xf32>
      tpu.vector_store %arg8[%swap3A_83, %swap3A_84], %swap3A_87 {strides = array<i32>} : memref<80x128xf32, #tpu.memory_space<vmem>>, vector<1x16xf32>,
      %get3A_88 = arith.index_cast %scan3A_32 : i32 to index
      %get3A_89 = arith.constant 64 : index
      %get3A_90 = tpu.vector_load %arg8[%get3A_88, %get3A_89] {strides = array<i32>} : memref<80x128xf32, #tpu.memory_space<vmem>>, vector<1x16xf32>,
      %get3A_91 = vector.shape_cast %get3A_90 : vector<1x16xf32> to vector<16xf32>
      %get3A_92 = arith.index_cast %scan3A_32 : i32 to index
      %get3A_93 = arith.constant 64 : index
      %get3A_94 = tpu.vector_load %arg9[%get3A_92, %get3A_93] {strides = array<i32>} : memref<80x128xf32, #tpu.memory_space<vmem>>, vector<1x16xf32>,
      %get3A_95 = vector.shape_cast %get3A_94 : vector<1x16xf32> to vector<16xf32>
      %add3A_96 = arith.addf %get3A_91, %get3A_95 : vector<16xf32>
      %swap3A_97 = arith.index_cast %scan3A_32 : i32 to index
      %swap3A_98 = arith.constant 64 : index
      %swap3A_99 = tpu.vector_load %arg8[%swap3A_97, %swap3A_98] {strides = array<i32>} : memref<80x128xf32, #tpu.memory_space<vmem>>, vector<1x16xf32>,
      %swap3A_100 = vector.shape_cast %swap3A_99 : vector<1x16xf32> to vector<16xf32>
      %swap3A_101 = vector.shape_cast %add3A_96 : vector<16xf32> to vector<1x16xf32>
      tpu.vector_store %arg8[%swap3A_97, %swap3A_98], %swap3A_101 {strides = array<i32>} : memref<80x128xf32, #tpu.memory_space<vmem>>, vector<1x16xf32>,
      %get3A_102 = arith.index_cast %scan3A_32 : i32 to index
      %get3A_103 = arith.constant 80 : index
      %get3A_104 = tpu.vector_load %arg8[%get3A_102, %get3A_103] {strides = array<i32>} : memref<80x128xf32, #tpu.memory_space<vmem>>, vector<1x16xf32>,
      %get3A_105 = vector.shape_cast %get3A_104 : vector<1x16xf32> to vector<16xf32>
      %get3A_106 = arith.index_cast %scan3A_32 : i32 to index
      %get3A_107 = arith.constant 80 : index
      %get3A_108 = tpu.vector_load %arg9[%get3A_106, %get3A_107] {strides = array<i32>} : memref<80x128xf32, #tpu.memory_space<vmem>>, vector<1x16xf32>,
      %get3A_109 = vector.shape_cast %get3A_108 : vector<1x16xf32> to vector<16xf32>
      %add3A_110 = arith.addf %get3A_105, %get3A_109 : vector<16xf32>
      %swap3A_111 = arith.index_cast %scan3A_32 : i32 to index
      %swap3A_112 = arith.constant 80 : index
      %swap3A_113 = tpu.vector_load %arg8[%swap3A_111, %swap3A_112] {strides = array<i32>} : memref<80x128xf32, #tpu.memory_space<vmem>>, vector<1x16xf32>,
      %swap3A_114 = vector.shape_cast %swap3A_113 : vector<1x16xf32> to vector<16xf32>
      %swap3A_115 = vector.shape_cast %add3A_110 : vector<16xf32> to vector<1x16xf32>
      tpu.vector_store %arg8[%swap3A_111, %swap3A_112], %swap3A_115 {strides = array<i32>} : memref<80x128xf32, #tpu.memory_space<vmem>>, vector<1x16xf32>,
      %get3A_116 = arith.index_cast %scan3A_32 : i32 to index
      %get3A_117 = arith.constant 96 : index
      %get3A_118 = tpu.vector_load %arg8[%get3A_116, %get3A_117] {strides = array<i32>} : memref<80x128xf32, #tpu.memory_space<vmem>>, vector<1x16xf32>,
      %get3A_119 = vector.shape_cast %get3A_118 : vector<1x16xf32> to vector<16xf32>
      %get3A_120 = arith.index_cast %scan3A_32 : i32 to index
      %get3A_121 = arith.constant 96 : index
      %get3A_122 = tpu.vector_load %arg9[%get3A_120, %get3A_121] {strides = array<i32>} : memref<80x128xf32, #tpu.memory_space<vmem>>, vector<1x16xf32>,
      %get3A_123 = vector.shape_cast %get3A_122 : vector<1x16xf32> to vector<16xf32>
      %add3A_124 = arith.addf %get3A_119, %get3A_123 : vector<16xf32>
      %swap3A_125 = arith.index_cast %scan3A_32 : i32 to index
      %swap3A_126 = arith.constant 96 : index
      %swap3A_127 = tpu.vector_load %arg8[%swap3A_125, %swap3A_126] {strides = array<i32>} : memref<80x128xf32, #tpu.memory_space<vmem>>, vector<1x16xf32>,
      %swap3A_128 = vector.shape_cast %swap3A_127 : vector<1x16xf32> to vector<16xf32>
      %swap3A_129 = vector.shape_cast %add3A_124 : vector<16xf32> to vector<1x16xf32>
      tpu.vector_store %arg8[%swap3A_125, %swap3A_126], %swap3A_129 {strides = array<i32>} : memref<80x128xf32, #tpu.memory_space<vmem>>, vector<1x16xf32>,
      %get3A_130 = arith.index_cast %scan3A_32 : i32 to index
      %get3A_131 = arith.constant 112 : index
      %get3A_132 = tpu.vector_load %arg8[%get3A_130, %get3A_131] {strides = array<i32>} : memref<80x128xf32, #tpu.memory_space<vmem>>, vector<1x16xf32>,
      %get3A_133 = vector.shape_cast %get3A_132 : vector<1x16xf32> to vector<16xf32>
      %get3A_134 = arith.index_cast %scan3A_32 : i32 to index
      %get3A_135 = arith.constant 112 : index
      %get3A_136 = tpu.vector_load %arg9[%get3A_134, %get3A_135] {strides = array<i32>} : memref<80x128xf32, #tpu.memory_space<vmem>>, vector<1x16xf32>,
      %get3A_137 = vector.shape_cast %get3A_136 : vector<1x16xf32> to vector<16xf32>
      %add3A_138 = arith.addf %get3A_133, %get3A_137 : vector<16xf32>
      %swap3A_139 = arith.index_cast %scan3A_32 : i32 to index
      %swap3A_140 = arith.constant 112 : index
      %swap3A_141 = tpu.vector_load %arg8[%swap3A_139, %swap3A_140] {strides = array<i32>} : memref<80x128xf32, #tpu.memory_space<vmem>>, vector<1x16xf32>,
      %swap3A_142 = vector.shape_cast %swap3A_141 : vector<1x16xf32> to vector<16xf32>
      %swap3A_143 = vector.shape_cast %add3A_138 : vector<16xf32> to vector<1x16xf32>
      tpu.vector_store %arg8[%swap3A_139, %swap3A_140], %swap3A_143 {strides = array<i32>} : memref<80x128xf32, #tpu.memory_space<vmem>>, vector<1x16xf32>,
      %scan3A_144 = arith.constant 0 : i32
      scf.yield %scan3A_144 : i32
    }
    %scan3A_27 = arith.constant 80 : i32
    %mul3A_28 = arith.constant 10000 : i32
    %mul3A_29 = arith.muli %add3A, %mul3A_28 : i32
    %add3A_30 = arith.constant 9920 : i32
    %add3A_31 = arith.addi %mul3A_29, %add3A_30 : i32
    "tpu.region"() ({
      %run_scoped3A = tpu.sem_alloc : memref<!tpu.dma_semaphore, #tpu.memory_space<semaphore_mem>>
      %dma_start3A_32 = arith.constant 0 : i32
      %dma_start3A_33 = tpu.memref_slice %arg5[%add3A_31, %dma_start3A_32] : memref<320000x128xf32, #tpu.memory_space<hbm>> -> memref<80x128xf32, #tpu.memory_space<hbm>>
      %dma_start3A_34 = arith.constant 0 : i32
      %dma_start3A_35 = tpu.memref_slice %arg5[%add3A_31, %dma_start3A_34] : memref<320000x128xf32, #tpu.memory_space<hbm>> -> memref<80x128xf32, #tpu.memory_space<hbm>>
      tpu.enqueue_dma source(%arg8 : memref<80x128xf32, #tpu.memory_space<vmem>>) target(%dma_start3A_35 : memref<80x128xf32, #tpu.memory_space<hbm>>) target_semaphore(%run_scoped3A : memref<!tpu.dma_semaphore, #tpu.memory_space<semaphore_mem>>)
      %dma_wait3A_36 = arith.constant 0 : i32
      %dma_wait3A_37 = tpu.memref_slice %arg5[%add3A_31, %dma_wait3A_36] : memref<320000x128xf32, #tpu.memory_space<hbm>> -> memref<80x128xf32, #tpu.memory_space<hbm>>
      %dma_wait3A_38 = arith.constant 0 : i32
      %dma_wait3A_39 = tpu.memref_slice %arg5[%add3A_31, %dma_wait3A_38] : memref<320000x128xf32, #tpu.memory_space<hbm>> -> memref<80x128xf32, #tpu.memory_space<hbm>>
      tpu.wait_dma2 semaphore(%run_scoped3A : memref<!tpu.dma_semaphore, #tpu.memory_space<semaphore_mem>>) src(%arg8 : memref<80x128xf32, #tpu.memory_space<vmem>>) dst(%dma_wait3A_39 : memref<80x128xf32, #tpu.memory_space<hbm>>)
      tpu.yield
    }) : () -> ()
    return
  }
}

#map = affine_map<(d0, d1) -> (0, 0)>
#map1 = affine_map<(d0, d1) -> (0)>
module attributes {stable_mosaic.version = 14 : i64} {
  func.func @_sc_gather2_body(%arg0: i32, %arg1: i32, %arg2: memref<20000x128xf32, #tpu.memory_space<hbm>>, %arg3: memref<320000xi32, #tpu.memory_space<hbm>>, %arg4: memref<320000xi32, #tpu.memory_space<hbm>>, %arg5: memref<640000x128xf32, #tpu.memory_space<hbm>>, %arg6: memref<80xi32, #tpu.memory_space<vmem>>, %arg7: memref<80xi32, #tpu.memory_space<vmem>>, %arg8: memref<80x128xf32, #tpu.memory_space<vmem>>, %arg9: memref<80x128xf32, #tpu.memory_space<vmem>>, %arg10: memref<80xi32, #tpu.memory_space<vmem>>, %arg11: memref<80xi32, #tpu.memory_space<vmem>>, %arg12: memref<80x128xf32, #tpu.memory_space<vmem>>, %arg13: memref<80x128xf32, #tpu.memory_space<vmem>>, %arg14: memref<!tpu.dma_semaphore, #tpu.memory_space<semaphore_mem>>, %arg15: memref<!tpu.dma_semaphore, #tpu.memory_space<semaphore_mem>>, %arg16: memref<!tpu.dma_semaphore, #tpu.memory_space<semaphore_mem>>, %arg17: memref<!tpu.dma_semaphore, #tpu.memory_space<semaphore_mem>>) attributes {dimension_semantics = [#tpu.dimension_semantics<core_parallel>, #tpu.dimension_semantics<subcore_parallel>], iteration_bounds = array<i64: 2, 16>, scalar_prefetch = 0 : i64, scratch_operands = 12 : i64, tpu.core_type = #tpu.core_type<sc_vector_subcore>, window_params = [{transform_indices = #map}, {transform_indices = #map1}, {transform_indices = #map1}, {transform_indices = #map}]} {
    %mul3A = arith.constant 10000 : i32
    %mul3A_0 = arith.muli %arg0, %mul3A : i32
    %mul3A_1 = arith.constant 20000 : i32
    %mul3A_2 = arith.muli %arg1, %mul3A_1 : i32
    %add3A = arith.constant 0 : i32
    %add3A_3 = arith.addi %mul3A_2, %add3A : i32
    "tpu.region"() ({
      %run_scoped3A = tpu.sem_alloc : memref<!tpu.dma_semaphore, #tpu.memory_space<semaphore_mem>>
      %dma_start3A_103 = tpu.memref_slice %arg3[%add3A_3] : memref<320000xi32, #tpu.memory_space<hbm>> -> memref<80xi32, #tpu.memory_space<hbm>>
      %dma_start3A_104 = tpu.memref_slice %arg3[%add3A_3] : memref<320000xi32, #tpu.memory_space<hbm>> -> memref<80xi32, #tpu.memory_space<hbm>>
      tpu.enqueue_dma source(%dma_start3A_104 : memref<80xi32, #tpu.memory_space<hbm>>) target(%arg6 : memref<80xi32, #tpu.memory_space<vmem>>) target_semaphore(%run_scoped3A : memref<!tpu.dma_semaphore, #tpu.memory_space<semaphore_mem>>)
      %dma_wait3A = tpu.memref_slice %arg3[%add3A_3] : memref<320000xi32, #tpu.memory_space<hbm>> -> memref<80xi32, #tpu.memory_space<hbm>>
      %dma_wait3A_105 = tpu.memref_slice %arg3[%add3A_3] : memref<320000xi32, #tpu.memory_space<hbm>> -> memref<80xi32, #tpu.memory_space<hbm>>
      tpu.wait_dma2 semaphore(%run_scoped3A : memref<!tpu.dma_semaphore, #tpu.memory_space<semaphore_mem>>) src(%dma_wait3A_105 : memref<80xi32, #tpu.memory_space<hbm>>) dst(%arg6 : memref<80xi32, #tpu.memory_space<vmem>>)
      tpu.yield
    }) : () -> ()
    "tpu.region"() ({
      %run_scoped3A = tpu.sem_alloc : memref<!tpu.dma_semaphore, #tpu.memory_space<semaphore_mem>>
      %dma_start3A_103 = tpu.memref_slice %arg4[%add3A_3] : memref<320000xi32, #tpu.memory_space<hbm>> -> memref<80xi32, #tpu.memory_space<hbm>>
      %dma_start3A_104 = tpu.memref_slice %arg4[%add3A_3] : memref<320000xi32, #tpu.memory_space<hbm>> -> memref<80xi32, #tpu.memory_space<hbm>>
      tpu.enqueue_dma source(%dma_start3A_104 : memref<80xi32, #tpu.memory_space<hbm>>) target(%arg7 : memref<80xi32, #tpu.memory_space<vmem>>) target_semaphore(%run_scoped3A : memref<!tpu.dma_semaphore, #tpu.memory_space<semaphore_mem>>)
      %dma_wait3A = tpu.memref_slice %arg4[%add3A_3] : memref<320000xi32, #tpu.memory_space<hbm>> -> memref<80xi32, #tpu.memory_space<hbm>>
      %dma_wait3A_105 = tpu.memref_slice %arg4[%add3A_3] : memref<320000xi32, #tpu.memory_space<hbm>> -> memref<80xi32, #tpu.memory_space<hbm>>
      tpu.wait_dma2 semaphore(%run_scoped3A : memref<!tpu.dma_semaphore, #tpu.memory_space<semaphore_mem>>) src(%dma_wait3A_105 : memref<80xi32, #tpu.memory_space<hbm>>) dst(%arg7 : memref<80xi32, #tpu.memory_space<vmem>>)
      tpu.yield
    }) : () -> ()
    %get3A = arith.constant 0 : index
    %get3A_4 = tpu.vector_load %arg6[%get3A] {strides = array<i32>} : memref<80xi32, #tpu.memory_space<vmem>>, vector<16xi32>,
    %get3A_5 = vector.shape_cast %get3A_4 : vector<16xi32> to vector<16xi32>
    %add3A_6 = vector.broadcast %mul3A_0 : i32 to vector<16xi32>
    %add3A_7 = arith.addi %get3A_5, %add3A_6 : vector<16xi32>
    %swap3A = arith.constant 0 : index
    %swap3A_8 = tpu.vector_load %arg6[%swap3A] {strides = array<i32>} : memref<80xi32, #tpu.memory_space<vmem>>, vector<16xi32>,
    %swap3A_9 = vector.shape_cast %swap3A_8 : vector<16xi32> to vector<16xi32>
    %swap3A_10 = vector.shape_cast %add3A_7 : vector<16xi32> to vector<16xi32>
    tpu.vector_store %arg6[%swap3A], %swap3A_10 {strides = array<i32>} : memref<80xi32, #tpu.memory_space<vmem>>, vector<16xi32>,
    %get3A_11 = arith.constant 0 : index
    %get3A_12 = tpu.vector_load %arg7[%get3A_11] {strides = array<i32>} : memref<80xi32, #tpu.memory_space<vmem>>, vector<16xi32>,
    %get3A_13 = vector.shape_cast %get3A_12 : vector<16xi32> to vector<16xi32>
    %add3A_14 = vector.broadcast %mul3A_0 : i32 to vector<16xi32>
    %add3A_15 = arith.addi %get3A_13, %add3A_14 : vector<16xi32>
    %swap3A_16 = arith.constant 0 : index
    %swap3A_17 = tpu.vector_load %arg7[%swap3A_16] {strides = array<i32>} : memref<80xi32, #tpu.memory_space<vmem>>, vector<16xi32>,
    %swap3A_18 = vector.shape_cast %swap3A_17 : vector<16xi32> to vector<16xi32>
    %swap3A_19 = vector.shape_cast %add3A_15 : vector<16xi32> to vector<16xi32>
    tpu.vector_store %arg7[%swap3A_16], %swap3A_19 {strides = array<i32>} : memref<80xi32, #tpu.memory_space<vmem>>, vector<16xi32>,
    %get3A_20 = arith.constant 16 : index
    %get3A_21 = tpu.vector_load %arg6[%get3A_20] {strides = array<i32>} : memref<80xi32, #tpu.memory_space<vmem>>, vector<16xi32>,
    %get3A_22 = vector.shape_cast %get3A_21 : vector<16xi32> to vector<16xi32>
    %add3A_23 = vector.broadcast %mul3A_0 : i32 to vector<16xi32>
    %add3A_24 = arith.addi %get3A_22, %add3A_23 : vector<16xi32>
    %swap3A_25 = arith.constant 16 : index
    %swap3A_26 = tpu.vector_load %arg6[%swap3A_25] {strides = array<i32>} : memref<80xi32, #tpu.memory_space<vmem>>, vector<16xi32>,
    %swap3A_27 = vector.shape_cast %swap3A_26 : vector<16xi32> to vector<16xi32>
    %swap3A_28 = vector.shape_cast %add3A_24 : vector<16xi32> to vector<16xi32>
    tpu.vector_store %arg6[%swap3A_25], %swap3A_28 {strides = array<i32>} : memref<80xi32, #tpu.memory_space<vmem>>, vector<16xi32>,
    %get3A_29 = arith.constant 16 : index
    %get3A_30 = tpu.vector_load %arg7[%get3A_29] {strides = array<i32>} : memref<80xi32, #tpu.memory_space<vmem>>, vector<16xi32>,
    %get3A_31 = vector.shape_cast %get3A_30 : vector<16xi32> to vector<16xi32>
    %add3A_32 = vector.broadcast %mul3A_0 : i32 to vector<16xi32>
    %add3A_33 = arith.addi %get3A_31, %add3A_32 : vector<16xi32>
    %swap3A_34 = arith.constant 16 : index
    %swap3A_35 = tpu.vector_load %arg7[%swap3A_34] {strides = array<i32>} : memref<80xi32, #tpu.memory_space<vmem>>, vector<16xi32>,
    %swap3A_36 = vector.shape_cast %swap3A_35 : vector<16xi32> to vector<16xi32>
    %swap3A_37 = vector.shape_cast %add3A_33 : vector<16xi32> to vector<16xi32>
    tpu.vector_store %arg7[%swap3A_34], %swap3A_37 {strides = array<i32>} : memref<80xi32, #tpu.memory_space<vmem>>, vector<16xi32>,
    %get3A_38 = arith.constant 32 : index
    %get3A_39 = tpu.vector_load %arg6[%get3A_38] {strides = array<i32>} : memref<80xi32, #tpu.memory_space<vmem>>, vector<16xi32>,
    %get3A_40 = vector.shape_cast %get3A_39 : vector<16xi32> to vector<16xi32>
    %add3A_41 = vector.broadcast %mul3A_0 : i32 to vector<16xi32>
    %add3A_42 = arith.addi %get3A_40, %add3A_41 : vector<16xi32>
    %swap3A_43 = arith.constant 32 : index
    %swap3A_44 = tpu.vector_load %arg6[%swap3A_43] {strides = array<i32>} : memref<80xi32, #tpu.memory_space<vmem>>, vector<16xi32>,
    %swap3A_45 = vector.shape_cast %swap3A_44 : vector<16xi32> to vector<16xi32>
    %swap3A_46 = vector.shape_cast %add3A_42 : vector<16xi32> to vector<16xi32>
    tpu.vector_store %arg6[%swap3A_43], %swap3A_46 {strides = array<i32>} : memref<80xi32, #tpu.memory_space<vmem>>, vector<16xi32>,
    %get3A_47 = arith.constant 32 : index
    %get3A_48 = tpu.vector_load %arg7[%get3A_47] {strides = array<i32>} : memref<80xi32, #tpu.memory_space<vmem>>, vector<16xi32>,
    %get3A_49 = vector.shape_cast %get3A_48 : vector<16xi32> to vector<16xi32>
    %add3A_50 = vector.broadcast %mul3A_0 : i32 to vector<16xi32>
    %add3A_51 = arith.addi %get3A_49, %add3A_50 : vector<16xi32>
    %swap3A_52 = arith.constant 32 : index
    %swap3A_53 = tpu.vector_load %arg7[%swap3A_52] {strides = array<i32>} : memref<80xi32, #tpu.memory_space<vmem>>, vector<16xi32>,
    %swap3A_54 = vector.shape_cast %swap3A_53 : vector<16xi32> to vector<16xi32>
    %swap3A_55 = vector.shape_cast %add3A_51 : vector<16xi32> to vector<16xi32>
    tpu.vector_store %arg7[%swap3A_52], %swap3A_55 {strides = array<i32>} : memref<80xi32, #tpu.memory_space<vmem>>, vector<16xi32>,
    %get3A_56 = arith.constant 48 : index
    %get3A_57 = tpu.vector_load %arg6[%get3A_56] {strides = array<i32>} : memref<80xi32, #tpu.memory_space<vmem>>, vector<16xi32>,
    %get3A_58 = vector.shape_cast %get3A_57 : vector<16xi32> to vector<16xi32>
    %add3A_59 = vector.broadcast %mul3A_0 : i32 to vector<16xi32>
    %add3A_60 = arith.addi %get3A_58, %add3A_59 : vector<16xi32>
    %swap3A_61 = arith.constant 48 : index
    %swap3A_62 = tpu.vector_load %arg6[%swap3A_61] {strides = array<i32>} : memref<80xi32, #tpu.memory_space<vmem>>, vector<16xi32>,
    %swap3A_63 = vector.shape_cast %swap3A_62 : vector<16xi32> to vector<16xi32>
    %swap3A_64 = vector.shape_cast %add3A_60 : vector<16xi32> to vector<16xi32>
    tpu.vector_store %arg6[%swap3A_61], %swap3A_64 {strides = array<i32>} : memref<80xi32, #tpu.memory_space<vmem>>, vector<16xi32>,
    %get3A_65 = arith.constant 48 : index
    %get3A_66 = tpu.vector_load %arg7[%get3A_65] {strides = array<i32>} : memref<80xi32, #tpu.memory_space<vmem>>, vector<16xi32>,
    %get3A_67 = vector.shape_cast %get3A_66 : vector<16xi32> to vector<16xi32>
    %add3A_68 = vector.broadcast %mul3A_0 : i32 to vector<16xi32>
    %add3A_69 = arith.addi %get3A_67, %add3A_68 : vector<16xi32>
    %swap3A_70 = arith.constant 48 : index
    %swap3A_71 = tpu.vector_load %arg7[%swap3A_70] {strides = array<i32>} : memref<80xi32, #tpu.memory_space<vmem>>, vector<16xi32>,
    %swap3A_72 = vector.shape_cast %swap3A_71 : vector<16xi32> to vector<16xi32>
    %swap3A_73 = vector.shape_cast %add3A_69 : vector<16xi32> to vector<16xi32>
    tpu.vector_store %arg7[%swap3A_70], %swap3A_73 {strides = array<i32>} : memref<80xi32, #tpu.memory_space<vmem>>, vector<16xi32>,
    %get3A_74 = arith.constant 64 : index
    %get3A_75 = tpu.vector_load %arg6[%get3A_74] {strides = array<i32>} : memref<80xi32, #tpu.memory_space<vmem>>, vector<16xi32>,
    %get3A_76 = vector.shape_cast %get3A_75 : vector<16xi32> to vector<16xi32>
    %add3A_77 = vector.broadcast %mul3A_0 : i32 to vector<16xi32>
    %add3A_78 = arith.addi %get3A_76, %add3A_77 : vector<16xi32>
    %swap3A_79 = arith.constant 64 : index
    %swap3A_80 = tpu.vector_load %arg6[%swap3A_79] {strides = array<i32>} : memref<80xi32, #tpu.memory_space<vmem>>, vector<16xi32>,
    %swap3A_81 = vector.shape_cast %swap3A_80 : vector<16xi32> to vector<16xi32>
    %swap3A_82 = vector.shape_cast %add3A_78 : vector<16xi32> to vector<16xi32>
    tpu.vector_store %arg6[%swap3A_79], %swap3A_82 {strides = array<i32>} : memref<80xi32, #tpu.memory_space<vmem>>, vector<16xi32>,
    %get3A_83 = arith.constant 64 : index
    %get3A_84 = tpu.vector_load %arg7[%get3A_83] {strides = array<i32>} : memref<80xi32, #tpu.memory_space<vmem>>, vector<16xi32>,
    %get3A_85 = vector.shape_cast %get3A_84 : vector<16xi32> to vector<16xi32>
    %add3A_86 = vector.broadcast %mul3A_0 : i32 to vector<16xi32>
    %add3A_87 = arith.addi %get3A_85, %add3A_86 : vector<16xi32>
    %swap3A_88 = arith.constant 64 : index
    %swap3A_89 = tpu.vector_load %arg7[%swap3A_88] {strides = array<i32>} : memref<80xi32, #tpu.memory_space<vmem>>, vector<16xi32>,
    %swap3A_90 = vector.shape_cast %swap3A_89 : vector<16xi32> to vector<16xi32>
    %swap3A_91 = vector.shape_cast %add3A_87 : vector<16xi32> to vector<16xi32>
    tpu.vector_store %arg7[%swap3A_88], %swap3A_91 {strides = array<i32>} : memref<80xi32, #tpu.memory_space<vmem>>, vector<16xi32>,
    %dma_start3A = arith.constant 0 : i32
    %dma_start3A_92 = arith.constant 0 : i32
    %dma_start3A_93 = tpu.memref_slice %arg2[%dma_start3A, %dma_start3A_92] : memref<20000x128xf32, #tpu.memory_space<hbm>> -> memref<20000x128xf32, #tpu.memory_space<hbm>>
    tpu.enqueue_indirect_dma source(%dma_start3A_93 : memref<20000x128xf32, #tpu.memory_space<hbm>>) target(%arg8 : memref<80x128xf32, #tpu.memory_space<vmem>>) offsets(%arg6 : memref<80xi32, #tpu.memory_space<vmem>>) semaphore(%arg14 : memref<!tpu.dma_semaphore, #tpu.memory_space<semaphore_mem>>)
    %dma_start3A_94 = arith.constant 0 : i32
    %dma_start3A_95 = arith.constant 0 : i32
    %dma_start3A_96 = tpu.memref_slice %arg2[%dma_start3A_94, %dma_start3A_95] : memref<20000x128xf32, #tpu.memory_space<hbm>> -> memref<20000x128xf32, #tpu.memory_space<hbm>>
    tpu.enqueue_indirect_dma source(%dma_start3A_96 : memref<20000x128xf32, #tpu.memory_space<hbm>>) target(%arg9 : memref<80x128xf32, #tpu.memory_space<vmem>>) offsets(%arg7 : memref<80xi32, #tpu.memory_space<vmem>>) semaphore(%arg15 : memref<!tpu.dma_semaphore, #tpu.memory_space<semaphore_mem>>)
    %scan3A = arith.constant 0 : i32
    %scan3A_97 = arith.constant 0 : i32
    %scan3A_98 = arith.constant 125 : i32
    %scan3A_99 = arith.addi %scan3A_97, %scan3A_98 : i32
    %scan3A_100 = arith.constant 1 : i32
    %scan3A_101 = scf.for %scan3A_103 = %scan3A_97 to %scan3A_99 step %scan3A_100 iter_args(%scan3A_104 = %scan3A) -> (i32)  : i32 {
      %mul3A_105 = arith.constant 2 : i32
      %mul3A_106 = arith.muli %mul3A_105, %scan3A_103 : i32
      %add3A_107 = arith.constant 1 : i32
      %add3A_108 = arith.addi %mul3A_106, %add3A_107 : i32
      %mul3A_109 = arith.constant 20000 : i32
      %mul3A_110 = arith.muli %arg1, %mul3A_109 : i32
      %mul3A_111 = arith.constant 80 : i32
      %mul3A_112 = arith.muli %add3A_108, %mul3A_111 : i32
      %add3A_113 = arith.addi %mul3A_110, %mul3A_112 : i32
      "tpu.region"() ({
        %run_scoped3A = tpu.sem_alloc : memref<!tpu.dma_semaphore, #tpu.memory_space<semaphore_mem>>
        %dma_start3A_258 = tpu.memref_slice %arg3[%add3A_113] : memref<320000xi32, #tpu.memory_space<hbm>> -> memref<80xi32, #tpu.memory_space<hbm>>
        %dma_start3A_259 = tpu.memref_slice %arg3[%add3A_113] : memref<320000xi32, #tpu.memory_space<hbm>> -> memref<80xi32, #tpu.memory_space<hbm>>
        tpu.enqueue_dma source(%dma_start3A_259 : memref<80xi32, #tpu.memory_space<hbm>>) target(%arg10 : memref<80xi32, #tpu.memory_space<vmem>>) target_semaphore(%run_scoped3A : memref<!tpu.dma_semaphore, #tpu.memory_space<semaphore_mem>>)
        %dma_wait3A_260 = tpu.memref_slice %arg3[%add3A_113] : memref<320000xi32, #tpu.memory_space<hbm>> -> memref<80xi32, #tpu.memory_space<hbm>>
        %dma_wait3A_261 = tpu.memref_slice %arg3[%add3A_113] : memref<320000xi32, #tpu.memory_space<hbm>> -> memref<80xi32, #tpu.memory_space<hbm>>
        tpu.wait_dma2 semaphore(%run_scoped3A : memref<!tpu.dma_semaphore, #tpu.memory_space<semaphore_mem>>) src(%dma_wait3A_261 : memref<80xi32, #tpu.memory_space<hbm>>) dst(%arg10 : memref<80xi32, #tpu.memory_space<vmem>>)
        tpu.yield
      }) : () -> ()
      "tpu.region"() ({
        %run_scoped3A = tpu.sem_alloc : memref<!tpu.dma_semaphore, #tpu.memory_space<semaphore_mem>>
        %dma_start3A_258 = tpu.memref_slice %arg4[%add3A_113] : memref<320000xi32, #tpu.memory_space<hbm>> -> memref<80xi32, #tpu.memory_space<hbm>>
        %dma_start3A_259 = tpu.memref_slice %arg4[%add3A_113] : memref<320000xi32, #tpu.memory_space<hbm>> -> memref<80xi32, #tpu.memory_space<hbm>>
        tpu.enqueue_dma source(%dma_start3A_259 : memref<80xi32, #tpu.memory_space<hbm>>) target(%arg11 : memref<80xi32, #tpu.memory_space<vmem>>) target_semaphore(%run_scoped3A : memref<!tpu.dma_semaphore, #tpu.memory_space<semaphore_mem>>)
        %dma_wait3A_260 = tpu.memref_slice %arg4[%add3A_113] : memref<320000xi32, #tpu.memory_space<hbm>> -> memref<80xi32, #tpu.memory_space<hbm>>
        %dma_wait3A_261 = tpu.memref_slice %arg4[%add3A_113] : memref<320000xi32, #tpu.memory_space<hbm>> -> memref<80xi32, #tpu.memory_space<hbm>>
        tpu.wait_dma2 semaphore(%run_scoped3A : memref<!tpu.dma_semaphore, #tpu.memory_space<semaphore_mem>>) src(%dma_wait3A_261 : memref<80xi32, #tpu.memory_space<hbm>>) dst(%arg11 : memref<80xi32, #tpu.memory_space<vmem>>)
        tpu.yield
      }) : () -> ()
      %get3A_114 = arith.constant 0 : index
      %get3A_115 = tpu.vector_load %arg10[%get3A_114] {strides = array<i32>} : memref<80xi32, #tpu.memory_space<vmem>>, vector<16xi32>,
      %get3A_116 = vector.shape_cast %get3A_115 : vector<16xi32> to vector<16xi32>
      %add3A_117 = vector.broadcast %mul3A_0 : i32 to vector<16xi32>
      %add3A_118 = arith.addi %get3A_116, %add3A_117 : vector<16xi32>
      %swap3A_119 = arith.constant 0 : index
      %swap3A_120 = tpu.vector_load %arg10[%swap3A_119] {strides = array<i32>} : memref<80xi32, #tpu.memory_space<vmem>>, vector<16xi32>,
      %swap3A_121 = vector.shape_cast %swap3A_120 : vector<16xi32> to vector<16xi32>
      %swap3A_122 = vector.shape_cast %add3A_118 : vector<16xi32> to vector<16xi32>
      tpu.vector_store %arg10[%swap3A_119], %swap3A_122 {strides = array<i32>} : memref<80xi32, #tpu.memory_space<vmem>>, vector<16xi32>,
      %get3A_123 = arith.constant 0 : index
      %get3A_124 = tpu.vector_load %arg11[%get3A_123] {strides = array<i32>} : memref<80xi32, #tpu.memory_space<vmem>>, vector<16xi32>,
      %get3A_125 = vector.shape_cast %get3A_124 : vector<16xi32> to vector<16xi32>
      %add3A_126 = vector.broadcast %mul3A_0 : i32 to vector<16xi32>
      %add3A_127 = arith.addi %get3A_125, %add3A_126 : vector<16xi32>
      %swap3A_128 = arith.constant 0 : index
      %swap3A_129 = tpu.vector_load %arg11[%swap3A_128] {strides = array<i32>} : memref<80xi32, #tpu.memory_space<vmem>>, vector<16xi32>,
      %swap3A_130 = vector.shape_cast %swap3A_129 : vector<16xi32> to vector<16xi32>
      %swap3A_131 = vector.shape_cast %add3A_127 : vector<16xi32> to vector<16xi32>
      tpu.vector_store %arg11[%swap3A_128], %swap3A_131 {strides = array<i32>} : memref<80xi32, #tpu.memory_space<vmem>>, vector<16xi32>,
      %get3A_132 = arith.constant 16 : index
      %get3A_133 = tpu.vector_load %arg10[%get3A_132] {strides = array<i32>} : memref<80xi32, #tpu.memory_space<vmem>>, vector<16xi32>,
      %get3A_134 = vector.shape_cast %get3A_133 : vector<16xi32> to vector<16xi32>
      %add3A_135 = vector.broadcast %mul3A_0 : i32 to vector<16xi32>
      %add3A_136 = arith.addi %get3A_134, %add3A_135 : vector<16xi32>
      %swap3A_137 = arith.constant 16 : index
      %swap3A_138 = tpu.vector_load %arg10[%swap3A_137] {strides = array<i32>} : memref<80xi32, #tpu.memory_space<vmem>>, vector<16xi32>,
      %swap3A_139 = vector.shape_cast %swap3A_138 : vector<16xi32> to vector<16xi32>
      %swap3A_140 = vector.shape_cast %add3A_136 : vector<16xi32> to vector<16xi32>
      tpu.vector_store %arg10[%swap3A_137], %swap3A_140 {strides = array<i32>} : memref<80xi32, #tpu.memory_space<vmem>>, vector<16xi32>,
      %get3A_141 = arith.constant 16 : index
      %get3A_142 = tpu.vector_load %arg11[%get3A_141] {strides = array<i32>} : memref<80xi32, #tpu.memory_space<vmem>>, vector<16xi32>,
      %get3A_143 = vector.shape_cast %get3A_142 : vector<16xi32> to vector<16xi32>
      %add3A_144 = vector.broadcast %mul3A_0 : i32 to vector<16xi32>
      %add3A_145 = arith.addi %get3A_143, %add3A_144 : vector<16xi32>
      %swap3A_146 = arith.constant 16 : index
      %swap3A_147 = tpu.vector_load %arg11[%swap3A_146] {strides = array<i32>} : memref<80xi32, #tpu.memory_space<vmem>>, vector<16xi32>,
      %swap3A_148 = vector.shape_cast %swap3A_147 : vector<16xi32> to vector<16xi32>
      %swap3A_149 = vector.shape_cast %add3A_145 : vector<16xi32> to vector<16xi32>
      tpu.vector_store %arg11[%swap3A_146], %swap3A_149 {strides = array<i32>} : memref<80xi32, #tpu.memory_space<vmem>>, vector<16xi32>,
      %get3A_150 = arith.constant 32 : index
      %get3A_151 = tpu.vector_load %arg10[%get3A_150] {strides = array<i32>} : memref<80xi32, #tpu.memory_space<vmem>>, vector<16xi32>,
      %get3A_152 = vector.shape_cast %get3A_151 : vector<16xi32> to vector<16xi32>
      %add3A_153 = vector.broadcast %mul3A_0 : i32 to vector<16xi32>
      %add3A_154 = arith.addi %get3A_152, %add3A_153 : vector<16xi32>
      %swap3A_155 = arith.constant 32 : index
      %swap3A_156 = tpu.vector_load %arg10[%swap3A_155] {strides = array<i32>} : memref<80xi32, #tpu.memory_space<vmem>>, vector<16xi32>,
      %swap3A_157 = vector.shape_cast %swap3A_156 : vector<16xi32> to vector<16xi32>
      %swap3A_158 = vector.shape_cast %add3A_154 : vector<16xi32> to vector<16xi32>
      tpu.vector_store %arg10[%swap3A_155], %swap3A_158 {strides = array<i32>} : memref<80xi32, #tpu.memory_space<vmem>>, vector<16xi32>,
      %get3A_159 = arith.constant 32 : index
      %get3A_160 = tpu.vector_load %arg11[%get3A_159] {strides = array<i32>} : memref<80xi32, #tpu.memory_space<vmem>>, vector<16xi32>,
      %get3A_161 = vector.shape_cast %get3A_160 : vector<16xi32> to vector<16xi32>
      %add3A_162 = vector.broadcast %mul3A_0 : i32 to vector<16xi32>
      %add3A_163 = arith.addi %get3A_161, %add3A_162 : vector<16xi32>
      %swap3A_164 = arith.constant 32 : index
      %swap3A_165 = tpu.vector_load %arg11[%swap3A_164] {strides = array<i32>} : memref<80xi32, #tpu.memory_space<vmem>>, vector<16xi32>,
      %swap3A_166 = vector.shape_cast %swap3A_165 : vector<16xi32> to vector<16xi32>
      %swap3A_167 = vector.shape_cast %add3A_163 : vector<16xi32> to vector<16xi32>
      tpu.vector_store %arg11[%swap3A_164], %swap3A_167 {strides = array<i32>} : memref<80xi32, #tpu.memory_space<vmem>>, vector<16xi32>,
      %get3A_168 = arith.constant 48 : index
      %get3A_169 = tpu.vector_load %arg10[%get3A_168] {strides = array<i32>} : memref<80xi32, #tpu.memory_space<vmem>>, vector<16xi32>,
      %get3A_170 = vector.shape_cast %get3A_169 : vector<16xi32> to vector<16xi32>
      %add3A_171 = vector.broadcast %mul3A_0 : i32 to vector<16xi32>
      %add3A_172 = arith.addi %get3A_170, %add3A_171 : vector<16xi32>
      %swap3A_173 = arith.constant 48 : index
      %swap3A_174 = tpu.vector_load %arg10[%swap3A_173] {strides = array<i32>} : memref<80xi32, #tpu.memory_space<vmem>>, vector<16xi32>,
      %swap3A_175 = vector.shape_cast %swap3A_174 : vector<16xi32> to vector<16xi32>
      %swap3A_176 = vector.shape_cast %add3A_172 : vector<16xi32> to vector<16xi32>
      tpu.vector_store %arg10[%swap3A_173], %swap3A_176 {strides = array<i32>} : memref<80xi32, #tpu.memory_space<vmem>>, vector<16xi32>,
      %get3A_177 = arith.constant 48 : index
      %get3A_178 = tpu.vector_load %arg11[%get3A_177] {strides = array<i32>} : memref<80xi32, #tpu.memory_space<vmem>>, vector<16xi32>,
      %get3A_179 = vector.shape_cast %get3A_178 : vector<16xi32> to vector<16xi32>
      %add3A_180 = vector.broadcast %mul3A_0 : i32 to vector<16xi32>
      %add3A_181 = arith.addi %get3A_179, %add3A_180 : vector<16xi32>
      %swap3A_182 = arith.constant 48 : index
      %swap3A_183 = tpu.vector_load %arg11[%swap3A_182] {strides = array<i32>} : memref<80xi32, #tpu.memory_space<vmem>>, vector<16xi32>,
      %swap3A_184 = vector.shape_cast %swap3A_183 : vector<16xi32> to vector<16xi32>
      %swap3A_185 = vector.shape_cast %add3A_181 : vector<16xi32> to vector<16xi32>
      tpu.vector_store %arg11[%swap3A_182], %swap3A_185 {strides = array<i32>} : memref<80xi32, #tpu.memory_space<vmem>>, vector<16xi32>,
      %get3A_186 = arith.constant 64 : index
      %get3A_187 = tpu.vector_load %arg10[%get3A_186] {strides = array<i32>} : memref<80xi32, #tpu.memory_space<vmem>>, vector<16xi32>,
      %get3A_188 = vector.shape_cast %get3A_187 : vector<16xi32> to vector<16xi32>
      %add3A_189 = vector.broadcast %mul3A_0 : i32 to vector<16xi32>
      %add3A_190 = arith.addi %get3A_188, %add3A_189 : vector<16xi32>
      %swap3A_191 = arith.constant 64 : index
      %swap3A_192 = tpu.vector_load %arg10[%swap3A_191] {strides = array<i32>} : memref<80xi32, #tpu.memory_space<vmem>>, vector<16xi32>,
      %swap3A_193 = vector.shape_cast %swap3A_192 : vector<16xi32> to vector<16xi32>
      %swap3A_194 = vector.shape_cast %add3A_190 : vector<16xi32> to vector<16xi32>
      tpu.vector_store %arg10[%swap3A_191], %swap3A_194 {strides = array<i32>} : memref<80xi32, #tpu.memory_space<vmem>>, vector<16xi32>,
      %get3A_195 = arith.constant 64 : index
      %get3A_196 = tpu.vector_load %arg11[%get3A_195] {strides = array<i32>} : memref<80xi32, #tpu.memory_space<vmem>>, vector<16xi32>,
      %get3A_197 = vector.shape_cast %get3A_196 : vector<16xi32> to vector<16xi32>
      %add3A_198 = vector.broadcast %mul3A_0 : i32 to vector<16xi32>
      %add3A_199 = arith.addi %get3A_197, %add3A_198 : vector<16xi32>
      %swap3A_200 = arith.constant 64 : index
      %swap3A_201 = tpu.vector_load %arg11[%swap3A_200] {strides = array<i32>} : memref<80xi32, #tpu.memory_space<vmem>>, vector<16xi32>,
      %swap3A_202 = vector.shape_cast %swap3A_201 : vector<16xi32> to vector<16xi32>
      %swap3A_203 = vector.shape_cast %add3A_199 : vector<16xi32> to vector<16xi32>
      tpu.vector_store %arg11[%swap3A_200], %swap3A_203 {strides = array<i32>} : memref<80xi32, #tpu.memory_space<vmem>>, vector<16xi32>,
      %dma_start3A_204 = arith.constant 0 : i32
      %dma_start3A_205 = arith.constant 0 : i32
      %dma_start3A_206 = tpu.memref_slice %arg2[%dma_start3A_204, %dma_start3A_205] : memref<20000x128xf32, #tpu.memory_space<hbm>> -> memref<20000x128xf32, #tpu.memory_space<hbm>>
      tpu.enqueue_indirect_dma source(%dma_start3A_206 : memref<20000x128xf32, #tpu.memory_space<hbm>>) target(%arg12 : memref<80x128xf32, #tpu.memory_space<vmem>>) offsets(%arg10 : memref<80xi32, #tpu.memory_space<vmem>>) semaphore(%arg16 : memref<!tpu.dma_semaphore, #tpu.memory_space<semaphore_mem>>)
      %dma_start3A_207 = arith.constant 0 : i32
      %dma_start3A_208 = arith.constant 0 : i32
      %dma_start3A_209 = tpu.memref_slice %arg2[%dma_start3A_207, %dma_start3A_208] : memref<20000x128xf32, #tpu.memory_space<hbm>> -> memref<20000x128xf32, #tpu.memory_space<hbm>>
      tpu.enqueue_indirect_dma source(%dma_start3A_209 : memref<20000x128xf32, #tpu.memory_space<hbm>>) target(%arg13 : memref<80x128xf32, #tpu.memory_space<vmem>>) offsets(%arg11 : memref<80xi32, #tpu.memory_space<vmem>>) semaphore(%arg17 : memref<!tpu.dma_semaphore, #tpu.memory_space<semaphore_mem>>)
      %dma_wait3A = arith.constant 0 : i32
      %dma_wait3A_210 = arith.constant 0 : i32
      %dma_wait3A_211 = tpu.memref_slice %arg2[%dma_wait3A, %dma_wait3A_210] : memref<20000x128xf32, #tpu.memory_space<hbm>> -> memref<20000x128xf32, #tpu.memory_space<hbm>>
      tpu.wait_indirect_dma semaphore(%arg14 : memref<!tpu.dma_semaphore, #tpu.memory_space<semaphore_mem>>) src(%dma_wait3A_211 : memref<20000x128xf32, #tpu.memory_space<hbm>>) dst(%arg8 : memref<80x128xf32, #tpu.memory_space<vmem>>)
      %dma_wait3A_212 = arith.constant 0 : i32
      %dma_wait3A_213 = arith.constant 0 : i32
      %dma_wait3A_214 = tpu.memref_slice %arg2[%dma_wait3A_212, %dma_wait3A_213] : memref<20000x128xf32, #tpu.memory_space<hbm>> -> memref<20000x128xf32, #tpu.memory_space<hbm>>
      tpu.wait_indirect_dma semaphore(%arg15 : memref<!tpu.dma_semaphore, #tpu.memory_space<semaphore_mem>>) src(%dma_wait3A_214 : memref<20000x128xf32, #tpu.memory_space<hbm>>) dst(%arg9 : memref<80x128xf32, #tpu.memory_space<vmem>>)
      %scan3A_215 = arith.constant 0 : i32
      %scan3A_216 = arith.constant 0 : i32
      %scan3A_217 = arith.constant 80 : i32
      %scan3A_218 = arith.addi %scan3A_216, %scan3A_217 : i32
      %scan3A_219 = arith.constant 1 : i32
      %scan3A_220 = scf.for %scan3A_258 = %scan3A_216 to %scan3A_218 step %scan3A_219 iter_args(%scan3A_259 = %scan3A_215) -> (i32)  : i32 {
        %get3A_260 = arith.index_cast %scan3A_258 : i32 to index
        %get3A_261 = arith.constant 0 : index
        %get3A_262 = tpu.vector_load %arg8[%get3A_260, %get3A_261] {strides = array<i32>} : memref<80x128xf32, #tpu.memory_space<vmem>>, vector<1x16xf32>,
        %get3A_263 = vector.shape_cast %get3A_262 : vector<1x16xf32> to vector<16xf32>
        %get3A_264 = arith.index_cast %scan3A_258 : i32 to index
        %get3A_265 = arith.constant 0 : index
        %get3A_266 = tpu.vector_load %arg9[%get3A_264, %get3A_265] {strides = array<i32>} : memref<80x128xf32, #tpu.memory_space<vmem>>, vector<1x16xf32>,
        %get3A_267 = vector.shape_cast %get3A_266 : vector<1x16xf32> to vector<16xf32>
        %add3A_268 = arith.addf %get3A_263, %get3A_267 : vector<16xf32>
        %swap3A_269 = arith.index_cast %scan3A_258 : i32 to index
        %swap3A_270 = arith.constant 0 : index
        %swap3A_271 = tpu.vector_load %arg8[%swap3A_269, %swap3A_270] {strides = array<i32>} : memref<80x128xf32, #tpu.memory_space<vmem>>, vector<1x16xf32>,
        %swap3A_272 = vector.shape_cast %swap3A_271 : vector<1x16xf32> to vector<16xf32>
        %swap3A_273 = vector.shape_cast %add3A_268 : vector<16xf32> to vector<1x16xf32>
        tpu.vector_store %arg8[%swap3A_269, %swap3A_270], %swap3A_273 {strides = array<i32>} : memref<80x128xf32, #tpu.memory_space<vmem>>, vector<1x16xf32>,
        %get3A_274 = arith.index_cast %scan3A_258 : i32 to index
        %get3A_275 = arith.constant 16 : index
        %get3A_276 = tpu.vector_load %arg8[%get3A_274, %get3A_275] {strides = array<i32>} : memref<80x128xf32, #tpu.memory_space<vmem>>, vector<1x16xf32>,
        %get3A_277 = vector.shape_cast %get3A_276 : vector<1x16xf32> to vector<16xf32>
        %get3A_278 = arith.index_cast %scan3A_258 : i32 to index
        %get3A_279 = arith.constant 16 : index
        %get3A_280 = tpu.vector_load %arg9[%get3A_278, %get3A_279] {strides = array<i32>} : memref<80x128xf32, #tpu.memory_space<vmem>>, vector<1x16xf32>,
        %get3A_281 = vector.shape_cast %get3A_280 : vector<1x16xf32> to vector<16xf32>
        %add3A_282 = arith.addf %get3A_277, %get3A_281 : vector<16xf32>
        %swap3A_283 = arith.index_cast %scan3A_258 : i32 to index
        %swap3A_284 = arith.constant 16 : index
        %swap3A_285 = tpu.vector_load %arg8[%swap3A_283, %swap3A_284] {strides = array<i32>} : memref<80x128xf32, #tpu.memory_space<vmem>>, vector<1x16xf32>,
        %swap3A_286 = vector.shape_cast %swap3A_285 : vector<1x16xf32> to vector<16xf32>
        %swap3A_287 = vector.shape_cast %add3A_282 : vector<16xf32> to vector<1x16xf32>
        tpu.vector_store %arg8[%swap3A_283, %swap3A_284], %swap3A_287 {strides = array<i32>} : memref<80x128xf32, #tpu.memory_space<vmem>>, vector<1x16xf32>,
        %get3A_288 = arith.index_cast %scan3A_258 : i32 to index
        %get3A_289 = arith.constant 32 : index
        %get3A_290 = tpu.vector_load %arg8[%get3A_288, %get3A_289] {strides = array<i32>} : memref<80x128xf32, #tpu.memory_space<vmem>>, vector<1x16xf32>,
        %get3A_291 = vector.shape_cast %get3A_290 : vector<1x16xf32> to vector<16xf32>
        %get3A_292 = arith.index_cast %scan3A_258 : i32 to index
        %get3A_293 = arith.constant 32 : index
        %get3A_294 = tpu.vector_load %arg9[%get3A_292, %get3A_293] {strides = array<i32>} : memref<80x128xf32, #tpu.memory_space<vmem>>, vector<1x16xf32>,
        %get3A_295 = vector.shape_cast %get3A_294 : vector<1x16xf32> to vector<16xf32>
        %add3A_296 = arith.addf %get3A_291, %get3A_295 : vector<16xf32>
        %swap3A_297 = arith.index_cast %scan3A_258 : i32 to index
        %swap3A_298 = arith.constant 32 : index
        %swap3A_299 = tpu.vector_load %arg8[%swap3A_297, %swap3A_298] {strides = array<i32>} : memref<80x128xf32, #tpu.memory_space<vmem>>, vector<1x16xf32>,
        %swap3A_300 = vector.shape_cast %swap3A_299 : vector<1x16xf32> to vector<16xf32>
        %swap3A_301 = vector.shape_cast %add3A_296 : vector<16xf32> to vector<1x16xf32>
        tpu.vector_store %arg8[%swap3A_297, %swap3A_298], %swap3A_301 {strides = array<i32>} : memref<80x128xf32, #tpu.memory_space<vmem>>, vector<1x16xf32>,
        %get3A_302 = arith.index_cast %scan3A_258 : i32 to index
        %get3A_303 = arith.constant 48 : index
        %get3A_304 = tpu.vector_load %arg8[%get3A_302, %get3A_303] {strides = array<i32>} : memref<80x128xf32, #tpu.memory_space<vmem>>, vector<1x16xf32>,
        %get3A_305 = vector.shape_cast %get3A_304 : vector<1x16xf32> to vector<16xf32>
        %get3A_306 = arith.index_cast %scan3A_258 : i32 to index
        %get3A_307 = arith.constant 48 : index
        %get3A_308 = tpu.vector_load %arg9[%get3A_306, %get3A_307] {strides = array<i32>} : memref<80x128xf32, #tpu.memory_space<vmem>>, vector<1x16xf32>,
        %get3A_309 = vector.shape_cast %get3A_308 : vector<1x16xf32> to vector<16xf32>
        %add3A_310 = arith.addf %get3A_305, %get3A_309 : vector<16xf32>
        %swap3A_311 = arith.index_cast %scan3A_258 : i32 to index
        %swap3A_312 = arith.constant 48 : index
        %swap3A_313 = tpu.vector_load %arg8[%swap3A_311, %swap3A_312] {strides = array<i32>} : memref<80x128xf32, #tpu.memory_space<vmem>>, vector<1x16xf32>,
        %swap3A_314 = vector.shape_cast %swap3A_313 : vector<1x16xf32> to vector<16xf32>
        %swap3A_315 = vector.shape_cast %add3A_310 : vector<16xf32> to vector<1x16xf32>
        tpu.vector_store %arg8[%swap3A_311, %swap3A_312], %swap3A_315 {strides = array<i32>} : memref<80x128xf32, #tpu.memory_space<vmem>>, vector<1x16xf32>,
        %get3A_316 = arith.index_cast %scan3A_258 : i32 to index
        %get3A_317 = arith.constant 64 : index
        %get3A_318 = tpu.vector_load %arg8[%get3A_316, %get3A_317] {strides = array<i32>} : memref<80x128xf32, #tpu.memory_space<vmem>>, vector<1x16xf32>,
        %get3A_319 = vector.shape_cast %get3A_318 : vector<1x16xf32> to vector<16xf32>
        %get3A_320 = arith.index_cast %scan3A_258 : i32 to index
        %get3A_321 = arith.constant 64 : index
        %get3A_322 = tpu.vector_load %arg9[%get3A_320, %get3A_321] {strides = array<i32>} : memref<80x128xf32, #tpu.memory_space<vmem>>, vector<1x16xf32>,
        %get3A_323 = vector.shape_cast %get3A_322 : vector<1x16xf32> to vector<16xf32>
        %add3A_324 = arith.addf %get3A_319, %get3A_323 : vector<16xf32>
        %swap3A_325 = arith.index_cast %scan3A_258 : i32 to index
        %swap3A_326 = arith.constant 64 : index
        %swap3A_327 = tpu.vector_load %arg8[%swap3A_325, %swap3A_326] {strides = array<i32>} : memref<80x128xf32, #tpu.memory_space<vmem>>, vector<1x16xf32>,
        %swap3A_328 = vector.shape_cast %swap3A_327 : vector<1x16xf32> to vector<16xf32>
        %swap3A_329 = vector.shape_cast %add3A_324 : vector<16xf32> to vector<1x16xf32>
        tpu.vector_store %arg8[%swap3A_325, %swap3A_326], %swap3A_329 {strides = array<i32>} : memref<80x128xf32, #tpu.memory_space<vmem>>, vector<1x16xf32>,
        %get3A_330 = arith.index_cast %scan3A_258 : i32 to index
        %get3A_331 = arith.constant 80 : index
        %get3A_332 = tpu.vector_load %arg8[%get3A_330, %get3A_331] {strides = array<i32>} : memref<80x128xf32, #tpu.memory_space<vmem>>, vector<1x16xf32>,
        %get3A_333 = vector.shape_cast %get3A_332 : vector<1x16xf32> to vector<16xf32>
        %get3A_334 = arith.index_cast %scan3A_258 : i32 to index
        %get3A_335 = arith.constant 80 : index
        %get3A_336 = tpu.vector_load %arg9[%get3A_334, %get3A_335] {strides = array<i32>} : memref<80x128xf32, #tpu.memory_space<vmem>>, vector<1x16xf32>,
        %get3A_337 = vector.shape_cast %get3A_336 : vector<1x16xf32> to vector<16xf32>
        %add3A_338 = arith.addf %get3A_333, %get3A_337 : vector<16xf32>
        %swap3A_339 = arith.index_cast %scan3A_258 : i32 to index
        %swap3A_340 = arith.constant 80 : index
        %swap3A_341 = tpu.vector_load %arg8[%swap3A_339, %swap3A_340] {strides = array<i32>} : memref<80x128xf32, #tpu.memory_space<vmem>>, vector<1x16xf32>,
        %swap3A_342 = vector.shape_cast %swap3A_341 : vector<1x16xf32> to vector<16xf32>
        %swap3A_343 = vector.shape_cast %add3A_338 : vector<16xf32> to vector<1x16xf32>
        tpu.vector_store %arg8[%swap3A_339, %swap3A_340], %swap3A_343 {strides = array<i32>} : memref<80x128xf32, #tpu.memory_space<vmem>>, vector<1x16xf32>,
        %get3A_344 = arith.index_cast %scan3A_258 : i32 to index
        %get3A_345 = arith.constant 96 : index
        %get3A_346 = tpu.vector_load %arg8[%get3A_344, %get3A_345] {strides = array<i32>} : memref<80x128xf32, #tpu.memory_space<vmem>>, vector<1x16xf32>,
        %get3A_347 = vector.shape_cast %get3A_346 : vector<1x16xf32> to vector<16xf32>
        %get3A_348 = arith.index_cast %scan3A_258 : i32 to index
        %get3A_349 = arith.constant 96 : index
        %get3A_350 = tpu.vector_load %arg9[%get3A_348, %get3A_349] {strides = array<i32>} : memref<80x128xf32, #tpu.memory_space<vmem>>, vector<1x16xf32>,
        %get3A_351 = vector.shape_cast %get3A_350 : vector<1x16xf32> to vector<16xf32>
        %add3A_352 = arith.addf %get3A_347, %get3A_351 : vector<16xf32>
        %swap3A_353 = arith.index_cast %scan3A_258 : i32 to index
        %swap3A_354 = arith.constant 96 : index
        %swap3A_355 = tpu.vector_load %arg8[%swap3A_353, %swap3A_354] {strides = array<i32>} : memref<80x128xf32, #tpu.memory_space<vmem>>, vector<1x16xf32>,
        %swap3A_356 = vector.shape_cast %swap3A_355 : vector<1x16xf32> to vector<16xf32>
        %swap3A_357 = vector.shape_cast %add3A_352 : vector<16xf32> to vector<1x16xf32>
        tpu.vector_store %arg8[%swap3A_353, %swap3A_354], %swap3A_357 {strides = array<i32>} : memref<80x128xf32, #tpu.memory_space<vmem>>, vector<1x16xf32>,
        %get3A_358 = arith.index_cast %scan3A_258 : i32 to index
        %get3A_359 = arith.constant 112 : index
        %get3A_360 = tpu.vector_load %arg8[%get3A_358, %get3A_359] {strides = array<i32>} : memref<80x128xf32, #tpu.memory_space<vmem>>, vector<1x16xf32>,
        %get3A_361 = vector.shape_cast %get3A_360 : vector<1x16xf32> to vector<16xf32>
        %get3A_362 = arith.index_cast %scan3A_258 : i32 to index
        %get3A_363 = arith.constant 112 : index
        %get3A_364 = tpu.vector_load %arg9[%get3A_362, %get3A_363] {strides = array<i32>} : memref<80x128xf32, #tpu.memory_space<vmem>>, vector<1x16xf32>,
        %get3A_365 = vector.shape_cast %get3A_364 : vector<1x16xf32> to vector<16xf32>
        %add3A_366 = arith.addf %get3A_361, %get3A_365 : vector<16xf32>
        %swap3A_367 = arith.index_cast %scan3A_258 : i32 to index
        %swap3A_368 = arith.constant 112 : index
        %swap3A_369 = tpu.vector_load %arg8[%swap3A_367, %swap3A_368] {strides = array<i32>} : memref<80x128xf32, #tpu.memory_space<vmem>>, vector<1x16xf32>,
        %swap3A_370 = vector.shape_cast %swap3A_369 : vector<1x16xf32> to vector<16xf32>
        %swap3A_371 = vector.shape_cast %add3A_366 : vector<16xf32> to vector<1x16xf32>
        tpu.vector_store %arg8[%swap3A_367, %swap3A_368], %swap3A_371 {strides = array<i32>} : memref<80x128xf32, #tpu.memory_space<vmem>>, vector<1x16xf32>,
        %scan3A_372 = arith.constant 0 : i32
        scf.yield %scan3A_372 : i32
      }
      %scan3A_221 = arith.constant 80 : i32
      %mul3A_222 = arith.constant 20000 : i32
      %mul3A_223 = arith.muli %arg1, %mul3A_222 : i32
      %mul3A_224 = arith.constant 80 : i32
      %mul3A_225 = arith.muli %mul3A_106, %mul3A_224 : i32
      %add3A_226 = arith.addi %mul3A_223, %mul3A_225 : i32
      %mul3A_227 = arith.constant 320000 : i32
      %mul3A_228 = arith.muli %arg0, %mul3A_227 : i32
      %add3A_229 = arith.addi %mul3A_228, %add3A_226 : i32
      "tpu.region"() ({
        %run_scoped3A = tpu.sem_alloc : memref<!tpu.dma_semaphore, #tpu.memory_space<semaphore_mem>>
        %dma_start3A_258 = arith.constant 0 : i32
        %dma_start3A_259 = tpu.memref_slice %arg5[%add3A_229, %dma_start3A_258] : memref<640000x128xf32, #tpu.memory_space<hbm>> -> memref<80x128xf32, #tpu.memory_space<hbm>>
        %dma_start3A_260 = arith.constant 0 : i32
        %dma_start3A_261 = tpu.memref_slice %arg5[%add3A_229, %dma_start3A_260] : memref<640000x128xf32, #tpu.memory_space<hbm>> -> memref<80x128xf32, #tpu.memory_space<hbm>>
        tpu.enqueue_dma source(%arg8 : memref<80x128xf32, #tpu.memory_space<vmem>>) target(%dma_start3A_261 : memref<80x128xf32, #tpu.memory_space<hbm>>) target_semaphore(%run_scoped3A : memref<!tpu.dma_semaphore, #tpu.memory_space<semaphore_mem>>)
        %dma_wait3A_262 = arith.constant 0 : i32
        %dma_wait3A_263 = tpu.memref_slice %arg5[%add3A_229, %dma_wait3A_262] : memref<640000x128xf32, #tpu.memory_space<hbm>> -> memref<80x128xf32, #tpu.memory_space<hbm>>
        %dma_wait3A_264 = arith.constant 0 : i32
        %dma_wait3A_265 = tpu.memref_slice %arg5[%add3A_229, %dma_wait3A_264] : memref<640000x128xf32, #tpu.memory_space<hbm>> -> memref<80x128xf32, #tpu.memory_space<hbm>>
        tpu.wait_dma2 semaphore(%run_scoped3A : memref<!tpu.dma_semaphore, #tpu.memory_space<semaphore_mem>>) src(%arg8 : memref<80x128xf32, #tpu.memory_space<vmem>>) dst(%dma_wait3A_265 : memref<80x128xf32, #tpu.memory_space<hbm>>)
        tpu.yield
      }) : () -> ()
      %add3A_230 = arith.constant 2 : i32
      %add3A_231 = arith.addi %mul3A_106, %add3A_230 : i32
      %lt3A = arith.constant 250 : i32
      %lt3A_232 = arith.cmpi slt, %add3A_231, %lt3A : i32
      %convert_element_type3A = arith.extui %lt3A_232 : i1 to i32
      %cond3A = arith.constant 0 : i32
      %cond3A_233 = arith.cmpi ne, %convert_element_type3A, %cond3A : i32
      scf.if %cond3A_233 {
        %add3A_258 = arith.constant 2 : i32
        %add3A_259 = arith.addi %mul3A_106, %add3A_258 : i32
        %mul3A_260 = arith.constant 20000 : i32
        %mul3A_261 = arith.muli %arg1, %mul3A_260 : i32
        %mul3A_262 = arith.constant 80 : i32
        %mul3A_263 = arith.muli %add3A_259, %mul3A_262 : i32
        %add3A_264 = arith.addi %mul3A_261, %mul3A_263 : i32
        "tpu.region"() ({
          %run_scoped3A = tpu.sem_alloc : memref<!tpu.dma_semaphore, #tpu.memory_space<semaphore_mem>>
          %dma_start3A_361 = tpu.memref_slice %arg3[%add3A_264] : memref<320000xi32, #tpu.memory_space<hbm>> -> memref<80xi32, #tpu.memory_space<hbm>>
          %dma_start3A_362 = tpu.memref_slice %arg3[%add3A_264] : memref<320000xi32, #tpu.memory_space<hbm>> -> memref<80xi32, #tpu.memory_space<hbm>>
          tpu.enqueue_dma source(%dma_start3A_362 : memref<80xi32, #tpu.memory_space<hbm>>) target(%arg6 : memref<80xi32, #tpu.memory_space<vmem>>) target_semaphore(%run_scoped3A : memref<!tpu.dma_semaphore, #tpu.memory_space<semaphore_mem>>)
          %dma_wait3A_363 = tpu.memref_slice %arg3[%add3A_264] : memref<320000xi32, #tpu.memory_space<hbm>> -> memref<80xi32, #tpu.memory_space<hbm>>
          %dma_wait3A_364 = tpu.memref_slice %arg3[%add3A_264] : memref<320000xi32, #tpu.memory_space<hbm>> -> memref<80xi32, #tpu.memory_space<hbm>>
          tpu.wait_dma2 semaphore(%run_scoped3A : memref<!tpu.dma_semaphore, #tpu.memory_space<semaphore_mem>>) src(%dma_wait3A_364 : memref<80xi32, #tpu.memory_space<hbm>>) dst(%arg6 : memref<80xi32, #tpu.memory_space<vmem>>)
          tpu.yield
        }) : () -> ()
        "tpu.region"() ({
          %run_scoped3A = tpu.sem_alloc : memref<!tpu.dma_semaphore, #tpu.memory_space<semaphore_mem>>
          %dma_start3A_361 = tpu.memref_slice %arg4[%add3A_264] : memref<320000xi32, #tpu.memory_space<hbm>> -> memref<80xi32, #tpu.memory_space<hbm>>
          %dma_start3A_362 = tpu.memref_slice %arg4[%add3A_264] : memref<320000xi32, #tpu.memory_space<hbm>> -> memref<80xi32, #tpu.memory_space<hbm>>
          tpu.enqueue_dma source(%dma_start3A_362 : memref<80xi32, #tpu.memory_space<hbm>>) target(%arg7 : memref<80xi32, #tpu.memory_space<vmem>>) target_semaphore(%run_scoped3A : memref<!tpu.dma_semaphore, #tpu.memory_space<semaphore_mem>>)
          %dma_wait3A_363 = tpu.memref_slice %arg4[%add3A_264] : memref<320000xi32, #tpu.memory_space<hbm>> -> memref<80xi32, #tpu.memory_space<hbm>>
          %dma_wait3A_364 = tpu.memref_slice %arg4[%add3A_264] : memref<320000xi32, #tpu.memory_space<hbm>> -> memref<80xi32, #tpu.memory_space<hbm>>
          tpu.wait_dma2 semaphore(%run_scoped3A : memref<!tpu.dma_semaphore, #tpu.memory_space<semaphore_mem>>) src(%dma_wait3A_364 : memref<80xi32, #tpu.memory_space<hbm>>) dst(%arg7 : memref<80xi32, #tpu.memory_space<vmem>>)
          tpu.yield
        }) : () -> ()
        %get3A_265 = arith.constant 0 : index
        %get3A_266 = tpu.vector_load %arg6[%get3A_265] {strides = array<i32>} : memref<80xi32, #tpu.memory_space<vmem>>, vector<16xi32>,
        %get3A_267 = vector.shape_cast %get3A_266 : vector<16xi32> to vector<16xi32>
        %add3A_268 = vector.broadcast %mul3A_0 : i32 to vector<16xi32>
        %add3A_269 = arith.addi %get3A_267, %add3A_268 : vector<16xi32>
        %swap3A_270 = arith.constant 0 : index
        %swap3A_271 = tpu.vector_load %arg6[%swap3A_270] {strides = array<i32>} : memref<80xi32, #tpu.memory_space<vmem>>, vector<16xi32>,
        %swap3A_272 = vector.shape_cast %swap3A_271 : vector<16xi32> to vector<16xi32>
        %swap3A_273 = vector.shape_cast %add3A_269 : vector<16xi32> to vector<16xi32>
        tpu.vector_store %arg6[%swap3A_270], %swap3A_273 {strides = array<i32>} : memref<80xi32, #tpu.memory_space<vmem>>, vector<16xi32>,
        %get3A_274 = arith.constant 0 : index
        %get3A_275 = tpu.vector_load %arg7[%get3A_274] {strides = array<i32>} : memref<80xi32, #tpu.memory_space<vmem>>, vector<16xi32>,
        %get3A_276 = vector.shape_cast %get3A_275 : vector<16xi32> to vector<16xi32>
        %add3A_277 = vector.broadcast %mul3A_0 : i32 to vector<16xi32>
        %add3A_278 = arith.addi %get3A_276, %add3A_277 : vector<16xi32>
        %swap3A_279 = arith.constant 0 : index
        %swap3A_280 = tpu.vector_load %arg7[%swap3A_279] {strides = array<i32>} : memref<80xi32, #tpu.memory_space<vmem>>, vector<16xi32>,
        %swap3A_281 = vector.shape_cast %swap3A_280 : vector<16xi32> to vector<16xi32>
        %swap3A_282 = vector.shape_cast %add3A_278 : vector<16xi32> to vector<16xi32>
        tpu.vector_store %arg7[%swap3A_279], %swap3A_282 {strides = array<i32>} : memref<80xi32, #tpu.memory_space<vmem>>, vector<16xi32>,
        %get3A_283 = arith.constant 16 : index
        %get3A_284 = tpu.vector_load %arg6[%get3A_283] {strides = array<i32>} : memref<80xi32, #tpu.memory_space<vmem>>, vector<16xi32>,
        %get3A_285 = vector.shape_cast %get3A_284 : vector<16xi32> to vector<16xi32>
        %add3A_286 = vector.broadcast %mul3A_0 : i32 to vector<16xi32>
        %add3A_287 = arith.addi %get3A_285, %add3A_286 : vector<16xi32>
        %swap3A_288 = arith.constant 16 : index
        %swap3A_289 = tpu.vector_load %arg6[%swap3A_288] {strides = array<i32>} : memref<80xi32, #tpu.memory_space<vmem>>, vector<16xi32>,
        %swap3A_290 = vector.shape_cast %swap3A_289 : vector<16xi32> to vector<16xi32>
        %swap3A_291 = vector.shape_cast %add3A_287 : vector<16xi32> to vector<16xi32>
        tpu.vector_store %arg6[%swap3A_288], %swap3A_291 {strides = array<i32>} : memref<80xi32, #tpu.memory_space<vmem>>, vector<16xi32>,
        %get3A_292 = arith.constant 16 : index
        %get3A_293 = tpu.vector_load %arg7[%get3A_292] {strides = array<i32>} : memref<80xi32, #tpu.memory_space<vmem>>, vector<16xi32>,
        %get3A_294 = vector.shape_cast %get3A_293 : vector<16xi32> to vector<16xi32>
        %add3A_295 = vector.broadcast %mul3A_0 : i32 to vector<16xi32>
        %add3A_296 = arith.addi %get3A_294, %add3A_295 : vector<16xi32>
        %swap3A_297 = arith.constant 16 : index
        %swap3A_298 = tpu.vector_load %arg7[%swap3A_297] {strides = array<i32>} : memref<80xi32, #tpu.memory_space<vmem>>, vector<16xi32>,
        %swap3A_299 = vector.shape_cast %swap3A_298 : vector<16xi32> to vector<16xi32>
        %swap3A_300 = vector.shape_cast %add3A_296 : vector<16xi32> to vector<16xi32>
        tpu.vector_store %arg7[%swap3A_297], %swap3A_300 {strides = array<i32>} : memref<80xi32, #tpu.memory_space<vmem>>, vector<16xi32>,
        %get3A_301 = arith.constant 32 : index
        %get3A_302 = tpu.vector_load %arg6[%get3A_301] {strides = array<i32>} : memref<80xi32, #tpu.memory_space<vmem>>, vector<16xi32>,
        %get3A_303 = vector.shape_cast %get3A_302 : vector<16xi32> to vector<16xi32>
        %add3A_304 = vector.broadcast %mul3A_0 : i32 to vector<16xi32>
        %add3A_305 = arith.addi %get3A_303, %add3A_304 : vector<16xi32>
        %swap3A_306 = arith.constant 32 : index
        %swap3A_307 = tpu.vector_load %arg6[%swap3A_306] {strides = array<i32>} : memref<80xi32, #tpu.memory_space<vmem>>, vector<16xi32>,
        %swap3A_308 = vector.shape_cast %swap3A_307 : vector<16xi32> to vector<16xi32>
        %swap3A_309 = vector.shape_cast %add3A_305 : vector<16xi32> to vector<16xi32>
        tpu.vector_store %arg6[%swap3A_306], %swap3A_309 {strides = array<i32>} : memref<80xi32, #tpu.memory_space<vmem>>, vector<16xi32>,
        %get3A_310 = arith.constant 32 : index
        %get3A_311 = tpu.vector_load %arg7[%get3A_310] {strides = array<i32>} : memref<80xi32, #tpu.memory_space<vmem>>, vector<16xi32>,
        %get3A_312 = vector.shape_cast %get3A_311 : vector<16xi32> to vector<16xi32>
        %add3A_313 = vector.broadcast %mul3A_0 : i32 to vector<16xi32>
        %add3A_314 = arith.addi %get3A_312, %add3A_313 : vector<16xi32>
        %swap3A_315 = arith.constant 32 : index
        %swap3A_316 = tpu.vector_load %arg7[%swap3A_315] {strides = array<i32>} : memref<80xi32, #tpu.memory_space<vmem>>, vector<16xi32>,
        %swap3A_317 = vector.shape_cast %swap3A_316 : vector<16xi32> to vector<16xi32>
        %swap3A_318 = vector.shape_cast %add3A_314 : vector<16xi32> to vector<16xi32>
        tpu.vector_store %arg7[%swap3A_315], %swap3A_318 {strides = array<i32>} : memref<80xi32, #tpu.memory_space<vmem>>, vector<16xi32>,
        %get3A_319 = arith.constant 48 : index
        %get3A_320 = tpu.vector_load %arg6[%get3A_319] {strides = array<i32>} : memref<80xi32, #tpu.memory_space<vmem>>, vector<16xi32>,
        %get3A_321 = vector.shape_cast %get3A_320 : vector<16xi32> to vector<16xi32>
        %add3A_322 = vector.broadcast %mul3A_0 : i32 to vector<16xi32>
        %add3A_323 = arith.addi %get3A_321, %add3A_322 : vector<16xi32>
        %swap3A_324 = arith.constant 48 : index
        %swap3A_325 = tpu.vector_load %arg6[%swap3A_324] {strides = array<i32>} : memref<80xi32, #tpu.memory_space<vmem>>, vector<16xi32>,
        %swap3A_326 = vector.shape_cast %swap3A_325 : vector<16xi32> to vector<16xi32>
        %swap3A_327 = vector.shape_cast %add3A_323 : vector<16xi32> to vector<16xi32>
        tpu.vector_store %arg6[%swap3A_324], %swap3A_327 {strides = array<i32>} : memref<80xi32, #tpu.memory_space<vmem>>, vector<16xi32>,
        %get3A_328 = arith.constant 48 : index
        %get3A_329 = tpu.vector_load %arg7[%get3A_328] {strides = array<i32>} : memref<80xi32, #tpu.memory_space<vmem>>, vector<16xi32>,
        %get3A_330 = vector.shape_cast %get3A_329 : vector<16xi32> to vector<16xi32>
        %add3A_331 = vector.broadcast %mul3A_0 : i32 to vector<16xi32>
        %add3A_332 = arith.addi %get3A_330, %add3A_331 : vector<16xi32>
        %swap3A_333 = arith.constant 48 : index
        %swap3A_334 = tpu.vector_load %arg7[%swap3A_333] {strides = array<i32>} : memref<80xi32, #tpu.memory_space<vmem>>, vector<16xi32>,
        %swap3A_335 = vector.shape_cast %swap3A_334 : vector<16xi32> to vector<16xi32>
        %swap3A_336 = vector.shape_cast %add3A_332 : vector<16xi32> to vector<16xi32>
        tpu.vector_store %arg7[%swap3A_333], %swap3A_336 {strides = array<i32>} : memref<80xi32, #tpu.memory_space<vmem>>, vector<16xi32>,
        %get3A_337 = arith.constant 64 : index
        %get3A_338 = tpu.vector_load %arg6[%get3A_337] {strides = array<i32>} : memref<80xi32, #tpu.memory_space<vmem>>, vector<16xi32>,
        %get3A_339 = vector.shape_cast %get3A_338 : vector<16xi32> to vector<16xi32>
        %add3A_340 = vector.broadcast %mul3A_0 : i32 to vector<16xi32>
        %add3A_341 = arith.addi %get3A_339, %add3A_340 : vector<16xi32>
        %swap3A_342 = arith.constant 64 : index
        %swap3A_343 = tpu.vector_load %arg6[%swap3A_342] {strides = array<i32>} : memref<80xi32, #tpu.memory_space<vmem>>, vector<16xi32>,
        %swap3A_344 = vector.shape_cast %swap3A_343 : vector<16xi32> to vector<16xi32>
        %swap3A_345 = vector.shape_cast %add3A_341 : vector<16xi32> to vector<16xi32>
        tpu.vector_store %arg6[%swap3A_342], %swap3A_345 {strides = array<i32>} : memref<80xi32, #tpu.memory_space<vmem>>, vector<16xi32>,
        %get3A_346 = arith.constant 64 : index
        %get3A_347 = tpu.vector_load %arg7[%get3A_346] {strides = array<i32>} : memref<80xi32, #tpu.memory_space<vmem>>, vector<16xi32>,
        %get3A_348 = vector.shape_cast %get3A_347 : vector<16xi32> to vector<16xi32>
        %add3A_349 = vector.broadcast %mul3A_0 : i32 to vector<16xi32>
        %add3A_350 = arith.addi %get3A_348, %add3A_349 : vector<16xi32>
        %swap3A_351 = arith.constant 64 : index
        %swap3A_352 = tpu.vector_load %arg7[%swap3A_351] {strides = array<i32>} : memref<80xi32, #tpu.memory_space<vmem>>, vector<16xi32>,
        %swap3A_353 = vector.shape_cast %swap3A_352 : vector<16xi32> to vector<16xi32>
        %swap3A_354 = vector.shape_cast %add3A_350 : vector<16xi32> to vector<16xi32>
        tpu.vector_store %arg7[%swap3A_351], %swap3A_354 {strides = array<i32>} : memref<80xi32, #tpu.memory_space<vmem>>, vector<16xi32>,
        %dma_start3A_355 = arith.constant 0 : i32
        %dma_start3A_356 = arith.constant 0 : i32
        %dma_start3A_357 = tpu.memref_slice %arg2[%dma_start3A_355, %dma_start3A_356] : memref<20000x128xf32, #tpu.memory_space<hbm>> -> memref<20000x128xf32, #tpu.memory_space<hbm>>
        tpu.enqueue_indirect_dma source(%dma_start3A_357 : memref<20000x128xf32, #tpu.memory_space<hbm>>) target(%arg8 : memref<80x128xf32, #tpu.memory_space<vmem>>) offsets(%arg6 : memref<80xi32, #tpu.memory_space<vmem>>) semaphore(%arg14 : memref<!tpu.dma_semaphore, #tpu.memory_space<semaphore_mem>>)
        %dma_start3A_358 = arith.constant 0 : i32
        %dma_start3A_359 = arith.constant 0 : i32
        %dma_start3A_360 = tpu.memref_slice %arg2[%dma_start3A_358, %dma_start3A_359] : memref<20000x128xf32, #tpu.memory_space<hbm>> -> memref<20000x128xf32, #tpu.memory_space<hbm>>
        tpu.enqueue_indirect_dma source(%dma_start3A_360 : memref<20000x128xf32, #tpu.memory_space<hbm>>) target(%arg9 : memref<80x128xf32, #tpu.memory_space<vmem>>) offsets(%arg7 : memref<80xi32, #tpu.memory_space<vmem>>) semaphore(%arg15 : memref<!tpu.dma_semaphore, #tpu.memory_space<semaphore_mem>>)
      } else {
      }
      %add3A_234 = arith.constant 1 : i32
      %add3A_235 = arith.addi %mul3A_106, %add3A_234 : i32
      %dma_wait3A_236 = arith.constant 0 : i32
      %dma_wait3A_237 = arith.constant 0 : i32
      %dma_wait3A_238 = tpu.memref_slice %arg2[%dma_wait3A_236, %dma_wait3A_237] : memref<20000x128xf32, #tpu.memory_space<hbm>> -> memref<20000x128xf32, #tpu.memory_space<hbm>>
      tpu.wait_indirect_dma semaphore(%arg16 : memref<!tpu.dma_semaphore, #tpu.memory_space<semaphore_mem>>) src(%dma_wait3A_238 : memref<20000x128xf32, #tpu.memory_space<hbm>>) dst(%arg12 : memref<80x128xf32, #tpu.memory_space<vmem>>)
      %dma_wait3A_239 = arith.constant 0 : i32
      %dma_wait3A_240 = arith.constant 0 : i32
      %dma_wait3A_241 = tpu.memref_slice %arg2[%dma_wait3A_239, %dma_wait3A_240] : memref<20000x128xf32, #tpu.memory_space<hbm>> -> memref<20000x128xf32, #tpu.memory_space<hbm>>
      tpu.wait_indirect_dma semaphore(%arg17 : memref<!tpu.dma_semaphore, #tpu.memory_space<semaphore_mem>>) src(%dma_wait3A_241 : memref<20000x128xf32, #tpu.memory_space<hbm>>) dst(%arg13 : memref<80x128xf32, #tpu.memory_space<vmem>>)
      %scan3A_242 = arith.constant 0 : i32
      %scan3A_243 = arith.constant 0 : i32
      %scan3A_244 = arith.constant 80 : i32
      %scan3A_245 = arith.addi %scan3A_243, %scan3A_244 : i32
      %scan3A_246 = arith.constant 1 : i32
      %scan3A_247 = scf.for %scan3A_258 = %scan3A_243 to %scan3A_245 step %scan3A_246 iter_args(%scan3A_259 = %scan3A_242) -> (i32)  : i32 {
        %get3A_260 = arith.index_cast %scan3A_258 : i32 to index
        %get3A_261 = arith.constant 0 : index
        %get3A_262 = tpu.vector_load %arg12[%get3A_260, %get3A_261] {strides = array<i32>} : memref<80x128xf32, #tpu.memory_space<vmem>>, vector<1x16xf32>,
        %get3A_263 = vector.shape_cast %get3A_262 : vector<1x16xf32> to vector<16xf32>
        %get3A_264 = arith.index_cast %scan3A_258 : i32 to index
        %get3A_265 = arith.constant 0 : index
        %get3A_266 = tpu.vector_load %arg13[%get3A_264, %get3A_265] {strides = array<i32>} : memref<80x128xf32, #tpu.memory_space<vmem>>, vector<1x16xf32>,
        %get3A_267 = vector.shape_cast %get3A_266 : vector<1x16xf32> to vector<16xf32>
        %add3A_268 = arith.addf %get3A_263, %get3A_267 : vector<16xf32>
        %swap3A_269 = arith.index_cast %scan3A_258 : i32 to index
        %swap3A_270 = arith.constant 0 : index
        %swap3A_271 = tpu.vector_load %arg12[%swap3A_269, %swap3A_270] {strides = array<i32>} : memref<80x128xf32, #tpu.memory_space<vmem>>, vector<1x16xf32>,
        %swap3A_272 = vector.shape_cast %swap3A_271 : vector<1x16xf32> to vector<16xf32>
        %swap3A_273 = vector.shape_cast %add3A_268 : vector<16xf32> to vector<1x16xf32>
        tpu.vector_store %arg12[%swap3A_269, %swap3A_270], %swap3A_273 {strides = array<i32>} : memref<80x128xf32, #tpu.memory_space<vmem>>, vector<1x16xf32>,
        %get3A_274 = arith.index_cast %scan3A_258 : i32 to index
        %get3A_275 = arith.constant 16 : index
        %get3A_276 = tpu.vector_load %arg12[%get3A_274, %get3A_275] {strides = array<i32>} : memref<80x128xf32, #tpu.memory_space<vmem>>, vector<1x16xf32>,
        %get3A_277 = vector.shape_cast %get3A_276 : vector<1x16xf32> to vector<16xf32>
        %get3A_278 = arith.index_cast %scan3A_258 : i32 to index
        %get3A_279 = arith.constant 16 : index
        %get3A_280 = tpu.vector_load %arg13[%get3A_278, %get3A_279] {strides = array<i32>} : memref<80x128xf32, #tpu.memory_space<vmem>>, vector<1x16xf32>,
        %get3A_281 = vector.shape_cast %get3A_280 : vector<1x16xf32> to vector<16xf32>
        %add3A_282 = arith.addf %get3A_277, %get3A_281 : vector<16xf32>
        %swap3A_283 = arith.index_cast %scan3A_258 : i32 to index
        %swap3A_284 = arith.constant 16 : index
        %swap3A_285 = tpu.vector_load %arg12[%swap3A_283, %swap3A_284] {strides = array<i32>} : memref<80x128xf32, #tpu.memory_space<vmem>>, vector<1x16xf32>,
        %swap3A_286 = vector.shape_cast %swap3A_285 : vector<1x16xf32> to vector<16xf32>
        %swap3A_287 = vector.shape_cast %add3A_282 : vector<16xf32> to vector<1x16xf32>
        tpu.vector_store %arg12[%swap3A_283, %swap3A_284], %swap3A_287 {strides = array<i32>} : memref<80x128xf32, #tpu.memory_space<vmem>>, vector<1x16xf32>,
        %get3A_288 = arith.index_cast %scan3A_258 : i32 to index
        %get3A_289 = arith.constant 32 : index
        %get3A_290 = tpu.vector_load %arg12[%get3A_288, %get3A_289] {strides = array<i32>} : memref<80x128xf32, #tpu.memory_space<vmem>>, vector<1x16xf32>,
        %get3A_291 = vector.shape_cast %get3A_290 : vector<1x16xf32> to vector<16xf32>
        %get3A_292 = arith.index_cast %scan3A_258 : i32 to index
        %get3A_293 = arith.constant 32 : index
        %get3A_294 = tpu.vector_load %arg13[%get3A_292, %get3A_293] {strides = array<i32>} : memref<80x128xf32, #tpu.memory_space<vmem>>, vector<1x16xf32>,
        %get3A_295 = vector.shape_cast %get3A_294 : vector<1x16xf32> to vector<16xf32>
        %add3A_296 = arith.addf %get3A_291, %get3A_295 : vector<16xf32>
        %swap3A_297 = arith.index_cast %scan3A_258 : i32 to index
        %swap3A_298 = arith.constant 32 : index
        %swap3A_299 = tpu.vector_load %arg12[%swap3A_297, %swap3A_298] {strides = array<i32>} : memref<80x128xf32, #tpu.memory_space<vmem>>, vector<1x16xf32>,
        %swap3A_300 = vector.shape_cast %swap3A_299 : vector<1x16xf32> to vector<16xf32>
        %swap3A_301 = vector.shape_cast %add3A_296 : vector<16xf32> to vector<1x16xf32>
        tpu.vector_store %arg12[%swap3A_297, %swap3A_298], %swap3A_301 {strides = array<i32>} : memref<80x128xf32, #tpu.memory_space<vmem>>, vector<1x16xf32>,
        %get3A_302 = arith.index_cast %scan3A_258 : i32 to index
        %get3A_303 = arith.constant 48 : index
        %get3A_304 = tpu.vector_load %arg12[%get3A_302, %get3A_303] {strides = array<i32>} : memref<80x128xf32, #tpu.memory_space<vmem>>, vector<1x16xf32>,
        %get3A_305 = vector.shape_cast %get3A_304 : vector<1x16xf32> to vector<16xf32>
        %get3A_306 = arith.index_cast %scan3A_258 : i32 to index
        %get3A_307 = arith.constant 48 : index
        %get3A_308 = tpu.vector_load %arg13[%get3A_306, %get3A_307] {strides = array<i32>} : memref<80x128xf32, #tpu.memory_space<vmem>>, vector<1x16xf32>,
        %get3A_309 = vector.shape_cast %get3A_308 : vector<1x16xf32> to vector<16xf32>
        %add3A_310 = arith.addf %get3A_305, %get3A_309 : vector<16xf32>
        %swap3A_311 = arith.index_cast %scan3A_258 : i32 to index
        %swap3A_312 = arith.constant 48 : index
        %swap3A_313 = tpu.vector_load %arg12[%swap3A_311, %swap3A_312] {strides = array<i32>} : memref<80x128xf32, #tpu.memory_space<vmem>>, vector<1x16xf32>,
        %swap3A_314 = vector.shape_cast %swap3A_313 : vector<1x16xf32> to vector<16xf32>
        %swap3A_315 = vector.shape_cast %add3A_310 : vector<16xf32> to vector<1x16xf32>
        tpu.vector_store %arg12[%swap3A_311, %swap3A_312], %swap3A_315 {strides = array<i32>} : memref<80x128xf32, #tpu.memory_space<vmem>>, vector<1x16xf32>,
        %get3A_316 = arith.index_cast %scan3A_258 : i32 to index
        %get3A_317 = arith.constant 64 : index
        %get3A_318 = tpu.vector_load %arg12[%get3A_316, %get3A_317] {strides = array<i32>} : memref<80x128xf32, #tpu.memory_space<vmem>>, vector<1x16xf32>,
        %get3A_319 = vector.shape_cast %get3A_318 : vector<1x16xf32> to vector<16xf32>
        %get3A_320 = arith.index_cast %scan3A_258 : i32 to index
        %get3A_321 = arith.constant 64 : index
        %get3A_322 = tpu.vector_load %arg13[%get3A_320, %get3A_321] {strides = array<i32>} : memref<80x128xf32, #tpu.memory_space<vmem>>, vector<1x16xf32>,
        %get3A_323 = vector.shape_cast %get3A_322 : vector<1x16xf32> to vector<16xf32>
        %add3A_324 = arith.addf %get3A_319, %get3A_323 : vector<16xf32>
        %swap3A_325 = arith.index_cast %scan3A_258 : i32 to index
        %swap3A_326 = arith.constant 64 : index
        %swap3A_327 = tpu.vector_load %arg12[%swap3A_325, %swap3A_326] {strides = array<i32>} : memref<80x128xf32, #tpu.memory_space<vmem>>, vector<1x16xf32>,
        %swap3A_328 = vector.shape_cast %swap3A_327 : vector<1x16xf32> to vector<16xf32>
        %swap3A_329 = vector.shape_cast %add3A_324 : vector<16xf32> to vector<1x16xf32>
        tpu.vector_store %arg12[%swap3A_325, %swap3A_326], %swap3A_329 {strides = array<i32>} : memref<80x128xf32, #tpu.memory_space<vmem>>, vector<1x16xf32>,
        %get3A_330 = arith.index_cast %scan3A_258 : i32 to index
        %get3A_331 = arith.constant 80 : index
        %get3A_332 = tpu.vector_load %arg12[%get3A_330, %get3A_331] {strides = array<i32>} : memref<80x128xf32, #tpu.memory_space<vmem>>, vector<1x16xf32>,
        %get3A_333 = vector.shape_cast %get3A_332 : vector<1x16xf32> to vector<16xf32>
        %get3A_334 = arith.index_cast %scan3A_258 : i32 to index
        %get3A_335 = arith.constant 80 : index
        %get3A_336 = tpu.vector_load %arg13[%get3A_334, %get3A_335] {strides = array<i32>} : memref<80x128xf32, #tpu.memory_space<vmem>>, vector<1x16xf32>,
        %get3A_337 = vector.shape_cast %get3A_336 : vector<1x16xf32> to vector<16xf32>
        %add3A_338 = arith.addf %get3A_333, %get3A_337 : vector<16xf32>
        %swap3A_339 = arith.index_cast %scan3A_258 : i32 to index
        %swap3A_340 = arith.constant 80 : index
        %swap3A_341 = tpu.vector_load %arg12[%swap3A_339, %swap3A_340] {strides = array<i32>} : memref<80x128xf32, #tpu.memory_space<vmem>>, vector<1x16xf32>,
        %swap3A_342 = vector.shape_cast %swap3A_341 : vector<1x16xf32> to vector<16xf32>
        %swap3A_343 = vector.shape_cast %add3A_338 : vector<16xf32> to vector<1x16xf32>
        tpu.vector_store %arg12[%swap3A_339, %swap3A_340], %swap3A_343 {strides = array<i32>} : memref<80x128xf32, #tpu.memory_space<vmem>>, vector<1x16xf32>,
        %get3A_344 = arith.index_cast %scan3A_258 : i32 to index
        %get3A_345 = arith.constant 96 : index
        %get3A_346 = tpu.vector_load %arg12[%get3A_344, %get3A_345] {strides = array<i32>} : memref<80x128xf32, #tpu.memory_space<vmem>>, vector<1x16xf32>,
        %get3A_347 = vector.shape_cast %get3A_346 : vector<1x16xf32> to vector<16xf32>
        %get3A_348 = arith.index_cast %scan3A_258 : i32 to index
        %get3A_349 = arith.constant 96 : index
        %get3A_350 = tpu.vector_load %arg13[%get3A_348, %get3A_349] {strides = array<i32>} : memref<80x128xf32, #tpu.memory_space<vmem>>, vector<1x16xf32>,
        %get3A_351 = vector.shape_cast %get3A_350 : vector<1x16xf32> to vector<16xf32>
        %add3A_352 = arith.addf %get3A_347, %get3A_351 : vector<16xf32>
        %swap3A_353 = arith.index_cast %scan3A_258 : i32 to index
        %swap3A_354 = arith.constant 96 : index
        %swap3A_355 = tpu.vector_load %arg12[%swap3A_353, %swap3A_354] {strides = array<i32>} : memref<80x128xf32, #tpu.memory_space<vmem>>, vector<1x16xf32>,
        %swap3A_356 = vector.shape_cast %swap3A_355 : vector<1x16xf32> to vector<16xf32>
        %swap3A_357 = vector.shape_cast %add3A_352 : vector<16xf32> to vector<1x16xf32>
        tpu.vector_store %arg12[%swap3A_353, %swap3A_354], %swap3A_357 {strides = array<i32>} : memref<80x128xf32, #tpu.memory_space<vmem>>, vector<1x16xf32>,
        %get3A_358 = arith.index_cast %scan3A_258 : i32 to index
        %get3A_359 = arith.constant 112 : index
        %get3A_360 = tpu.vector_load %arg12[%get3A_358, %get3A_359] {strides = array<i32>} : memref<80x128xf32, #tpu.memory_space<vmem>>, vector<1x16xf32>,
        %get3A_361 = vector.shape_cast %get3A_360 : vector<1x16xf32> to vector<16xf32>
        %get3A_362 = arith.index_cast %scan3A_258 : i32 to index
        %get3A_363 = arith.constant 112 : index
        %get3A_364 = tpu.vector_load %arg13[%get3A_362, %get3A_363] {strides = array<i32>} : memref<80x128xf32, #tpu.memory_space<vmem>>, vector<1x16xf32>,
        %get3A_365 = vector.shape_cast %get3A_364 : vector<1x16xf32> to vector<16xf32>
        %add3A_366 = arith.addf %get3A_361, %get3A_365 : vector<16xf32>
        %swap3A_367 = arith.index_cast %scan3A_258 : i32 to index
        %swap3A_368 = arith.constant 112 : index
        %swap3A_369 = tpu.vector_load %arg12[%swap3A_367, %swap3A_368] {strides = array<i32>} : memref<80x128xf32, #tpu.memory_space<vmem>>, vector<1x16xf32>,
        %swap3A_370 = vector.shape_cast %swap3A_369 : vector<1x16xf32> to vector<16xf32>
        %swap3A_371 = vector.shape_cast %add3A_366 : vector<16xf32> to vector<1x16xf32>
        tpu.vector_store %arg12[%swap3A_367, %swap3A_368], %swap3A_371 {strides = array<i32>} : memref<80x128xf32, #tpu.memory_space<vmem>>, vector<1x16xf32>,
        %scan3A_372 = arith.constant 0 : i32
        scf.yield %scan3A_372 : i32
      }
      %scan3A_248 = arith.constant 80 : i32
      %mul3A_249 = arith.constant 20000 : i32
      %mul3A_250 = arith.muli %arg1, %mul3A_249 : i32
      %mul3A_251 = arith.constant 80 : i32
      %mul3A_252 = arith.muli %add3A_235, %mul3A_251 : i32
      %add3A_253 = arith.addi %mul3A_250, %mul3A_252 : i32
      %mul3A_254 = arith.constant 320000 : i32
      %mul3A_255 = arith.muli %arg0, %mul3A_254 : i32
      %add3A_256 = arith.addi %mul3A_255, %add3A_253 : i32
      "tpu.region"() ({
        %run_scoped3A = tpu.sem_alloc : memref<!tpu.dma_semaphore, #tpu.memory_space<semaphore_mem>>
        %dma_start3A_258 = arith.constant 0 : i32
        %dma_start3A_259 = tpu.memref_slice %arg5[%add3A_256, %dma_start3A_258] : memref<640000x128xf32, #tpu.memory_space<hbm>> -> memref<80x128xf32, #tpu.memory_space<hbm>>
        %dma_start3A_260 = arith.constant 0 : i32
        %dma_start3A_261 = tpu.memref_slice %arg5[%add3A_256, %dma_start3A_260] : memref<640000x128xf32, #tpu.memory_space<hbm>> -> memref<80x128xf32, #tpu.memory_space<hbm>>
        tpu.enqueue_dma source(%arg12 : memref<80x128xf32, #tpu.memory_space<vmem>>) target(%dma_start3A_261 : memref<80x128xf32, #tpu.memory_space<hbm>>) target_semaphore(%run_scoped3A : memref<!tpu.dma_semaphore, #tpu.memory_space<semaphore_mem>>)
        %dma_wait3A_262 = arith.constant 0 : i32
        %dma_wait3A_263 = tpu.memref_slice %arg5[%add3A_256, %dma_wait3A_262] : memref<640000x128xf32, #tpu.memory_space<hbm>> -> memref<80x128xf32, #tpu.memory_space<hbm>>
        %dma_wait3A_264 = arith.constant 0 : i32
        %dma_wait3A_265 = tpu.memref_slice %arg5[%add3A_256, %dma_wait3A_264] : memref<640000x128xf32, #tpu.memory_space<hbm>> -> memref<80x128xf32, #tpu.memory_space<hbm>>
        tpu.wait_dma2 semaphore(%run_scoped3A : memref<!tpu.dma_semaphore, #tpu.memory_space<semaphore_mem>>) src(%arg12 : memref<80x128xf32, #tpu.memory_space<vmem>>) dst(%dma_wait3A_265 : memref<80x128xf32, #tpu.memory_space<hbm>>)
        tpu.yield
      }) : () -> ()
      %scan3A_257 = arith.constant 0 : i32
      scf.yield %scan3A_257 : i32
    }
    %scan3A_102 = arith.constant 125 : i32
    return
  }
}

module attributes {stable_mosaic.version = 14 : i64} {
  func.func @_tsum_kernel(%arg0: i32, %arg1: memref<1x4000x1xi32, #tpu.memory_space<vmem>>, %arg2: memref<1x4000x1xi32, #tpu.memory_space<vmem>>, %arg3: memref<128x128xf32, #tpu.memory_space<vmem>>, %arg4: memref<4000x1xf32, #tpu.memory_space<vmem>>) attributes {dimension_semantics = [#tpu.dimension_semantics<arbitrary>], iteration_bounds = array<i64: 80>, scalar_prefetch = 0 : i64, scratch_operands = 0 : i64, tpu.core_type = #tpu.core_type<tc>, window_params = [{transform_indices = @transform_0, window_bounds = array<i64: 1, 4000, 1>}, {transform_indices = @transform_1, window_bounds = array<i64: 1, 4000, 1>}, {pipeline_mode = #tpu.pipeline_mode<synchronous>, transform_indices = @transform_2, window_bounds = array<i64: 128, 128>}, {transform_indices = @transform_3, window_bounds = array<i64: 4000, 1>}]} {
    %get3A = arith.constant 0 : index
    %get3A_0 = arith.constant 0 : index
    %get3A_1 = arith.constant 0 : index
    %get3A_2 = vector.load %arg1[%get3A, %get3A_0, %get3A_1] : memref<1x4000x1xi32, #tpu.memory_space<vmem>>, vector<1x4000x1xi32>
    %get3A_3 = vector.shape_cast %get3A_2 : vector<1x4000x1xi32> to vector<4000x1xi32>
    %and3A = arith.constant 127 : i32
    %and3A_4 = vector.broadcast %and3A : i32 to vector<4000x1xi32>
    %and3A_5 = arith.andi %get3A_3, %and3A_4 : vector<4000x1xi32>
    %iota3A = tpu.iota {dimensions = array<i32: 1>} : vector<4000x128xi32>
    %eq3A = vector.broadcast %and3A_5 : vector<4000x1xi32> to vector<4000x128xi32>
    %eq3A_6 = arith.cmpi eq, %eq3A, %iota3A : vector<4000x128xi32>
    %jit3A = arith.constant 1.000000e+00 : f32
    %jit3A_7 = arith.constant 0.000000e+00 : f32
    %broadcast_in_dim3A = vector.broadcast %jit3A : f32 to vector<4000x128xf32>
    %broadcast_in_dim3A_8 = vector.broadcast %jit3A_7 : f32 to vector<4000x128xf32>
    %select_n3A = arith.select %eq3A_6, %broadcast_in_dim3A, %broadcast_in_dim3A_8 : vector<4000x128xi1>, vector<4000x128xf32>
    %get3A_9 = arith.constant 0 : index
    %get3A_10 = arith.constant 0 : index
    %get3A_11 = vector.load %arg3[%get3A_9, %get3A_10] : memref<128x128xf32, #tpu.memory_space<vmem>>, vector<128x128xf32>
    %dot_general3A = arith.constant dense<0.000000e+00> : vector<4000x128xf32>
    %dot_general3A_12 = tpu.matmul %select_n3A, %get3A_11, %dot_general3A {dimension_numbers = #tpu.dot_dimension_numbers<[1], [0], [0], [1], [0, 0, 1, 1], [], []>, precision = #tpu.contract_precision<fp32>, transpose_lhs_hint = false} : vector<4000x128xf32>, vector<128x128xf32>, vector<4000x128xf32> -> vector<4000x128xf32>
    %shift_right_logical3A = arith.constant 7 : i32
    %shift_right_logical3A_13 = vector.broadcast %shift_right_logical3A : i32 to vector<4000x1xi32>
    %shift_right_logical3A_14 = arith.shrui %get3A_3, %shift_right_logical3A_13 : vector<4000x1xi32>
    %iota3A_15 = tpu.iota {dimensions = array<i32: 1>} : vector<4000x128xi32>
    %eq3A_16 = vector.broadcast %shift_right_logical3A_14 : vector<4000x1xi32> to vector<4000x128xi32>
    %eq3A_17 = arith.cmpi eq, %eq3A_16, %iota3A_15 : vector<4000x128xi32>
    %jit3A_18 = arith.constant 0.000000e+00 : f32
    %broadcast_in_dim3A_19 = vector.broadcast %jit3A_18 : f32 to vector<4000x128xf32>
    %select_n3A_20 = arith.select %eq3A_17, %dot_general3A_12, %broadcast_in_dim3A_19 : vector<4000x128xi1>, vector<4000x128xf32>
    %reduce_sum3A = arith.constant dense<0.000000e+00> : vector<4000xf32>
    %reduce_sum3A_21 = vector.multi_reduction <add>, %select_n3A_20, %reduce_sum3A [1] : vector<4000x128xf32> to vector<4000xf32>
    %broadcast_in_dim3A_22 = vector.shape_cast %reduce_sum3A_21 : vector<4000xf32> to vector<4000x1xf32>
    %get3A_23 = arith.constant 0 : index
    %get3A_24 = arith.constant 0 : index
    %get3A_25 = arith.constant 0 : index
    %get3A_26 = vector.load %arg2[%get3A_23, %get3A_24, %get3A_25] : memref<1x4000x1xi32, #tpu.memory_space<vmem>>, vector<1x4000x1xi32>
    %get3A_27 = vector.shape_cast %get3A_26 : vector<1x4000x1xi32> to vector<4000x1xi32>
    %and3A_28 = arith.constant 127 : i32
    %and3A_29 = vector.broadcast %and3A_28 : i32 to vector<4000x1xi32>
    %and3A_30 = arith.andi %get3A_27, %and3A_29 : vector<4000x1xi32>
    %iota3A_31 = tpu.iota {dimensions = array<i32: 1>} : vector<4000x128xi32>
    %eq3A_32 = vector.broadcast %and3A_30 : vector<4000x1xi32> to vector<4000x128xi32>
    %eq3A_33 = arith.cmpi eq, %eq3A_32, %iota3A_31 : vector<4000x128xi32>
    %jit3A_34 = arith.constant 1.000000e+00 : f32
    %jit3A_35 = arith.constant 0.000000e+00 : f32
    %broadcast_in_dim3A_36 = vector.broadcast %jit3A_34 : f32 to vector<4000x128xf32>
    %broadcast_in_dim3A_37 = vector.broadcast %jit3A_35 : f32 to vector<4000x128xf32>
    %select_n3A_38 = arith.select %eq3A_33, %broadcast_in_dim3A_36, %broadcast_in_dim3A_37 : vector<4000x128xi1>, vector<4000x128xf32>
    %get3A_39 = arith.constant 0 : index
    %get3A_40 = arith.constant 0 : index
    %get3A_41 = vector.load %arg3[%get3A_39, %get3A_40] : memref<128x128xf32, #tpu.memory_space<vmem>>, vector<128x128xf32>
    %dot_general3A_42 = arith.constant dense<0.000000e+00> : vector<4000x128xf32>
    %dot_general3A_43 = tpu.matmul %select_n3A_38, %get3A_41, %dot_general3A_42 {dimension_numbers = #tpu.dot_dimension_numbers<[1], [0], [0], [1], [0, 0, 1, 1], [], []>, precision = #tpu.contract_precision<fp32>, transpose_lhs_hint = false} : vector<4000x128xf32>, vector<128x128xf32>, vector<4000x128xf32> -> vector<4000x128xf32>
    %shift_right_logical3A_44 = arith.constant 7 : i32
    %shift_right_logical3A_45 = vector.broadcast %shift_right_logical3A_44 : i32 to vector<4000x1xi32>
    %shift_right_logical3A_46 = arith.shrui %get3A_27, %shift_right_logical3A_45 : vector<4000x1xi32>
    %iota3A_47 = tpu.iota {dimensions = array<i32: 1>} : vector<4000x128xi32>
    %eq3A_48 = vector.broadcast %shift_right_logical3A_46 : vector<4000x1xi32> to vector<4000x128xi32>
    %eq3A_49 = arith.cmpi eq, %eq3A_48, %iota3A_47 : vector<4000x128xi32>
    %jit3A_50 = arith.constant 0.000000e+00 : f32
    %broadcast_in_dim3A_51 = vector.broadcast %jit3A_50 : f32 to vector<4000x128xf32>
    %select_n3A_52 = arith.select %eq3A_49, %dot_general3A_43, %broadcast_in_dim3A_51 : vector<4000x128xi1>, vector<4000x128xf32>
    %reduce_sum3A_53 = arith.constant dense<0.000000e+00> : vector<4000xf32>
    %reduce_sum3A_54 = vector.multi_reduction <add>, %select_n3A_52, %reduce_sum3A_53 [1] : vector<4000x128xf32> to vector<4000xf32>
    %broadcast_in_dim3A_55 = vector.shape_cast %reduce_sum3A_54 : vector<4000xf32> to vector<4000x1xf32>
    %add3A = arith.addf %broadcast_in_dim3A_22, %broadcast_in_dim3A_55 : vector<4000x1xf32>
    %swap3A = arith.constant 0 : index
    %swap3A_56 = arith.constant 0 : index
    %swap3A_57 = vector.load %arg4[%swap3A, %swap3A_56] : memref<4000x1xf32, #tpu.memory_space<vmem>>, vector<4000x1xf32>
    tpu.vector_store %arg4[%swap3A, %swap3A_56], %add3A {strides = array<i32>} : memref<4000x1xf32, #tpu.memory_space<vmem>>, vector<4000x1xf32>,
    return
  }
  func.func @transform_0(%arg0: i32) -> (i32, i32, i32) {
    %c0_i32 = arith.constant 0 : i32
    %c0_i32_0 = arith.constant 0 : i32
    %c0_i32_1 = arith.constant 0 : i32
    return %arg0, %c0_i32, %c0_i32_0 : i32, i32, i32
  }
  func.func @transform_1(%arg0: i32) -> (i32, i32, i32) {
    %c0_i32 = arith.constant 0 : i32
    %c0_i32_0 = arith.constant 0 : i32
    %c0_i32_1 = arith.constant 0 : i32
    return %arg0, %c0_i32, %c0_i32_0 : i32, i32, i32
  }
  func.func @transform_2(%arg0: i32) -> (i32, i32) {
    %c0_i32 = arith.constant 0 : i32
    %c0_i32_0 = arith.constant 0 : i32
    %c0_i32_1 = arith.constant 0 : i32
    return %c0_i32, %c0_i32_0 : i32, i32
  }
  func.func @transform_3(%arg0: i32) -> (i32, i32) {
    %c0_i32 = arith.constant 0 : i32
    %c0_i32_0 = arith.constant 0 : i32
    return %arg0, %c0_i32 : i32, i32
  }
}

module attributes {stable_mosaic.version = 14 : i64} {
  func.func @_edge1_kernel(%arg0: i32, %arg1: i32, %arg2: memref<4000x16xf32, #tpu.memory_space<vmem>>, %arg3: memref<4000x128xf32, #tpu.memory_space<vmem>>, %arg4: memref<1x4000x1xf32, #tpu.memory_space<vmem>>, %arg5: memref<1x16x128xf32, #tpu.memory_space<vmem>>, %arg6: memref<1x136x128xf32, #tpu.memory_space<vmem>>, %arg7: memref<1x1x128xf32, #tpu.memory_space<vmem>>, %arg8: memref<4000x128xf32, #tpu.memory_space<vmem>>) attributes {dimension_semantics = [#tpu.dimension_semantics<arbitrary>, #tpu.dimension_semantics<arbitrary>], iteration_bounds = array<i64: 2, 80>, scalar_prefetch = 0 : i64, scratch_operands = 0 : i64, tpu.core_type = #tpu.core_type<tc>, window_params = [{transform_indices = @transform_0, window_bounds = array<i64: 4000, 16>}, {transform_indices = @transform_1, window_bounds = array<i64: 4000, 128>}, {transform_indices = @transform_2, window_bounds = array<i64: 1, 4000, 1>}, {transform_indices = @transform_3, window_bounds = array<i64: 1, 16, 128>}, {transform_indices = @transform_4, window_bounds = array<i64: 1, 136, 128>}, {transform_indices = @transform_5, window_bounds = array<i64: 1, 1, 128>}, {transform_indices = @transform_6, window_bounds = array<i64: 4000, 128>}]} {
    %get3A = arith.constant 0 : index
    %get3A_0 = arith.constant 0 : index
    %get3A_1 = vector.load %arg3[%get3A, %get3A_0] : memref<4000x128xf32, #tpu.memory_space<vmem>>, vector<4000x128xf32>
    %get3A_2 = arith.constant 0 : index
    %get3A_3 = arith.constant 0 : index
    %get3A_4 = arith.constant 0 : index
    %get3A_5 = vector.load %arg4[%get3A_2, %get3A_3, %get3A_4] : memref<1x4000x1xf32, #tpu.memory_space<vmem>>, vector<1x4000x1xf32>
    %get3A_6 = vector.shape_cast %get3A_5 : vector<1x4000x1xf32> to vector<4000x1xf32>
    %broadcast_in_dim3A = arith.constant 0.000000e+00 : f32
    %broadcast_in_dim3A_7 = vector.broadcast %broadcast_in_dim3A : f32 to vector<4000x7xf32>
    %concatenate3A = tpu.concatenate %get3A_1, %get3A_6, %broadcast_in_dim3A_7 in 1 : vector<4000x128xf32>, vector<4000x1xf32>, vector<4000x7xf32> -> vector<4000x136xf32>
    %get3A_8 = arith.constant 0 : index
    %get3A_9 = arith.constant 0 : index
    %get3A_10 = vector.load %arg2[%get3A_8, %get3A_9] : memref<4000x16xf32, #tpu.memory_space<vmem>>, vector<4000x16xf32>
    %get3A_11 = arith.constant 0 : index
    %get3A_12 = arith.constant 0 : index
    %get3A_13 = arith.constant 0 : index
    %get3A_14 = vector.load %arg5[%get3A_11, %get3A_12, %get3A_13] : memref<1x16x128xf32, #tpu.memory_space<vmem>>, vector<1x16x128xf32>
    %get3A_15 = vector.shape_cast %get3A_14 : vector<1x16x128xf32> to vector<16x128xf32>
    %dot_general3A = arith.constant dense<0.000000e+00> : vector<4000x128xf32>
    %dot_general3A_16 = tpu.matmul %get3A_10, %get3A_15, %dot_general3A {dimension_numbers = #tpu.dot_dimension_numbers<[1], [0], [0], [1], [0, 0, 1, 1], [], []>, transpose_lhs_hint = false} : vector<4000x16xf32>, vector<16x128xf32>, vector<4000x128xf32> -> vector<4000x128xf32>
    %get3A_17 = arith.constant 0 : index
    %get3A_18 = arith.constant 0 : index
    %get3A_19 = arith.constant 0 : index
    %get3A_20 = vector.load %arg6[%get3A_17, %get3A_18, %get3A_19] : memref<1x136x128xf32, #tpu.memory_space<vmem>>, vector<1x136x128xf32>
    %get3A_21 = vector.shape_cast %get3A_20 : vector<1x136x128xf32> to vector<136x128xf32>
    %dot_general3A_22 = arith.constant dense<0.000000e+00> : vector<4000x128xf32>
    %dot_general3A_23 = tpu.matmul %concatenate3A, %get3A_21, %dot_general3A_22 {dimension_numbers = #tpu.dot_dimension_numbers<[1], [0], [0], [1], [0, 0, 1, 1], [], []>, transpose_lhs_hint = false} : vector<4000x136xf32>, vector<136x128xf32>, vector<4000x128xf32> -> vector<4000x128xf32>
    %add3A = arith.addf %dot_general3A_16, %dot_general3A_23 : vector<4000x128xf32>
    %get3A_24 = arith.constant 0 : index
    %get3A_25 = arith.constant 0 : index
    %get3A_26 = arith.constant 0 : index
    %get3A_27 = vector.load %arg7[%get3A_24, %get3A_25, %get3A_26] : memref<1x1x128xf32, #tpu.memory_space<vmem>>, vector<1x1x128xf32>
    %get3A_28 = vector.shape_cast %get3A_27 : vector<1x1x128xf32> to vector<1x128xf32>
    %add3A_29 = vector.broadcast %get3A_28 : vector<1x128xf32> to vector<4000x128xf32>
    %add3A_30 = arith.addf %add3A, %add3A_29 : vector<4000x128xf32>
    %max3A = arith.constant 0.000000e+00 : f32
    %max3A_31 = vector.broadcast %max3A : f32 to vector<4000x128xf32>
    %max3A_32 = arith.maximumf %add3A_30, %max3A_31 : vector<4000x128xf32>
    %swap3A = arith.constant 0 : index
    %swap3A_33 = arith.constant 0 : index
    %swap3A_34 = vector.load %arg8[%swap3A, %swap3A_33] : memref<4000x128xf32, #tpu.memory_space<vmem>>, vector<4000x128xf32>
    tpu.vector_store %arg8[%swap3A, %swap3A_33], %max3A_32 {strides = array<i32>} : memref<4000x128xf32, #tpu.memory_space<vmem>>, vector<4000x128xf32>,
    return
  }
  func.func @transform_0(%arg0: i32, %arg1: i32) -> (i32, i32) {
    %c0_i32 = arith.constant 0 : i32
    %c0_i32_0 = arith.constant 0 : i32
    return %arg1, %c0_i32 : i32, i32
  }
  func.func @transform_1(%arg0: i32, %arg1: i32) -> (i32, i32) {
    %c0_i32 = arith.constant 0 : i32
    %c0_i32_0 = arith.constant 0 : i32
    return %arg1, %c0_i32 : i32, i32
  }
  func.func @transform_2(%arg0: i32, %arg1: i32) -> (i32, i32, i32) {
    %c0_i32 = arith.constant 0 : i32
    %c0_i32_0 = arith.constant 0 : i32
    %c0_i32_1 = arith.constant 0 : i32
    return %arg1, %c0_i32, %c0_i32_0 : i32, i32, i32
  }
  func.func @transform_3(%arg0: i32, %arg1: i32) -> (i32, i32, i32) {
    %c0_i32 = arith.constant 0 : i32
    %c0_i32_0 = arith.constant 0 : i32
    %c0_i32_1 = arith.constant 0 : i32
    return %arg0, %c0_i32, %c0_i32_0 : i32, i32, i32
  }
  func.func @transform_4(%arg0: i32, %arg1: i32) -> (i32, i32, i32) {
    %c0_i32 = arith.constant 0 : i32
    %c0_i32_0 = arith.constant 0 : i32
    %c0_i32_1 = arith.constant 0 : i32
    return %arg0, %c0_i32, %c0_i32_0 : i32, i32, i32
  }
  func.func @transform_5(%arg0: i32, %arg1: i32) -> (i32, i32, i32) {
    %c0_i32 = arith.constant 0 : i32
    %c0_i32_0 = arith.constant 0 : i32
    %c0_i32_1 = arith.constant 0 : i32
    return %arg0, %c0_i32, %c0_i32_0 : i32, i32, i32
  }
  func.func @transform_6(%arg0: i32, %arg1: i32) -> (i32, i32) {
    %mul3A = arith.constant 80 : i32
    %mul3A_0 = arith.muli %arg0, %mul3A : i32
    %add3A = arith.addi %mul3A_0, %arg1 : i32
    %c0_i32 = arith.constant 0 : i32
    %c0_i32_1 = arith.constant 0 : i32
    return %add3A, %c0_i32 : i32, i32
  }
}

module attributes {stable_mosaic.version = 14 : i64} {
  func.func @_deg_kernel(%arg0: i32, %arg1: memref<1x4000x1xi32, #tpu.memory_space<vmem>>, %arg2: memref<128x128xf32, #tpu.memory_space<vmem>>) attributes {dimension_semantics = [#tpu.dimension_semantics<arbitrary>], iteration_bounds = array<i64: 80>, scalar_prefetch = 0 : i64, scratch_operands = 0 : i64, tpu.core_type = #tpu.core_type<tc>, window_params = [{transform_indices = @transform_0, window_bounds = array<i64: 1, 4000, 1>}, {pipeline_mode = #tpu.pipeline_mode<synchronous>, transform_indices = @transform_1, window_bounds = array<i64: 128, 128>}]} {
    %get3A = arith.constant 0 : index
    %get3A_0 = arith.constant 0 : index
    %get3A_1 = arith.constant 0 : index
    %get3A_2 = vector.load %arg1[%get3A, %get3A_0, %get3A_1] : memref<1x4000x1xi32, #tpu.memory_space<vmem>>, vector<1x4000x1xi32>
    %get3A_3 = vector.shape_cast %get3A_2 : vector<1x4000x1xi32> to vector<4000x1xi32>
    %iota3A = tpu.iota {dimensions = array<i32: 1>} : vector<4000x128xi32>
    %shift_right_logical3A = arith.constant 7 : i32
    %shift_right_logical3A_4 = vector.broadcast %shift_right_logical3A : i32 to vector<4000x1xi32>
    %shift_right_logical3A_5 = arith.shrui %get3A_3, %shift_right_logical3A_4 : vector<4000x1xi32>
    %eq3A = vector.broadcast %shift_right_logical3A_5 : vector<4000x1xi32> to vector<4000x128xi32>
    %eq3A_6 = arith.cmpi eq, %eq3A, %iota3A : vector<4000x128xi32>
    %jit3A = arith.constant 1.000000e+00 : f32
    %jit3A_7 = arith.constant 0.000000e+00 : f32
    %broadcast_in_dim3A = vector.broadcast %jit3A : f32 to vector<4000x128xf32>
    %broadcast_in_dim3A_8 = vector.broadcast %jit3A_7 : f32 to vector<4000x128xf32>
    %select_n3A = arith.select %eq3A_6, %broadcast_in_dim3A, %broadcast_in_dim3A_8 : vector<4000x128xi1>, vector<4000x128xf32>
    %and3A = arith.constant 127 : i32
    %and3A_9 = vector.broadcast %and3A : i32 to vector<4000x1xi32>
    %and3A_10 = arith.andi %get3A_3, %and3A_9 : vector<4000x1xi32>
    %eq3A_11 = vector.broadcast %and3A_10 : vector<4000x1xi32> to vector<4000x128xi32>
    %eq3A_12 = arith.cmpi eq, %eq3A_11, %iota3A : vector<4000x128xi32>
    %jit3A_13 = arith.constant 1.000000e+00 : f32
    %jit3A_14 = arith.constant 0.000000e+00 : f32
    %broadcast_in_dim3A_15 = vector.broadcast %jit3A_13 : f32 to vector<4000x128xf32>
    %broadcast_in_dim3A_16 = vector.broadcast %jit3A_14 : f32 to vector<4000x128xf32>
    %select_n3A_17 = arith.select %eq3A_12, %broadcast_in_dim3A_15, %broadcast_in_dim3A_16 : vector<4000x128xi1>, vector<4000x128xf32>
    %dot_general3A = arith.constant dense<0.000000e+00> : vector<128x128xf32>
    %dot_general3A_18 = tpu.matmul %select_n3A, %select_n3A_17, %dot_general3A {dimension_numbers = #tpu.dot_dimension_numbers<[0], [0], [1], [1], [0, 1, 1, 1], [], []>, transpose_lhs_hint = false} : vector<4000x128xf32>, vector<4000x128xf32>, vector<128x128xf32> -> vector<128x128xf32>
    %eq3A_19 = arith.constant 0 : i32
    %eq3A_20 = arith.cmpi eq, %arg0, %eq3A_19 : i32
    %convert_element_type3A = arith.extui %eq3A_20 : i1 to i32
    %cond3A = arith.constant 0 : i32
    %cond3A_21 = arith.cmpi ne, %convert_element_type3A, %cond3A : i32
    scf.if %cond3A_21 {
      %broadcast_in_dim3A_27 = arith.constant 0.000000e+00 : f32
      %broadcast_in_dim3A_28 = vector.broadcast %broadcast_in_dim3A_27 : f32 to vector<128x128xf32>
      %swap3A_29 = arith.constant 0 : index
      %swap3A_30 = arith.constant 0 : index
      %swap3A_31 = vector.load %arg2[%swap3A_29, %swap3A_30] : memref<128x128xf32, #tpu.memory_space<vmem>>, vector<128x128xf32>
      tpu.vector_store %arg2[%swap3A_29, %swap3A_30], %broadcast_in_dim3A_28 {strides = array<i32>} : memref<128x128xf32, #tpu.memory_space<vmem>>, vector<128x128xf32>,
    } else {
    }
    %get3A_22 = arith.constant 0 : index
    %get3A_23 = arith.constant 0 : index
    %get3A_24 = vector.load %arg2[%get3A_22, %get3A_23] : memref<128x128xf32, #tpu.memory_space<vmem>>, vector<128x128xf32>
    %add3A = arith.addf %get3A_24, %dot_general3A_18 : vector<128x128xf32>
    %swap3A = arith.constant 0 : index
    %swap3A_25 = arith.constant 0 : index
    %swap3A_26 = vector.load %arg2[%swap3A, %swap3A_25] : memref<128x128xf32, #tpu.memory_space<vmem>>, vector<128x128xf32>
    tpu.vector_store %arg2[%swap3A, %swap3A_25], %add3A {strides = array<i32>} : memref<128x128xf32, #tpu.memory_space<vmem>>, vector<128x128xf32>,
    return
  }
  func.func @transform_0(%arg0: i32) -> (i32, i32, i32) {
    %c0_i32 = arith.constant 0 : i32
    %c0_i32_0 = arith.constant 0 : i32
    %c0_i32_1 = arith.constant 0 : i32
    return %arg0, %c0_i32, %c0_i32_0 : i32, i32, i32
  }
  func.func @transform_1(%arg0: i32) -> (i32, i32) {
    %c0_i32 = arith.constant 0 : i32
    %c0_i32_0 = arith.constant 0 : i32
    %c0_i32_1 = arith.constant 0 : i32
    return %c0_i32, %c0_i32_0 : i32, i32
  }
}

module attributes {stable_mosaic.version = 14 : i64} {
  func.func @_node_upd_kernel(%arg0: i32, %arg1: i32, %arg2: memref<1000x128xf32, #tpu.memory_space<vmem>>, %arg3: memref<1000x1xf32, #tpu.memory_space<vmem>>, %arg4: memref<1x128x128xf32, #tpu.memory_space<vmem>>, %arg5: memref<1000x128xf32, #tpu.memory_space<vmem>>, %arg6: memref<1000x1xf32, #tpu.memory_space<vmem>>, %arg7: memref<1x136x128xf32, #tpu.memory_space<vmem>>, %arg8: memref<1x1x128xf32, #tpu.memory_space<vmem>>, %arg9: memref<1000x128xf32, #tpu.memory_space<vmem>>) attributes {dimension_semantics = [#tpu.dimension_semantics<arbitrary>, #tpu.dimension_semantics<arbitrary>], iteration_bounds = array<i64: 2, 10>, scalar_prefetch = 0 : i64, scratch_operands = 0 : i64, tpu.core_type = #tpu.core_type<tc>, window_params = [{transform_indices = @transform_0, window_bounds = array<i64: 1000, 128>}, {transform_indices = @transform_1, window_bounds = array<i64: 1000, 1>}, {transform_indices = @transform_2, window_bounds = array<i64: 1, 128, 128>}, {transform_indices = @transform_3, window_bounds = array<i64: 1000, 128>}, {transform_indices = @transform_4, window_bounds = array<i64: 1000, 1>}, {transform_indices = @transform_5, window_bounds = array<i64: 1, 136, 128>}, {transform_indices = @transform_6, window_bounds = array<i64: 1, 1, 128>}, {transform_indices = @transform_7, window_bounds = array<i64: 1000, 128>}]} {
    %get3A = arith.constant 0 : index
    %get3A_0 = arith.constant 0 : index
    %get3A_1 = vector.load %arg3[%get3A, %get3A_0] : memref<1000x1xf32, #tpu.memory_space<vmem>>, vector<1000x1xf32>
    %max3A = arith.constant 1.000000e+00 : f32
    %max3A_2 = vector.broadcast %max3A : f32 to vector<1000x1xf32>
    %max3A_3 = arith.maximumf %get3A_1, %max3A_2 : vector<1000x1xf32>
    %get3A_4 = arith.constant 0 : index
    %get3A_5 = arith.constant 0 : index
    %get3A_6 = vector.load %arg2[%get3A_4, %get3A_5] : memref<1000x128xf32, #tpu.memory_space<vmem>>, vector<1000x128xf32>
    %div3A = vector.broadcast %max3A_3 : vector<1000x1xf32> to vector<1000x128xf32>
    %div3A_7 = arith.divf %get3A_6, %div3A : vector<1000x128xf32>
    %get3A_8 = arith.constant 0 : index
    %get3A_9 = arith.constant 0 : index
    %get3A_10 = vector.load %arg5[%get3A_8, %get3A_9] : memref<1000x128xf32, #tpu.memory_space<vmem>>, vector<1000x128xf32>
    %get3A_11 = arith.constant 0 : index
    %get3A_12 = arith.constant 0 : index
    %get3A_13 = vector.load %arg6[%get3A_11, %get3A_12] : memref<1000x1xf32, #tpu.memory_space<vmem>>, vector<1000x1xf32>
    %broadcast_in_dim3A = arith.constant 0.000000e+00 : f32
    %broadcast_in_dim3A_14 = vector.broadcast %broadcast_in_dim3A : f32 to vector<1000x7xf32>
    %concatenate3A = tpu.concatenate %get3A_10, %get3A_13, %broadcast_in_dim3A_14 in 1 : vector<1000x128xf32>, vector<1000x1xf32>, vector<1000x7xf32> -> vector<1000x136xf32>
    %get3A_15 = arith.constant 0 : index
    %get3A_16 = arith.constant 0 : index
    %get3A_17 = arith.constant 0 : index
    %get3A_18 = vector.load %arg4[%get3A_15, %get3A_16, %get3A_17] : memref<1x128x128xf32, #tpu.memory_space<vmem>>, vector<1x128x128xf32>
    %get3A_19 = vector.shape_cast %get3A_18 : vector<1x128x128xf32> to vector<128x128xf32>
    %dot_general3A = arith.constant dense<0.000000e+00> : vector<1000x128xf32>
    %dot_general3A_20 = tpu.matmul %div3A_7, %get3A_19, %dot_general3A {dimension_numbers = #tpu.dot_dimension_numbers<[1], [0], [0], [1], [0, 0, 1, 1], [], []>, transpose_lhs_hint = false} : vector<1000x128xf32>, vector<128x128xf32>, vector<1000x128xf32> -> vector<1000x128xf32>
    %get3A_21 = arith.constant 0 : index
    %get3A_22 = arith.constant 0 : index
    %get3A_23 = arith.constant 0 : index
    %get3A_24 = vector.load %arg7[%get3A_21, %get3A_22, %get3A_23] : memref<1x136x128xf32, #tpu.memory_space<vmem>>, vector<1x136x128xf32>
    %get3A_25 = vector.shape_cast %get3A_24 : vector<1x136x128xf32> to vector<136x128xf32>
    %dot_general3A_26 = arith.constant dense<0.000000e+00> : vector<1000x128xf32>
    %dot_general3A_27 = tpu.matmul %concatenate3A, %get3A_25, %dot_general3A_26 {dimension_numbers = #tpu.dot_dimension_numbers<[1], [0], [0], [1], [0, 0, 1, 1], [], []>, transpose_lhs_hint = false} : vector<1000x136xf32>, vector<136x128xf32>, vector<1000x128xf32> -> vector<1000x128xf32>
    %add3A = arith.addf %dot_general3A_20, %dot_general3A_27 : vector<1000x128xf32>
    %get3A_28 = arith.constant 0 : index
    %get3A_29 = arith.constant 0 : index
    %get3A_30 = arith.constant 0 : index
    %get3A_31 = vector.load %arg8[%get3A_28, %get3A_29, %get3A_30] : memref<1x1x128xf32, #tpu.memory_space<vmem>>, vector<1x1x128xf32>
    %get3A_32 = vector.shape_cast %get3A_31 : vector<1x1x128xf32> to vector<1x128xf32>
    %add3A_33 = vector.broadcast %get3A_32 : vector<1x128xf32> to vector<1000x128xf32>
    %add3A_34 = arith.addf %add3A, %add3A_33 : vector<1000x128xf32>
    %max3A_35 = arith.constant 0.000000e+00 : f32
    %max3A_36 = vector.broadcast %max3A_35 : f32 to vector<1000x128xf32>
    %max3A_37 = arith.maximumf %add3A_34, %max3A_36 : vector<1000x128xf32>
    %swap3A = arith.constant 0 : index
    %swap3A_38 = arith.constant 0 : index
    %swap3A_39 = vector.load %arg9[%swap3A, %swap3A_38] : memref<1000x128xf32, #tpu.memory_space<vmem>>, vector<1000x128xf32>
    tpu.vector_store %arg9[%swap3A, %swap3A_38], %max3A_37 {strides = array<i32>} : memref<1000x128xf32, #tpu.memory_space<vmem>>, vector<1000x128xf32>,
    return
  }
  func.func @transform_0(%arg0: i32, %arg1: i32) -> (i32, i32) {
    %mul3A = arith.constant 10 : i32
    %mul3A_0 = arith.muli %arg0, %mul3A : i32
    %add3A = arith.addi %mul3A_0, %arg1 : i32
    %c0_i32 = arith.constant 0 : i32
    %c0_i32_1 = arith.constant 0 : i32
    return %add3A, %c0_i32 : i32, i32
  }
  func.func @transform_1(%arg0: i32, %arg1: i32) -> (i32, i32) {
    %c0_i32 = arith.constant 0 : i32
    %c0_i32_0 = arith.constant 0 : i32
    return %arg1, %c0_i32 : i32, i32
  }
  func.func @transform_2(%arg0: i32, %arg1: i32) -> (i32, i32, i32) {
    %c0_i32 = arith.constant 0 : i32
    %c0_i32_0 = arith.constant 0 : i32
    %c0_i32_1 = arith.constant 0 : i32
    return %arg0, %c0_i32, %c0_i32_0 : i32, i32, i32
  }
  func.func @transform_3(%arg0: i32, %arg1: i32) -> (i32, i32) {
    %c0_i32 = arith.constant 0 : i32
    %c0_i32_0 = arith.constant 0 : i32
    return %arg1, %c0_i32 : i32, i32
  }
  func.func @transform_4(%arg0: i32, %arg1: i32) -> (i32, i32) {
    %c0_i32 = arith.constant 0 : i32
    %c0_i32_0 = arith.constant 0 : i32
    return %arg1, %c0_i32 : i32, i32
  }
  func.func @transform_5(%arg0: i32, %arg1: i32) -> (i32, i32, i32) {
    %c0_i32 = arith.constant 0 : i32
    %c0_i32_0 = arith.constant 0 : i32
    %c0_i32_1 = arith.constant 0 : i32
    return %arg0, %c0_i32, %c0_i32_0 : i32, i32, i32
  }
  func.func @transform_6(%arg0: i32, %arg1: i32) -> (i32, i32, i32) {
    %c0_i32 = arith.constant 0 : i32
    %c0_i32_0 = arith.constant 0 : i32
    %c0_i32_1 = arith.constant 0 : i32
    return %arg0, %c0_i32, %c0_i32_0 : i32, i32, i32
  }
  func.func @transform_7(%arg0: i32, %arg1: i32) -> (i32, i32) {
    %mul3A = arith.constant 10 : i32
    %mul3A_0 = arith.muli %arg0, %mul3A : i32
    %add3A = arith.addi %mul3A_0, %arg1 : i32
    %c0_i32 = arith.constant 0 : i32
    %c0_i32_1 = arith.constant 0 : i32
    return %add3A, %c0_i32 : i32, i32
  }
}

module attributes {stable_mosaic.version = 14 : i64} {
  func.func @_edge2_kernel(%arg0: i32, %arg1: i32, %arg2: memref<4000x128xf32, #tpu.memory_space<vmem>>, %arg3: memref<4000x128xf32, #tpu.memory_space<vmem>>, %arg4: memref<1x128x128xf32, #tpu.memory_space<vmem>>, %arg5: memref<1x128x128xf32, #tpu.memory_space<vmem>>, %arg6: memref<1x1x128xf32, #tpu.memory_space<vmem>>, %arg7: memref<4000x128xf32, #tpu.memory_space<vmem>>) attributes {dimension_semantics = [#tpu.dimension_semantics<arbitrary>, #tpu.dimension_semantics<arbitrary>], iteration_bounds = array<i64: 2, 80>, scalar_prefetch = 0 : i64, scratch_operands = 0 : i64, tpu.core_type = #tpu.core_type<tc>, window_params = [{transform_indices = @transform_0, window_bounds = array<i64: 4000, 128>}, {transform_indices = @transform_1, window_bounds = array<i64: 4000, 128>}, {transform_indices = @transform_2, window_bounds = array<i64: 1, 128, 128>}, {transform_indices = @transform_3, window_bounds = array<i64: 1, 128, 128>}, {transform_indices = @transform_4, window_bounds = array<i64: 1, 1, 128>}, {transform_indices = @transform_5, window_bounds = array<i64: 4000, 128>}]} {
    %get3A = arith.constant 0 : index
    %get3A_0 = arith.constant 0 : index
    %get3A_1 = vector.load %arg2[%get3A, %get3A_0] : memref<4000x128xf32, #tpu.memory_space<vmem>>, vector<4000x128xf32>
    %get3A_2 = arith.constant 0 : index
    %get3A_3 = arith.constant 0 : index
    %get3A_4 = arith.constant 0 : index
    %get3A_5 = vector.load %arg4[%get3A_2, %get3A_3, %get3A_4] : memref<1x128x128xf32, #tpu.memory_space<vmem>>, vector<1x128x128xf32>
    %get3A_6 = vector.shape_cast %get3A_5 : vector<1x128x128xf32> to vector<128x128xf32>
    %dot_general3A = arith.constant dense<0.000000e+00> : vector<4000x128xf32>
    %dot_general3A_7 = tpu.matmul %get3A_1, %get3A_6, %dot_general3A {dimension_numbers = #tpu.dot_dimension_numbers<[1], [0], [0], [1], [0, 0, 1, 1], [], []>, transpose_lhs_hint = false} : vector<4000x128xf32>, vector<128x128xf32>, vector<4000x128xf32> -> vector<4000x128xf32>
    %get3A_8 = arith.constant 0 : index
    %get3A_9 = arith.constant 0 : index
    %get3A_10 = vector.load %arg3[%get3A_8, %get3A_9] : memref<4000x128xf32, #tpu.memory_space<vmem>>, vector<4000x128xf32>
    %get3A_11 = arith.constant 0 : index
    %get3A_12 = arith.constant 0 : index
    %get3A_13 = arith.constant 0 : index
    %get3A_14 = vector.load %arg5[%get3A_11, %get3A_12, %get3A_13] : memref<1x128x128xf32, #tpu.memory_space<vmem>>, vector<1x128x128xf32>
    %get3A_15 = vector.shape_cast %get3A_14 : vector<1x128x128xf32> to vector<128x128xf32>
    %dot_general3A_16 = arith.constant dense<0.000000e+00> : vector<4000x128xf32>
    %dot_general3A_17 = tpu.matmul %get3A_10, %get3A_15, %dot_general3A_16 {dimension_numbers = #tpu.dot_dimension_numbers<[1], [0], [0], [1], [0, 0, 1, 1], [], []>, transpose_lhs_hint = false} : vector<4000x128xf32>, vector<128x128xf32>, vector<4000x128xf32> -> vector<4000x128xf32>
    %add3A = arith.addf %dot_general3A_7, %dot_general3A_17 : vector<4000x128xf32>
    %get3A_18 = arith.constant 0 : index
    %get3A_19 = arith.constant 0 : index
    %get3A_20 = arith.constant 0 : index
    %get3A_21 = vector.load %arg6[%get3A_18, %get3A_19, %get3A_20] : memref<1x1x128xf32, #tpu.memory_space<vmem>>, vector<1x1x128xf32>
    %get3A_22 = vector.shape_cast %get3A_21 : vector<1x1x128xf32> to vector<1x128xf32>
    %add3A_23 = vector.broadcast %get3A_22 : vector<1x128xf32> to vector<4000x128xf32>
    %add3A_24 = arith.addf %add3A, %add3A_23 : vector<4000x128xf32>
    %max3A = arith.constant 0.000000e+00 : f32
    %max3A_25 = vector.broadcast %max3A : f32 to vector<4000x128xf32>
    %max3A_26 = arith.maximumf %add3A_24, %max3A_25 : vector<4000x128xf32>
    %swap3A = arith.constant 0 : index
    %swap3A_27 = arith.constant 0 : index
    %swap3A_28 = vector.load %arg7[%swap3A, %swap3A_27] : memref<4000x128xf32, #tpu.memory_space<vmem>>, vector<4000x128xf32>
    tpu.vector_store %arg7[%swap3A, %swap3A_27], %max3A_26 {strides = array<i32>} : memref<4000x128xf32, #tpu.memory_space<vmem>>, vector<4000x128xf32>,
    return
  }
  func.func @transform_0(%arg0: i32, %arg1: i32) -> (i32, i32) {
    %mul3A = arith.constant 80 : i32
    %mul3A_0 = arith.muli %arg0, %mul3A : i32
    %add3A = arith.addi %mul3A_0, %arg1 : i32
    %c0_i32 = arith.constant 0 : i32
    %c0_i32_1 = arith.constant 0 : i32
    return %add3A, %c0_i32 : i32, i32
  }
  func.func @transform_1(%arg0: i32, %arg1: i32) -> (i32, i32) {
    %mul3A = arith.constant 80 : i32
    %mul3A_0 = arith.muli %arg0, %mul3A : i32
    %add3A = arith.addi %mul3A_0, %arg1 : i32
    %c0_i32 = arith.constant 0 : i32
    %c0_i32_1 = arith.constant 0 : i32
    return %add3A, %c0_i32 : i32, i32
  }
  func.func @transform_2(%arg0: i32, %arg1: i32) -> (i32, i32, i32) {
    %c0_i32 = arith.constant 0 : i32
    %c0_i32_0 = arith.constant 0 : i32
    %c0_i32_1 = arith.constant 0 : i32
    return %arg0, %c0_i32, %c0_i32_0 : i32, i32, i32
  }
  func.func @transform_3(%arg0: i32, %arg1: i32) -> (i32, i32, i32) {
    %c0_i32 = arith.constant 0 : i32
    %c0_i32_0 = arith.constant 0 : i32
    %c0_i32_1 = arith.constant 0 : i32
    return %arg0, %c0_i32, %c0_i32_0 : i32, i32, i32
  }
  func.func @transform_4(%arg0: i32, %arg1: i32) -> (i32, i32, i32) {
    %c0_i32 = arith.constant 0 : i32
    %c0_i32_0 = arith.constant 0 : i32
    %c0_i32_1 = arith.constant 0 : i32
    return %arg0, %c0_i32, %c0_i32_0 : i32, i32, i32
  }
  func.func @transform_5(%arg0: i32, %arg1: i32) -> (i32, i32) {
    %mul3A = arith.constant 80 : i32
    %mul3A_0 = arith.muli %arg0, %mul3A : i32
    %add3A = arith.addi %mul3A_0, %arg1 : i32
    %c0_i32 = arith.constant 0 : i32
    %c0_i32_1 = arith.constant 0 : i32
    return %add3A, %c0_i32 : i32, i32
  }
}

module attributes {stable_mosaic.version = 14 : i64} {
  func.func @_final_kernel(%arg0: i32, %arg1: memref<1000x128xf32, #tpu.memory_space<vmem>>, %arg2: memref<1000x128xf32, #tpu.memory_space<vmem>>, %arg3: memref<1000x1xf32, #tpu.memory_space<vmem>>, %arg4: memref<1000x128xf32, #tpu.memory_space<vmem>>, %arg5: memref<1000x128xf32, #tpu.memory_space<vmem>>, %arg6: memref<128x128xf32, #tpu.memory_space<vmem>>, %arg7: memref<128x128xf32, #tpu.memory_space<vmem>>, %arg8: memref<128x128xf32, #tpu.memory_space<vmem>>, %arg9: memref<128x128xf32, #tpu.memory_space<vmem>>, %arg10: memref<1x128xf32, #tpu.memory_space<vmem>>, %arg11: memref<1x128xf32, #tpu.memory_space<vmem>>, %arg12: memref<128x3xf32, #tpu.memory_space<vmem>>, %arg13: memref<1x3xf32, #tpu.memory_space<vmem>>, %arg14: memref<128x2xf32, #tpu.memory_space<vmem>>, %arg15: memref<1x2xf32, #tpu.memory_space<vmem>>, %arg16: memref<1000x6xf32, #tpu.memory_space<vmem>>, %arg17: memref<1000x1xf32, #tpu.memory_space<vmem>>, %arg18: memref<1000x3xf32, #tpu.memory_space<vmem>>, %arg19: memref<1000x1xf32, #tpu.memory_space<vmem>>) attributes {dimension_semantics = [#tpu.dimension_semantics<arbitrary>], iteration_bounds = array<i64: 10>, scalar_prefetch = 0 : i64, scratch_operands = 0 : i64, tpu.core_type = #tpu.core_type<tc>, window_params = [{transform_indices = @transform_0, window_bounds = array<i64: 1000, 128>}, {transform_indices = @transform_1, window_bounds = array<i64: 1000, 128>}, {transform_indices = @transform_2, window_bounds = array<i64: 1000, 1>}, {transform_indices = @transform_3, window_bounds = array<i64: 1000, 128>}, {transform_indices = @transform_4, window_bounds = array<i64: 1000, 128>}, {pipeline_mode = #tpu.pipeline_mode<synchronous>, transform_indices = @transform_5, window_bounds = array<i64: 128, 128>}, {pipeline_mode = #tpu.pipeline_mode<synchronous>, transform_indices = @transform_6, window_bounds = array<i64: 128, 128>}, {pipeline_mode = #tpu.pipeline_mode<synchronous>, transform_indices = @transform_7, window_bounds = array<i64: 128, 128>}, {pipeline_mode = #tpu.pipeline_mode<synchronous>, transform_indices = @transform_8, window_bounds = array<i64: 128, 128>}, {pipeline_mode = #tpu.pipeline_mode<synchronous>, transform_indices = @transform_9, window_bounds = array<i64: 1, 128>}, {pipeline_mode = #tpu.pipeline_mode<synchronous>, transform_indices = @transform_10, window_bounds = array<i64: 1, 128>}, {pipeline_mode = #tpu.pipeline_mode<synchronous>, transform_indices = @transform_11, window_bounds = array<i64: 128, 3>}, {pipeline_mode = #tpu.pipeline_mode<synchronous>, transform_indices = @transform_12, window_bounds = array<i64: 1, 3>}, {pipeline_mode = #tpu.pipeline_mode<synchronous>, transform_indices = @transform_13, window_bounds = array<i64: 128, 2>}, {pipeline_mode = #tpu.pipeline_mode<synchronous>, transform_indices = @transform_14, window_bounds = array<i64: 1, 2>}, {transform_indices = @transform_15, window_bounds = array<i64: 1000, 6>}, {transform_indices = @transform_16, window_bounds = array<i64: 1000, 1>}, {transform_indices = @transform_17, window_bounds = array<i64: 1000, 3>}, {transform_indices = @transform_18, window_bounds = array<i64: 1000, 1>}]} {
    %get3A = arith.constant 0 : index
    %get3A_0 = arith.constant 0 : index
    %get3A_1 = vector.load %arg3[%get3A, %get3A_0] : memref<1000x1xf32, #tpu.memory_space<vmem>>, vector<1000x1xf32>
    %max3A = arith.constant 1.000000e+00 : f32
    %max3A_2 = vector.broadcast %max3A : f32 to vector<1000x1xf32>
    %max3A_3 = arith.maximumf %get3A_1, %max3A_2 : vector<1000x1xf32>
    %get3A_4 = arith.constant 0 : index
    %get3A_5 = arith.constant 0 : index
    %get3A_6 = vector.load %arg1[%get3A_4, %get3A_5] : memref<1000x128xf32, #tpu.memory_space<vmem>>, vector<1000x128xf32>
    %div3A = vector.broadcast %max3A_3 : vector<1000x1xf32> to vector<1000x128xf32>
    %div3A_7 = arith.divf %get3A_6, %div3A : vector<1000x128xf32>
    %get3A_8 = arith.constant 0 : index
    %get3A_9 = arith.constant 0 : index
    %get3A_10 = vector.load %arg6[%get3A_8, %get3A_9] : memref<128x128xf32, #tpu.memory_space<vmem>>, vector<128x128xf32>
    %dot_general3A = arith.constant dense<0.000000e+00> : vector<1000x128xf32>
    %dot_general3A_11 = tpu.matmul %div3A_7, %get3A_10, %dot_general3A {dimension_numbers = #tpu.dot_dimension_numbers<[1], [0], [0], [1], [0, 0, 1, 1], [], []>, transpose_lhs_hint = false} : vector<1000x128xf32>, vector<128x128xf32>, vector<1000x128xf32> -> vector<1000x128xf32>
    %get3A_12 = arith.constant 0 : index
    %get3A_13 = arith.constant 0 : index
    %get3A_14 = vector.load %arg4[%get3A_12, %get3A_13] : memref<1000x128xf32, #tpu.memory_space<vmem>>, vector<1000x128xf32>
    %get3A_15 = arith.constant 0 : index
    %get3A_16 = arith.constant 0 : index
    %get3A_17 = vector.load %arg8[%get3A_15, %get3A_16] : memref<128x128xf32, #tpu.memory_space<vmem>>, vector<128x128xf32>
    %dot_general3A_18 = arith.constant dense<0.000000e+00> : vector<1000x128xf32>
    %dot_general3A_19 = tpu.matmul %get3A_14, %get3A_17, %dot_general3A_18 {dimension_numbers = #tpu.dot_dimension_numbers<[1], [0], [0], [1], [0, 0, 1, 1], [], []>, transpose_lhs_hint = false} : vector<1000x128xf32>, vector<128x128xf32>, vector<1000x128xf32> -> vector<1000x128xf32>
    %add3A = arith.addf %dot_general3A_11, %dot_general3A_19 : vector<1000x128xf32>
    %get3A_20 = arith.constant 0 : index
    %get3A_21 = arith.constant 0 : index
    %get3A_22 = vector.load %arg10[%get3A_20, %get3A_21] : memref<1x128xf32, #tpu.memory_space<vmem>>, vector<1x128xf32>
    %add3A_23 = vector.broadcast %get3A_22 : vector<1x128xf32> to vector<1000x128xf32>
    %add3A_24 = arith.addf %add3A, %add3A_23 : vector<1000x128xf32>
    %max3A_25 = arith.constant 0.000000e+00 : f32
    %max3A_26 = vector.broadcast %max3A_25 : f32 to vector<1000x128xf32>
    %max3A_27 = arith.maximumf %add3A_24, %max3A_26 : vector<1000x128xf32>
    %get3A_28 = arith.constant 0 : index
    %get3A_29 = arith.constant 0 : index
    %get3A_30 = vector.load %arg2[%get3A_28, %get3A_29] : memref<1000x128xf32, #tpu.memory_space<vmem>>, vector<1000x128xf32>
    %div3A_31 = vector.broadcast %max3A_3 : vector<1000x1xf32> to vector<1000x128xf32>
    %div3A_32 = arith.divf %get3A_30, %div3A_31 : vector<1000x128xf32>
    %get3A_33 = arith.constant 0 : index
    %get3A_34 = arith.constant 0 : index
    %get3A_35 = vector.load %arg7[%get3A_33, %get3A_34] : memref<128x128xf32, #tpu.memory_space<vmem>>, vector<128x128xf32>
    %dot_general3A_36 = arith.constant dense<0.000000e+00> : vector<1000x128xf32>
    %dot_general3A_37 = tpu.matmul %div3A_32, %get3A_35, %dot_general3A_36 {dimension_numbers = #tpu.dot_dimension_numbers<[1], [0], [0], [1], [0, 0, 1, 1], [], []>, transpose_lhs_hint = false} : vector<1000x128xf32>, vector<128x128xf32>, vector<1000x128xf32> -> vector<1000x128xf32>
    %get3A_38 = arith.constant 0 : index
    %get3A_39 = arith.constant 0 : index
    %get3A_40 = vector.load %arg5[%get3A_38, %get3A_39] : memref<1000x128xf32, #tpu.memory_space<vmem>>, vector<1000x128xf32>
    %get3A_41 = arith.constant 0 : index
    %get3A_42 = arith.constant 0 : index
    %get3A_43 = vector.load %arg9[%get3A_41, %get3A_42] : memref<128x128xf32, #tpu.memory_space<vmem>>, vector<128x128xf32>
    %dot_general3A_44 = arith.constant dense<0.000000e+00> : vector<1000x128xf32>
    %dot_general3A_45 = tpu.matmul %get3A_40, %get3A_43, %dot_general3A_44 {dimension_numbers = #tpu.dot_dimension_numbers<[1], [0], [0], [1], [0, 0, 1, 1], [], []>, transpose_lhs_hint = false} : vector<1000x128xf32>, vector<128x128xf32>, vector<1000x128xf32> -> vector<1000x128xf32>
    %add3A_46 = arith.addf %dot_general3A_37, %dot_general3A_45 : vector<1000x128xf32>
    %get3A_47 = arith.constant 0 : index
    %get3A_48 = arith.constant 0 : index
    %get3A_49 = vector.load %arg11[%get3A_47, %get3A_48] : memref<1x128xf32, #tpu.memory_space<vmem>>, vector<1x128xf32>
    %add3A_50 = vector.broadcast %get3A_49 : vector<1x128xf32> to vector<1000x128xf32>
    %add3A_51 = arith.addf %add3A_46, %add3A_50 : vector<1000x128xf32>
    %max3A_52 = arith.constant 0.000000e+00 : f32
    %max3A_53 = vector.broadcast %max3A_52 : f32 to vector<1000x128xf32>
    %max3A_54 = arith.maximumf %add3A_51, %max3A_53 : vector<1000x128xf32>
    %get3A_55 = arith.constant 0 : index
    %get3A_56 = arith.constant 0 : index
    %get3A_57 = vector.load %arg12[%get3A_55, %get3A_56] : memref<128x3xf32, #tpu.memory_space<vmem>>, vector<128x3xf32>
    %dot_general3A_58 = arith.constant dense<0.000000e+00> : vector<1000x3xf32>
    %dot_general3A_59 = tpu.matmul %max3A_27, %get3A_57, %dot_general3A_58 {dimension_numbers = #tpu.dot_dimension_numbers<[1], [0], [0], [1], [0, 0, 1, 1], [], []>, transpose_lhs_hint = false} : vector<1000x128xf32>, vector<128x3xf32>, vector<1000x3xf32> -> vector<1000x3xf32>
    %get3A_60 = arith.constant 0 : index
    %get3A_61 = arith.constant 0 : index
    %get3A_62 = vector.load %arg13[%get3A_60, %get3A_61] : memref<1x3xf32, #tpu.memory_space<vmem>>, vector<1x3xf32>
    %add3A_63 = vector.broadcast %get3A_62 : vector<1x3xf32> to vector<1000x3xf32>
    %add3A_64 = arith.addf %dot_general3A_59, %add3A_63 : vector<1000x3xf32>
    %get3A_65 = arith.constant 0 : index
    %get3A_66 = arith.constant 0 : index
    %get3A_67 = vector.load %arg14[%get3A_65, %get3A_66] : memref<128x2xf32, #tpu.memory_space<vmem>>, vector<128x2xf32>
    %dot_general3A_68 = arith.constant dense<0.000000e+00> : vector<1000x2xf32>
    %dot_general3A_69 = tpu.matmul %max3A_54, %get3A_67, %dot_general3A_68 {dimension_numbers = #tpu.dot_dimension_numbers<[1], [0], [0], [1], [0, 0, 1, 1], [], []>, transpose_lhs_hint = false} : vector<1000x128xf32>, vector<128x2xf32>, vector<1000x2xf32> -> vector<1000x2xf32>
    %get3A_70 = arith.constant 0 : index
    %get3A_71 = arith.constant 0 : index
    %get3A_72 = vector.load %arg15[%get3A_70, %get3A_71] : memref<1x2xf32, #tpu.memory_space<vmem>>, vector<1x2xf32>
    %add3A_73 = vector.broadcast %get3A_72 : vector<1x2xf32> to vector<1000x2xf32>
    %add3A_74 = arith.addf %dot_general3A_69, %add3A_73 : vector<1000x2xf32>
    %slice3A = vector.extract_strided_slice %add3A_64 {offsets = [0, 2], sizes = [1000, 1], strides = [1, 1]} : vector<1000x3xf32> to vector<1000x1xf32>
    %abs3A = math.absf %slice3A : vector<1000x1xf32>
    %neg3A = arith.constant 0.000000e+00 : f32
    %neg3A_75 = vector.broadcast %neg3A : f32 to vector<1000x1xf32>
    %neg3A_76 = arith.subf %neg3A_75, %abs3A : vector<1000x1xf32>
    %get3A_77 = arith.constant 0 : index
    %get3A_78 = arith.constant 0 : index
    %get3A_79 = vector.load %arg17[%get3A_77, %get3A_78] : memref<1000x1xf32, #tpu.memory_space<vmem>>, vector<1000x1xf32>
    %div3A_80 = arith.divf %neg3A_76, %get3A_79 : vector<1000x1xf32>
    %exp3A = math.exp %div3A_80 : vector<1000x1xf32>
    %slice3A_81 = vector.extract_strided_slice %add3A_74 {offsets = [0, 0], sizes = [1000, 1], strides = [1, 1]} : vector<1000x2xf32> to vector<1000x1xf32>
    %abs3A_82 = math.absf %slice3A_81 : vector<1000x1xf32>
    %get3A_83 = arith.constant 0 : index
    %get3A_84 = arith.constant 0 : index
    %get3A_85 = vector.load %arg16[%get3A_83, %get3A_84] : memref<1000x6xf32, #tpu.memory_space<vmem>>, vector<1000x6xf32>
    %slice3A_86 = vector.extract_strided_slice %add3A_64 {offsets = [0, 0], sizes = [1000, 1], strides = [1, 1]} : vector<1000x3xf32> to vector<1000x1xf32>
    %slice3A_87 = vector.extract_strided_slice %get3A_85 {offsets = [0, 0], sizes = [1000, 3], strides = [1, 1]} : vector<1000x6xf32> to vector<1000x3xf32>
    %mul3A = vector.broadcast %slice3A_86 : vector<1000x1xf32> to vector<1000x3xf32>
    %mul3A_88 = arith.mulf %mul3A, %slice3A_87 : vector<1000x3xf32>
    %slice3A_89 = vector.extract_strided_slice %add3A_64 {offsets = [0, 1], sizes = [1000, 1], strides = [1, 1]} : vector<1000x3xf32> to vector<1000x1xf32>
    %slice3A_90 = vector.extract_strided_slice %get3A_85 {offsets = [0, 3], sizes = [1000, 3], strides = [1, 1]} : vector<1000x6xf32> to vector<1000x3xf32>
    %mul3A_91 = vector.broadcast %slice3A_89 : vector<1000x1xf32> to vector<1000x3xf32>
    %mul3A_92 = arith.mulf %mul3A_91, %slice3A_90 : vector<1000x3xf32>
    %add3A_93 = arith.addf %mul3A_88, %mul3A_92 : vector<1000x3xf32>
    %div3A_94 = vector.broadcast %abs3A_82 : vector<1000x1xf32> to vector<1000x3xf32>
    %div3A_95 = arith.divf %add3A_93, %div3A_94 : vector<1000x3xf32>
    %mul3A_96 = vector.broadcast %exp3A : vector<1000x1xf32> to vector<1000x3xf32>
    %mul3A_97 = arith.mulf %div3A_95, %mul3A_96 : vector<1000x3xf32>
    %swap3A = arith.constant 0 : index
    %swap3A_98 = arith.constant 0 : index
    %swap3A_99 = vector.load %arg18[%swap3A, %swap3A_98] : memref<1000x3xf32, #tpu.memory_space<vmem>>, vector<1000x3xf32>
    tpu.vector_store %arg18[%swap3A, %swap3A_98], %mul3A_97 {strides = array<i32>} : memref<1000x3xf32, #tpu.memory_space<vmem>>, vector<1000x3xf32>,
    %slice3A_100 = vector.extract_strided_slice %add3A_74 {offsets = [0, 1], sizes = [1000, 1], strides = [1, 1]} : vector<1000x2xf32> to vector<1000x1xf32>
    %abs3A_101 = math.absf %slice3A_100 : vector<1000x1xf32>
    %swap3A_102 = arith.constant 0 : index
    %swap3A_103 = arith.constant 0 : index
    %swap3A_104 = vector.load %arg19[%swap3A_102, %swap3A_103] : memref<1000x1xf32, #tpu.memory_space<vmem>>, vector<1000x1xf32>
    tpu.vector_store %arg19[%swap3A_102, %swap3A_103], %abs3A_101 {strides = array<i32>} : memref<1000x1xf32, #tpu.memory_space<vmem>>, vector<1000x1xf32>,
    return
  }
  func.func @transform_0(%arg0: i32) -> (i32, i32) {
    %c0_i32 = arith.constant 0 : i32
    %c0_i32_0 = arith.constant 0 : i32
    return %arg0, %c0_i32 : i32, i32
  }
  func.func @transform_1(%arg0: i32) -> (i32, i32) {
    %c0_i32 = arith.constant 0 : i32
    %c0_i32_0 = arith.constant 0 : i32
    return %arg0, %c0_i32 : i32, i32
  }
  func.func @transform_2(%arg0: i32) -> (i32, i32) {
    %c0_i32 = arith.constant 0 : i32
    %c0_i32_0 = arith.constant 0 : i32
    return %arg0, %c0_i32 : i32, i32
  }
  func.func @transform_3(%arg0: i32) -> (i32, i32) {
    %c0_i32 = arith.constant 0 : i32
    %c0_i32_0 = arith.constant 0 : i32
    return %arg0, %c0_i32 : i32, i32
  }
  func.func @transform_4(%arg0: i32) -> (i32, i32) {
    %c0_i32 = arith.constant 0 : i32
    %c0_i32_0 = arith.constant 0 : i32
    return %arg0, %c0_i32 : i32, i32
  }
  func.func @transform_5(%arg0: i32) -> (i32, i32) {
    %c0_i32 = arith.constant 0 : i32
    %c0_i32_0 = arith.constant 0 : i32
    %c0_i32_1 = arith.constant 0 : i32
    return %c0_i32, %c0_i32_0 : i32, i32
  }
  func.func @transform_6(%arg0: i32) -> (i32, i32) {
    %c0_i32 = arith.constant 0 : i32
    %c0_i32_0 = arith.constant 0 : i32
    %c0_i32_1 = arith.constant 0 : i32
    return %c0_i32, %c0_i32_0 : i32, i32
  }
  func.func @transform_7(%arg0: i32) -> (i32, i32) {
    %c0_i32 = arith.constant 0 : i32
    %c0_i32_0 = arith.constant 0 : i32
    %c0_i32_1 = arith.constant 0 : i32
    return %c0_i32, %c0_i32_0 : i32, i32
  }
  func.func @transform_8(%arg0: i32) -> (i32, i32) {
    %c0_i32 = arith.constant 0 : i32
    %c0_i32_0 = arith.constant 0 : i32
    %c0_i32_1 = arith.constant 0 : i32
    return %c0_i32, %c0_i32_0 : i32, i32
  }
  func.func @transform_9(%arg0: i32) -> (i32, i32) {
    %c0_i32 = arith.constant 0 : i32
    %c0_i32_0 = arith.constant 0 : i32
    %c0_i32_1 = arith.constant 0 : i32
    return %c0_i32, %c0_i32_0 : i32, i32
  }
  func.func @transform_10(%arg0: i32) -> (i32, i32) {
    %c0_i32 = arith.constant 0 : i32
    %c0_i32_0 = arith.constant 0 : i32
    %c0_i32_1 = arith.constant 0 : i32
    return %c0_i32, %c0_i32_0 : i32, i32
  }
  func.func @transform_11(%arg0: i32) -> (i32, i32) {
    %c0_i32 = arith.constant 0 : i32
    %c0_i32_0 = arith.constant 0 : i32
    %c0_i32_1 = arith.constant 0 : i32
    return %c0_i32, %c0_i32_0 : i32, i32
  }
  func.func @transform_12(%arg0: i32) -> (i32, i32) {
    %c0_i32 = arith.constant 0 : i32
    %c0_i32_0 = arith.constant 0 : i32
    %c0_i32_1 = arith.constant 0 : i32
    return %c0_i32, %c0_i32_0 : i32, i32
  }
  func.func @transform_13(%arg0: i32) -> (i32, i32) {
    %c0_i32 = arith.constant 0 : i32
    %c0_i32_0 = arith.constant 0 : i32
    %c0_i32_1 = arith.constant 0 : i32
    return %c0_i32, %c0_i32_0 : i32, i32
  }
  func.func @transform_14(%arg0: i32) -> (i32, i32) {
    %c0_i32 = arith.constant 0 : i32
    %c0_i32_0 = arith.constant 0 : i32
    %c0_i32_1 = arith.constant 0 : i32
    return %c0_i32, %c0_i32_0 : i32, i32
  }
  func.func @transform_15(%arg0: i32) -> (i32, i32) {
    %c0_i32 = arith.constant 0 : i32
    %c0_i32_0 = arith.constant 0 : i32
    return %arg0, %c0_i32 : i32, i32
  }
  func.func @transform_16(%arg0: i32) -> (i32, i32) {
    %c0_i32 = arith.constant 0 : i32
    %c0_i32_0 = arith.constant 0 : i32
    return %arg0, %c0_i32 : i32, i32
  }
  func.func @transform_17(%arg0: i32) -> (i32, i32) {
    %c0_i32 = arith.constant 0 : i32
    %c0_i32_0 = arith.constant 0 : i32
    return %arg0, %c0_i32 : i32, i32
  }
  func.func @transform_18(%arg0: i32) -> (i32, i32) {
    %c0_i32 = arith.constant 0 : i32
    %c0_i32_0 = arith.constant 0 : i32
    return %arg0, %c0_i32 : i32, i32
  }
}

</mosaic_0001>

<sc_bundles>
// kernel: kernel.12.cloned.1.call-start
scs
__scs_entry_jumppad:
0x0: {  	(pc) =	sbr.rel $0x88, $3  }
0x1: {  	(tag) =	ssettag $0x0;
	lr =	simm.s32 $0x1  }
0x2: {  	[smem:$0x3F64] =	sst lr;
	_ =	strace $0xD0000000  }
0x3: {  	_ = 	snop  }
0x4: {  	_ = 	snop  }
0x5: {  	_ = 	snop  }
0x6: {  	_ = 	snop  }
0x7: {  	_ = 	snop  }
__scs_overlays_trampoline_lowered:
0x8: {  	[smem:$0x3F73] =	sst s0  }
0x9: {  	[smem:$0x3F74] =	sst s1  }
0xa: {  	[smem:$0x3F75] =	sst s2  }
0xb: {  	[smem:$0x3F76] =	sst s3  }
0xc: {  	[smem:$0x3F77] =	sst s4  }
0xd: {  	[smem:$0x3F78] =	sst s5  }
0xe: {  	[smem:$0x3F79] =	sst s6  }
0xf: {  	[smem:$0x3F7A] =	sst s7  }
0x10: {  	[smem:$0x3F7B] =	sst s8  }
0x11: {  	[smem:$0x3F7C] =	sst s9;
	s0 =	simm.s32 @!p0 $0x0  }
0x12: {  	s1 =	sld [smem:$0x3F62];
	s0 =	simm.s32 @p0 $0x1  }
0x13: {  	[smem:$0x3F7D] =	sst s0;
	s0 =	simm.s32 @!p1 $0x0  }
0x14: {  	s2 =	sld [smem:$0x3F61];
	s0 =	simm.s32 @p1 $0x1  }
0x15: {  	[smem:$0x3F7E] =	sst s0;
	s0 =	simm.s32 @!p2 $0x0  }
0x16: {  	s3 =	sld [smem:$0x3FDB];
	s0 =	simm.s32 @p2 $0x1  }
0x17: {  	s4 =	simm.s32 $0x1BF5;
	[smem:$0x3F80] =	sst s0  }
0x18: {  	s0 =	sld [smem:$0x3F63];
	_ =	swait.ge [sflag:s4], $0x0  }
0x19: {  	s7 =	sld [smem:$0x3F64]  }
0x1a: {  	s8 =	sadd.s32 $0xFFFFE003, lr  }
0x1b: {  	s9 =	sadd.s32 $0xFFFFFEF7, lr;
	s5 =	simm.s32 $0xFFFFFFFF;
	p2 =	slt.u32 s8, $0xFFFFF086  }
0x1c: {  	p1 =	slt.u32 s9, $0xF7A;
	s5 =	simm.s32 @!p2 $0x0  }
0x1d: {  	s5 =	simm.s32 @p1 $0x1;
	p0 =	seq.s32 s7, s2  }
0x1e: {  	s7 =	smul.u32 @!p0 $0xF7A, s2;
	p2 =	seq.s32 @!p0 s5, $0x0  }
0x1f: {  	s9 =	smul.u32 $0xF7A, s1;
	s8 =	simm.s32 @!p0 $0x1BF5;
	p2 =	por !p2, p0  }
0x20: {  	[sflag:s8] =	ssyncset.s32 @!p0 $0xFFFFF086;
	s6 =	sadd.s32 @!p0 s3, s7;
	s7 =	simm.s32 @!p0 $0x108  }
0x21: {  	s3 =	sadd.s32 s3, s9;
	s6 =	sadd.s32 @!p0 $0x88, s6;
	s7 =	simm.s32 @p2 $0x1082  }
0x22: {  	[simem:s7], [sflag:s8] =	dma.local @!p0 [hbm:s6], $0xF7A  }
0x23: {  	s9 =	sor.u32 $0xD0000000, s2;
	s6 =	simm.s32 $0x108;
	_ =	swait.ge @!p0 [sflag:s8], $0x0  }
0x24: {  	s3 =	sadd.s32 $0x88, s3;
	s6 =	simm.s32 @!p1 $0x1082;
	[sflag:s4] =	ssyncset.s32 $0xFFFFF086  }
0x25: {  	[simem:s6], [sflag:s4] =	dma.local [hbm:s3], $0xF7A  }
0x26: {  	[smem:$0x3F64] =	sst s1;
	(tag) =	ssettag s2;
	_ =	strace s9  }
0x27: {  	s1 =	sld [smem:$0x3F74]  }
0x28: {  	s2 =	sld [smem:$0x3F75]  }
0x29: {  	s4 =	sld [smem:$0x3F77]  }
0x2a: {  	p0 =	seq.s32 s5, $0x0;
	s5 =	sld [smem:$0x3F78]  }
0x2b: {  	s6 =	sld [smem:$0x3F79]  }
0x2c: {  	s7 =	sld [smem:$0x3F7A]  }
0x2d: {  	s3 =	simm.s32 $0x108;
	s8 =	sld [smem:$0x3F7B]  }
0x2e: {  	s3 =	simm.s32 @!p0 $0x1082;
	s9 =	sld [smem:$0x3F7C]  }
0x2f: {  	lr =	sadd.s32 s0, s3;
	s0 =	sld [smem:$0x3F73]  }
0x30: {  	s3 =	sld [smem:$0x3F76]  }
0x31: {  	[smem:$0x3F7F] =	sst s10  }
0x32: {  	s10 =	sld [smem:$0x3F7D];
	_ =	sdelay $0x3  }
0x33: {  	p0 =	seq.s32 s10, $0x1;
	s10 =	sld [smem:$0x3F7F];
	_ =	sdelay $0x3  }
0x34: {  	[smem:$0x3F7F] =	sst s10  }
0x35: {  	s10 =	sld [smem:$0x3F7E];
	_ =	sdelay $0x3  }
0x36: {  	p1 =	seq.s32 s10, $0x1;
	s10 =	sld [smem:$0x3F7F];
	_ =	sdelay $0x3  }
0x37: {  	[smem:$0x3F7F] =	sst s10  }
0x38: {  	s10 =	sld [smem:$0x3F80]  }
0x39: {  	_ = 	snop;
	(pc) =	sbr.ind lr, $3  }
0x3a: {  	_ = 	snop  }
0x3b: {  	_ = 	snop  }
0x3c: {  	p2 =	seq.s32 s10, $0x1;
	s10 =	sld [smem:$0x3F7F]  }
0x3d: {  	_ =	shalt  }
0x3e: {  	_ =	shalt  }
0x3f: {  	_ =	shalt  }
0x40: {  	_ =	shalt  }
0x41: {  	_ =	shalt  }
0x42: {  	_ =	shalt  }
0x43: {  	_ =	shalt  }
0x44: {  	_ =	shalt  }
0x45: {  	_ =	shalt  }
0x46: {  	_ =	shalt  }
0x47: {  	_ =	shalt  }
0x48: {  	_ =	shalt  }
0x49: {  	_ =	shalt  }
0x4a: {  	_ =	shalt  }
0x4b: {  	_ =	shalt  }
0x4c: {  	_ =	shalt  }
0x4d: {  	_ =	shalt  }
0x4e: {  	_ =	shalt  }
0x4f: {  	_ =	shalt  }
0x50: {  	_ =	shalt  }
0x51: {  	_ =	shalt  }
0x52: {  	_ =	shalt  }
0x53: {  	_ =	shalt  }
0x54: {  	_ =	shalt  }
0x55: {  	_ =	shalt  }
0x56: {  	_ =	shalt  }
0x57: {  	_ =	shalt  }
0x58: {  	_ =	shalt  }
0x59: {  	_ =	shalt  }
0x5a: {  	_ =	shalt  }
0x5b: {  	_ =	shalt  }
0x5c: {  	_ =	shalt  }
0x5d: {  	_ =	shalt  }
0x5e: {  	_ =	shalt  }
0x5f: {  	_ =	shalt  }
0x60: {  	_ =	shalt  }
0x61: {  	_ =	shalt  }
0x62: {  	_ =	shalt  }
0x63: {  	_ =	shalt  }
0x64: {  	_ =	shalt  }
0x65: {  	_ =	shalt  }
0x66: {  	_ =	shalt  }
0x67: {  	_ =	shalt  }
0x68: {  	_ =	shalt  }
0x69: {  	_ =	shalt  }
0x6a: {  	_ =	shalt  }
0x6b: {  	_ =	shalt  }
0x6c: {  	_ =	shalt  }
0x6d: {  	_ =	shalt  }
0x6e: {  	_ =	shalt  }
0x6f: {  	_ =	shalt  }
0x70: {  	_ =	shalt  }
0x71: {  	_ =	shalt  }
0x72: {  	_ =	shalt  }
0x73: {  	_ =	shalt  }
0x74: {  	_ =	shalt  }
0x75: {  	_ =	shalt  }
0x76: {  	_ =	shalt  }
0x77: {  	_ =	shalt  }
0x78: {  	_ =	shalt  }
0x79: {  	_ =	shalt  }
0x7a: {  	_ =	shalt  }
0x7b: {  	_ =	shalt  }
0x7c: {  	_ =	shalt  }
0x7d: {  	_ =	shalt  }
0x7e: {  	_ =	shalt  }
0x7f: {  	_ =	shalt  }
0x80: {  	_ =	shalt  }
0x81: {  	_ =	shalt  }
0x82: {  	_ =	shalt  }
0x83: {  	_ =	shalt  }
0x84: {  	_ =	shalt  }
0x85: {  	_ =	shalt  }
0x86: {  	_ =	shalt  }
0x87: {  	_ =	shalt  }
.Lfunc_end0:
.L_simem_size_0:
called_computation_lowered:
.L_overlay_start_0:
0x88: {  	s2 =	sld [smem:$0x3FD9]  }
0x89: {  	s3 =	sld [smem:$0x3FFE];
	_ =	sdelay $0x1  }
0x8a: {  	s1 =	srdreg.scid  }
0x8b: {  	s0 =	sand.u32 $0x1, s1  }
0x8c: {  	s17 =	sshll.u32 s0, $0xA;
	s2 =	sadd.s32 s3, s2  }
0x8d: {  	s2 =	sadd.s32 s2, s17  }
0x8e: {  	[smem:$0x3F8B] =	sst s2  }
0x8f: {  	_ = 	snop  }
0x90: {  	s2 =	sld [smem:$0x3FC8];
	(tm) =	ssettm $0x1  }
0x91: {  	s18 =	sld [smem:$0x3FFB];
	_ =	sdelay $0x3  }
0x92: {  	_ =	strace s18  }
0x93: {  	s3 =	sld [smem:$0x3FFC];
	_ =	sdelay $0x3  }
0x94: {  	_ =	strace s3  }
0x95: {  	s3 =	sld [smem:$0x3FFD];
	_ =	sdelay $0x3  }
0x96: {  	_ =	strace s3  }
0x97: {  	_ =	strace $0x8FFFFFFF  }
0x98: {  	s19 =	sld [smem:$0x3FDB];
	_ =	sdelay $0x1  }
0x99: {  	s4 =	simm.s32 $_scs_section_size  }
0x9a: {  	s5 =	simm.s32 $_size__tile_overlayer_lowered;
	s6 =	simm.s32 $_tile_overlayer_lowered  }
0x9b: {  	s22 =	simm.s32 $0x1BFF;
	s21 =	sshll.u32 s6, $0x1;
	s3 =	sadd.s32 s4, s19  }
0x9c: {  	s7 =	simm.s32 $0x0;
	s20 =	sshll.u32 s5, $0x1;
	s5 =	sadd.s32 s21, s3  }
0x9d: {  	[timem:s7], [sflag:s22] =	dma.local [hbm:s5], s20  }
0x9e: {  	_ =	swait.ge [sflag:s22], s20  }
0x9f: {  	s4 =	ssub.s32 $0x0, s20;
	[sflag:s22] =	ssyncset.done $0x0  }
0xa0: {  	[sflag:s22] =	ssyncadd.s32 s4;
	_ =	sdelay $0x1  }
0xa1: {  	s23 =	simm.s32 $0x1B8B  }
0xa2: {  	_ =	swait.ge [sflag:s23], $0x1  }
0xa3: {  	[sflag:s23] =	ssyncset.done $0x0  }
0xa4: {  	s25 =	simm.s32 $0x1B8E;
	s24 =	sld [smem:$0x3FFE];
	[sflag:s23] =	ssyncadd.s32 $0xFFFFFFFF  }
0xa5: {  	s26 =	simm.s32 $execute0_lowered;
	[smem:$0x3FD2] =	sst s25  }
0xa6: {  	s5 =	sshll.u32 s26, $0x1;
	_ =	strace $0x80000046;
	[dreg:$0x1] =	wrdreg $0xFFFFFFFF  }
0xa7: {  	s28 =	simm.s32 $_size_execute0_lowered;
	s3 =	sadd.s32 s3, s5;
	[dreg:$0x0] =	wrdreg $0x0  }
0xa8: {  	s5 =	sshll.u32 s28, $0x1;
	[dreg:$0x2] =	wrdreg s3  }
0xa9: {  	[dreg:$0x3] =	wrdreg s5  }
0xaa: {  	[dreg:$0x4] =	wrdreg $0xC0  }
0xab: {  	_ =	task [dreg:s7], $0x5FFFF  }
0xac: {  	[dreg:$0x1] =	wrdreg $0xFFFFFFFF  }
0xad: {  	[dreg:$0x0] =	wrdreg $0x60  }
0xae: {  	[dreg:$0x2] =	wrdreg s2  }
0xaf: {  	[dreg:$0x3] =	wrdreg s24  }
0xb0: {  	[dreg:$0x4] =	wrdreg $0x9  }
0xb1: {  	_ =	task.clear_ibuf [dreg:s7], $0x5FFFF;
	_ =	strace $0x90000046  }
0xb2: {  	s29 =	simm.s32 $0x9;
	_ =	strace $0x80000048  }
0xb3: {  	_ =	swait.ge [sflag:s29], $0x1  }
0xb4: {  	[sflag:s29] =	ssyncadd.s32 $0xFFFFFFFF  }
0xb5: {  	_ =	strace $0x90000048  }
0xb6: {  	_ =	sfence  }
0xb7: {  	s30 =	sld [smem:$0x0];
	_ =	sdelay $0x2  }
0xb8: {  	s31 =	sshll.u32 s1, $0xD;
	s1 =	sshrl.u32 s1, $0x2  }
0xb9: {  	s3 =	sand.u32 $0x4000, s31;
	s1 =	sadd.s32 s1, s30  }
0xba: {  	s0 =	sor.u32 s3, s0;
	s1 =	sshll.u32 s1, $0x11  }
0xbb: {  	s0 =	sor.u32 s1, s0  }
0xbc: {  	s0 =	sadd.s32 $0x8F2B, s0  }
0xbd: {  	[sflag:s0] =	ssyncadd.remote.s32 $0x1  }
0xbe: {  	_ =	sfence.sel $0xFFFF  }
0xbf: {  	[dreg:$0x0] =	wrdreg $0xFFFFFFFF;
	(pc) =	sbr.abs _section_cstart, $3  }
0xc0: {  	[dreg:$0x1] =	wrdreg $0xFFFFFFFF  }
0xc1: {  	_ =	task.clear_ibuf [dreg:s7], $0x2FFFF;
	_ =	strace $0x9FFFFFFF  }
0xc2: {  	(tm) =	ssettm $0x7FFFFFFF  }
0xc3: {  	_ =	shalt  }
tec
execute0_lowered:
.L_overlay_start_1:
0x0: {  	(tag) =	ssettag $0x1  }
0x1: {  	s1 =	rddreg [dreg:$0x0]  }
0x2: {  	s0 =	rddreg [dreg:$0x1];
	s2 =	srdreg.scid  }
0x3: {  	s3 =	simm.s32 $0x0;
	s5 =	stileid.u32;
	s14 =	simm.s32 $0x5  }
0x4: {  	s15 =	simm.s32 $0x80;
	s16 =	simm.s32 $0x50;
	s17 =	simm.s32 $0x100  }
0x5: {  	s18 =	simm.s32 $0x2900;
	s19 =	simm.s32 $0x5100;
	s20 =	simm.s32 $0x5180  }
0x6: {  	s21 =	simm.s32 $0x5200;
	s22 =	simm.s32 $0x7A00;
	s23 =	simm.s32 $0x1  }
0x7: {  	s24 =	simm.s32 $0x2;
	s25 =	simm.s32 $0x3;
	s2 =	sand.u32 $0x1, s2  }
0x8: {  	s28 =	simm.s32 $0x0;
	[smem:$0x7FF] =	sst s3;
	s4 =	sshll.u32 s2, $0x4  }
0x9: {  	s7 =	sadd.s32 $0x22600, s0;
	s2 =	ssub.s32 $0x2, s2;
	s6 =	sor.u32 s5, s4  }
0xa: {  	s5 =	sadd.s32 $0xEA00, s0;
	s26 =	sshrl.u32 s2, $0x1;
	s4 =	smul.u32 $0x2710, s6  }
0xb: {  	s8 =	smul.u32 $0x138800, s6;
	s6 =	sadd.s32 $0x18800, s0;
	s0 =	ssub.s32 s2, s26  }
0xc: {  	_ =	strace $0x80000047;
	s26 =	simm.s32 $0x4;
	s13 =	smax.u32 s0, $0x1  }
0xd: {  	s29 =	sshrl.u32 s4, $0x3;
	s10 =	sshrl.u32 s8, $0x3;
	s11 =	sadd.s32 $0xA0, s4  }
0xe: {  	s30 =	sadd.s32 s5, s29;
	s9 =	sadd.s32 s6, s29;
	s31 =	sadd.s32 s7, s10  }
0xf: {  	s10 =	sadd.s32 $0x50, s4;
	[dreg:$0x3] =	wrdreg s30;
	s12 =	sadd.s32 $0x26C00, s31  }
.LBB2_1:
0x10: {  	s0 =	rddreg [dreg:$0x3]  }
0x11: {  	[tilespmem:s3], [sflag:$0x5] =	stream.linear.gather [hbm4b:s0+s3], $0x50, $0x38;
	[tilespmem:$0xA200] =	vst v63  }
0x12: {  	_ =	swait.ge [sflag:s14], $0x50  }
0x13: {  	[sflag:s14] =	ssyncset.done $0x0  }
0x14: {  	[sflag:s14] =	ssyncadd.s32 $0xFFFFFFB0  }
0x15: {  	[tilespmem:s15], [sflag:$0x5] =	stream.linear.gather [hbm4b:s9+s3], $0x50, $0x38;
	[tilespmem:$0xA200] =	vst v63  }
0x16: {  	_ =	swait.ge [sflag:s14], $0x50  }
0x17: {  	[sflag:s14] =	ssyncset.done $0x0  }
0x18: {  	[sflag:s14] =	ssyncadd.s32 $0xFFFFFFB0  }
0x19: {  	[tilespmem:s17], [sflag:$0x1] =	stream.indirect.gather [hbm4b:s1+s16], $0x80, s3, s16, $0xb8;
	[tilespmem:$0xA200] =	vst v63  }
0x1a: {  	s29 =	simm.s32 $0x0  }
0x1b: {  	[tilespmem:s18], [sflag:$0x2] =	stream.indirect.gather [hbm4b:s1+s16], $0x80, s15, s16, $0xb8;
	[tilespmem:$0xA200] =	vst v63  }
.LBB2_2:
0x1c: {  	s31 =	smul.u32 $0xA0, s29;
	_ =	sdelay $0x1  }
0x1d: {  	s30 =	sadd.s32 s31, s10  }
0x1e: {  	s0 =	sshrl.u32 s30, $0x3  }
0x1f: {  	s8 =	simm.s32 $0x0;
	s2 =	sadd.s32 s5, s0  }
0x20: {  	[tilespmem:s19], [sflag:$0x5] =	stream.linear.gather [hbm4b:s2+s8], $0x50, $0x38;
	[tilespmem:$0xA200] =	vst v63  }
0x21: {  	_ =	swait.ge [sflag:s14], $0x50  }
0x22: {  	[sflag:s14] =	ssyncset.done $0x0  }
0x23: {  	s0 =	sadd.s32 s6, s0;
	[sflag:s14] =	ssyncadd.s32 $0xFFFFFFB0  }
0x24: {  	[tilespmem:s20], [sflag:$0x5] =	stream.linear.gather [hbm4b:s0+s8], $0x50, $0x38;
	[tilespmem:$0xA200] =	vst v63  }
0x25: {  	_ =	swait.ge [sflag:s14], $0x50  }
0x26: {  	[sflag:s14] =	ssyncset.done $0x0  }
0x27: {  	[sflag:s14] =	ssyncadd.s32 $0xFFFFFFB0  }
0x28: {  	[tilespmem:s21], [sflag:$0x3] =	stream.indirect.gather [hbm4b:s1+s16], $0x80, s19, s16, $0xb8;
	[tilespmem:$0xA200] =	vst v63  }
0x29: {  	_ = 	snop  }
0x2a: {  	[tilespmem:s22], [sflag:$0x4] =	stream.indirect.gather [hbm4b:s1+s16], $0x80, s20, s16, $0xb8;
	[tilespmem:$0xA200] =	vst v63  }
0x2b: {  	_ =	swait.ge [sflag:s23], $0x2800  }
0x2c: {  	[sflag:s23] =	ssyncset.done $0x0  }
0x2d: {  	[sflag:s23] =	ssyncadd.s32 $0xFFFFD800  }
0x2e: {  	_ =	swait.ge [sflag:s24], $0x2800  }
0x2f: {  	[sflag:s24] =	ssyncset.done $0x0  }
0x30: {  	s0 =	simm.s32 $0x0;
	[sflag:s24] =	ssyncadd.s32 $0xFFFFD800  }
0x31: {  	v7 =	vld [tilespmem:s0+$0x2900]  }
0x32: {  	v11 =	vld [tilespmem:s0+$0x2910]  }
0x33: {  	v5 =	vld [tilespmem:s0+$0x2920]  }
0x34: {  	v4 =	vld [tilespmem:s0+$0x2930]  }
0x35: {  	v3 =	vld [tilespmem:s0+$0x2940]  }
0x36: {  	v2 =	vld [tilespmem:s0+$0x2950]  }
0x37: {  	v1 =	vld [tilespmem:s0+$0x2960]  }
0x38: {  	v0 =	vld [tilespmem:s0+$0x2970]  }
0x39: {  	v12 =	vld [tilespmem:s0+$0x100]  }
0x3a: {  	v13 =	vld [tilespmem:s0+$0x110]  }
0x3b: {  	v10 =	vld [tilespmem:s0+$0x120]  }
0x3c: {  	v9 =	vld [tilespmem:s0+$0x130]  }
0x3d: {  	v8 =	vld [tilespmem:s0+$0x140]  }
0x3e: {  	v6 =	vld [tilespmem:s0+$0x150];
	v12 =	vadd.f32 v7, v12  }
0x3f: {  	s2 =	simm.s32 $0x200;
	v11 =	vadd.f32 v11, v13;
	v7 =	vld [tilespmem:s0+$0x160]  }
.LBB2_3:
0x40: {  	s8 =	sshra.s32 s2, $0x2;
	p0 =	sne.s32 s2, $0x9E00;
	[tilespmem:s0+$0x100] =	vst v12;
	v5 =	vadd.f32 v5, v10;
	v10 =	vld [tilespmem:s0+$0x170]  }
0x41: {  	v12 =	vld [tilespmem:s8+$0x2900];
	[tilespmem:s0+$0x110] =	vst v11;
	v4 =	vadd.f32 v4, v9  }
0x42: {  	v11 =	vld [tilespmem:s8+$0x2910];
	[tilespmem:s0+$0x120] =	vst v5;
	v3 =	vadd.f32 v3, v8  }
0x43: {  	v5 =	vld [tilespmem:s8+$0x2920];
	[tilespmem:s0+$0x130] =	vst v4;
	v2 =	vadd.f32 v2, v6  }
0x44: {  	v4 =	vld [tilespmem:s8+$0x2930];
	[tilespmem:s0+$0x140] =	vst v3;
	v1 =	vadd.f32 v1, v7  }
0x45: {  	v3 =	vld [tilespmem:s8+$0x2940];
	[tilespmem:s0+$0x150] =	vst v2;
	v0 =	vadd.f32 v0, v10  }
0x46: {  	v2 =	vld [tilespmem:s8+$0x2950];
	[tilespmem:s0+$0x160] =	vst v1  }
0x47: {  	v1 =	vld [tilespmem:s8+$0x2960];
	[tilespmem:s0+$0x170] =	vst v0;
	s0 =	smov.u32 s8  }
0x48: {  	v0 =	vld [tilespmem:s0+$0x2970]  }
0x49: {  	v6 =	vld [tilespmem:s0+$0x100]  }
0x4a: {  	v7 =	vld [tilespmem:s0+$0x110]  }
.Ltmp0:
0x4b: {  	v10 =	vld [tilespmem:s0+$0x120];
	(pc) =	sbr.rel @p0 .LBB2_3-.Ltmp0, $4  }
0x4c: {  	v9 =	vld [tilespmem:s0+$0x130]  }
0x4d: {  	v8 =	vld [tilespmem:s0+$0x140]  }
0x4e: {  	v12 =	vadd.f32 v12, v6;
	v6 =	vld [tilespmem:s0+$0x150]  }
0x4f: {  	s2 =	sadd.s32 $0x200, s2;
	v11 =	vadd.f32 v11, v7;
	v7 =	vld [tilespmem:s0+$0x160]  }
0x50: {  	[tilespmem:s0+$0x100] =	vst v12;
	v5 =	vadd.f32 v5, v10;
	v10 =	vld [tilespmem:s0+$0x170]  }
0x51: {  	[tilespmem:s0+$0x110] =	vst v11;
	v4 =	vadd.f32 v4, v9  }
0x52: {  	[tilespmem:s0+$0x120] =	vst v5;
	v3 =	vadd.f32 v3, v8  }
0x53: {  	[tilespmem:s0+$0x130] =	vst v4;
	v2 =	vadd.f32 v2, v6  }
0x54: {  	[tilespmem:s0+$0x140] =	vst v3;
	v1 =	vadd.f32 v1, v7  }
0x55: {  	s2 =	sadd.s32 s4, s31;
	[tilespmem:s0+$0x150] =	vst v2;
	v0 =	vadd.f32 v0, v10  }
0x56: {  	s2 =	sshll.u32 s2, $0x4;
	[tilespmem:s0+$0x160] =	vst v1  }
0x57: {  	s8 =	sadd.s32 s7, s2;
	s2 =	simm.s32 $0x0;
	[tilespmem:s0+$0x170] =	vst v0  }
0x58: {  	[hbm4b:s8+s2] =	stream.linear.scatter [tilespmem:s17], [sflag:$0x5], $0x2800, $0x38;
	[tilespmem:$0xA200] =	vst v63  }
0x59: {  	s31 =	sadd.s32 s31, s11;
	_ =	swait.ge [sflag:s14], $0x2800  }
0x5a: {  	s0 =	sshrl.u32 s31, $0x3;
	[sflag:s14] =	ssyncset.done $0x0  }
0x5b: {  	s8 =	sadd.s32 s5, s0;
	[sflag:s14] =	ssyncadd.s32 $0xFFFFD800  }
0x5c: {  	[tilespmem:s2], [sflag:$0x5] =	stream.linear.gather [hbm4b:s8+s2], $0x50, $0x38;
	[tilespmem:$0xA200] =	vst v63  }
0x5d: {  	_ =	swait.ge [sflag:s14], $0x50  }
0x5e: {  	[sflag:s14] =	ssyncset.done $0x0  }
0x5f: {  	s0 =	sadd.s32 s6, s0;
	[sflag:s14] =	ssyncadd.s32 $0xFFFFFFB0  }
0x60: {  	[tilespmem:s15], [sflag:$0x5] =	stream.linear.gather [hbm4b:s0+s2], $0x50, $0x38;
	[tilespmem:$0xA200] =	vst v63  }
0x61: {  	_ =	swait.ge [sflag:s14], $0x50  }
0x62: {  	[sflag:s14] =	ssyncset.done $0x0  }
0x63: {  	[sflag:s14] =	ssyncadd.s32 $0xFFFFFFB0  }
0x64: {  	[tilespmem:s17], [sflag:$0x1] =	stream.indirect.gather [hbm4b:s1+s16], $0x80, s2, s16, $0xb8;
	[tilespmem:$0xA200] =	vst v63  }
0x65: {  	_ = 	snop  }
0x66: {  	[tilespmem:s18], [sflag:$0x2] =	stream.indirect.gather [hbm4b:s1+s16], $0x80, s15, s16, $0xb8;
	[tilespmem:$0xA200] =	vst v63  }
0x67: {  	_ =	swait.ge [sflag:s25], $0x2800  }
0x68: {  	[sflag:s25] =	ssyncset.done $0x0  }
0x69: {  	[sflag:s25] =	ssyncadd.s32 $0xFFFFD800  }
0x6a: {  	_ =	swait.ge [sflag:s26], $0x2800  }
0x6b: {  	[sflag:s26] =	ssyncset.done $0x0  }
0x6c: {  	s0 =	simm.s32 $0x0;
	[sflag:s26] =	ssyncadd.s32 $0xFFFFD800  }
0x6d: {  	v7 =	vld [tilespmem:s0+$0x7A00]  }
0x6e: {  	v11 =	vld [tilespmem:s0+$0x7A10]  }
0x6f: {  	v5 =	vld [tilespmem:s0+$0x7A20]  }
0x70: {  	v4 =	vld [tilespmem:s0+$0x7A30]  }
0x71: {  	v3 =	vld [tilespmem:s0+$0x7A40]  }
0x72: {  	v2 =	vld [tilespmem:s0+$0x7A50]  }
0x73: {  	v1 =	vld [tilespmem:s0+$0x7A60]  }
0x74: {  	v0 =	vld [tilespmem:s0+$0x7A70]  }
0x75: {  	v12 =	vld [tilespmem:s0+$0x5200]  }
0x76: {  	v13 =	vld [tilespmem:s0+$0x5210]  }
0x77: {  	v10 =	vld [tilespmem:s0+$0x5220]  }
0x78: {  	v9 =	vld [tilespmem:s0+$0x5230]  }
0x79: {  	v8 =	vld [tilespmem:s0+$0x5240]  }
0x7a: {  	v6 =	vld [tilespmem:s0+$0x5250];
	v12 =	vadd.f32 v7, v12  }
0x7b: {  	s2 =	simm.s32 $0x200;
	v11 =	vadd.f32 v11, v13;
	v7 =	vld [tilespmem:s0+$0x5260]  }
.LBB2_5:
0x7c: {  	s8 =	sshra.s32 s2, $0x2;
	p0 =	sne.s32 s2, $0x9E00;
	[tilespmem:s0+$0x5200] =	vst v12;
	v5 =	vadd.f32 v5, v10;
	v10 =	vld [tilespmem:s0+$0x5270]  }
0x7d: {  	v12 =	vld [tilespmem:s8+$0x7A00];
	[tilespmem:s0+$0x5210] =	vst v11;
	v4 =	vadd.f32 v4, v9  }
0x7e: {  	v11 =	vld [tilespmem:s8+$0x7A10];
	[tilespmem:s0+$0x5220] =	vst v5;
	v3 =	vadd.f32 v3, v8  }
0x7f: {  	v5 =	vld [tilespmem:s8+$0x7A20];
	[tilespmem:s0+$0x5230] =	vst v4;
	v2 =	vadd.f32 v2, v6  }
0x80: {  	v4 =	vld [tilespmem:s8+$0x7A30];
	[tilespmem:s0+$0x5240] =	vst v3;
	v1 =	vadd.f32 v1, v7  }
0x81: {  	v3 =	vld [tilespmem:s8+$0x7A40];
	[tilespmem:s0+$0x5250] =	vst v2;
	v0 =	vadd.f32 v0, v10  }
0x82: {  	v2 =	vld [tilespmem:s8+$0x7A50];
	[tilespmem:s0+$0x5260] =	vst v1  }
0x83: {  	v1 =	vld [tilespmem:s8+$0x7A60];
	[tilespmem:s0+$0x5270] =	vst v0;
	s0 =	smov.u32 s8  }
0x84: {  	v0 =	vld [tilespmem:s0+$0x7A70]  }
0x85: {  	v6 =	vld [tilespmem:s0+$0x5200]  }
0x86: {  	v7 =	vld [tilespmem:s0+$0x5210]  }
.Ltmp1:
0x87: {  	v10 =	vld [tilespmem:s0+$0x5220];
	(pc) =	sbr.rel @p0 .LBB2_5-.Ltmp1, $4  }
0x88: {  	v9 =	vld [tilespmem:s0+$0x5230]  }
0x89: {  	v8 =	vld [tilespmem:s0+$0x5240]  }
0x8a: {  	v12 =	vadd.f32 v12, v6;
	v6 =	vld [tilespmem:s0+$0x5250]  }
0x8b: {  	s2 =	sadd.s32 $0x200, s2;
	v11 =	vadd.f32 v11, v7;
	v7 =	vld [tilespmem:s0+$0x5260]  }
0x8c: {  	[tilespmem:s0+$0x5200] =	vst v12;
	v5 =	vadd.f32 v5, v10;
	v63 =	vld [tilespmem:s0+$0x5270]  }
0x8d: {  	[tilespmem:s0+$0x5210] =	vst v11;
	v4 =	vadd.f32 v4, v9  }
0x8e: {  	[tilespmem:s0+$0x5220] =	vst v5;
	v3 =	vadd.f32 v3, v8  }
0x8f: {  	[tilespmem:s0+$0x5230] =	vst v4;
	v2 =	vadd.f32 v2, v6  }
0x90: {  	[tilespmem:s0+$0x5240] =	vst v3;
	v1 =	vadd.f32 v1, v7  }
0x91: {  	s29 =	sadd.s32 $0x1, s29;
	[tilespmem:s0+$0x5250] =	vst v2;
	v0 =	vadd.f32 v0, v63  }
0x92: {  	s2 =	sshll.u32 s30, $0x4;
	p0 =	sne.s32 s29, $0x3E;
	[tilespmem:s0+$0x5260] =	vst v1  }
.Ltmp2:
0x93: {  	s31 =	sadd.s32 s7, s2;
	[tilespmem:s0+$0x5270] =	vst v0;
	(pc) =	sbr.rel @p0 .LBB2_2-.Ltmp2, $4  }
0x94: {  	[hbm4b:s31+s3] =	stream.linear.scatter [tilespmem:s21], [sflag:$0x5], $0x2800, $0x38;
	[tilespmem:$0xA200] =	vst v63  }
0x95: {  	_ =	swait.ge [sflag:s14], $0x2800  }
0x96: {  	[sflag:s14] =	ssyncset.done $0x0  }
0x97: {  	[sflag:s14] =	ssyncadd.s32 $0xFFFFD800  }
0x98: {  	_ =	swait.ge [sflag:s23], $0x2800  }
0x99: {  	[sflag:s23] =	ssyncset.done $0x0  }
0x9a: {  	[sflag:s23] =	ssyncadd.s32 $0xFFFFD800  }
0x9b: {  	_ =	swait.ge [sflag:s24], $0x2800  }
0x9c: {  	[sflag:s24] =	ssyncset.done $0x0  }
0x9d: {  	s0 =	simm.s32 $0x0;
	[sflag:s24] =	ssyncadd.s32 $0xFFFFD800  }
0x9e: {  	v7 =	vld [tilespmem:s0+$0x2900]  }
0x9f: {  	v11 =	vld [tilespmem:s0+$0x2910]  }
0xa0: {  	v5 =	vld [tilespmem:s0+$0x2920]  }
0xa1: {  	v4 =	vld [tilespmem:s0+$0x2930]  }
0xa2: {  	v3 =	vld [tilespmem:s0+$0x2940]  }
0xa3: {  	v2 =	vld [tilespmem:s0+$0x2950]  }
0xa4: {  	v1 =	vld [tilespmem:s0+$0x2960]  }
0xa5: {  	v0 =	vld [tilespmem:s0+$0x2970]  }
0xa6: {  	v12 =	vld [tilespmem:s0+$0x100]  }
0xa7: {  	v13 =	vld [tilespmem:s0+$0x110]  }
0xa8: {  	v10 =	vld [tilespmem:s0+$0x120]  }
0xa9: {  	v9 =	vld [tilespmem:s0+$0x130]  }
0xaa: {  	v8 =	vld [tilespmem:s0+$0x140]  }
0xab: {  	v6 =	vld [tilespmem:s0+$0x150];
	v12 =	vadd.f32 v7, v12  }
0xac: {  	s2 =	simm.s32 $0x200;
	v11 =	vadd.f32 v11, v13;
	v7 =	vld [tilespmem:s0+$0x160]  }
.LBB2_8:
0xad: {  	s8 =	sshra.s32 s2, $0x2;
	p0 =	sne.s32 s2, $0x9E00;
	[tilespmem:s0+$0x100] =	vst v12;
	v5 =	vadd.f32 v5, v10;
	v10 =	vld [tilespmem:s0+$0x170]  }
0xae: {  	v12 =	vld [tilespmem:s8+$0x2900];
	[tilespmem:s0+$0x110] =	vst v11;
	v4 =	vadd.f32 v4, v9  }
0xaf: {  	v11 =	vld [tilespmem:s8+$0x2910];
	[tilespmem:s0+$0x120] =	vst v5;
	v3 =	vadd.f32 v3, v8  }
0xb0: {  	v5 =	vld [tilespmem:s8+$0x2920];
	[tilespmem:s0+$0x130] =	vst v4;
	v2 =	vadd.f32 v2, v6  }
0xb1: {  	v4 =	vld [tilespmem:s8+$0x2930];
	[tilespmem:s0+$0x140] =	vst v3;
	v1 =	vadd.f32 v1, v7  }
0xb2: {  	v3 =	vld [tilespmem:s8+$0x2940];
	[tilespmem:s0+$0x150] =	vst v2;
	v0 =	vadd.f32 v0, v10  }
0xb3: {  	v2 =	vld [tilespmem:s8+$0x2950];
	[tilespmem:s0+$0x160] =	vst v1  }
0xb4: {  	v1 =	vld [tilespmem:s8+$0x2960];
	[tilespmem:s0+$0x170] =	vst v0;
	s0 =	smov.u32 s8  }
0xb5: {  	v0 =	vld [tilespmem:s0+$0x2970]  }
0xb6: {  	v6 =	vld [tilespmem:s0+$0x100]  }
0xb7: {  	v7 =	vld [tilespmem:s0+$0x110]  }
.Ltmp3:
0xb8: {  	v10 =	vld [tilespmem:s0+$0x120];
	(pc) =	sbr.rel @p0 .LBB2_8-.Ltmp3, $4  }
0xb9: {  	v9 =	vld [tilespmem:s0+$0x130]  }
0xba: {  	v8 =	vld [tilespmem:s0+$0x140]  }
0xbb: {  	v12 =	vadd.f32 v12, v6;
	v6 =	vld [tilespmem:s0+$0x150]  }
0xbc: {  	s2 =	sadd.s32 $0x200, s2;
	v11 =	vadd.f32 v11, v7;
	v7 =	vld [tilespmem:s0+$0x160]  }
0xbd: {  	[tilespmem:s0+$0x100] =	vst v12;
	v5 =	vadd.f32 v5, v10;
	v63 =	vld [tilespmem:s0+$0x170]  }
0xbe: {  	[tilespmem:s0+$0x110] =	vst v11;
	v4 =	vadd.f32 v4, v9  }
0xbf: {  	[tilespmem:s0+$0x120] =	vst v5;
	v3 =	vadd.f32 v3, v8  }
0xc0: {  	[tilespmem:s0+$0x130] =	vst v4;
	v2 =	vadd.f32 v2, v6  }
0xc1: {  	[tilespmem:s0+$0x140] =	vst v3;
	v1 =	vadd.f32 v1, v7  }
0xc2: {  	s28 =	sadd.s32 $0x1, s28;
	[tilespmem:s0+$0x150] =	vst v2;
	v0 =	vadd.f32 v0, v63  }
0xc3: {  	p0 =	sne.s32 s28, s13;
	[tilespmem:s0+$0x160] =	vst v1  }
.Ltmp4:
0xc4: {  	[tilespmem:s0+$0x170] =	vst v0;
	(pc) =	sbr.rel @p0 .LBB2_1-.Ltmp4, $4  }
0xc5: {  	[hbm4b:s12+s3] =	stream.linear.scatter [tilespmem:s17], [sflag:$0x5], $0x2800, $0x38;
	[tilespmem:$0xA200] =	vst v63  }
0xc6: {  	_ =	swait.ge [sflag:s14], $0x2800  }
0xc7: {  	[sflag:s14] =	ssyncset.done $0x0  }
0xc8: {  	[sflag:s14] =	ssyncadd.s32 $0xFFFFD800  }
0xc9: {  	_ =	sfence.sel $0x180000  }
0xca: {  	[bflag:$0x0] =	sbarrier.arrive $0xFFFF  }
0xcb: {  	_ =	strace $0x90000047  }
0xcc: {  	s0 =	stileid.u32;
	[bflag:$0x2] =	sbarrier.arrive $0xFFFF  }
0xcd: {  	p0 =	sne.s32 s0, $0x0;
	s0 =	rddreg [dreg:$0x2]  }
0xce: {  	s0 =	sadd.s32 @!p0 $0x100000, s0  }
0xcf: {  	[sflag:s0] =	ssyncadd.tile.s32 @!p0 $0x1;
	_ =	shalt  }
.Lfunc_end2:
_tile_overlayer_lowered:
.L_overlay_start_2:
0xd0: {  	(tag) =	ssettag $0x2  }
0xd1: {  	s0 =	rddreg [dreg:$0x0];
	s2 =	stileid.u32  }
0xd2: {  	s1 =	rddreg [dreg:$0x1];
	p0 =	sne.s32 s2, $0x0  }
0xd3: {  	s3 =	rddreg [dreg:$0x2];
	[bflag:$0x3] =	sbarrier.arrive $0xFFFF;
	s2 =	simm.s32 @!p0 $0x1C05  }
0xd4: {  	[timem:s3], [sflag:s2] =	dma.local @!p0 [hbm:s0], s1  }
0xd5: {  	s0 =	simm.s32 @!p0 $0x5  }
0xd6: {  	_ =	swait.ge @!p0 [sflag:s0], s1  }
0xd7: {  	s1 =	ssub.s32 @!p0 $0x0, s1;
	[sflag:s0] =	ssyncset.done @!p0 $0x0  }
0xd8: {  	[sflag:s0] =	ssyncadd.s32 @!p0 s1  }
0xd9: {  	[bflag:$0x3] =	sbarrier.arrive $0xFFFF  }
0xda: {  	_ =	shalt  }

// kernel: kernel.15.cloned.1.call-start
scs
__scs_entry_jumppad:
0x0: {  	(pc) =	sbr.rel $0x88, $3  }
0x1: {  	(tag) =	ssettag $0x0;
	lr =	simm.s32 $0x1  }
0x2: {  	[smem:$0x3F64] =	sst lr;
	_ =	strace $0xD0000000  }
0x3: {  	_ = 	snop  }
0x4: {  	_ = 	snop  }
0x5: {  	_ = 	snop  }
0x6: {  	_ = 	snop  }
0x7: {  	_ = 	snop  }
__scs_overlays_trampoline_lowered:
0x8: {  	[smem:$0x3F73] =	sst s0  }
0x9: {  	[smem:$0x3F74] =	sst s1  }
0xa: {  	[smem:$0x3F75] =	sst s2  }
0xb: {  	[smem:$0x3F76] =	sst s3  }
0xc: {  	[smem:$0x3F77] =	sst s4  }
0xd: {  	[smem:$0x3F78] =	sst s5  }
0xe: {  	[smem:$0x3F79] =	sst s6  }
0xf: {  	[smem:$0x3F7A] =	sst s7  }
0x10: {  	[smem:$0x3F7B] =	sst s8  }
0x11: {  	[smem:$0x3F7C] =	sst s9;
	s0 =	simm.s32 @!p0 $0x0  }
0x12: {  	s1 =	sld [smem:$0x3F62];
	s0 =	simm.s32 @p0 $0x1  }
0x13: {  	[smem:$0x3F7D] =	sst s0;
	s0 =	simm.s32 @!p1 $0x0  }
0x14: {  	s2 =	sld [smem:$0x3F61];
	s0 =	simm.s32 @p1 $0x1  }
0x15: {  	[smem:$0x3F7E] =	sst s0;
	s0 =	simm.s32 @!p2 $0x0  }
0x16: {  	s3 =	sld [smem:$0x3FDB];
	s0 =	simm.s32 @p2 $0x1  }
0x17: {  	s4 =	simm.s32 $0x1BF5;
	[smem:$0x3F80] =	sst s0  }
0x18: {  	s0 =	sld [smem:$0x3F63];
	_ =	swait.ge [sflag:s4], $0x0  }
0x19: {  	s7 =	sld [smem:$0x3F64]  }
0x1a: {  	s8 =	sadd.s32 $0xFFFFE003, lr  }
0x1b: {  	s9 =	sadd.s32 $0xFFFFFEF7, lr;
	s5 =	simm.s32 $0xFFFFFFFF;
	p2 =	slt.u32 s8, $0xFFFFF086  }
0x1c: {  	p1 =	slt.u32 s9, $0xF7A;
	s5 =	simm.s32 @!p2 $0x0  }
0x1d: {  	s5 =	simm.s32 @p1 $0x1;
	p0 =	seq.s32 s7, s2  }
0x1e: {  	s7 =	smul.u32 @!p0 $0xF7A, s2;
	p2 =	seq.s32 @!p0 s5, $0x0  }
0x1f: {  	s9 =	smul.u32 $0xF7A, s1;
	s8 =	simm.s32 @!p0 $0x1BF5;
	p2 =	por !p2, p0  }
0x20: {  	[sflag:s8] =	ssyncset.s32 @!p0 $0xFFFFF086;
	s6 =	sadd.s32 @!p0 s3, s7;
	s7 =	simm.s32 @!p0 $0x108  }
0x21: {  	s3 =	sadd.s32 s3, s9;
	s6 =	sadd.s32 @!p0 $0x88, s6;
	s7 =	simm.s32 @p2 $0x1082  }
0x22: {  	[simem:s7], [sflag:s8] =	dma.local @!p0 [hbm:s6], $0xF7A  }
0x23: {  	s9 =	sor.u32 $0xD0000000, s2;
	s6 =	simm.s32 $0x108;
	_ =	swait.ge @!p0 [sflag:s8], $0x0  }
0x24: {  	s3 =	sadd.s32 $0x88, s3;
	s6 =	simm.s32 @!p1 $0x1082;
	[sflag:s4] =	ssyncset.s32 $0xFFFFF086  }
0x25: {  	[simem:s6], [sflag:s4] =	dma.local [hbm:s3], $0xF7A  }
0x26: {  	[smem:$0x3F64] =	sst s1;
	(tag) =	ssettag s2;
	_ =	strace s9  }
0x27: {  	s1 =	sld [smem:$0x3F74]  }
0x28: {  	s2 =	sld [smem:$0x3F75]  }
0x29: {  	s4 =	sld [smem:$0x3F77]  }
0x2a: {  	p0 =	seq.s32 s5, $0x0;
	s5 =	sld [smem:$0x3F78]  }
0x2b: {  	s6 =	sld [smem:$0x3F79]  }
0x2c: {  	s7 =	sld [smem:$0x3F7A]  }
0x2d: {  	s3 =	simm.s32 $0x108;
	s8 =	sld [smem:$0x3F7B]  }
0x2e: {  	s3 =	simm.s32 @!p0 $0x1082;
	s9 =	sld [smem:$0x3F7C]  }
0x2f: {  	lr =	sadd.s32 s0, s3;
	s0 =	sld [smem:$0x3F73]  }
0x30: {  	s3 =	sld [smem:$0x3F76]  }
0x31: {  	[smem:$0x3F7F] =	sst s10  }
0x32: {  	s10 =	sld [smem:$0x3F7D];
	_ =	sdelay $0x3  }
0x33: {  	p0 =	seq.s32 s10, $0x1;
	s10 =	sld [smem:$0x3F7F];
	_ =	sdelay $0x3  }
0x34: {  	[smem:$0x3F7F] =	sst s10  }
0x35: {  	s10 =	sld [smem:$0x3F7E];
	_ =	sdelay $0x3  }
0x36: {  	p1 =	seq.s32 s10, $0x1;
	s10 =	sld [smem:$0x3F7F];
	_ =	sdelay $0x3  }
0x37: {  	[smem:$0x3F7F] =	sst s10  }
0x38: {  	s10 =	sld [smem:$0x3F80]  }
0x39: {  	_ = 	snop;
	(pc) =	sbr.ind lr, $3  }
0x3a: {  	_ = 	snop  }
0x3b: {  	_ = 	snop  }
0x3c: {  	p2 =	seq.s32 s10, $0x1;
	s10 =	sld [smem:$0x3F7F]  }
0x3d: {  	_ =	shalt  }
0x3e: {  	_ =	shalt  }
0x3f: {  	_ =	shalt  }
0x40: {  	_ =	shalt  }
0x41: {  	_ =	shalt  }
0x42: {  	_ =	shalt  }
0x43: {  	_ =	shalt  }
0x44: {  	_ =	shalt  }
0x45: {  	_ =	shalt  }
0x46: {  	_ =	shalt  }
0x47: {  	_ =	shalt  }
0x48: {  	_ =	shalt  }
0x49: {  	_ =	shalt  }
0x4a: {  	_ =	shalt  }
0x4b: {  	_ =	shalt  }
0x4c: {  	_ =	shalt  }
0x4d: {  	_ =	shalt  }
0x4e: {  	_ =	shalt  }
0x4f: {  	_ =	shalt  }
0x50: {  	_ =	shalt  }
0x51: {  	_ =	shalt  }
0x52: {  	_ =	shalt  }
0x53: {  	_ =	shalt  }
0x54: {  	_ =	shalt  }
0x55: {  	_ =	shalt  }
0x56: {  	_ =	shalt  }
0x57: {  	_ =	shalt  }
0x58: {  	_ =	shalt  }
0x59: {  	_ =	shalt  }
0x5a: {  	_ =	shalt  }
0x5b: {  	_ =	shalt  }
0x5c: {  	_ =	shalt  }
0x5d: {  	_ =	shalt  }
0x5e: {  	_ =	shalt  }
0x5f: {  	_ =	shalt  }
0x60: {  	_ =	shalt  }
0x61: {  	_ =	shalt  }
0x62: {  	_ =	shalt  }
0x63: {  	_ =	shalt  }
0x64: {  	_ =	shalt  }
0x65: {  	_ =	shalt  }
0x66: {  	_ =	shalt  }
0x67: {  	_ =	shalt  }
0x68: {  	_ =	shalt  }
0x69: {  	_ =	shalt  }
0x6a: {  	_ =	shalt  }
0x6b: {  	_ =	shalt  }
0x6c: {  	_ =	shalt  }
0x6d: {  	_ =	shalt  }
0x6e: {  	_ =	shalt  }
0x6f: {  	_ =	shalt  }
0x70: {  	_ =	shalt  }
0x71: {  	_ =	shalt  }
0x72: {  	_ =	shalt  }
0x73: {  	_ =	shalt  }
0x74: {  	_ =	shalt  }
0x75: {  	_ =	shalt  }
0x76: {  	_ =	shalt  }
0x77: {  	_ =	shalt  }
0x78: {  	_ =	shalt  }
0x79: {  	_ =	shalt  }
0x7a: {  	_ =	shalt  }
0x7b: {  	_ =	shalt  }
0x7c: {  	_ =	shalt  }
0x7d: {  	_ =	shalt  }
0x7e: {  	_ =	shalt  }
0x7f: {  	_ =	shalt  }
0x80: {  	_ =	shalt  }
0x81: {  	_ =	shalt  }
0x82: {  	_ =	shalt  }
0x83: {  	_ =	shalt  }
0x84: {  	_ =	shalt  }
0x85: {  	_ =	shalt  }
0x86: {  	_ =	shalt  }
0x87: {  	_ =	shalt  }
.Lfunc_end0:
.L_simem_size_0:
called_computation.1_lowered:
.L_overlay_start_0:
0x88: {  	s2 =	sld [smem:$0x3FD9]  }
0x89: {  	s3 =	sld [smem:$0x3FFE];
	_ =	sdelay $0x1  }
0x8a: {  	s1 =	srdreg.scid  }
0x8b: {  	s0 =	sand.u32 $0x1, s1  }
0x8c: {  	s16 =	sshll.u32 s0, $0xA;
	s2 =	sadd.s32 s3, s2  }
0x8d: {  	s2 =	sadd.s32 s2, s16  }
0x8e: {  	[smem:$0x3F8B] =	sst s2  }
0x8f: {  	_ = 	snop  }
0x90: {  	(tm) =	ssettm $0x1  }
0x91: {  	s17 =	sld [smem:$0x3FFB];
	_ =	sdelay $0x3  }
0x92: {  	_ =	strace s17  }
0x93: {  	s2 =	sld [smem:$0x3FFC];
	_ =	sdelay $0x3  }
0x94: {  	_ =	strace s2  }
0x95: {  	s2 =	sld [smem:$0x3FFD];
	_ =	sdelay $0x3  }
0x96: {  	_ =	strace s2  }
0x97: {  	_ =	strace $0x8FFFFFFF  }
0x98: {  	s18 =	sld [smem:$0x3FDB];
	_ =	sdelay $0x1  }
0x99: {  	s19 =	simm.s32 $_scs_section_size  }
0x9a: {  	s4 =	simm.s32 $_size__tile_overlayer_lowered;
	s5 =	simm.s32 $_tile_overlayer_lowered  }
0x9b: {  	s22 =	simm.s32 $0x1BFF;
	s21 =	sshll.u32 s5, $0x1;
	s2 =	sadd.s32 s19, s18  }
0x9c: {  	s6 =	simm.s32 $0x0;
	s20 =	sshll.u32 s4, $0x1;
	s4 =	sadd.s32 s21, s2  }
0x9d: {  	[timem:s6], [sflag:s22] =	dma.local [hbm:s4], s20  }
0x9e: {  	_ =	swait.ge [sflag:s22], s20  }
0x9f: {  	s3 =	ssub.s32 $0x0, s20;
	[sflag:s22] =	ssyncset.done $0x0  }
0xa0: {  	[sflag:s22] =	ssyncadd.s32 s3;
	_ =	sdelay $0x1  }
0xa1: {  	s23 =	simm.s32 $0x1B8B  }
0xa2: {  	_ =	swait.ge [sflag:s23], $0x1  }
0xa3: {  	[sflag:s23] =	ssyncset.done $0x0  }
0xa4: {  	s25 =	simm.s32 $0x1B8E;
	s24 =	sld [smem:$0x3FFE];
	[sflag:s23] =	ssyncadd.s32 $0xFFFFFFFF  }
0xa5: {  	s26 =	simm.s32 $execute0_lowered;
	[smem:$0x3FD2] =	sst s25  }
0xa6: {  	s4 =	sshll.u32 s26, $0x1;
	_ =	strace $0x80000049;
	[dreg:$0x1] =	wrdreg $0xFFFFFFFF  }
0xa7: {  	s28 =	simm.s32 $_size_execute0_lowered;
	s2 =	sadd.s32 s2, s4;
	[dreg:$0x0] =	wrdreg $0x0  }
0xa8: {  	s4 =	sshll.u32 s28, $0x1;
	[dreg:$0x2] =	wrdreg s2  }
0xa9: {  	[dreg:$0x3] =	wrdreg s4  }
0xaa: {  	[dreg:$0x4] =	wrdreg $0xC0  }
0xab: {  	_ =	task [dreg:s6], $0x5FFFF  }
0xac: {  	[dreg:$0x1] =	wrdreg $0xFFFFFFFF  }
0xad: {  	[dreg:$0x0] =	wrdreg $0x60  }
0xae: {  	[dreg:$0x2] =	wrdreg s24  }
0xaf: {  	[dreg:$0x3] =	wrdreg $0x51000  }
0xb0: {  	[dreg:$0x4] =	wrdreg $0x9  }
0xb1: {  	_ =	task.clear_ibuf [dreg:s6], $0x5FFFF;
	_ =	strace $0x90000049  }
0xb2: {  	s29 =	simm.s32 $0x9;
	_ =	strace $0x8000004B  }
0xb3: {  	_ =	swait.ge [sflag:s29], $0x1  }
0xb4: {  	[sflag:s29] =	ssyncadd.s32 $0xFFFFFFFF  }
0xb5: {  	_ =	strace $0x9000004B  }
0xb6: {  	_ =	sfence  }
0xb7: {  	s30 =	sld [smem:$0x0];
	_ =	sdelay $0x2  }
0xb8: {  	s31 =	sshll.u32 s1, $0xD;
	s1 =	sshrl.u32 s1, $0x2  }
0xb9: {  	s3 =	sand.u32 $0x4000, s31;
	s1 =	sadd.s32 s1, s30  }
0xba: {  	s0 =	sor.u32 s3, s0;
	s1 =	sshll.u32 s1, $0x11  }
0xbb: {  	s0 =	sor.u32 s1, s0  }
0xbc: {  	s0 =	sadd.s32 $0x8F2B, s0  }
0xbd: {  	[sflag:s0] =	ssyncadd.remote.s32 $0x1  }
0xbe: {  	_ =	sfence.sel $0xFFFF  }
0xbf: {  	[dreg:$0x0] =	wrdreg $0xFFFFFFFF;
	(pc) =	sbr.abs _section_cstart, $3  }
0xc0: {  	[dreg:$0x1] =	wrdreg $0xFFFFFFFF  }
0xc1: {  	_ =	task.clear_ibuf [dreg:s6], $0x2FFFF;
	_ =	strace $0x9FFFFFFF  }
0xc2: {  	(tm) =	ssettm $0x7FFFFFFF  }
0xc3: {  	_ =	shalt  }
tec
execute0_lowered:
.L_overlay_start_1:
0x0: {  	(tag) =	ssettag $0x1  }
0x1: {  	s0 =	rddreg [dreg:$0x0]  }
0x2: {  	s2 =	rddreg [dreg:$0x1];
	s7 =	stileid.u32  }
0x3: {  	s1 =	srdreg.scid;
	s4 =	smul.u32 $0x2800, s7  }
0x4: {  	s3 =	simm.s32 $0x0;
	s28 =	simm.s32 $0x3;
	s6 =	smul.u32 $0x50000, s7  }
0x5: {  	s29 =	simm.s32 $0x4;
	s30 =	simm.s32 $0x0;
	s16 =	smul.u32 $0x4E20, s7  }
0x6: {  	s1 =	sand.u32 $0x1, s1;
	[smem:$0x7FF] =	sst s3;
	s26 =	smul.u32 $0x4E200, s7  }
0x7: {  	s17 =	sadd.s32 $0x1890400, s0;
	s18 =	sadd.s32 $0x18800, s0;
	s5 =	smul.u32 $0x28000, s1  }
0x8: {  	_ =	strace $0x8000004A;
	s19 =	ssub.s32 $0x2, s1;
	s20 =	sshrl.u32 s6, $0x2  }
0x9: {  	s21 =	sshrl.u32 s19, $0x1;
	s13 =	sshrl.u32 s16, $0x3;
	s25 =	sadd.s32 $0x4DD0, s16  }
0xa: {  	s4 =	sadd.s32 s4, s5;
	s15 =	ssub.s32 s19, s21;
	s19 =	smul.u32 $0x4E200, s1  }
0xb: {  	s1 =	smul.u32 $0x4E2000, s1;
	s21 =	simm.s32 $0x5;
	s0 =	sadd.s32 s4, s0  }
0xc: {  	s4 =	sadd.s32 s20, s2;
	s15 =	smax.u32 s15, $0x1;
	s20 =	smul.u32 $0x9C4, s7  }
0xd: {  	s22 =	sadd.s32 $0x2800, s4;
	s23 =	sadd.s32 $0x5000, s4;
	s24 =	sadd.s32 $0x7800, s4  }
0xe: {  	s8 =	sadd.s32 $0xA000, s4;
	s9 =	sadd.s32 $0xC800, s4;
	s10 =	sadd.s32 $0xF000, s4  }
0xf: {  	s12 =	sadd.s32 s16, s19;
	s11 =	sadd.s32 $0x11800, s4;
	[dreg:$0x3] =	wrdreg s22  }
0x10: {  	s16 =	sshrl.u32 s25, $0x3;
	s1 =	sadd.s32 s1, s17;
	[dreg:$0x4] =	wrdreg s23  }
0x11: {  	[dreg:$0x5] =	wrdreg s24;
	s14 =	sshll.u32 s12, $0x4;
	s12 =	sadd.s32 s18, s13  }
0x12: {  	s16 =	sadd.s32 s18, s16;
	s31 =	sadd.s32 s26, s1;
	s18 =	sadd.s32 s20, s18  }
0x13: {  	s20 =	simm.s32 $0x80;
	s22 =	simm.s32 $0x2880;
	s23 =	simm.s32 $0x2900  }
0x14: {  	s13 =	sadd.s32 s17, s14;
	s14 =	sadd.s32 $0x22600, s0;
	s0 =	sadd.s32 s19, s25  }
0x15: {  	s24 =	simm.s32 $0x1;
	s26 =	simm.s32 $0x50;
	s0 =	sshll.u32 s0, $0x4  }
0x16: {  	v0 =	vimm.f32 $0.0e+00;
	s19 =	sadd.s32 $0xA00, s31;
	s25 =	simm.s32 $0x2;
	s17 =	sadd.s32 s17, s0  }
.LBB2_1:
0x17: {  	s0 =	simm.s32 $0x0;
	s31 =	simm.s32 $0x200  }
.LBB2_2:
0x18: {  	p0 =	sne.s32 s31, $0x9E00;
	[tilespmem:s0+$0xF0] =	vst v0  }
0x19: {  	[tilespmem:s0+$0x80] =	vst v0  }
0x1a: {  	[tilespmem:s0+$0x90] =	vst v0  }
.Ltmp0:
0x1b: {  	[tilespmem:s0+$0xA0] =	vst v0;
	(pc) =	sbr.rel @p0 .LBB2_2-.Ltmp0, $4  }
0x1c: {  	[tilespmem:s0+$0xB0] =	vst v0  }
0x1d: {  	[tilespmem:s0+$0xC0] =	vst v0  }
0x1e: {  	[tilespmem:s0+$0xD0] =	vst v0  }
0x1f: {  	[tilespmem:s0+$0xE0] =	vst v0;
	s0 =	sshra.s32 s31, $0x2;
	s31 =	sadd.s32 $0x200, s31  }
0x20: {  	[tilespmem:s0+$0xF0] =	vst v0  }
0x21: {  	[tilespmem:s0+$0x80] =	vst v0  }
0x22: {  	[tilespmem:s0+$0x90] =	vst v0  }
0x23: {  	[tilespmem:s0+$0xA0] =	vst v0  }
0x24: {  	[tilespmem:s0+$0xB0] =	vst v0  }
0x25: {  	[tilespmem:s0+$0xC0] =	vst v0  }
0x26: {  	[tilespmem:s0+$0xD0] =	vst v0  }
0x27: {  	[tilespmem:s0+$0xE0] =	vst v0  }
0x28: {  	[spmem:s4] =	stream.linear.scatter [tilespmem:s20], [sflag:$0x5], $0x2800, $0x38;
	[tilespmem:$0x19100] =	vst v63  }
0x29: {  	_ =	swait.ge [sflag:s21], $0x2800  }
0x2a: {  	[sflag:s21] =	ssyncset.done $0x0  }
0x2b: {  	s6 =	rddreg [dreg:$0x3];
	[sflag:s21] =	ssyncadd.s32 $0xFFFFD800  }
0x2c: {  	[spmem:s6] =	stream.linear.scatter [tilespmem:s20], [sflag:$0x5], $0x2800, $0x38;
	[tilespmem:$0x19100] =	vst v63  }
0x2d: {  	_ =	swait.ge [sflag:s21], $0x2800  }
0x2e: {  	[sflag:s21] =	ssyncset.done $0x0  }
0x2f: {  	s7 =	rddreg [dreg:$0x4];
	[sflag:s21] =	ssyncadd.s32 $0xFFFFD800  }
0x30: {  	[spmem:s7] =	stream.linear.scatter [tilespmem:s20], [sflag:$0x5], $0x2800, $0x38;
	[tilespmem:$0x19100] =	vst v63  }
0x31: {  	_ =	swait.ge [sflag:s21], $0x2800  }
0x32: {  	[sflag:s21] =	ssyncset.done $0x0  }
0x33: {  	s1 =	rddreg [dreg:$0x5];
	[sflag:s21] =	ssyncadd.s32 $0xFFFFD800  }
0x34: {  	[spmem:s1] =	stream.linear.scatter [tilespmem:s20], [sflag:$0x5], $0x2800, $0x38;
	[tilespmem:$0x19100] =	vst v63  }
0x35: {  	_ =	swait.ge [sflag:s21], $0x2800  }
0x36: {  	[sflag:s21] =	ssyncset.done $0x0  }
0x37: {  	[sflag:s21] =	ssyncadd.s32 $0xFFFFD800  }
0x38: {  	[spmem:s8] =	stream.linear.scatter [tilespmem:s20], [sflag:$0x5], $0x2800, $0x38;
	[tilespmem:$0x19100] =	vst v63  }
0x39: {  	_ =	swait.ge [sflag:s21], $0x2800  }
0x3a: {  	[sflag:s21] =	ssyncset.done $0x0  }
0x3b: {  	[sflag:s21] =	ssyncadd.s32 $0xFFFFD800  }
0x3c: {  	[spmem:s9] =	stream.linear.scatter [tilespmem:s20], [sflag:$0x5], $0x2800, $0x38;
	[tilespmem:$0x19100] =	vst v63  }
0x3d: {  	_ =	swait.ge [sflag:s21], $0x2800  }
0x3e: {  	[sflag:s21] =	ssyncset.done $0x0  }
0x3f: {  	[sflag:s21] =	ssyncadd.s32 $0xFFFFD800  }
0x40: {  	[spmem:s10] =	stream.linear.scatter [tilespmem:s20], [sflag:$0x5], $0x2800, $0x38;
	[tilespmem:$0x19100] =	vst v63  }
0x41: {  	_ =	swait.ge [sflag:s21], $0x2800  }
0x42: {  	[sflag:s21] =	ssyncset.done $0x0  }
0x43: {  	[sflag:s21] =	ssyncadd.s32 $0xFFFFD800  }
0x44: {  	[spmem:s11] =	stream.linear.scatter [tilespmem:s20], [sflag:$0x5], $0x2800, $0x38;
	[tilespmem:$0x19100] =	vst v63  }
0x45: {  	_ =	swait.ge [sflag:s21], $0x2800  }
0x46: {  	[sflag:s21] =	ssyncset.done $0x0  }
0x47: {  	[sflag:s21] =	ssyncadd.s32 $0xFFFFD800  }
0x48: {  	s5 =	simm.s32 $0x0;
	[bflag:$0x0] =	sbarrier.arrive $0xFFFF  }
0x49: {  	[tilespmem:s5], [sflag:$0x1] =	stream.linear.gather [hbm4b:s12+s5], $0x50, $0x38;
	[tilespmem:$0x19100] =	vst v63  }
0x4a: {  	s6 =	sadd.s32 $0x0, s18  }
0x4b: {  	[tilespmem:s20], [sflag:$0x2] =	stream.linear.gather [hbm4b:s13+s5], $0x2800, $0x38;
	[tilespmem:$0x19100] =	vst v63  }
0x4c: {  	s1 =	sadd.s32 $0xA, s6  }
0x4d: {  	[tilespmem:s22], [sflag:$0x3] =	stream.linear.gather [hbm4b:s1+s3], $0x50, $0x38;
	[tilespmem:$0x19100] =	vst v63  }
0x4e: {  	s7 =	sadd.s32 $0xFFFFFB00, s19  }
0x4f: {  	[tilespmem:s23], [sflag:$0x4] =	stream.linear.gather [hbm4b:s7+s3], $0x2800, $0x38;
	[tilespmem:$0x19100] =	vst v63  }
0x50: {  	_ =	swait.ge [sflag:s24], $0x50  }
0x51: {  	[sflag:s24] =	ssyncset.done $0x0  }
0x52: {  	[sflag:s24] =	ssyncadd.s32 $0xFFFFFFB0  }
0x53: {  	_ =	swait.ge [sflag:s25], $0x2800  }
0x54: {  	[sflag:s25] =	ssyncset.done $0x0  }
0x55: {  	[sflag:s25] =	ssyncadd.s32 $0xFFFFD800  }
0x56: {  	[spmem:s2] =	stream.indirect.scatter.add.f32 [tilespmem:s20], [sflag:$0x5], $0x80, s3, s26, $0xb8;
	[tilespmem:$0x19100] =	vst v63  }
0x57: {  	_ =	swait.ge [sflag:s21], $0x2800  }
0x58: {  	[sflag:s21] =	ssyncset.done $0x0  }
0x59: {  	s0 =	sadd.s32 $0x14, s6;
	[sflag:s21] =	ssyncadd.s32 $0xFFFFD800  }
0x5a: {  	[tilespmem:s3], [sflag:$0x1] =	stream.linear.gather [hbm4b:s0+s3], $0x50, $0x38;
	[tilespmem:$0x19100] =	vst v63  }
0x5b: {  	_ = 	snop  }
0x5c: {  	[tilespmem:s20], [sflag:$0x2] =	stream.linear.gather [hbm4b:s19+s3], $0x2800, $0x38;
	[tilespmem:$0x19100] =	vst v63  }
0x5d: {  	_ =	swait.ge [sflag:s28], $0x50  }
0x5e: {  	[sflag:s28] =	ssyncset.done $0x0  }
0x5f: {  	[sflag:s28] =	ssyncadd.s32 $0xFFFFFFB0  }
0x60: {  	_ =	swait.ge [sflag:s29], $0x2800  }
0x61: {  	[sflag:s29] =	ssyncset.done $0x0  }
0x62: {  	[sflag:s29] =	ssyncadd.s32 $0xFFFFD800  }
0x63: {  	[spmem:s2] =	stream.indirect.scatter.add.f32 [tilespmem:s23], [sflag:$0x5], $0x80, s22, s26, $0xb8;
	[tilespmem:$0x19100] =	vst v63  }
0x64: {  	s31 =	sadd.s32 $0xA00, s19;
	_ =	swait.ge [sflag:s21], $0x2800  }
0x65: {  	s1 =	simm.s32 $0x28;
	s0 =	sadd.s32 $0x14, s18;
	[sflag:s21] =	ssyncset.done $0x0  }
.LBB2_4:
0x66: {  	s5 =	sadd.s32 $0xA, s0  }
0x67: {  	[sflag:s21] =	ssyncadd.s32 $0xFFFFD800;
	s6 =	smov.u32 s1;
	s7 =	sadd.s32 $0x14, s1  }
0x68: {  	[tilespmem:s22], [sflag:$0x3] =	stream.linear.gather [hbm4b:s5+s3], $0x50, $0x38;
	[tilespmem:$0x19100] =	vst v63  }
0x69: {  	p0 =	sne.s32 s1, $0x99C;
	s1 =	sadd.s32 $0xFFFFFB00, s31  }
0x6a: {  	[tilespmem:s23], [sflag:$0x4] =	stream.linear.gather [hbm4b:s1+s3], $0x2800, $0x38;
	[tilespmem:$0x19100] =	vst v63  }
0x6b: {  	_ =	swait.ge [sflag:s24], $0x50  }
0x6c: {  	[sflag:s24] =	ssyncset.done $0x0  }
0x6d: {  	[sflag:s24] =	ssyncadd.s32 $0xFFFFFFB0  }
0x6e: {  	_ =	swait.ge [sflag:s25], $0x2800  }
0x6f: {  	[sflag:s25] =	ssyncset.done $0x0  }
0x70: {  	[sflag:s25] =	ssyncadd.s32 $0xFFFFD800  }
0x71: {  	[spmem:s2] =	stream.indirect.scatter.add.f32 [tilespmem:s20], [sflag:$0x5], $0x80, s3, s26, $0xb8;
	[tilespmem:$0x19100] =	vst v63  }
0x72: {  	_ =	swait.ge [sflag:s21], $0x2800  }
0x73: {  	[sflag:s21] =	ssyncset.done $0x0  }
0x74: {  	s0 =	sadd.s32 $0x14, s0;
	[sflag:s21] =	ssyncadd.s32 $0xFFFFD800  }
0x75: {  	[tilespmem:s3], [sflag:$0x1] =	stream.linear.gather [hbm4b:s0+s3], $0x50, $0x38;
	[tilespmem:$0x19100] =	vst v63  }
0x76: {  	_ = 	snop  }
0x77: {  	[tilespmem:s20], [sflag:$0x2] =	stream.linear.gather [hbm4b:s31+s3], $0x2800, $0x38;
	[tilespmem:$0x19100] =	vst v63  }
0x78: {  	_ =	swait.ge [sflag:s28], $0x50  }
0x79: {  	[sflag:s28] =	ssyncset.done $0x0  }
0x7a: {  	[sflag:s28] =	ssyncadd.s32 $0xFFFFFFB0  }
0x7b: {  	_ =	swait.ge [sflag:s29], $0x2800  }
.Ltmp1:
0x7c: {  	[sflag:s29] =	ssyncset.done $0x0;
	(pc) =	sbr.rel @p0 .LBB2_4-.Ltmp1, $4  }
0x7d: {  	[sflag:s29] =	ssyncadd.s32 $0xFFFFD800  }
0x7e: {  	[spmem:s2] =	stream.indirect.scatter.add.f32 [tilespmem:s23], [sflag:$0x5], $0x80, s22, s26, $0xb8;
	[tilespmem:$0x19100] =	vst v63  }
0x7f: {  	s1 =	smov.u32 s7;
	_ =	swait.ge [sflag:s21], $0x2800  }
0x80: {  	s0 =	sadd.s32 s6, s18;
	s31 =	sadd.s32 $0xA00, s31;
	[sflag:s21] =	ssyncset.done $0x0  }
0x81: {  	s1 =	sadd.s32 $0xA, s0;
	[sflag:s21] =	ssyncadd.s32 $0xFFFFD800  }
0x82: {  	[tilespmem:s22], [sflag:$0x3] =	stream.linear.gather [hbm4b:s1+s3], $0x50, $0x38;
	[tilespmem:$0x19100] =	vst v63  }
0x83: {  	s5 =	sadd.s32 $0xFFFFFB00, s31  }
0x84: {  	[tilespmem:s23], [sflag:$0x4] =	stream.linear.gather [hbm4b:s5+s3], $0x2800, $0x38;
	[tilespmem:$0x19100] =	vst v63  }
0x85: {  	_ =	swait.ge [sflag:s24], $0x50  }
0x86: {  	[sflag:s24] =	ssyncset.done $0x0  }
0x87: {  	[sflag:s24] =	ssyncadd.s32 $0xFFFFFFB0  }
0x88: {  	_ =	swait.ge [sflag:s25], $0x2800  }
0x89: {  	[sflag:s25] =	ssyncset.done $0x0  }
0x8a: {  	[sflag:s25] =	ssyncadd.s32 $0xFFFFD800  }
0x8b: {  	[spmem:s2] =	stream.indirect.scatter.add.f32 [tilespmem:s20], [sflag:$0x5], $0x80, s3, s26, $0xb8;
	[tilespmem:$0x19100] =	vst v63  }
0x8c: {  	_ =	swait.ge [sflag:s21], $0x2800  }
0x8d: {  	[sflag:s21] =	ssyncset.done $0x0  }
0x8e: {  	s6 =	sadd.s32 $0x14, s0;
	[sflag:s21] =	ssyncadd.s32 $0xFFFFD800  }
0x8f: {  	[tilespmem:s3], [sflag:$0x1] =	stream.linear.gather [hbm4b:s6+s3], $0x50, $0x38;
	[tilespmem:$0x19100] =	vst v63  }
0x90: {  	_ = 	snop  }
0x91: {  	[tilespmem:s20], [sflag:$0x2] =	stream.linear.gather [hbm4b:s31+s3], $0x2800, $0x38;
	[tilespmem:$0x19100] =	vst v63  }
0x92: {  	_ =	swait.ge [sflag:s28], $0x50  }
0x93: {  	[sflag:s28] =	ssyncset.done $0x0  }
0x94: {  	[sflag:s28] =	ssyncadd.s32 $0xFFFFFFB0  }
0x95: {  	_ =	swait.ge [sflag:s29], $0x2800  }
0x96: {  	[sflag:s29] =	ssyncset.done $0x0  }
0x97: {  	[sflag:s29] =	ssyncadd.s32 $0xFFFFD800  }
0x98: {  	[spmem:s2] =	stream.indirect.scatter.add.f32 [tilespmem:s23], [sflag:$0x5], $0x80, s22, s26, $0xb8;
	[tilespmem:$0x19100] =	vst v63  }
0x99: {  	_ =	swait.ge [sflag:s21], $0x2800  }
0x9a: {  	[sflag:s21] =	ssyncset.done $0x0  }
0x9b: {  	[sflag:s21] =	ssyncadd.s32 $0xFFFFD800  }
0x9c: {  	[tilespmem:s22], [sflag:$0x3] =	stream.linear.gather [hbm4b:s16+s3], $0x50, $0x38;
	[tilespmem:$0x19100] =	vst v63  }
0x9d: {  	_ = 	snop  }
0x9e: {  	[tilespmem:s23], [sflag:$0x4] =	stream.linear.gather [hbm4b:s17+s3], $0x2800, $0x38;
	[tilespmem:$0x19100] =	vst v63  }
0x9f: {  	_ =	swait.ge [sflag:s24], $0x50  }
0xa0: {  	[sflag:s24] =	ssyncset.done $0x0  }
0xa1: {  	[sflag:s24] =	ssyncadd.s32 $0xFFFFFFB0  }
0xa2: {  	_ =	swait.ge [sflag:s25], $0x2800  }
0xa3: {  	[sflag:s25] =	ssyncset.done $0x0  }
0xa4: {  	[sflag:s25] =	ssyncadd.s32 $0xFFFFD800  }
0xa5: {  	[spmem:s2] =	stream.indirect.scatter.add.f32 [tilespmem:s20], [sflag:$0x5], $0x80, s3, s26, $0xb8;
	[tilespmem:$0x19100] =	vst v63  }
0xa6: {  	_ =	swait.ge [sflag:s21], $0x2800  }
0xa7: {  	[sflag:s21] =	ssyncset.done $0x0  }
0xa8: {  	[sflag:s21] =	ssyncadd.s32 $0xFFFFD800  }
0xa9: {  	_ =	swait.ge [sflag:s28], $0x50  }
0xaa: {  	[sflag:s28] =	ssyncset.done $0x0  }
0xab: {  	[sflag:s28] =	ssyncadd.s32 $0xFFFFFFB0  }
0xac: {  	_ =	swait.ge [sflag:s29], $0x2800  }
0xad: {  	[sflag:s29] =	ssyncset.done $0x0  }
0xae: {  	[sflag:s29] =	ssyncadd.s32 $0xFFFFD800  }
0xaf: {  	[spmem:s2] =	stream.indirect.scatter.add.f32 [tilespmem:s23], [sflag:$0x5], $0x80, s22, s26, $0xb8;
	[tilespmem:$0x19100] =	vst v63  }
0xb0: {  	s7 =	stileid.u32;
	_ =	swait.ge [sflag:s21], $0x2800  }
0xb1: {  	s30 =	sadd.s32 $0x1, s30;
	s0 =	sshll.u32 s7, $0x6;
	[sflag:s21] =	ssyncset.done $0x0  }
0xb2: {  	p0 =	sne.s32 s30, s15;
	s0 =	sor.u32 $0x1C05, s0;
	[sflag:s21] =	ssyncadd.s32 $0xFFFFD800  }
.Ltmp2:
0xb3: {  	s31 =	sshrl.u32 s4, $0x3;
	[bflag:$0x0] =	sbarrier.arrive $0xFFFF;
	(pc) =	sbr.rel @p0 .LBB2_1-.Ltmp2, $4  }
0xb4: {  	[hbm:s14], [sflag:s0] =	dma.local [spmem:s31], $0x2800  }
0xb5: {  	_ =	swait.ge [sflag:s21], $0x2800  }
0xb6: {  	[sflag:s21] =	ssyncset.done $0x0  }
0xb7: {  	[sflag:s21] =	ssyncadd.s32 $0xFFFFD800  }
0xb8: {  	_ =	sfence.sel $0x180000  }
0xb9: {  	[bflag:$0x0] =	sbarrier.arrive $0xFFFF  }
0xba: {  	_ =	strace $0x9000004A  }
0xbb: {  	s0 =	stileid.u32;
	[bflag:$0x2] =	sbarrier.arrive $0xFFFF  }
0xbc: {  	p0 =	sne.s32 s0, $0x0;
	s0 =	rddreg [dreg:$0x2]  }
0xbd: {  	s0 =	sadd.s32 @!p0 $0x100000, s0  }
0xbe: {  	[sflag:s0] =	ssyncadd.tile.s32 @!p0 $0x1;
	_ =	shalt  }
.Lfunc_end2:
_tile_overlayer_lowered:
.L_overlay_start_2:
0xbf: {  	(tag) =	ssettag $0x2  }
0xc0: {  	s0 =	rddreg [dreg:$0x0];
	s2 =	stileid.u32  }
0xc1: {  	s1 =	rddreg [dreg:$0x1];
	p0 =	sne.s32 s2, $0x0  }
0xc2: {  	s3 =	rddreg [dreg:$0x2];
	[bflag:$0x3] =	sbarrier.arrive $0xFFFF;
	s2 =	simm.s32 @!p0 $0x1C05  }
0xc3: {  	[timem:s3], [sflag:s2] =	dma.local @!p0 [hbm:s0], s1  }
0xc4: {  	s0 =	simm.s32 @!p0 $0x5  }
0xc5: {  	_ =	swait.ge @!p0 [sflag:s0], s1  }
0xc6: {  	s1 =	ssub.s32 @!p0 $0x0, s1;
	[sflag:s0] =	ssyncset.done @!p0 $0x0  }
0xc7: {  	[sflag:s0] =	ssyncadd.s32 @!p0 s1  }
0xc8: {  	[bflag:$0x3] =	sbarrier.arrive $0xFFFF  }
0xc9: {  	_ =	shalt  }

// kernel: kernel.18.cloned.1.call-start
scs
__scs_entry_jumppad:
0x0: {  	(pc) =	sbr.rel $0x88, $3  }
0x1: {  	(tag) =	ssettag $0x0;
	lr =	simm.s32 $0x1  }
0x2: {  	[smem:$0x3F64] =	sst lr;
	_ =	strace $0xD0000000  }
0x3: {  	_ = 	snop  }
0x4: {  	_ = 	snop  }
0x5: {  	_ = 	snop  }
0x6: {  	_ = 	snop  }
0x7: {  	_ = 	snop  }
__scs_overlays_trampoline_lowered:
0x8: {  	[smem:$0x3F73] =	sst s0  }
0x9: {  	[smem:$0x3F74] =	sst s1  }
0xa: {  	[smem:$0x3F75] =	sst s2  }
0xb: {  	[smem:$0x3F76] =	sst s3  }
0xc: {  	[smem:$0x3F77] =	sst s4  }
0xd: {  	[smem:$0x3F78] =	sst s5  }
0xe: {  	[smem:$0x3F79] =	sst s6  }
0xf: {  	[smem:$0x3F7A] =	sst s7  }
0x10: {  	[smem:$0x3F7B] =	sst s8  }
0x11: {  	[smem:$0x3F7C] =	sst s9;
	s0 =	simm.s32 @!p0 $0x0  }
0x12: {  	s1 =	sld [smem:$0x3F62];
	s0 =	simm.s32 @p0 $0x1  }
0x13: {  	[smem:$0x3F7D] =	sst s0;
	s0 =	simm.s32 @!p1 $0x0  }
0x14: {  	s2 =	sld [smem:$0x3F61];
	s0 =	simm.s32 @p1 $0x1  }
0x15: {  	[smem:$0x3F7E] =	sst s0;
	s0 =	simm.s32 @!p2 $0x0  }
0x16: {  	s3 =	sld [smem:$0x3FDB];
	s0 =	simm.s32 @p2 $0x1  }
0x17: {  	s4 =	simm.s32 $0x1BF5;
	[smem:$0x3F80] =	sst s0  }
0x18: {  	s0 =	sld [smem:$0x3F63];
	_ =	swait.ge [sflag:s4], $0x0  }
0x19: {  	s7 =	sld [smem:$0x3F64]  }
0x1a: {  	s8 =	sadd.s32 $0xFFFFE003, lr  }
0x1b: {  	s9 =	sadd.s32 $0xFFFFFEF7, lr;
	s5 =	simm.s32 $0xFFFFFFFF;
	p2 =	slt.u32 s8, $0xFFFFF086  }
0x1c: {  	p1 =	slt.u32 s9, $0xF7A;
	s5 =	simm.s32 @!p2 $0x0  }
0x1d: {  	s5 =	simm.s32 @p1 $0x1;
	p0 =	seq.s32 s7, s2  }
0x1e: {  	s7 =	smul.u32 @!p0 $0xF7A, s2;
	p2 =	seq.s32 @!p0 s5, $0x0  }
0x1f: {  	s9 =	smul.u32 $0xF7A, s1;
	s8 =	simm.s32 @!p0 $0x1BF5;
	p2 =	por !p2, p0  }
0x20: {  	[sflag:s8] =	ssyncset.s32 @!p0 $0xFFFFF086;
	s6 =	sadd.s32 @!p0 s3, s7;
	s7 =	simm.s32 @!p0 $0x108  }
0x21: {  	s3 =	sadd.s32 s3, s9;
	s6 =	sadd.s32 @!p0 $0x88, s6;
	s7 =	simm.s32 @p2 $0x1082  }
0x22: {  	[simem:s7], [sflag:s8] =	dma.local @!p0 [hbm:s6], $0xF7A  }
0x23: {  	s9 =	sor.u32 $0xD0000000, s2;
	s6 =	simm.s32 $0x108;
	_ =	swait.ge @!p0 [sflag:s8], $0x0  }
0x24: {  	s3 =	sadd.s32 $0x88, s3;
	s6 =	simm.s32 @!p1 $0x1082;
	[sflag:s4] =	ssyncset.s32 $0xFFFFF086  }
0x25: {  	[simem:s6], [sflag:s4] =	dma.local [hbm:s3], $0xF7A  }
0x26: {  	[smem:$0x3F64] =	sst s1;
	(tag) =	ssettag s2;
	_ =	strace s9  }
0x27: {  	s1 =	sld [smem:$0x3F74]  }
0x28: {  	s2 =	sld [smem:$0x3F75]  }
0x29: {  	s4 =	sld [smem:$0x3F77]  }
0x2a: {  	p0 =	seq.s32 s5, $0x0;
	s5 =	sld [smem:$0x3F78]  }
0x2b: {  	s6 =	sld [smem:$0x3F79]  }
0x2c: {  	s7 =	sld [smem:$0x3F7A]  }
0x2d: {  	s3 =	simm.s32 $0x108;
	s8 =	sld [smem:$0x3F7B]  }
0x2e: {  	s3 =	simm.s32 @!p0 $0x1082;
	s9 =	sld [smem:$0x3F7C]  }
0x2f: {  	lr =	sadd.s32 s0, s3;
	s0 =	sld [smem:$0x3F73]  }
0x30: {  	s3 =	sld [smem:$0x3F76]  }
0x31: {  	[smem:$0x3F7F] =	sst s10  }
0x32: {  	s10 =	sld [smem:$0x3F7D];
	_ =	sdelay $0x3  }
0x33: {  	p0 =	seq.s32 s10, $0x1;
	s10 =	sld [smem:$0x3F7F];
	_ =	sdelay $0x3  }
0x34: {  	[smem:$0x3F7F] =	sst s10  }
0x35: {  	s10 =	sld [smem:$0x3F7E];
	_ =	sdelay $0x3  }
0x36: {  	p1 =	seq.s32 s10, $0x1;
	s10 =	sld [smem:$0x3F7F];
	_ =	sdelay $0x3  }
0x37: {  	[smem:$0x3F7F] =	sst s10  }
0x38: {  	s10 =	sld [smem:$0x3F80]  }
0x39: {  	_ = 	snop;
	(pc) =	sbr.ind lr, $3  }
0x3a: {  	_ = 	snop  }
0x3b: {  	_ = 	snop  }
0x3c: {  	p2 =	seq.s32 s10, $0x1;
	s10 =	sld [smem:$0x3F7F]  }
0x3d: {  	_ =	shalt  }
0x3e: {  	_ =	shalt  }
0x3f: {  	_ =	shalt  }
0x40: {  	_ =	shalt  }
0x41: {  	_ =	shalt  }
0x42: {  	_ =	shalt  }
0x43: {  	_ =	shalt  }
0x44: {  	_ =	shalt  }
0x45: {  	_ =	shalt  }
0x46: {  	_ =	shalt  }
0x47: {  	_ =	shalt  }
0x48: {  	_ =	shalt  }
0x49: {  	_ =	shalt  }
0x4a: {  	_ =	shalt  }
0x4b: {  	_ =	shalt  }
0x4c: {  	_ =	shalt  }
0x4d: {  	_ =	shalt  }
0x4e: {  	_ =	shalt  }
0x4f: {  	_ =	shalt  }
0x50: {  	_ =	shalt  }
0x51: {  	_ =	shalt  }
0x52: {  	_ =	shalt  }
0x53: {  	_ =	shalt  }
0x54: {  	_ =	shalt  }
0x55: {  	_ =	shalt  }
0x56: {  	_ =	shalt  }
0x57: {  	_ =	shalt  }
0x58: {  	_ =	shalt  }
0x59: {  	_ =	shalt  }
0x5a: {  	_ =	shalt  }
0x5b: {  	_ =	shalt  }
0x5c: {  	_ =	shalt  }
0x5d: {  	_ =	shalt  }
0x5e: {  	_ =	shalt  }
0x5f: {  	_ =	shalt  }
0x60: {  	_ =	shalt  }
0x61: {  	_ =	shalt  }
0x62: {  	_ =	shalt  }
0x63: {  	_ =	shalt  }
0x64: {  	_ =	shalt  }
0x65: {  	_ =	shalt  }
0x66: {  	_ =	shalt  }
0x67: {  	_ =	shalt  }
0x68: {  	_ =	shalt  }
0x69: {  	_ =	shalt  }
0x6a: {  	_ =	shalt  }
0x6b: {  	_ =	shalt  }
0x6c: {  	_ =	shalt  }
0x6d: {  	_ =	shalt  }
0x6e: {  	_ =	shalt  }
0x6f: {  	_ =	shalt  }
0x70: {  	_ =	shalt  }
0x71: {  	_ =	shalt  }
0x72: {  	_ =	shalt  }
0x73: {  	_ =	shalt  }
0x74: {  	_ =	shalt  }
0x75: {  	_ =	shalt  }
0x76: {  	_ =	shalt  }
0x77: {  	_ =	shalt  }
0x78: {  	_ =	shalt  }
0x79: {  	_ =	shalt  }
0x7a: {  	_ =	shalt  }
0x7b: {  	_ =	shalt  }
0x7c: {  	_ =	shalt  }
0x7d: {  	_ =	shalt  }
0x7e: {  	_ =	shalt  }
0x7f: {  	_ =	shalt  }
0x80: {  	_ =	shalt  }
0x81: {  	_ =	shalt  }
0x82: {  	_ =	shalt  }
0x83: {  	_ =	shalt  }
0x84: {  	_ =	shalt  }
0x85: {  	_ =	shalt  }
0x86: {  	_ =	shalt  }
0x87: {  	_ =	shalt  }
.Lfunc_end0:
.L_simem_size_0:
called_computation.2_lowered:
.L_overlay_start_0:
0x88: {  	s2 =	sld [smem:$0x3FD9]  }
0x89: {  	s3 =	sld [smem:$0x3FFE];
	_ =	sdelay $0x1  }
0x8a: {  	s1 =	srdreg.scid  }
0x8b: {  	s0 =	sand.u32 $0x1, s1  }
0x8c: {  	s16 =	sshll.u32 s0, $0xA;
	s2 =	sadd.s32 s3, s2  }
0x8d: {  	s2 =	sadd.s32 s2, s16  }
0x8e: {  	[smem:$0x3F8B] =	sst s2  }
0x8f: {  	_ = 	snop  }
0x90: {  	(tm) =	ssettm $0x1  }
0x91: {  	s17 =	sld [smem:$0x3FFB];
	_ =	sdelay $0x3  }
0x92: {  	_ =	strace s17  }
0x93: {  	s2 =	sld [smem:$0x3FFC];
	_ =	sdelay $0x3  }
0x94: {  	_ =	strace s2  }
0x95: {  	s2 =	sld [smem:$0x3FFD];
	_ =	sdelay $0x3  }
0x96: {  	_ =	strace s2  }
0x97: {  	_ =	strace $0x8FFFFFFF  }
0x98: {  	s18 =	sld [smem:$0x3FDB];
	_ =	sdelay $0x1  }
0x99: {  	s19 =	simm.s32 $_scs_section_size  }
0x9a: {  	s4 =	simm.s32 $_size__tile_overlayer_lowered;
	s5 =	simm.s32 $_tile_overlayer_lowered  }
0x9b: {  	s22 =	simm.s32 $0x1BFF;
	s21 =	sshll.u32 s5, $0x1;
	s2 =	sadd.s32 s19, s18  }
0x9c: {  	s6 =	simm.s32 $0x0;
	s20 =	sshll.u32 s4, $0x1;
	s4 =	sadd.s32 s21, s2  }
0x9d: {  	[timem:s6], [sflag:s22] =	dma.local [hbm:s4], s20  }
0x9e: {  	_ =	swait.ge [sflag:s22], s20  }
0x9f: {  	s3 =	ssub.s32 $0x0, s20;
	[sflag:s22] =	ssyncset.done $0x0  }
0xa0: {  	[sflag:s22] =	ssyncadd.s32 s3;
	_ =	sdelay $0x1  }
0xa1: {  	s23 =	simm.s32 $0x1B8B  }
0xa2: {  	_ =	swait.ge [sflag:s23], $0x1  }
0xa3: {  	[sflag:s23] =	ssyncset.done $0x0  }
0xa4: {  	s25 =	simm.s32 $0x1B8E;
	s24 =	sld [smem:$0x3FFE];
	[sflag:s23] =	ssyncadd.s32 $0xFFFFFFFF  }
0xa5: {  	s26 =	simm.s32 $execute0_lowered;
	[smem:$0x3FD2] =	sst s25  }
0xa6: {  	s4 =	sshll.u32 s26, $0x1;
	_ =	strace $0x8000004C;
	[dreg:$0x1] =	wrdreg $0xFFFFFFFF  }
0xa7: {  	s28 =	simm.s32 $_size_execute0_lowered;
	s2 =	sadd.s32 s2, s4;
	[dreg:$0x0] =	wrdreg $0x0  }
0xa8: {  	s4 =	sshll.u32 s28, $0x1;
	[dreg:$0x2] =	wrdreg s2  }
0xa9: {  	[dreg:$0x3] =	wrdreg s4  }
0xaa: {  	[dreg:$0x4] =	wrdreg $0xC0  }
0xab: {  	_ =	task [dreg:s6], $0x5FFFF  }
0xac: {  	[dreg:$0x1] =	wrdreg $0xFFFFFFFF  }
0xad: {  	[dreg:$0x0] =	wrdreg $0x60  }
0xae: {  	[dreg:$0x2] =	wrdreg s24  }
0xaf: {  	[dreg:$0x3] =	wrdreg $0x9  }
0xb0: {  	_ =	task.clear_ibuf [dreg:s6], $0x4FFFF;
	_ =	strace $0x9000004C  }
0xb1: {  	s29 =	simm.s32 $0x9;
	_ =	strace $0x8000004E  }
0xb2: {  	_ =	swait.ge [sflag:s29], $0x1  }
0xb3: {  	[sflag:s29] =	ssyncadd.s32 $0xFFFFFFFF  }
0xb4: {  	_ =	strace $0x9000004E  }
0xb5: {  	_ =	sfence  }
0xb6: {  	s30 =	sld [smem:$0x0];
	_ =	sdelay $0x2  }
0xb7: {  	s31 =	sshll.u32 s1, $0xD;
	s1 =	sshrl.u32 s1, $0x2  }
0xb8: {  	s3 =	sand.u32 $0x4000, s31;
	s1 =	sadd.s32 s1, s30  }
0xb9: {  	s0 =	sor.u32 s3, s0;
	s1 =	sshll.u32 s1, $0x11  }
0xba: {  	s0 =	sor.u32 s1, s0  }
0xbb: {  	s0 =	sadd.s32 $0x8F2B, s0  }
0xbc: {  	[sflag:s0] =	ssyncadd.remote.s32 $0x1  }
0xbd: {  	_ =	sfence.sel $0xFFFF  }
0xbe: {  	[dreg:$0x0] =	wrdreg $0xFFFFFFFF;
	(pc) =	sbr.abs _section_cstart, $3  }
0xbf: {  	[dreg:$0x1] =	wrdreg $0xFFFFFFFF  }
0xc0: {  	_ =	task.clear_ibuf [dreg:s6], $0x2FFFF;
	_ =	strace $0x9FFFFFFF  }
0xc1: {  	(tm) =	ssettm $0x7FFFFFFF  }
tec
execute0_lowered:
.L_overlay_start_1:
0x0: {  	(tag) =	ssettag $0x1  }
0x1: {  	s0 =	rddreg [dreg:$0x0]  }
0x2: {  	s1 =	simm.s32 $0x0;
	s2 =	srdreg.scid;
	s5 =	stileid.u32  }
0x3: {  	s14 =	simm.s32 $0x5;
	s15 =	simm.s32 $0x80;
	s16 =	simm.s32 $0x50  }
0x4: {  	s17 =	simm.s32 $0x100;
	s19 =	simm.s32 $0x5100;
	s20 =	simm.s32 $0x5180  }
0x5: {  	s21 =	simm.s32 $0x5200;
	s22 =	simm.s32 $0x7A00;
	s23 =	simm.s32 $0x1  }
0x6: {  	s24 =	simm.s32 $0x2;
	s25 =	simm.s32 $0x3;
	s26 =	simm.s32 $0x4  }
0x7: {  	s28 =	simm.s32 $0x0;
	[smem:$0x7FF] =	sst s1;
	s2 =	sand.u32 $0x1, s2  }
0x8: {  	s3 =	sadd.s32 $0x22600, s0;
	s4 =	sadd.s32 $0xEA00, s0;
	s7 =	ssub.s32 $0x2, s2  }
0x9: {  	s12 =	smul.u32 $0x4E20, s5;
	s5 =	sadd.s32 $0x18800, s0;
	s31 =	sshrl.u32 s7, $0x1  }
0xa: {  	s6 =	sadd.s32 $0xC0A00, s0;
	s0 =	ssub.s32 s7, s31;
	s7 =	smul.u32 $0x4E200, s2  }
0xb: {  	_ =	strace $0x8000004D;
	s9 =	sshrl.u32 s12, $0x3;
	s2 =	smul.u32 $0x2710, s2  }
0xc: {  	s10 =	sadd.s32 $0x50, s12;
	s8 =	sadd.s32 s4, s9;
	s9 =	sadd.s32 s5, s9  }
0xd: {  	s13 =	smax.u32 s0, $0x1;
	s11 =	sadd.s32 s12, s7;
	s12 =	sadd.s32 $0xA0, s12;
	v0 =	vmov s2  }
.LBB2_1:
0xe: {  	[tilespmem:s1], [sflag:$0x5] =	stream.linear.gather [hbm4b:s8+s1], $0x50, $0x38;
	[tilespmem:$0xA200] =	vst v63  }
0xf: {  	_ =	swait.ge [sflag:s14], $0x50  }
0x10: {  	[sflag:s14] =	ssyncset.done $0x0  }
0x11: {  	[sflag:s14] =	ssyncadd.s32 $0xFFFFFFB0  }
0x12: {  	[tilespmem:s15], [sflag:$0x5] =	stream.linear.gather [hbm4b:s9+s1], $0x50, $0x38;
	[tilespmem:$0xA200] =	vst v63  }
0x13: {  	_ =	swait.ge [sflag:s14], $0x50  }
0x14: {  	[sflag:s14] =	ssyncset.done $0x0  }
0x15: {  	[sflag:s14] =	ssyncadd.s32 $0xFFFFFFB0  }
0x16: {  	v1 =	vld [tilespmem:$0x0]  }
0x17: {  	v2 =	vld [tilespmem:$0x80]  }
0x18: {  	v3 =	vld [tilespmem:$0x10]  }
0x19: {  	v4 =	vld [tilespmem:$0x90]  }
0x1a: {  	v5 =	vld [tilespmem:$0x20]  }
0x1b: {  	v6 =	vld [tilespmem:$0xA0];
	v1 =	vadd.s32 v0, v1  }
0x1c: {  	[tilespmem:$0x0] =	vst v1;
	v1 =	vadd.s32 v0, v2;
	v2 =	vld [tilespmem:$0x30]  }
0x1d: {  	[tilespmem:$0x80] =	vst v1;
	v1 =	vadd.s32 v0, v3;
	v3 =	vld [tilespmem:$0xB0]  }
0x1e: {  	v62 =	vld [tilespmem:$0x40];
	[tilespmem:$0x10] =	vst v1;
	v1 =	vadd.s32 v0, v4  }
0x1f: {  	v63 =	vld [tilespmem:$0xC0];
	[tilespmem:$0x90] =	vst v1;
	v1 =	vadd.s32 v0, v5  }
0x20: {  	[tilespmem:$0x20] =	vst v1;
	v1 =	vadd.s32 v0, v6  }
0x21: {  	[tilespmem:$0xA0] =	vst v1;
	v1 =	vadd.s32 v0, v2  }
0x22: {  	[tilespmem:$0x30] =	vst v1;
	v1 =	vadd.s32 v0, v3  }
0x23: {  	[tilespmem:$0xB0] =	vst v1;
	v1 =	vadd.s32 v0, v62  }
0x24: {  	[tilespmem:$0x40] =	vst v1;
	v1 =	vadd.s32 v0, v63  }
0x25: {  	[tilespmem:$0xC0] =	vst v1  }
0x26: {  	[tilespmem:s17], [sflag:$0x1] =	stream.indirect.gather [hbm4b:s3+s16], $0x80, s1, s16, $0xb8;
	[tilespmem:$0xA200] =	vst v63  }
0x27: {  	s0 =	simm.s32 $0x2900;
	s29 =	simm.s32 $0x0  }
0x28: {  	[tilespmem:s0], [sflag:$0x2] =	stream.indirect.gather [hbm4b:s3+s16], $0x80, s15, s16, $0xb8;
	[tilespmem:$0xA200] =	vst v63  }
.LBB2_2:
0x29: {  	s31 =	smul.u32 $0xA0, s29;
	_ =	sdelay $0x1  }
0x2a: {  	s30 =	sadd.s32 s31, s10  }
0x2b: {  	s0 =	sshrl.u32 s30, $0x3  }
0x2c: {  	s18 =	simm.s32 $0x0;
	s2 =	sadd.s32 s4, s0  }
0x2d: {  	[tilespmem:s19], [sflag:$0x5] =	stream.linear.gather [hbm4b:s2+s18], $0x50, $0x38;
	[tilespmem:$0xA200] =	vst v63  }
0x2e: {  	_ =	swait.ge [sflag:s14], $0x50  }
0x2f: {  	[sflag:s14] =	ssyncset.done $0x0  }
0x30: {  	s0 =	sadd.s32 s5, s0;
	[sflag:s14] =	ssyncadd.s32 $0xFFFFFFB0  }
0x31: {  	[tilespmem:s20], [sflag:$0x5] =	stream.linear.gather [hbm4b:s0+s18], $0x50, $0x38;
	[tilespmem:$0xA200] =	vst v63  }
0x32: {  	_ =	swait.ge [sflag:s14], $0x50  }
0x33: {  	[sflag:s14] =	ssyncset.done $0x0  }
0x34: {  	[sflag:s14] =	ssyncadd.s32 $0xFFFFFFB0  }
0x35: {  	v1 =	vld [tilespmem:$0x5100]  }
0x36: {  	v2 =	vld [tilespmem:$0x5180]  }
0x37: {  	v3 =	vld [tilespmem:$0x5110]  }
0x38: {  	v4 =	vld [tilespmem:$0x5190]  }
0x39: {  	v5 =	vld [tilespmem:$0x5120]  }
0x3a: {  	v6 =	vld [tilespmem:$0x51A0];
	v1 =	vadd.s32 v0, v1  }
0x3b: {  	[tilespmem:$0x5100] =	vst v1;
	v1 =	vadd.s32 v0, v2;
	v2 =	vld [tilespmem:$0x5130]  }
0x3c: {  	[tilespmem:$0x5180] =	vst v1;
	v1 =	vadd.s32 v0, v3;
	v3 =	vld [tilespmem:$0x51B0]  }
0x3d: {  	[tilespmem:$0x5110] =	vst v1;
	v1 =	vadd.s32 v0, v4;
	v4 =	vld [tilespmem:$0x5140]  }
0x3e: {  	[tilespmem:$0x5190] =	vst v1;
	v1 =	vadd.s32 v0, v5;
	v5 =	vld [tilespmem:$0x51C0]  }
0x3f: {  	[tilespmem:$0x5120] =	vst v1;
	v1 =	vadd.s32 v0, v6  }
0x40: {  	[tilespmem:$0x51A0] =	vst v1;
	v1 =	vadd.s32 v0, v2  }
0x41: {  	[tilespmem:$0x5130] =	vst v1;
	v1 =	vadd.s32 v0, v3  }
0x42: {  	[tilespmem:$0x51B0] =	vst v1;
	v1 =	vadd.s32 v0, v4  }
0x43: {  	[tilespmem:$0x5140] =	vst v1;
	v1 =	vadd.s32 v0, v5  }
0x44: {  	[tilespmem:$0x51C0] =	vst v1  }
0x45: {  	[tilespmem:s21], [sflag:$0x3] =	stream.indirect.gather [hbm4b:s3+s16], $0x80, s19, s16, $0xb8;
	[tilespmem:$0xA200] =	vst v63  }
0x46: {  	_ = 	snop  }
0x47: {  	[tilespmem:s22], [sflag:$0x4] =	stream.indirect.gather [hbm4b:s3+s16], $0x80, s20, s16, $0xb8;
	[tilespmem:$0xA200] =	vst v63  }
0x48: {  	_ =	swait.ge [sflag:s23], $0x2800  }
0x49: {  	[sflag:s23] =	ssyncset.done $0x0  }
0x4a: {  	[sflag:s23] =	ssyncadd.s32 $0xFFFFD800  }
0x4b: {  	_ =	swait.ge [sflag:s24], $0x2800  }
0x4c: {  	[sflag:s24] =	ssyncset.done $0x0  }
0x4d: {  	s0 =	simm.s32 $0x0;
	[sflag:s24] =	ssyncadd.s32 $0xFFFFD800  }
0x4e: {  	v8 =	vld [tilespmem:s0+$0x2900]  }
0x4f: {  	v12 =	vld [tilespmem:s0+$0x2910]  }
0x50: {  	v6 =	vld [tilespmem:s0+$0x2920]  }
0x51: {  	v5 =	vld [tilespmem:s0+$0x2930]  }
0x52: {  	v4 =	vld [tilespmem:s0+$0x2940]  }
0x53: {  	v3 =	vld [tilespmem:s0+$0x2950]  }
0x54: {  	v2 =	vld [tilespmem:s0+$0x2960]  }
0x55: {  	v1 =	vld [tilespmem:s0+$0x2970]  }
0x56: {  	v13 =	vld [tilespmem:s0+$0x100]  }
0x57: {  	v14 =	vld [tilespmem:s0+$0x110]  }
0x58: {  	v11 =	vld [tilespmem:s0+$0x120]  }
0x59: {  	v10 =	vld [tilespmem:s0+$0x130]  }
0x5a: {  	v9 =	vld [tilespmem:s0+$0x140]  }
0x5b: {  	v7 =	vld [tilespmem:s0+$0x150];
	v13 =	vadd.f32 v8, v13  }
0x5c: {  	s2 =	simm.s32 $0x200;
	v12 =	vadd.f32 v12, v14;
	v8 =	vld [tilespmem:s0+$0x160]  }
.LBB2_3:
0x5d: {  	s18 =	sshra.s32 s2, $0x2;
	p0 =	sne.s32 s2, $0x9E00;
	[tilespmem:s0+$0x100] =	vst v13;
	v6 =	vadd.f32 v6, v11;
	v11 =	vld [tilespmem:s0+$0x170]  }
0x5e: {  	v13 =	vld [tilespmem:s18+$0x2900];
	[tilespmem:s0+$0x110] =	vst v12;
	v5 =	vadd.f32 v5, v10  }
0x5f: {  	v12 =	vld [tilespmem:s18+$0x2910];
	[tilespmem:s0+$0x120] =	vst v6;
	v4 =	vadd.f32 v4, v9  }
0x60: {  	v6 =	vld [tilespmem:s18+$0x2920];
	[tilespmem:s0+$0x130] =	vst v5;
	v3 =	vadd.f32 v3, v7  }
0x61: {  	v5 =	vld [tilespmem:s18+$0x2930];
	[tilespmem:s0+$0x140] =	vst v4;
	v2 =	vadd.f32 v2, v8  }
0x62: {  	v4 =	vld [tilespmem:s18+$0x2940];
	[tilespmem:s0+$0x150] =	vst v3;
	v1 =	vadd.f32 v1, v11  }
0x63: {  	v3 =	vld [tilespmem:s18+$0x2950];
	[tilespmem:s0+$0x160] =	vst v2  }
0x64: {  	v2 =	vld [tilespmem:s18+$0x2960];
	[tilespmem:s0+$0x170] =	vst v1;
	s0 =	smov.u32 s18  }
0x65: {  	v1 =	vld [tilespmem:s0+$0x2970]  }
0x66: {  	v7 =	vld [tilespmem:s0+$0x100]  }
0x67: {  	v8 =	vld [tilespmem:s0+$0x110]  }
.Ltmp0:
0x68: {  	v11 =	vld [tilespmem:s0+$0x120];
	(pc) =	sbr.rel @p0 .LBB2_3-.Ltmp0, $4  }
0x69: {  	v10 =	vld [tilespmem:s0+$0x130]  }
0x6a: {  	v9 =	vld [tilespmem:s0+$0x140]  }
0x6b: {  	v13 =	vadd.f32 v13, v7;
	v7 =	vld [tilespmem:s0+$0x150]  }
0x6c: {  	s2 =	sadd.s32 $0x200, s2;
	v12 =	vadd.f32 v12, v8;
	v8 =	vld [tilespmem:s0+$0x160]  }
0x6d: {  	[tilespmem:s0+$0x100] =	vst v13;
	v6 =	vadd.f32 v6, v11;
	v11 =	vld [tilespmem:s0+$0x170]  }
0x6e: {  	[tilespmem:s0+$0x110] =	vst v12;
	v5 =	vadd.f32 v5, v10  }
0x6f: {  	[tilespmem:s0+$0x120] =	vst v6;
	v4 =	vadd.f32 v4, v9  }
0x70: {  	[tilespmem:s0+$0x130] =	vst v5;
	v3 =	vadd.f32 v3, v7  }
0x71: {  	[tilespmem:s0+$0x140] =	vst v4;
	v2 =	vadd.f32 v2, v8  }
0x72: {  	s2 =	sadd.s32 s31, s11;
	[tilespmem:s0+$0x150] =	vst v3;
	v1 =	vadd.f32 v1, v11  }
0x73: {  	s2 =	sshll.u32 s2, $0x4;
	[tilespmem:s0+$0x160] =	vst v2  }
0x74: {  	p0 =	seq.s32 s29, $0x7C;
	s18 =	sadd.s32 s6, s2;
	[tilespmem:s0+$0x170] =	vst v1  }
0x75: {  	[hbm4b:s18+s1] =	stream.linear.scatter [tilespmem:s17], [sflag:$0x5], $0x2800, $0x38;
	[tilespmem:$0xA200] =	vst v63  }
0x76: {  	s0 =	sadd.s32 @!p0 s31, s12;
	_ =	swait.ge [sflag:s14], $0x2800  }
0x77: {  	s0 =	sshrl.u32 @!p0 s0, $0x3;
	[sflag:s14] =	ssyncset.done $0x0  }
0x78: {  	s18 =	simm.s32 @!p0 $0x0;
	s2 =	sadd.s32 @!p0 s4, s0;
	[sflag:s14] =	ssyncadd.s32 $0xFFFFD800  }
0x79: {  	[tilespmem:s18], [sflag:$0x5] =	stream.linear.gather @!p0 [hbm4b:s2+s18], $0x50, $0x38;
	[tilespmem:$0xA200] =	vst v63  }
0x7a: {  	s2 =	simm.s32 @!p0 $0x5  }
0x7b: {  	_ =	swait.ge @!p0 [sflag:s2], $0x50  }
0x7c: {  	[sflag:s2] =	ssyncset.done @!p0 $0x0  }
0x7d: {  	s31 =	simm.s32 @!p0 $0x80;
	s0 =	sadd.s32 @!p0 s5, s0;
	[sflag:s2] =	ssyncadd.s32 @!p0 $0xFFFFFFB0  }
0x7e: {  	[tilespmem:s31], [sflag:$0x5] =	stream.linear.gather @!p0 [hbm4b:s0+s18], $0x50, $0x38;
	[tilespmem:$0xA200] =	vst v63  }
0x7f: {  	_ =	swait.ge @!p0 [sflag:s2], $0x50  }
0x80: {  	[sflag:s2] =	ssyncset.done @!p0 $0x0  }
0x81: {  	[sflag:s2] =	ssyncadd.s32 @!p0 $0xFFFFFFB0  }
0x82: {  	v1 =	vld @!p0 [tilespmem:$0x0]  }
0x83: {  	v2 =	vld @!p0 [tilespmem:$0x80]  }
0x84: {  	v3 =	vld @!p0 [tilespmem:$0x10]  }
0x85: {  	v4 =	vld @!p0 [tilespmem:$0x90]  }
0x86: {  	v5 =	vld @!p0 [tilespmem:$0x20]  }
0x87: {  	v6 =	vld @!p0 [tilespmem:$0xA0];
	v1 =	vadd.s32 @!p0 v0, v1  }
0x88: {  	[tilespmem:$0x0] =	vst @!p0 v1;
	v1 =	vadd.s32 @!p0 v0, v2;
	v2 =	vld @!p0 [tilespmem:$0x30]  }
0x89: {  	[tilespmem:$0x80] =	vst @!p0 v1;
	v1 =	vadd.s32 @!p0 v0, v3;
	v3 =	vld @!p0 [tilespmem:$0xB0]  }
0x8a: {  	[tilespmem:$0x10] =	vst @!p0 v1;
	v1 =	vadd.s32 @!p0 v0, v4;
	v4 =	vld @!p0 [tilespmem:$0x40]  }
0x8b: {  	[tilespmem:$0x90] =	vst @!p0 v1;
	v1 =	vadd.s32 @!p0 v0, v5;
	v5 =	vld @!p0 [tilespmem:$0xC0]  }
0x8c: {  	[tilespmem:$0x20] =	vst @!p0 v1;
	v1 =	vadd.s32 @!p0 v0, v6  }
0x8d: {  	[tilespmem:$0xA0] =	vst @!p0 v1;
	v1 =	vadd.s32 @!p0 v0, v2  }
0x8e: {  	[tilespmem:$0x30] =	vst @!p0 v1;
	v1 =	vadd.s32 @!p0 v0, v3  }
0x8f: {  	[tilespmem:$0xB0] =	vst @!p0 v1;
	v1 =	vadd.s32 @!p0 v0, v4  }
0x90: {  	[tilespmem:$0x40] =	vst @!p0 v1;
	v1 =	vadd.s32 @!p0 v0, v5  }
0x91: {  	s0 =	simm.s32 @!p0 $0x50;
	s2 =	simm.s32 @!p0 $0x100;
	[tilespmem:$0xC0] =	vst @!p0 v1  }
0x92: {  	[tilespmem:s2], [sflag:$0x1] =	stream.indirect.gather @!p0 [hbm4b:s3+s0], $0x80, s18, s0, $0xb8;
	[tilespmem:$0xA200] =	vst v63  }
0x93: {  	s2 =	simm.s32 @!p0 $0x2900  }
0x94: {  	[tilespmem:s2], [sflag:$0x2] =	stream.indirect.gather @!p0 [hbm4b:s3+s0], $0x80, s31, s0, $0xb8;
	[tilespmem:$0xA200] =	vst v63  }
0x95: {  	_ =	swait.ge [sflag:s25], $0x2800  }
0x96: {  	[sflag:s25] =	ssyncset.done $0x0  }
0x97: {  	[sflag:s25] =	ssyncadd.s32 $0xFFFFD800  }
0x98: {  	_ =	swait.ge [sflag:s26], $0x2800  }
0x99: {  	[sflag:s26] =	ssyncset.done $0x0  }
0x9a: {  	s0 =	simm.s32 $0x0;
	[sflag:s26] =	ssyncadd.s32 $0xFFFFD800  }
0x9b: {  	v8 =	vld [tilespmem:s0+$0x7A00]  }
0x9c: {  	v12 =	vld [tilespmem:s0+$0x7A10]  }
0x9d: {  	v6 =	vld [tilespmem:s0+$0x7A20]  }
0x9e: {  	v5 =	vld [tilespmem:s0+$0x7A30]  }
0x9f: {  	v4 =	vld [tilespmem:s0+$0x7A40]  }
0xa0: {  	v3 =	vld [tilespmem:s0+$0x7A50]  }
0xa1: {  	v2 =	vld [tilespmem:s0+$0x7A60]  }
0xa2: {  	v1 =	vld [tilespmem:s0+$0x7A70]  }
0xa3: {  	v13 =	vld [tilespmem:s0+$0x5200]  }
0xa4: {  	v14 =	vld [tilespmem:s0+$0x5210]  }
0xa5: {  	v11 =	vld [tilespmem:s0+$0x5220]  }
0xa6: {  	v10 =	vld [tilespmem:s0+$0x5230]  }
0xa7: {  	v9 =	vld [tilespmem:s0+$0x5240]  }
0xa8: {  	v7 =	vld [tilespmem:s0+$0x5250];
	v13 =	vadd.f32 v8, v13  }
0xa9: {  	s2 =	simm.s32 $0x200;
	v12 =	vadd.f32 v12, v14;
	v8 =	vld [tilespmem:s0+$0x5260]  }
.LBB2_5:
0xaa: {  	s18 =	sshra.s32 s2, $0x2;
	p0 =	sne.s32 s2, $0x9E00;
	[tilespmem:s0+$0x5200] =	vst v13;
	v6 =	vadd.f32 v6, v11;
	v11 =	vld [tilespmem:s0+$0x5270]  }
0xab: {  	v13 =	vld [tilespmem:s18+$0x7A00];
	[tilespmem:s0+$0x5210] =	vst v12;
	v5 =	vadd.f32 v5, v10  }
0xac: {  	v12 =	vld [tilespmem:s18+$0x7A10];
	[tilespmem:s0+$0x5220] =	vst v6;
	v4 =	vadd.f32 v4, v9  }
0xad: {  	v6 =	vld [tilespmem:s18+$0x7A20];
	[tilespmem:s0+$0x5230] =	vst v5;
	v3 =	vadd.f32 v3, v7  }
0xae: {  	v5 =	vld [tilespmem:s18+$0x7A30];
	[tilespmem:s0+$0x5240] =	vst v4;
	v2 =	vadd.f32 v2, v8  }
0xaf: {  	v4 =	vld [tilespmem:s18+$0x7A40];
	[tilespmem:s0+$0x5250] =	vst v3;
	v1 =	vadd.f32 v1, v11  }
0xb0: {  	v3 =	vld [tilespmem:s18+$0x7A50];
	[tilespmem:s0+$0x5260] =	vst v2  }
0xb1: {  	v2 =	vld [tilespmem:s18+$0x7A60];
	[tilespmem:s0+$0x5270] =	vst v1;
	s0 =	smov.u32 s18  }
0xb2: {  	v1 =	vld [tilespmem:s0+$0x7A70]  }
0xb3: {  	v7 =	vld [tilespmem:s0+$0x5200]  }
0xb4: {  	v8 =	vld [tilespmem:s0+$0x5210]  }
.Ltmp1:
0xb5: {  	v11 =	vld [tilespmem:s0+$0x5220];
	(pc) =	sbr.rel @p0 .LBB2_5-.Ltmp1, $4  }
0xb6: {  	v10 =	vld [tilespmem:s0+$0x5230]  }
0xb7: {  	v9 =	vld [tilespmem:s0+$0x5240]  }
0xb8: {  	v13 =	vadd.f32 v13, v7;
	v7 =	vld [tilespmem:s0+$0x5250]  }
0xb9: {  	s2 =	sadd.s32 $0x200, s2;
	v12 =	vadd.f32 v12, v8;
	v8 =	vld [tilespmem:s0+$0x5260]  }
0xba: {  	[tilespmem:s0+$0x5200] =	vst v13;
	v6 =	vadd.f32 v6, v11;
	v63 =	vld [tilespmem:s0+$0x5270]  }
0xbb: {  	[tilespmem:s0+$0x5210] =	vst v12;
	v5 =	vadd.f32 v5, v10  }
0xbc: {  	[tilespmem:s0+$0x5220] =	vst v6;
	v4 =	vadd.f32 v4, v9  }
0xbd: {  	[tilespmem:s0+$0x5230] =	vst v5;
	v3 =	vadd.f32 v3, v7  }
0xbe: {  	[tilespmem:s0+$0x5240] =	vst v4;
	v2 =	vadd.f32 v2, v8  }
0xbf: {  	s2 =	sadd.s32 s7, s30;
	s29 =	sadd.s32 $0x1, s29;
	[tilespmem:s0+$0x5250] =	vst v3;
	v1 =	vadd.f32 v1, v63  }
0xc0: {  	s2 =	sshll.u32 s2, $0x4;
	p0 =	sne.s32 s29, $0x7D;
	[tilespmem:s0+$0x5260] =	vst v2  }
.Ltmp2:
0xc1: {  	s31 =	sadd.s32 s6, s2;
	[tilespmem:s0+$0x5270] =	vst v1;
	(pc) =	sbr.rel @p0 .LBB2_2-.Ltmp2, $4  }
0xc2: {  	[hbm4b:s31+s1] =	stream.linear.scatter [tilespmem:s21], [sflag:$0x5], $0x2800, $0x38;
	[tilespmem:$0xA200] =	vst v63  }
0xc3: {  	_ =	swait.ge [sflag:s14], $0x2800  }
0xc4: {  	[sflag:s14] =	ssyncset.done $0x0  }
0xc5: {  	[sflag:s14] =	ssyncadd.s32 $0xFFFFD800  }
0xc6: {  	s28 =	sadd.s32 $0x1, s28  }
0xc7: {  	p0 =	sne.s32 s28, s13  }
.Ltmp3:
0xc8: {  	_ = 	snop;
	(pc) =	sbr.rel @p0 .LBB2_1-.Ltmp3, $1  }
0xc9: {  	_ =	sdelay $0x3  }
0xca: {  	_ =	sfence.sel $0x180000  }
0xcb: {  	[bflag:$0x0] =	sbarrier.arrive $0xFFFF  }
0xcc: {  	_ =	strace $0x9000004D  }
0xcd: {  	s0 =	stileid.u32;
	[bflag:$0x2] =	sbarrier.arrive $0xFFFF  }
0xce: {  	p0 =	sne.s32 s0, $0x0;
	s0 =	rddreg [dreg:$0x1]  }
0xcf: {  	s0 =	sadd.s32 @!p0 $0x100000, s0  }
0xd0: {  	[sflag:s0] =	ssyncadd.tile.s32 @!p0 $0x1;
	_ =	shalt  }
.Lfunc_end2:
_tile_overlayer_lowered:
.L_overlay_start_2:
0xd1: {  	(tag) =	ssettag $0x2  }
0xd2: {  	s0 =	rddreg [dreg:$0x0];
	s2 =	stileid.u32  }
0xd3: {  	s1 =	rddreg [dreg:$0x1];
	p0 =	sne.s32 s2, $0x0  }
0xd4: {  	s3 =	rddreg [dreg:$0x2];
	[bflag:$0x3] =	sbarrier.arrive $0xFFFF;
	s2 =	simm.s32 @!p0 $0x1C05  }
0xd5: {  	[timem:s3], [sflag:s2] =	dma.local @!p0 [hbm:s0], s1  }
0xd6: {  	s0 =	simm.s32 @!p0 $0x5  }
0xd7: {  	_ =	swait.ge @!p0 [sflag:s0], s1  }
0xd8: {  	s1 =	ssub.s32 @!p0 $0x0, s1;
	[sflag:s0] =	ssyncset.done @!p0 $0x0  }
0xd9: {  	[sflag:s0] =	ssyncadd.s32 @!p0 s1  }
0xda: {  	[bflag:$0x3] =	sbarrier.arrive $0xFFFF  }
0xdb: {  	_ =	shalt  }

// kernel: kernel.21.cloned.1.call-start
scs
__scs_entry_jumppad:
0x0: {  	(pc) =	sbr.rel $0x88, $3  }
0x1: {  	(tag) =	ssettag $0x0;
	lr =	simm.s32 $0x1  }
0x2: {  	[smem:$0x3F64] =	sst lr;
	_ =	strace $0xD0000000  }
0x3: {  	_ = 	snop  }
0x4: {  	_ = 	snop  }
0x5: {  	_ = 	snop  }
0x6: {  	_ = 	snop  }
0x7: {  	_ = 	snop  }
__scs_overlays_trampoline_lowered:
0x8: {  	[smem:$0x3F73] =	sst s0  }
0x9: {  	[smem:$0x3F74] =	sst s1  }
0xa: {  	[smem:$0x3F75] =	sst s2  }
0xb: {  	[smem:$0x3F76] =	sst s3  }
0xc: {  	[smem:$0x3F77] =	sst s4  }
0xd: {  	[smem:$0x3F78] =	sst s5  }
0xe: {  	[smem:$0x3F79] =	sst s6  }
0xf: {  	[smem:$0x3F7A] =	sst s7  }
0x10: {  	[smem:$0x3F7B] =	sst s8  }
0x11: {  	[smem:$0x3F7C] =	sst s9;
	s0 =	simm.s32 @!p0 $0x0  }
0x12: {  	s1 =	sld [smem:$0x3F62];
	s0 =	simm.s32 @p0 $0x1  }
0x13: {  	[smem:$0x3F7D] =	sst s0;
	s0 =	simm.s32 @!p1 $0x0  }
0x14: {  	s2 =	sld [smem:$0x3F61];
	s0 =	simm.s32 @p1 $0x1  }
0x15: {  	[smem:$0x3F7E] =	sst s0;
	s0 =	simm.s32 @!p2 $0x0  }
0x16: {  	s3 =	sld [smem:$0x3FDB];
	s0 =	simm.s32 @p2 $0x1  }
0x17: {  	s4 =	simm.s32 $0x1BF5;
	[smem:$0x3F80] =	sst s0  }
0x18: {  	s0 =	sld [smem:$0x3F63];
	_ =	swait.ge [sflag:s4], $0x0  }
0x19: {  	s7 =	sld [smem:$0x3F64]  }
0x1a: {  	s8 =	sadd.s32 $0xFFFFE003, lr  }
0x1b: {  	s9 =	sadd.s32 $0xFFFFFEF7, lr;
	s5 =	simm.s32 $0xFFFFFFFF;
	p2 =	slt.u32 s8, $0xFFFFF086  }
0x1c: {  	p1 =	slt.u32 s9, $0xF7A;
	s5 =	simm.s32 @!p2 $0x0  }
0x1d: {  	s5 =	simm.s32 @p1 $0x1;
	p0 =	seq.s32 s7, s2  }
0x1e: {  	s7 =	smul.u32 @!p0 $0xF7A, s2;
	p2 =	seq.s32 @!p0 s5, $0x0  }
0x1f: {  	s9 =	smul.u32 $0xF7A, s1;
	s8 =	simm.s32 @!p0 $0x1BF5;
	p2 =	por !p2, p0  }
0x20: {  	[sflag:s8] =	ssyncset.s32 @!p0 $0xFFFFF086;
	s6 =	sadd.s32 @!p0 s3, s7;
	s7 =	simm.s32 @!p0 $0x108  }
0x21: {  	s3 =	sadd.s32 s3, s9;
	s6 =	sadd.s32 @!p0 $0x88, s6;
	s7 =	simm.s32 @p2 $0x1082  }
0x22: {  	[simem:s7], [sflag:s8] =	dma.local @!p0 [hbm:s6], $0xF7A  }
0x23: {  	s9 =	sor.u32 $0xD0000000, s2;
	s6 =	simm.s32 $0x108;
	_ =	swait.ge @!p0 [sflag:s8], $0x0  }
0x24: {  	s3 =	sadd.s32 $0x88, s3;
	s6 =	simm.s32 @!p1 $0x1082;
	[sflag:s4] =	ssyncset.s32 $0xFFFFF086  }
0x25: {  	[simem:s6], [sflag:s4] =	dma.local [hbm:s3], $0xF7A  }
0x26: {  	[smem:$0x3F64] =	sst s1;
	(tag) =	ssettag s2;
	_ =	strace s9  }
0x27: {  	s1 =	sld [smem:$0x3F74]  }
0x28: {  	s2 =	sld [smem:$0x3F75]  }
0x29: {  	s4 =	sld [smem:$0x3F77]  }
0x2a: {  	p0 =	seq.s32 s5, $0x0;
	s5 =	sld [smem:$0x3F78]  }
0x2b: {  	s6 =	sld [smem:$0x3F79]  }
0x2c: {  	s7 =	sld [smem:$0x3F7A]  }
0x2d: {  	s3 =	simm.s32 $0x108;
	s8 =	sld [smem:$0x3F7B]  }
0x2e: {  	s3 =	simm.s32 @!p0 $0x1082;
	s9 =	sld [smem:$0x3F7C]  }
0x2f: {  	lr =	sadd.s32 s0, s3;
	s0 =	sld [smem:$0x3F73]  }
0x30: {  	s3 =	sld [smem:$0x3F76]  }
0x31: {  	[smem:$0x3F7F] =	sst s10  }
0x32: {  	s10 =	sld [smem:$0x3F7D];
	_ =	sdelay $0x3  }
0x33: {  	p0 =	seq.s32 s10, $0x1;
	s10 =	sld [smem:$0x3F7F];
	_ =	sdelay $0x3  }
0x34: {  	[smem:$0x3F7F] =	sst s10  }
0x35: {  	s10 =	sld [smem:$0x3F7E];
	_ =	sdelay $0x3  }
0x36: {  	p1 =	seq.s32 s10, $0x1;
	s10 =	sld [smem:$0x3F7F];
	_ =	sdelay $0x3  }
0x37: {  	[smem:$0x3F7F] =	sst s10  }
0x38: {  	s10 =	sld [smem:$0x3F80]  }
0x39: {  	_ = 	snop;
	(pc) =	sbr.ind lr, $3  }
0x3a: {  	_ = 	snop  }
0x3b: {  	_ = 	snop  }
0x3c: {  	p2 =	seq.s32 s10, $0x1;
	s10 =	sld [smem:$0x3F7F]  }
0x3d: {  	_ =	shalt  }
0x3e: {  	_ =	shalt  }
0x3f: {  	_ =	shalt  }
0x40: {  	_ =	shalt  }
0x41: {  	_ =	shalt  }
0x42: {  	_ =	shalt  }
0x43: {  	_ =	shalt  }
0x44: {  	_ =	shalt  }
0x45: {  	_ =	shalt  }
0x46: {  	_ =	shalt  }
0x47: {  	_ =	shalt  }
0x48: {  	_ =	shalt  }
0x49: {  	_ =	shalt  }
0x4a: {  	_ =	shalt  }
0x4b: {  	_ =	shalt  }
0x4c: {  	_ =	shalt  }
0x4d: {  	_ =	shalt  }
0x4e: {  	_ =	shalt  }
0x4f: {  	_ =	shalt  }
0x50: {  	_ =	shalt  }
0x51: {  	_ =	shalt  }
0x52: {  	_ =	shalt  }
0x53: {  	_ =	shalt  }
0x54: {  	_ =	shalt  }
0x55: {  	_ =	shalt  }
0x56: {  	_ =	shalt  }
0x57: {  	_ =	shalt  }
0x58: {  	_ =	shalt  }
0x59: {  	_ =	shalt  }
0x5a: {  	_ =	shalt  }
0x5b: {  	_ =	shalt  }
0x5c: {  	_ =	shalt  }
0x5d: {  	_ =	shalt  }
0x5e: {  	_ =	shalt  }
0x5f: {  	_ =	shalt  }
0x60: {  	_ =	shalt  }
0x61: {  	_ =	shalt  }
0x62: {  	_ =	shalt  }
0x63: {  	_ =	shalt  }
0x64: {  	_ =	shalt  }
0x65: {  	_ =	shalt  }
0x66: {  	_ =	shalt  }
0x67: {  	_ =	shalt  }
0x68: {  	_ =	shalt  }
0x69: {  	_ =	shalt  }
0x6a: {  	_ =	shalt  }
0x6b: {  	_ =	shalt  }
0x6c: {  	_ =	shalt  }
0x6d: {  	_ =	shalt  }
0x6e: {  	_ =	shalt  }
0x6f: {  	_ =	shalt  }
0x70: {  	_ =	shalt  }
0x71: {  	_ =	shalt  }
0x72: {  	_ =	shalt  }
0x73: {  	_ =	shalt  }
0x74: {  	_ =	shalt  }
0x75: {  	_ =	shalt  }
0x76: {  	_ =	shalt  }
0x77: {  	_ =	shalt  }
0x78: {  	_ =	shalt  }
0x79: {  	_ =	shalt  }
0x7a: {  	_ =	shalt  }
0x7b: {  	_ =	shalt  }
0x7c: {  	_ =	shalt  }
0x7d: {  	_ =	shalt  }
0x7e: {  	_ =	shalt  }
0x7f: {  	_ =	shalt  }
0x80: {  	_ =	shalt  }
0x81: {  	_ =	shalt  }
0x82: {  	_ =	shalt  }
0x83: {  	_ =	shalt  }
0x84: {  	_ =	shalt  }
0x85: {  	_ =	shalt  }
0x86: {  	_ =	shalt  }
0x87: {  	_ =	shalt  }
.Lfunc_end0:
.L_simem_size_0:
called_computation.3_lowered:
.L_overlay_start_0:
0x88: {  	s2 =	sld [smem:$0x3FD9]  }
0x89: {  	s3 =	sld [smem:$0x3FFE];
	_ =	sdelay $0x1  }
0x8a: {  	s1 =	srdreg.scid  }
0x8b: {  	s0 =	sand.u32 $0x1, s1  }
0x8c: {  	s16 =	sshll.u32 s0, $0xA;
	s2 =	sadd.s32 s3, s2  }
0x8d: {  	s2 =	sadd.s32 s2, s16  }
0x8e: {  	[smem:$0x3F8B] =	sst s2  }
0x8f: {  	_ = 	snop  }
0x90: {  	(tm) =	ssettm $0x1  }
0x91: {  	s17 =	sld [smem:$0x3FFB];
	_ =	sdelay $0x3  }
0x92: {  	_ =	strace s17  }
0x93: {  	s2 =	sld [smem:$0x3FFC];
	_ =	sdelay $0x3  }
0x94: {  	_ =	strace s2  }
0x95: {  	s2 =	sld [smem:$0x3FFD];
	_ =	sdelay $0x3  }
0x96: {  	_ =	strace s2  }
0x97: {  	_ =	strace $0x8FFFFFFF  }
0x98: {  	s18 =	sld [smem:$0x3FDB];
	_ =	sdelay $0x1  }
0x99: {  	s19 =	simm.s32 $_scs_section_size  }
0x9a: {  	s4 =	simm.s32 $_size__tile_overlayer_lowered;
	s5 =	simm.s32 $_tile_overlayer_lowered  }
0x9b: {  	s22 =	simm.s32 $0x1BFF;
	s21 =	sshll.u32 s5, $0x1;
	s2 =	sadd.s32 s19, s18  }
0x9c: {  	s6 =	simm.s32 $0x0;
	s20 =	sshll.u32 s4, $0x1;
	s4 =	sadd.s32 s21, s2  }
0x9d: {  	[timem:s6], [sflag:s22] =	dma.local [hbm:s4], s20  }
0x9e: {  	_ =	swait.ge [sflag:s22], s20  }
0x9f: {  	s3 =	ssub.s32 $0x0, s20;
	[sflag:s22] =	ssyncset.done $0x0  }
0xa0: {  	[sflag:s22] =	ssyncadd.s32 s3;
	_ =	sdelay $0x1  }
0xa1: {  	s23 =	simm.s32 $0x1B8B  }
0xa2: {  	_ =	swait.ge [sflag:s23], $0x1  }
0xa3: {  	[sflag:s23] =	ssyncset.done $0x0  }
0xa4: {  	s25 =	simm.s32 $0x1B8E;
	s24 =	sld [smem:$0x3FFE];
	[sflag:s23] =	ssyncadd.s32 $0xFFFFFFFF  }
0xa5: {  	s26 =	simm.s32 $execute0_lowered;
	[smem:$0x3FD2] =	sst s25  }
0xa6: {  	s4 =	sshll.u32 s26, $0x1;
	_ =	strace $0x8000004F;
	[dreg:$0x1] =	wrdreg $0xFFFFFFFF  }
0xa7: {  	s28 =	simm.s32 $_size_execute0_lowered;
	s2 =	sadd.s32 s2, s4;
	[dreg:$0x0] =	wrdreg $0x0  }
0xa8: {  	s4 =	sshll.u32 s28, $0x1;
	[dreg:$0x2] =	wrdreg s2  }
0xa9: {  	[dreg:$0x3] =	wrdreg s4  }
0xaa: {  	[dreg:$0x4] =	wrdreg $0xC0  }
0xab: {  	_ =	task [dreg:s6], $0x5FFFF  }
0xac: {  	[dreg:$0x1] =	wrdreg $0xFFFFFFFF  }
0xad: {  	[dreg:$0x0] =	wrdreg $0x60  }
0xae: {  	[dreg:$0x2] =	wrdreg s24  }
0xaf: {  	[dreg:$0x3] =	wrdreg $0x51000  }
0xb0: {  	[dreg:$0x4] =	wrdreg $0x9  }
0xb1: {  	_ =	task.clear_ibuf [dreg:s6], $0x5FFFF;
	_ =	strace $0x9000004F  }
0xb2: {  	s29 =	simm.s32 $0x9;
	_ =	strace $0x80000051  }
0xb3: {  	_ =	swait.ge [sflag:s29], $0x1  }
0xb4: {  	[sflag:s29] =	ssyncadd.s32 $0xFFFFFFFF  }
0xb5: {  	_ =	strace $0x90000051  }
0xb6: {  	_ =	sfence  }
0xb7: {  	s30 =	sld [smem:$0x0];
	_ =	sdelay $0x2  }
0xb8: {  	s31 =	sshll.u32 s1, $0xD;
	s1 =	sshrl.u32 s1, $0x2  }
0xb9: {  	s3 =	sand.u32 $0x4000, s31;
	s1 =	sadd.s32 s1, s30  }
0xba: {  	s0 =	sor.u32 s3, s0;
	s1 =	sshll.u32 s1, $0x11  }
0xbb: {  	s0 =	sor.u32 s1, s0  }
0xbc: {  	s0 =	sadd.s32 $0x8F2B, s0  }
0xbd: {  	[sflag:s0] =	ssyncadd.remote.s32 $0x1  }
0xbe: {  	_ =	sfence.sel $0xFFFF  }
0xbf: {  	[dreg:$0x0] =	wrdreg $0xFFFFFFFF;
	(pc) =	sbr.abs _section_cstart, $3  }
0xc0: {  	[dreg:$0x1] =	wrdreg $0xFFFFFFFF  }
0xc1: {  	_ =	task.clear_ibuf [dreg:s6], $0x2FFFF;
	_ =	strace $0x9FFFFFFF  }
0xc2: {  	(tm) =	ssettm $0x7FFFFFFF  }
0xc3: {  	_ =	shalt  }
tec
execute0_lowered:
.L_overlay_start_1:
0x0: {  	(tag) =	ssettag $0x1  }
0x1: {  	s0 =	rddreg [dreg:$0x0]  }
0x2: {  	s2 =	rddreg [dreg:$0x1];
	s7 =	stileid.u32  }
0x3: {  	s1 =	srdreg.scid;
	s4 =	smul.u32 $0x2800, s7  }
0x4: {  	s3 =	simm.s32 $0x0;
	s28 =	simm.s32 $0x3;
	s6 =	smul.u32 $0x50000, s7  }
0x5: {  	s29 =	simm.s32 $0x4;
	s30 =	simm.s32 $0x0;
	s16 =	smul.u32 $0x4E20, s7  }
0x6: {  	s1 =	sand.u32 $0x1, s1;
	[smem:$0x7FF] =	sst s3;
	s26 =	smul.u32 $0x4E200, s7  }
0x7: {  	s17 =	sadd.s32 $0xA84A00, s0;
	s18 =	sadd.s32 $0x18800, s0;
	s5 =	smul.u32 $0x28000, s1  }
0x8: {  	_ =	strace $0x80000050;
	s19 =	ssub.s32 $0x2, s1;
	s20 =	sshrl.u32 s6, $0x2  }
0x9: {  	s21 =	sshrl.u32 s19, $0x1;
	s13 =	sshrl.u32 s16, $0x3;
	s25 =	sadd.s32 $0x4DD0, s16  }
0xa: {  	s4 =	sadd.s32 s4, s5;
	s15 =	ssub.s32 s19, s21;
	s19 =	smul.u32 $0x4E200, s1  }
0xb: {  	s1 =	smul.u32 $0x4E2000, s1;
	s21 =	simm.s32 $0x5;
	s0 =	sadd.s32 s4, s0  }
0xc: {  	s4 =	sadd.s32 s20, s2;
	s15 =	smax.u32 s15, $0x1;
	s20 =	smul.u32 $0x9C4, s7  }
0xd: {  	s22 =	sadd.s32 $0x2800, s4;
	s23 =	sadd.s32 $0x5000, s4;
	s24 =	sadd.s32 $0x7800, s4  }
0xe: {  	s8 =	sadd.s32 $0xA000, s4;
	s9 =	sadd.s32 $0xC800, s4;
	s10 =	sadd.s32 $0xF000, s4  }
0xf: {  	s12 =	sadd.s32 s16, s19;
	s11 =	sadd.s32 $0x11800, s4;
	[dreg:$0x3] =	wrdreg s22  }
0x10: {  	s16 =	sshrl.u32 s25, $0x3;
	s1 =	sadd.s32 s1, s17;
	[dreg:$0x4] =	wrdreg s23  }
0x11: {  	[dreg:$0x5] =	wrdreg s24;
	s14 =	sshll.u32 s12, $0x4;
	s12 =	sadd.s32 s18, s13  }
0x12: {  	s16 =	sadd.s32 s18, s16;
	s31 =	sadd.s32 s26, s1;
	s18 =	sadd.s32 s20, s18  }
0x13: {  	s20 =	simm.s32 $0x80;
	s22 =	simm.s32 $0x2880;
	s23 =	simm.s32 $0x2900  }
0x14: {  	s13 =	sadd.s32 s17, s14;
	s14 =	sadd.s32 $0xC0A00, s0;
	s0 =	sadd.s32 s19, s25  }
0x15: {  	s24 =	simm.s32 $0x1;
	s26 =	simm.s32 $0x50;
	s0 =	sshll.u32 s0, $0x4  }
0x16: {  	v0 =	vimm.f32 $0.0e+00;
	s19 =	sadd.s32 $0xA00, s31;
	s25 =	simm.s32 $0x2;
	s17 =	sadd.s32 s17, s0  }
.LBB2_1:
0x17: {  	s0 =	simm.s32 $0x0;
	s31 =	simm.s32 $0x200  }
.LBB2_2:
0x18: {  	p0 =	sne.s32 s31, $0x9E00;
	[tilespmem:s0+$0xF0] =	vst v0  }
0x19: {  	[tilespmem:s0+$0x80] =	vst v0  }
0x1a: {  	[tilespmem:s0+$0x90] =	vst v0  }
.Ltmp0:
0x1b: {  	[tilespmem:s0+$0xA0] =	vst v0;
	(pc) =	sbr.rel @p0 .LBB2_2-.Ltmp0, $4  }
0x1c: {  	[tilespmem:s0+$0xB0] =	vst v0  }
0x1d: {  	[tilespmem:s0+$0xC0] =	vst v0  }
0x1e: {  	[tilespmem:s0+$0xD0] =	vst v0  }
0x1f: {  	[tilespmem:s0+$0xE0] =	vst v0;
	s0 =	sshra.s32 s31, $0x2;
	s31 =	sadd.s32 $0x200, s31  }
0x20: {  	[tilespmem:s0+$0xF0] =	vst v0  }
0x21: {  	[tilespmem:s0+$0x80] =	vst v0  }
0x22: {  	[tilespmem:s0+$0x90] =	vst v0  }
0x23: {  	[tilespmem:s0+$0xA0] =	vst v0  }
0x24: {  	[tilespmem:s0+$0xB0] =	vst v0  }
0x25: {  	[tilespmem:s0+$0xC0] =	vst v0  }
0x26: {  	[tilespmem:s0+$0xD0] =	vst v0  }
0x27: {  	[tilespmem:s0+$0xE0] =	vst v0  }
0x28: {  	[spmem:s4] =	stream.linear.scatter [tilespmem:s20], [sflag:$0x5], $0x2800, $0x38;
	[tilespmem:$0x19100] =	vst v63  }
0x29: {  	_ =	swait.ge [sflag:s21], $0x2800  }
0x2a: {  	[sflag:s21] =	ssyncset.done $0x0  }
0x2b: {  	s6 =	rddreg [dreg:$0x3];
	[sflag:s21] =	ssyncadd.s32 $0xFFFFD800  }
0x2c: {  	[spmem:s6] =	stream.linear.scatter [tilespmem:s20], [sflag:$0x5], $0x2800, $0x38;
	[tilespmem:$0x19100] =	vst v63  }
0x2d: {  	_ =	swait.ge [sflag:s21], $0x2800  }
0x2e: {  	[sflag:s21] =	ssyncset.done $0x0  }
0x2f: {  	s7 =	rddreg [dreg:$0x4];
	[sflag:s21] =	ssyncadd.s32 $0xFFFFD800  }
0x30: {  	[spmem:s7] =	stream.linear.scatter [tilespmem:s20], [sflag:$0x5], $0x2800, $0x38;
	[tilespmem:$0x19100] =	vst v63  }
0x31: {  	_ =	swait.ge [sflag:s21], $0x2800  }
0x32: {  	[sflag:s21] =	ssyncset.done $0x0  }
0x33: {  	s1 =	rddreg [dreg:$0x5];
	[sflag:s21] =	ssyncadd.s32 $0xFFFFD800  }
0x34: {  	[spmem:s1] =	stream.linear.scatter [tilespmem:s20], [sflag:$0x5], $0x2800, $0x38;
	[tilespmem:$0x19100] =	vst v63  }
0x35: {  	_ =	swait.ge [sflag:s21], $0x2800  }
0x36: {  	[sflag:s21] =	ssyncset.done $0x0  }
0x37: {  	[sflag:s21] =	ssyncadd.s32 $0xFFFFD800  }
0x38: {  	[spmem:s8] =	stream.linear.scatter [tilespmem:s20], [sflag:$0x5], $0x2800, $0x38;
	[tilespmem:$0x19100] =	vst v63  }
0x39: {  	_ =	swait.ge [sflag:s21], $0x2800  }
0x3a: {  	[sflag:s21] =	ssyncset.done $0x0  }
0x3b: {  	[sflag:s21] =	ssyncadd.s32 $0xFFFFD800  }
0x3c: {  	[spmem:s9] =	stream.linear.scatter [tilespmem:s20], [sflag:$0x5], $0x2800, $0x38;
	[tilespmem:$0x19100] =	vst v63  }
0x3d: {  	_ =	swait.ge [sflag:s21], $0x2800  }
0x3e: {  	[sflag:s21] =	ssyncset.done $0x0  }
0x3f: {  	[sflag:s21] =	ssyncadd.s32 $0xFFFFD800  }
0x40: {  	[spmem:s10] =	stream.linear.scatter [tilespmem:s20], [sflag:$0x5], $0x2800, $0x38;
	[tilespmem:$0x19100] =	vst v63  }
0x41: {  	_ =	swait.ge [sflag:s21], $0x2800  }
0x42: {  	[sflag:s21] =	ssyncset.done $0x0  }
0x43: {  	[sflag:s21] =	ssyncadd.s32 $0xFFFFD800  }
0x44: {  	[spmem:s11] =	stream.linear.scatter [tilespmem:s20], [sflag:$0x5], $0x2800, $0x38;
	[tilespmem:$0x19100] =	vst v63  }
0x45: {  	_ =	swait.ge [sflag:s21], $0x2800  }
0x46: {  	[sflag:s21] =	ssyncset.done $0x0  }
0x47: {  	[sflag:s21] =	ssyncadd.s32 $0xFFFFD800  }
0x48: {  	s5 =	simm.s32 $0x0;
	[bflag:$0x0] =	sbarrier.arrive $0xFFFF  }
0x49: {  	[tilespmem:s5], [sflag:$0x1] =	stream.linear.gather [hbm4b:s12+s5], $0x50, $0x38;
	[tilespmem:$0x19100] =	vst v63  }
0x4a: {  	s6 =	sadd.s32 $0x0, s18  }
0x4b: {  	[tilespmem:s20], [sflag:$0x2] =	stream.linear.gather [hbm4b:s13+s5], $0x2800, $0x38;
	[tilespmem:$0x19100] =	vst v63  }
0x4c: {  	s1 =	sadd.s32 $0xA, s6  }
0x4d: {  	[tilespmem:s22], [sflag:$0x3] =	stream.linear.gather [hbm4b:s1+s3], $0x50, $0x38;
	[tilespmem:$0x19100] =	vst v63  }
0x4e: {  	s7 =	sadd.s32 $0xFFFFFB00, s19  }
0x4f: {  	[tilespmem:s23], [sflag:$0x4] =	stream.linear.gather [hbm4b:s7+s3], $0x2800, $0x38;
	[tilespmem:$0x19100] =	vst v63  }
0x50: {  	_ =	swait.ge [sflag:s24], $0x50  }
0x51: {  	[sflag:s24] =	ssyncset.done $0x0  }
0x52: {  	[sflag:s24] =	ssyncadd.s32 $0xFFFFFFB0  }
0x53: {  	_ =	swait.ge [sflag:s25], $0x2800  }
0x54: {  	[sflag:s25] =	ssyncset.done $0x0  }
0x55: {  	[sflag:s25] =	ssyncadd.s32 $0xFFFFD800  }
0x56: {  	[spmem:s2] =	stream.indirect.scatter.add.f32 [tilespmem:s20], [sflag:$0x5], $0x80, s3, s26, $0xb8;
	[tilespmem:$0x19100] =	vst v63  }
0x57: {  	_ =	swait.ge [sflag:s21], $0x2800  }
0x58: {  	[sflag:s21] =	ssyncset.done $0x0  }
0x59: {  	s0 =	sadd.s32 $0x14, s6;
	[sflag:s21] =	ssyncadd.s32 $0xFFFFD800  }
0x5a: {  	[tilespmem:s3], [sflag:$0x1] =	stream.linear.gather [hbm4b:s0+s3], $0x50, $0x38;
	[tilespmem:$0x19100] =	vst v63  }
0x5b: {  	_ = 	snop  }
0x5c: {  	[tilespmem:s20], [sflag:$0x2] =	stream.linear.gather [hbm4b:s19+s3], $0x2800, $0x38;
	[tilespmem:$0x19100] =	vst v63  }
0x5d: {  	_ =	swait.ge [sflag:s28], $0x50  }
0x5e: {  	[sflag:s28] =	ssyncset.done $0x0  }
0x5f: {  	[sflag:s28] =	ssyncadd.s32 $0xFFFFFFB0  }
0x60: {  	_ =	swait.ge [sflag:s29], $0x2800  }
0x61: {  	[sflag:s29] =	ssyncset.done $0x0  }
0x62: {  	[sflag:s29] =	ssyncadd.s32 $0xFFFFD800  }
0x63: {  	[spmem:s2] =	stream.indirect.scatter.add.f32 [tilespmem:s23], [sflag:$0x5], $0x80, s22, s26, $0xb8;
	[tilespmem:$0x19100] =	vst v63  }
0x64: {  	s31 =	sadd.s32 $0xA00, s19;
	_ =	swait.ge [sflag:s21], $0x2800  }
0x65: {  	s1 =	simm.s32 $0x28;
	s0 =	sadd.s32 $0x14, s18;
	[sflag:s21] =	ssyncset.done $0x0  }
.LBB2_4:
0x66: {  	s5 =	sadd.s32 $0xA, s0  }
0x67: {  	[sflag:s21] =	ssyncadd.s32 $0xFFFFD800;
	s6 =	smov.u32 s1;
	s7 =	sadd.s32 $0x14, s1  }
0x68: {  	[tilespmem:s22], [sflag:$0x3] =	stream.linear.gather [hbm4b:s5+s3], $0x50, $0x38;
	[tilespmem:$0x19100] =	vst v63  }
0x69: {  	p0 =	sne.s32 s1, $0x99C;
	s1 =	sadd.s32 $0xFFFFFB00, s31  }
0x6a: {  	[tilespmem:s23], [sflag:$0x4] =	stream.linear.gather [hbm4b:s1+s3], $0x2800, $0x38;
	[tilespmem:$0x19100] =	vst v63  }
0x6b: {  	_ =	swait.ge [sflag:s24], $0x50  }
0x6c: {  	[sflag:s24] =	ssyncset.done $0x0  }
0x6d: {  	[sflag:s24] =	ssyncadd.s32 $0xFFFFFFB0  }
0x6e: {  	_ =	swait.ge [sflag:s25], $0x2800  }
0x6f: {  	[sflag:s25] =	ssyncset.done $0x0  }
0x70: {  	[sflag:s25] =	ssyncadd.s32 $0xFFFFD800  }
0x71: {  	[spmem:s2] =	stream.indirect.scatter.add.f32 [tilespmem:s20], [sflag:$0x5], $0x80, s3, s26, $0xb8;
	[tilespmem:$0x19100] =	vst v63  }
0x72: {  	_ =	swait.ge [sflag:s21], $0x2800  }
0x73: {  	[sflag:s21] =	ssyncset.done $0x0  }
0x74: {  	s0 =	sadd.s32 $0x14, s0;
	[sflag:s21] =	ssyncadd.s32 $0xFFFFD800  }
0x75: {  	[tilespmem:s3], [sflag:$0x1] =	stream.linear.gather [hbm4b:s0+s3], $0x50, $0x38;
	[tilespmem:$0x19100] =	vst v63  }
0x76: {  	_ = 	snop  }
0x77: {  	[tilespmem:s20], [sflag:$0x2] =	stream.linear.gather [hbm4b:s31+s3], $0x2800, $0x38;
	[tilespmem:$0x19100] =	vst v63  }
0x78: {  	_ =	swait.ge [sflag:s28], $0x50  }
0x79: {  	[sflag:s28] =	ssyncset.done $0x0  }
0x7a: {  	[sflag:s28] =	ssyncadd.s32 $0xFFFFFFB0  }
0x7b: {  	_ =	swait.ge [sflag:s29], $0x2800  }
.Ltmp1:
0x7c: {  	[sflag:s29] =	ssyncset.done $0x0;
	(pc) =	sbr.rel @p0 .LBB2_4-.Ltmp1, $4  }
0x7d: {  	[sflag:s29] =	ssyncadd.s32 $0xFFFFD800  }
0x7e: {  	[spmem:s2] =	stream.indirect.scatter.add.f32 [tilespmem:s23], [sflag:$0x5], $0x80, s22, s26, $0xb8;
	[tilespmem:$0x19100] =	vst v63  }
0x7f: {  	s1 =	smov.u32 s7;
	_ =	swait.ge [sflag:s21], $0x2800  }
0x80: {  	s0 =	sadd.s32 s6, s18;
	s31 =	sadd.s32 $0xA00, s31;
	[sflag:s21] =	ssyncset.done $0x0  }
0x81: {  	s1 =	sadd.s32 $0xA, s0;
	[sflag:s21] =	ssyncadd.s32 $0xFFFFD800  }
0x82: {  	[tilespmem:s22], [sflag:$0x3] =	stream.linear.gather [hbm4b:s1+s3], $0x50, $0x38;
	[tilespmem:$0x19100] =	vst v63  }
0x83: {  	s5 =	sadd.s32 $0xFFFFFB00, s31  }
0x84: {  	[tilespmem:s23], [sflag:$0x4] =	stream.linear.gather [hbm4b:s5+s3], $0x2800, $0x38;
	[tilespmem:$0x19100] =	vst v63  }
0x85: {  	_ =	swait.ge [sflag:s24], $0x50  }
0x86: {  	[sflag:s24] =	ssyncset.done $0x0  }
0x87: {  	[sflag:s24] =	ssyncadd.s32 $0xFFFFFFB0  }
0x88: {  	_ =	swait.ge [sflag:s25], $0x2800  }
0x89: {  	[sflag:s25] =	ssyncset.done $0x0  }
0x8a: {  	[sflag:s25] =	ssyncadd.s32 $0xFFFFD800  }
0x8b: {  	[spmem:s2] =	stream.indirect.scatter.add.f32 [tilespmem:s20], [sflag:$0x5], $0x80, s3, s26, $0xb8;
	[tilespmem:$0x19100] =	vst v63  }
0x8c: {  	_ =	swait.ge [sflag:s21], $0x2800  }
0x8d: {  	[sflag:s21] =	ssyncset.done $0x0  }
0x8e: {  	s6 =	sadd.s32 $0x14, s0;
	[sflag:s21] =	ssyncadd.s32 $0xFFFFD800  }
0x8f: {  	[tilespmem:s3], [sflag:$0x1] =	stream.linear.gather [hbm4b:s6+s3], $0x50, $0x38;
	[tilespmem:$0x19100] =	vst v63  }
0x90: {  	_ = 	snop  }
0x91: {  	[tilespmem:s20], [sflag:$0x2] =	stream.linear.gather [hbm4b:s31+s3], $0x2800, $0x38;
	[tilespmem:$0x19100] =	vst v63  }
0x92: {  	_ =	swait.ge [sflag:s28], $0x50  }
0x93: {  	[sflag:s28] =	ssyncset.done $0x0  }
0x94: {  	[sflag:s28] =	ssyncadd.s32 $0xFFFFFFB0  }
0x95: {  	_ =	swait.ge [sflag:s29], $0x2800  }
0x96: {  	[sflag:s29] =	ssyncset.done $0x0  }
0x97: {  	[sflag:s29] =	ssyncadd.s32 $0xFFFFD800  }
0x98: {  	[spmem:s2] =	stream.indirect.scatter.add.f32 [tilespmem:s23], [sflag:$0x5], $0x80, s22, s26, $0xb8;
	[tilespmem:$0x19100] =	vst v63  }
0x99: {  	_ =	swait.ge [sflag:s21], $0x2800  }
0x9a: {  	[sflag:s21] =	ssyncset.done $0x0  }
0x9b: {  	[sflag:s21] =	ssyncadd.s32 $0xFFFFD800  }
0x9c: {  	[tilespmem:s22], [sflag:$0x3] =	stream.linear.gather [hbm4b:s16+s3], $0x50, $0x38;
	[tilespmem:$0x19100] =	vst v63  }
0x9d: {  	_ = 	snop  }
0x9e: {  	[tilespmem:s23], [sflag:$0x4] =	stream.linear.gather [hbm4b:s17+s3], $0x2800, $0x38;
	[tilespmem:$0x19100] =	vst v63  }
0x9f: {  	_ =	swait.ge [sflag:s24], $0x50  }
0xa0: {  	[sflag:s24] =	ssyncset.done $0x0  }
0xa1: {  	[sflag:s24] =	ssyncadd.s32 $0xFFFFFFB0  }
0xa2: {  	_ =	swait.ge [sflag:s25], $0x2800  }
0xa3: {  	[sflag:s25] =	ssyncset.done $0x0  }
0xa4: {  	[sflag:s25] =	ssyncadd.s32 $0xFFFFD800  }
0xa5: {  	[spmem:s2] =	stream.indirect.scatter.add.f32 [tilespmem:s20], [sflag:$0x5], $0x80, s3, s26, $0xb8;
	[tilespmem:$0x19100] =	vst v63  }
0xa6: {  	_ =	swait.ge [sflag:s21], $0x2800  }
0xa7: {  	[sflag:s21] =	ssyncset.done $0x0  }
0xa8: {  	[sflag:s21] =	ssyncadd.s32 $0xFFFFD800  }
0xa9: {  	_ =	swait.ge [sflag:s28], $0x50  }
0xaa: {  	[sflag:s28] =	ssyncset.done $0x0  }
0xab: {  	[sflag:s28] =	ssyncadd.s32 $0xFFFFFFB0  }
0xac: {  	_ =	swait.ge [sflag:s29], $0x2800  }
0xad: {  	[sflag:s29] =	ssyncset.done $0x0  }
0xae: {  	[sflag:s29] =	ssyncadd.s32 $0xFFFFD800  }
0xaf: {  	[spmem:s2] =	stream.indirect.scatter.add.f32 [tilespmem:s23], [sflag:$0x5], $0x80, s22, s26, $0xb8;
	[tilespmem:$0x19100] =	vst v63  }
0xb0: {  	s7 =	stileid.u32;
	_ =	swait.ge [sflag:s21], $0x2800  }
0xb1: {  	s30 =	sadd.s32 $0x1, s30;
	s0 =	sshll.u32 s7, $0x6;
	[sflag:s21] =	ssyncset.done $0x0  }
0xb2: {  	p0 =	sne.s32 s30, s15;
	s0 =	sor.u32 $0x1C05, s0;
	[sflag:s21] =	ssyncadd.s32 $0xFFFFD800  }
.Ltmp2:
0xb3: {  	s31 =	sshrl.u32 s4, $0x3;
	[bflag:$0x0] =	sbarrier.arrive $0xFFFF;
	(pc) =	sbr.rel @p0 .LBB2_1-.Ltmp2, $4  }
0xb4: {  	[hbm:s14], [sflag:s0] =	dma.local [spmem:s31], $0x2800  }
0xb5: {  	_ =	swait.ge [sflag:s21], $0x2800  }
0xb6: {  	[sflag:s21] =	ssyncset.done $0x0  }
0xb7: {  	[sflag:s21] =	ssyncadd.s32 $0xFFFFD800  }
0xb8: {  	_ =	sfence.sel $0x180000  }
0xb9: {  	[bflag:$0x0] =	sbarrier.arrive $0xFFFF  }
0xba: {  	_ =	strace $0x90000050  }
0xbb: {  	s0 =	stileid.u32;
	[bflag:$0x2] =	sbarrier.arrive $0xFFFF  }
0xbc: {  	p0 =	sne.s32 s0, $0x0;
	s0 =	rddreg [dreg:$0x2]  }
0xbd: {  	s0 =	sadd.s32 @!p0 $0x100000, s0  }
0xbe: {  	[sflag:s0] =	ssyncadd.tile.s32 @!p0 $0x1;
	_ =	shalt  }
.Lfunc_end2:
_tile_overlayer_lowered:
.L_overlay_start_2:
0xbf: {  	(tag) =	ssettag $0x2  }
0xc0: {  	s0 =	rddreg [dreg:$0x0];
	s2 =	stileid.u32  }
0xc1: {  	s1 =	rddreg [dreg:$0x1];
	p0 =	sne.s32 s2, $0x0  }
0xc2: {  	s3 =	rddreg [dreg:$0x2];
	[bflag:$0x3] =	sbarrier.arrive $0xFFFF;
	s2 =	simm.s32 @!p0 $0x1C05  }
0xc3: {  	[timem:s3], [sflag:s2] =	dma.local @!p0 [hbm:s0], s1  }
0xc4: {  	s0 =	simm.s32 @!p0 $0x5  }
0xc5: {  	_ =	swait.ge @!p0 [sflag:s0], s1  }
0xc6: {  	s1 =	ssub.s32 @!p0 $0x0, s1;
	[sflag:s0] =	ssyncset.done @!p0 $0x0  }
0xc7: {  	[sflag:s0] =	ssyncadd.s32 @!p0 s1  }
0xc8: {  	[bflag:$0x3] =	sbarrier.arrive $0xFFFF  }
0xc9: {  	_ =	shalt  }

</sc_bundles>
